<compile_context>
chip_gen: v7x
topology: tpu7x:2x2x1
jax: 0.10.2.dev20260603
libtpu: 0.0.44.dev20260713+nightly
codegen_flags: <defaults>
</compile_context>

<pallas_src>
import functools

import jax
import jax.numpy as jnp
from jax import lax
from jax.experimental import pallas as pl
from jax.experimental.pallas import tpu as pltpu
from jax.experimental.pallas import tpu_sc as plsc

N = 50000
E = 1600000
NC = 2
NS = 16
NT = NC * NS
EPT = E // NT
B1 = 2048
NCH1 = 24
B2 = 4096
NCH2 = 12
TAIL = 848
NPAD = 50176
SLICE = NPAD // NS
SV = SLICE // 16
DIAG_T = 25
DIAG_B = N // DIAG_T

_f32 = jnp.float32
_i32 = jnp.int32


@functools.cache
def _mesh():
    return plsc.VectorSubcoreMesh(
        core_axis_name="c", subcore_axis_name="s",
        num_cores=NC, num_subcores=NS)


def _rsqrt_newton(x):
    i = plsc.bitcast(x, _i32)
    y = plsc.bitcast(jnp.int32(0x5F3759DF) - (i >> 1), _f32)
    for _ in range(3):
        y = y * (1.5 - 0.5 * x * y * y)
    return jnp.where(x > 0.0, y, 0.0)


def _issue_first(in_descs, bb):
    for d in in_descs(0, 0, bb):
        d.start()
    for d in in_descs(1, 1, bb):
        d.start()


def _chunk_pipeline(in_descs, out_desc, compute, bb, nchb):
    def issue_in(slot, k, n):
        for d in in_descs(slot, k, n):
            d.start()

    def wait_in(slot, k, n):
        for d in in_descs(slot, k, n):
            d.wait()

    def outer(g, c):
        for b in range(2):
            k = 2 * g + b
            wait_in(b, k, bb)

            @pl.when(k >= 2)
            def _():
                out_desc(b, k - 2, bb).wait()
            compute(b, bb // 16)
            out_desc(b, k, bb).start()

            @pl.when(k < nchb - 2)
            def _():
                issue_in(b, k + 2, bb)

            @pl.when(k == nchb - 2)
            def _():
                issue_in(0, nchb, TAIL)
        return c
    lax.fori_loop(0, nchb // 2, outer, 0)

    wait_in(0, nchb, TAIL)
    out_desc(0, nchb - 2, bb).wait()
    compute(0, TAIL // 16)
    out_desc(0, nchb, TAIL).start()
    out_desc(1, nchb - 1, bb).wait()
    out_desc(0, nchb, TAIL).wait()


def _k1_graph(conf_h, imp_h, pca_h, head_h, vals_h, part_h,
              acc, stage, rs, rowbufs, cbufs, ibufs, pbufs, hbufs, vbufs,
              isems, osems, rsems, wid, sid, cid):
    base = wid * EPT

    def in_descs(slot, k, n):
        off = base + k * B1
        dst = pl.ds(0, n)
        return (
            pltpu.make_async_copy(conf_h.at[pl.ds(off, n)], cbufs[slot].at[dst], isems[slot]),
            pltpu.make_async_copy(imp_h.at[pl.ds(off, n)], ibufs[slot].at[dst], isems[slot]),
            pltpu.make_async_copy(pca_h.at[pl.ds(off, n)], pbufs[slot].at[dst], isems[slot]),
            pltpu.make_async_copy(head_h.at[pl.ds(off, n)], hbufs[slot].at[dst], isems[slot]),
        )

    def out_desc(slot, k, n):
        return pltpu.make_async_copy(
            vbufs[slot].at[pl.ds(0, n)],
            vals_h.at[pl.ds(base + k * B1, n)], osems[slot])

    def compute(slot, nvec):
        cb, ib, pb, hb, vb = (cbufs[slot], ibufs[slot], pbufs[slot],
                              hbufs[slot], vbufs[slot])

        def one(j):
            s = pl.ds(j * 16, 16)
            v = cb[s] * ib[s] * pb[s]
            vb[s] = v
            plsc.addupdate_scatter(acc, [hb[s]], v)

        unroll = 8 if nvec % 8 == 0 else 1

        @plsc.parallel_loop(0, nvec, unroll=unroll)
        def _(j):
            one(j)

    def edges():
        with jax.named_scope("k1_edges"):
            _chunk_pipeline(in_descs, out_desc, compute, B1, NCH1)

    def stage_fn():
        with jax.named_scope("k1_stage"):
            pltpu.sync_copy(acc, stage.at[pl.ds(sid * NPAD, NPAD)])
            plsc.subcore_barrier()

    def reduce_fn():
        with jax.named_scope("k1_reduce"):
            soff = sid * SLICE

            @plsc.parallel_loop(0, SV, unroll=7)
            def _(i):
                rs[pl.ds(i * 16, 16)] = jnp.zeros((16,), _f32)

            def row_desc(slot, r):
                return pltpu.make_async_copy(
                    stage.at[pl.ds(r * NPAD + soff, SLICE)],
                    rowbufs[slot], rsems[slot])

            row_desc(0, 0).start()
            row_desc(1, 1).start()

            def row_outer(g, c):
                for b in range(2):
                    r = 2 * g + b
                    row_desc(b, r).wait()
                    rb = rowbufs[b]

                    @plsc.parallel_loop(0, SV, unroll=7)
                    def _(i):
                        t = pl.ds(i * 16, 16)
                        rs[t] = rs[t] + rb[t]

                    @pl.when(r < NS - 2)
                    def _():
                        row_desc(b, r + 2).start()
                return c
            lax.fori_loop(0, NS // 2, row_outer, 0)
            pltpu.sync_copy(rs, part_h.at[pl.ds(cid * NPAD + soff, SLICE)])
            plsc.subcore_barrier()

    return in_descs, edges, stage_fn, reduce_fn


def _k1_zero_acc(acc):
    with jax.named_scope("k1_zero"):
        @plsc.parallel_loop(0, NPAD // 16, unroll=8)
        def _(i):
            acc[pl.ds(i * 16, 16)] = jnp.zeros((16,), _f32)


def _k1_body(conf_sr, imp_sr, pca_sr, head_sr,
             conf_tg, imp_tg, pca_tg, head_tg,
             vals_sr, vals_tg, part_sr, part_tg,
             acc, stage, rs, rb0, rb1, cb0, cb1, ib0, ib1, pb0, pb1,
             hb0, hb1, vb0, vb1,
             isem0, isem1, osem0, osem1, rsem0, rsem1):
    sid = lax.axis_index("s")
    cid = lax.axis_index("c")
    wid = sid * NC + cid
    args = (acc, stage, rs, (rb0, rb1), (cb0, cb1), (ib0, ib1), (pb0, pb1),
            (hb0, hb1), (vb0, vb1), (isem0, isem1), (osem0, osem1),
            (rsem0, rsem1), wid, sid, cid)
    in_sr, edges_sr, stage_sr, reduce_sr = _k1_graph(
        conf_sr, imp_sr, pca_sr, head_sr, vals_sr, part_sr, *args)
    in_tg, edges_tg, stage_tg, reduce_tg = _k1_graph(
        conf_tg, imp_tg, pca_tg, head_tg, vals_tg, part_tg, *args)
    _issue_first(in_sr, B1)
    _k1_zero_acc(acc)
    edges_sr()
    stage_sr()
    _issue_first(in_tg, B1)
    _k1_zero_acc(acc)
    reduce_sr()
    edges_tg()
    stage_tg()
    reduce_tg()


@functools.cache
def _k1():
    return functools.partial(
        pl.kernel,
        out_type=(
            jax.ShapeDtypeStruct((E,), _f32),
            jax.ShapeDtypeStruct((E,), _f32),
            jax.ShapeDtypeStruct((NC * NPAD,), _f32),
            jax.ShapeDtypeStruct((NC * NPAD,), _f32),
        ),
        mesh=_mesh(),
        compiler_params=pltpu.CompilerParams(needs_layout_passes=False),
        scratch_types=(
            pltpu.VMEM((NPAD,), _f32),
            pltpu.VMEM_SHARED((NS * NPAD,), _f32),
            pltpu.VMEM((SLICE,), _f32),
            pltpu.VMEM((SLICE,), _f32), pltpu.VMEM((SLICE,), _f32),
            pltpu.VMEM((B1,), _f32), pltpu.VMEM((B1,), _f32),
            pltpu.VMEM((B1,), _f32), pltpu.VMEM((B1,), _f32),
            pltpu.VMEM((B1,), _f32), pltpu.VMEM((B1,), _f32),
            pltpu.VMEM((B1,), _i32), pltpu.VMEM((B1,), _i32),
            pltpu.VMEM((B1,), _f32), pltpu.VMEM((B1,), _f32),
            pltpu.SemaphoreType.DMA, pltpu.SemaphoreType.DMA,
            pltpu.SemaphoreType.DMA, pltpu.SemaphoreType.DMA,
            pltpu.SemaphoreType.DMA, pltpu.SemaphoreType.DMA,
        ),
    )(_k1_body)


def _k2_graph(head_h, tail_h, vals_h, part_h, adj_h,
              d_sh, d_ref, rs, rowbufs, hbufs, tbufs, vbufs, obufs,
              rsems, isems, osems, sid, wid):
    base = wid * EPT

    def in_descs(slot, k, n):
        off = base + k * B2
        dst = pl.ds(0, n)
        return (
            pltpu.make_async_copy(head_h.at[pl.ds(off, n)], hbufs[slot].at[dst], isems[slot]),
            pltpu.make_async_copy(tail_h.at[pl.ds(off, n)], tbufs[slot].at[dst], isems[slot]),
            pltpu.make_async_copy(vals_h.at[pl.ds(off, n)], vbufs[slot].at[dst], isems[slot]),
        )

    _issue_first(in_descs, B2)

    soff = sid * SLICE

    with jax.named_scope("k2_init"):
        @plsc.parallel_loop(0, SV, unroll=7)
        def _(i):
            rs[pl.ds(i * 16, 16)] = jnp.full((16,), 1.0, _f32)

    def row_desc(slot, r):
        return pltpu.make_async_copy(
            part_h.at[pl.ds(r * NPAD + soff, SLICE)], rowbufs[slot], rsems[slot])

    row_desc(0, 0).start()
    row_desc(1, 1).start()
    with jax.named_scope("k2_reduce"):
        for b in range(NC):
            row_desc(b, b).wait()
            rb = rowbufs[b]

            @plsc.parallel_loop(0, SV, unroll=7)
            def _(i):
                t = pl.ds(i * 16, 16)
                rs[t] = rs[t] + rb[t]

    with jax.named_scope("k2_newton"):
        @plsc.parallel_loop(0, SV, unroll=4)
        def _(i):
            t = pl.ds(i * 16, 16)
            rowbufs[0][t] = _rsqrt_newton(rs[t])
        pltpu.sync_copy(rowbufs[0], d_sh.at[pl.ds(soff, SLICE)])
    with jax.named_scope("k2_barrier"):
        plsc.subcore_barrier()

    with jax.named_scope("k2_dcopy"):
        pltpu.sync_copy(d_sh, d_ref)

    def out_desc(slot, k, n):
        return pltpu.make_async_copy(
            obufs[slot].at[pl.ds(0, n)],
            adj_h.at[pl.ds(base + k * B2, n)], osems[slot])

    def compute(slot, nvec):
        hb, tb, vb, ob = hbufs[slot], tbufs[slot], vbufs[slot], obufs[slot]

        def one(j):
            s = pl.ds(j * 16, 16)
            dh = plsc.load_gather(d_ref, [hb[s]])
            dt = plsc.load_gather(d_ref, [tb[s]])
            ob[s] = vb[s] * dh * dt

        unroll = 8 if nvec % 8 == 0 else 1

        @plsc.parallel_loop(0, nvec, unroll=unroll)
        def _(j):
            one(j)

    with jax.named_scope("k2_gather"):
        _chunk_pipeline(in_descs, out_desc, compute, B2, NCH2)

    with jax.named_scope("k2_diag"):
        @pl.when(wid < DIAG_T)
        def _():
            doff = wid * DIAG_B
            ob = obufs[0]

            @plsc.parallel_loop(0, DIAG_B // 16, unroll=5)
            def _(j):
                y = d_ref[pl.ds(doff + j * 16, 16)]
                ob[pl.ds(j * 16, 16)] = y * y
            pltpu.sync_copy(ob.at[pl.ds(0, DIAG_B)],
                            adj_h.at[pl.ds(E + doff, DIAG_B)])


def _k2_body(head_sr, tail_sr, vals_sr, part_sr,
             head_tg, tail_tg, vals_tg, part_tg,
             adj_sr, adj_tg,
             d_sh, d_ref, rs, rb0, rb1, hb0, hb1, tb0, tb1, vb0, vb1,
             ob0, ob1, rsem0, rsem1, isem0, isem1, osem0, osem1):
    sid = lax.axis_index("s")
    wid = sid * NC + lax.axis_index("c")
    args = (d_sh, d_ref, rs, (rb0, rb1), (hb0, hb1), (tb0, tb1), (vb0, vb1),
            (ob0, ob1), (rsem0, rsem1), (isem0, isem1), (osem0, osem1),
            sid, wid)
    _k2_graph(head_sr, tail_sr, vals_sr, part_sr, adj_sr, *args)
    plsc.subcore_barrier()
    _k2_graph(head_tg, tail_tg, vals_tg, part_tg, adj_tg, *args)


@functools.cache
def _k2():
    return functools.partial(
        pl.kernel,
        out_type=(
            jax.ShapeDtypeStruct((E + N,), _f32),
            jax.ShapeDtypeStruct((E + N,), _f32),
        ),
        mesh=_mesh(),
        compiler_params=pltpu.CompilerParams(needs_layout_passes=False),
        scratch_types=(
            pltpu.VMEM_SHARED((NPAD,), _f32),
            pltpu.VMEM((NPAD,), _f32),
            pltpu.VMEM((SLICE,), _f32),
            pltpu.VMEM((SLICE,), _f32), pltpu.VMEM((SLICE,), _f32),
            pltpu.VMEM((B2,), _i32), pltpu.VMEM((B2,), _i32),
            pltpu.VMEM((B2,), _i32), pltpu.VMEM((B2,), _i32),
            pltpu.VMEM((B2,), _f32), pltpu.VMEM((B2,), _f32),
            pltpu.VMEM((B2,), _f32), pltpu.VMEM((B2,), _f32),
            pltpu.SemaphoreType.DMA, pltpu.SemaphoreType.DMA,
            pltpu.SemaphoreType.DMA, pltpu.SemaphoreType.DMA,
            pltpu.SemaphoreType.DMA, pltpu.SemaphoreType.DMA,
        ),
    )(_k2_body)


def kernel(rel_emb_sr, rel_emb_tg, conf_sr, imp_sr, pca_sr,
           conf_tg, imp_tg, pca_tg, head_sr, tail_sr, relation_sr,
           head_tg, tail_tg, relation_tg):
    del rel_emb_sr, rel_emb_tg, relation_sr, relation_tg
    h_sr = head_sr.astype(_i32)
    t_sr = tail_sr.astype(_i32)
    h_tg = head_tg.astype(_i32)
    t_tg = tail_tg.astype(_i32)
    vals_sr, vals_tg, part_sr, part_tg = _k1()(
        conf_sr, imp_sr, pca_sr, h_sr, conf_tg, imp_tg, pca_tg, h_tg)
    adj_sr, adj_tg = _k2()(
        h_sr, t_sr, vals_sr, part_sr, h_tg, t_tg, vals_tg, part_tg)
    return adj_sr, adj_tg

# --- scband reference (transcript-rebuilt; emitter-appended) ---
"""Pipeline reference for scband-cross-adjacency-matrix-29283087024787 (READ-ONLY COPY).

The authoritative reference and input builder live on the scoring server;
editing this copy changes nothing except your own understanding.
"""

import jax, jax.numpy as jnp
import numpy as np

N_SR = 50000
N_TG = 50000
E_SR = 1600000
E_TG = 1600000
R_SR = 1024
R_TG = 1024
D = 128


def setup_inputs(seed: int = 0) -> dict:
    key = jax.random.key(seed)
    ks = jax.random.split(key, 14)
    return {
        "rel_emb_sr": jax.random.normal(ks[0], (R_SR, D), dtype=jnp.float32),
        "rel_emb_tg": jax.random.normal(ks[1], (R_TG, D), dtype=jnp.float32),
        "conf_sr": jax.random.uniform(ks[2], (E_SR,), dtype=jnp.float32),
        "imp_sr": jax.random.uniform(ks[3], (E_SR,), dtype=jnp.float32),
        "pca_sr": jax.random.uniform(ks[4], (E_SR,), dtype=jnp.float32),
        "conf_tg": jax.random.uniform(ks[5], (E_TG,), dtype=jnp.float32),
        "imp_tg": jax.random.uniform(ks[6], (E_TG,), dtype=jnp.float32),
        "pca_tg": jax.random.uniform(ks[7], (E_TG,), dtype=jnp.float32),
        "head_sr": jax.random.randint(ks[8], (E_SR,), 0, N_SR),
        "tail_sr": jax.random.randint(ks[9], (E_SR,), 0, N_SR),
        "relation_sr": jax.random.randint(ks[10], (E_SR,), 0, R_SR),
        "head_tg": jax.random.randint(ks[11], (E_TG,), 0, N_TG),
        "tail_tg": jax.random.randint(ks[12], (E_TG,), 0, N_TG),
        "relation_tg": jax.random.randint(ks[13], (E_TG,), 0, R_TG),
    }


def _normalize_adj(row, col, vals, n):
    # symmetric normalization D^{-1/2} A D^{-1/2} on a COO sparse matrix
    rowsum = jax.ops.segment_sum(vals, row, num_segments=n)
    d_inv_sqrt = jnp.where(rowsum > 0, jax.lax.rsqrt(jnp.maximum(rowsum, 1e-12)), 0.0)
    return vals * jnp.take(d_inv_sqrt, row, axis=0) * jnp.take(d_inv_sqrt, col, axis=0)


def reference(rel_emb_sr, rel_emb_tg, conf_sr, imp_sr, pca_sr, conf_tg, imp_tg, pca_tg,
              head_sr, tail_sr, relation_sr, head_tg, tail_tg, relation_tg):
    # RelationWeighting: cosine similarity between sr / tg relation embeddings,
    # best-match weight per relation (row/col max of the sim matrix)
    a = rel_emb_sr / (jnp.linalg.norm(rel_emb_sr, axis=1, keepdims=True) + 1e-8)
    b = rel_emb_tg / (jnp.linalg.norm(rel_emb_tg, axis=1, keepdims=True) + 1e-8)
    sim = a @ b.T  # [R_SR, R_TG]
    relation_w_sr = jnp.max(sim, axis=1)
    relation_w_tg = jnp.max(sim, axis=0)
    # _forward_relation: per-triple relation attention (embedding gather)
    rel_att_sr = jnp.take(relation_w_sr, relation_sr, axis=0)
    rel_att_tg = jnp.take(relation_w_tg, relation_tg, axis=0)
    # g_func_template(a, b, c, e) = a * b * c  (elementwise sparse mul on shared COO pattern;
    # the default g_func ignores the relation-attention sparse matrix e)
    vals_sr = conf_sr * imp_sr * pca_sr + 0.0 * rel_att_sr
    vals_tg = conf_tg * imp_tg * pca_tg + 0.0 * rel_att_tg
    # add sparse unit (identity) matrix, then normalize
    row_sr = jnp.concatenate([head_sr, jnp.arange(N_SR, dtype=head_sr.dtype)])
    col_sr = jnp.concatenate([tail_sr, jnp.arange(N_SR, dtype=tail_sr.dtype)])
    v_sr = jnp.concatenate([vals_sr, jnp.ones((N_SR,), dtype=vals_sr.dtype)])
    row_tg = jnp.concatenate([head_tg, jnp.arange(N_TG, dtype=head_tg.dtype)])
    col_tg = jnp.concatenate([tail_tg, jnp.arange(N_TG, dtype=tail_tg.dtype)])
    v_tg = jnp.concatenate([vals_tg, jnp.ones((N_TG,), dtype=vals_tg.dtype)])
    adj_vals_sr = _normalize_adj(row_sr, col_sr, v_sr, N_SR)
    adj_vals_tg = _normalize_adj(row_tg, col_tg, v_tg, N_TG)
    # return COO values of the two normalized cross adjacency matrices
    return (adj_vals_sr, adj_vals_tg)

if __name__ == "__main__":
    import jax
    _d = setup_inputs()
    print(jax.jit(kernel)(*tuple(_d.values())))

</pallas_src>

<mosaic_0001>
#map = affine_map<(d0, d1) -> (0)>
module attributes {stable_mosaic.version = 14 : i64} {
  func.func @_k1_body(%arg0: i32, %arg1: i32, %arg2: memref<1600000xf32, #tpu.memory_space<hbm>>, %arg3: memref<1600000xf32, #tpu.memory_space<hbm>>, %arg4: memref<1600000xf32, #tpu.memory_space<hbm>>, %arg5: memref<1600000xi32, #tpu.memory_space<hbm>>, %arg6: memref<1600000xf32, #tpu.memory_space<hbm>>, %arg7: memref<1600000xf32, #tpu.memory_space<hbm>>, %arg8: memref<1600000xf32, #tpu.memory_space<hbm>>, %arg9: memref<1600000xi32, #tpu.memory_space<hbm>>, %arg10: memref<1600000xf32, #tpu.memory_space<hbm>>, %arg11: memref<1600000xf32, #tpu.memory_space<hbm>>, %arg12: memref<100352xf32, #tpu.memory_space<hbm>>, %arg13: memref<100352xf32, #tpu.memory_space<hbm>>, %arg14: memref<50176xf32, #tpu.memory_space<vmem>>, %arg15: memref<802816xf32, #tpu.memory_space<vmem_shared>>, %arg16: memref<3136xf32, #tpu.memory_space<vmem>>, %arg17: memref<3136xf32, #tpu.memory_space<vmem>>, %arg18: memref<3136xf32, #tpu.memory_space<vmem>>, %arg19: memref<2048xf32, #tpu.memory_space<vmem>>, %arg20: memref<2048xf32, #tpu.memory_space<vmem>>, %arg21: memref<2048xf32, #tpu.memory_space<vmem>>, %arg22: memref<2048xf32, #tpu.memory_space<vmem>>, %arg23: memref<2048xf32, #tpu.memory_space<vmem>>, %arg24: memref<2048xf32, #tpu.memory_space<vmem>>, %arg25: memref<2048xi32, #tpu.memory_space<vmem>>, %arg26: memref<2048xi32, #tpu.memory_space<vmem>>, %arg27: memref<2048xf32, #tpu.memory_space<vmem>>, %arg28: memref<2048xf32, #tpu.memory_space<vmem>>, %arg29: memref<!tpu.dma_semaphore, #tpu.memory_space<semaphore_mem>>, %arg30: memref<!tpu.dma_semaphore, #tpu.memory_space<semaphore_mem>>, %arg31: memref<!tpu.dma_semaphore, #tpu.memory_space<semaphore_mem>>, %arg32: memref<!tpu.dma_semaphore, #tpu.memory_space<semaphore_mem>>, %arg33: memref<!tpu.dma_semaphore, #tpu.memory_space<semaphore_mem>>, %arg34: memref<!tpu.dma_semaphore, #tpu.memory_space<semaphore_mem>>) attributes {dimension_semantics = [#tpu.dimension_semantics<core_parallel>, #tpu.dimension_semantics<subcore_parallel>], iteration_bounds = array<i64: 2, 16>, scalar_prefetch = 0 : i64, scratch_operands = 21 : i64, tpu.core_type = #tpu.core_type<sc_vector_subcore>, window_params = [{transform_indices = #map}, {transform_indices = #map}, {transform_indices = #map}, {transform_indices = #map}, {transform_indices = #map}, {transform_indices = #map}, {transform_indices = #map}, {transform_indices = #map}, {transform_indices = #map}, {transform_indices = #map}, {transform_indices = #map}, {transform_indices = #map}]} {
    %mul3A = arith.constant 2 : i32
    %mul3A_0 = arith.muli %arg1, %mul3A : i32
    %add3A = arith.addi %mul3A_0, %arg0 : i32
    %mul3A_1 = arith.constant 50000 : i32
    %mul3A_2 = arith.muli %add3A, %mul3A_1 : i32
    %mul3A_3 = arith.constant 50000 : i32
    %mul3A_4 = arith.muli %add3A, %mul3A_3 : i32
    %add3A_5 = arith.constant 0 : i32
    %add3A_6 = arith.addi %mul3A_2, %add3A_5 : i32
    %dma_start3A = arith.constant 0 : i32
    %dma_start3A_7 = tpu.memref_slice %arg19[%dma_start3A] : memref<2048xf32, #tpu.memory_space<vmem>> -> memref<2048xf32, #tpu.memory_space<vmem>>
    %dma_start3A_8 = tpu.memref_slice %arg2[%add3A_6] : memref<1600000xf32, #tpu.memory_space<hbm>> -> memref<2048xf32, #tpu.memory_space<hbm>>
    %dma_start3A_9 = arith.constant 0 : i32
    %dma_start3A_10 = tpu.memref_slice %arg19[%dma_start3A_9] : memref<2048xf32, #tpu.memory_space<vmem>> -> memref<2048xf32, #tpu.memory_space<vmem>>
    %dma_start3A_11 = tpu.memref_slice %arg2[%add3A_6] : memref<1600000xf32, #tpu.memory_space<hbm>> -> memref<2048xf32, #tpu.memory_space<hbm>>
    tpu.enqueue_dma source(%dma_start3A_11 : memref<2048xf32, #tpu.memory_space<hbm>>) target(%dma_start3A_10 : memref<2048xf32, #tpu.memory_space<vmem>>) target_semaphore(%arg29 : memref<!tpu.dma_semaphore, #tpu.memory_space<semaphore_mem>>)
    %dma_start3A_12 = arith.constant 0 : i32
    %dma_start3A_13 = tpu.memref_slice %arg21[%dma_start3A_12] : memref<2048xf32, #tpu.memory_space<vmem>> -> memref<2048xf32, #tpu.memory_space<vmem>>
    %dma_start3A_14 = tpu.memref_slice %arg3[%add3A_6] : memref<1600000xf32, #tpu.memory_space<hbm>> -> memref<2048xf32, #tpu.memory_space<hbm>>
    %dma_start3A_15 = arith.constant 0 : i32
    %dma_start3A_16 = tpu.memref_slice %arg21[%dma_start3A_15] : memref<2048xf32, #tpu.memory_space<vmem>> -> memref<2048xf32, #tpu.memory_space<vmem>>
    %dma_start3A_17 = tpu.memref_slice %arg3[%add3A_6] : memref<1600000xf32, #tpu.memory_space<hbm>> -> memref<2048xf32, #tpu.memory_space<hbm>>
    tpu.enqueue_dma source(%dma_start3A_17 : memref<2048xf32, #tpu.memory_space<hbm>>) target(%dma_start3A_16 : memref<2048xf32, #tpu.memory_space<vmem>>) target_semaphore(%arg29 : memref<!tpu.dma_semaphore, #tpu.memory_space<semaphore_mem>>)
    %dma_start3A_18 = arith.constant 0 : i32
    %dma_start3A_19 = tpu.memref_slice %arg23[%dma_start3A_18] : memref<2048xf32, #tpu.memory_space<vmem>> -> memref<2048xf32, #tpu.memory_space<vmem>>
    %dma_start3A_20 = tpu.memref_slice %arg4[%add3A_6] : memref<1600000xf32, #tpu.memory_space<hbm>> -> memref<2048xf32, #tpu.memory_space<hbm>>
    %dma_start3A_21 = arith.constant 0 : i32
    %dma_start3A_22 = tpu.memref_slice %arg23[%dma_start3A_21] : memref<2048xf32, #tpu.memory_space<vmem>> -> memref<2048xf32, #tpu.memory_space<vmem>>
    %dma_start3A_23 = tpu.memref_slice %arg4[%add3A_6] : memref<1600000xf32, #tpu.memory_space<hbm>> -> memref<2048xf32, #tpu.memory_space<hbm>>
    tpu.enqueue_dma source(%dma_start3A_23 : memref<2048xf32, #tpu.memory_space<hbm>>) target(%dma_start3A_22 : memref<2048xf32, #tpu.memory_space<vmem>>) target_semaphore(%arg29 : memref<!tpu.dma_semaphore, #tpu.memory_space<semaphore_mem>>)
    %dma_start3A_24 = arith.constant 0 : i32
    %dma_start3A_25 = tpu.memref_slice %arg25[%dma_start3A_24] : memref<2048xi32, #tpu.memory_space<vmem>> -> memref<2048xi32, #tpu.memory_space<vmem>>
    %dma_start3A_26 = tpu.memref_slice %arg5[%add3A_6] : memref<1600000xi32, #tpu.memory_space<hbm>> -> memref<2048xi32, #tpu.memory_space<hbm>>
    %dma_start3A_27 = arith.constant 0 : i32
    %dma_start3A_28 = tpu.memref_slice %arg25[%dma_start3A_27] : memref<2048xi32, #tpu.memory_space<vmem>> -> memref<2048xi32, #tpu.memory_space<vmem>>
    %dma_start3A_29 = tpu.memref_slice %arg5[%add3A_6] : memref<1600000xi32, #tpu.memory_space<hbm>> -> memref<2048xi32, #tpu.memory_space<hbm>>
    tpu.enqueue_dma source(%dma_start3A_29 : memref<2048xi32, #tpu.memory_space<hbm>>) target(%dma_start3A_28 : memref<2048xi32, #tpu.memory_space<vmem>>) target_semaphore(%arg29 : memref<!tpu.dma_semaphore, #tpu.memory_space<semaphore_mem>>)
    %add3A_30 = arith.constant 2048 : i32
    %add3A_31 = arith.addi %mul3A_2, %add3A_30 : i32
    %dma_start3A_32 = arith.constant 0 : i32
    %dma_start3A_33 = tpu.memref_slice %arg20[%dma_start3A_32] : memref<2048xf32, #tpu.memory_space<vmem>> -> memref<2048xf32, #tpu.memory_space<vmem>>
    %dma_start3A_34 = tpu.memref_slice %arg2[%add3A_31] : memref<1600000xf32, #tpu.memory_space<hbm>> -> memref<2048xf32, #tpu.memory_space<hbm>>
    %dma_start3A_35 = arith.constant 0 : i32
    %dma_start3A_36 = tpu.memref_slice %arg20[%dma_start3A_35] : memref<2048xf32, #tpu.memory_space<vmem>> -> memref<2048xf32, #tpu.memory_space<vmem>>
    %dma_start3A_37 = tpu.memref_slice %arg2[%add3A_31] : memref<1600000xf32, #tpu.memory_space<hbm>> -> memref<2048xf32, #tpu.memory_space<hbm>>
    tpu.enqueue_dma source(%dma_start3A_37 : memref<2048xf32, #tpu.memory_space<hbm>>) target(%dma_start3A_36 : memref<2048xf32, #tpu.memory_space<vmem>>) target_semaphore(%arg30 : memref<!tpu.dma_semaphore, #tpu.memory_space<semaphore_mem>>)
    %dma_start3A_38 = arith.constant 0 : i32
    %dma_start3A_39 = tpu.memref_slice %arg22[%dma_start3A_38] : memref<2048xf32, #tpu.memory_space<vmem>> -> memref<2048xf32, #tpu.memory_space<vmem>>
    %dma_start3A_40 = tpu.memref_slice %arg3[%add3A_31] : memref<1600000xf32, #tpu.memory_space<hbm>> -> memref<2048xf32, #tpu.memory_space<hbm>>
    %dma_start3A_41 = arith.constant 0 : i32
    %dma_start3A_42 = tpu.memref_slice %arg22[%dma_start3A_41] : memref<2048xf32, #tpu.memory_space<vmem>> -> memref<2048xf32, #tpu.memory_space<vmem>>
    %dma_start3A_43 = tpu.memref_slice %arg3[%add3A_31] : memref<1600000xf32, #tpu.memory_space<hbm>> -> memref<2048xf32, #tpu.memory_space<hbm>>
    tpu.enqueue_dma source(%dma_start3A_43 : memref<2048xf32, #tpu.memory_space<hbm>>) target(%dma_start3A_42 : memref<2048xf32, #tpu.memory_space<vmem>>) target_semaphore(%arg30 : memref<!tpu.dma_semaphore, #tpu.memory_space<semaphore_mem>>)
    %dma_start3A_44 = arith.constant 0 : i32
    %dma_start3A_45 = tpu.memref_slice %arg24[%dma_start3A_44] : memref<2048xf32, #tpu.memory_space<vmem>> -> memref<2048xf32, #tpu.memory_space<vmem>>
    %dma_start3A_46 = tpu.memref_slice %arg4[%add3A_31] : memref<1600000xf32, #tpu.memory_space<hbm>> -> memref<2048xf32, #tpu.memory_space<hbm>>
    %dma_start3A_47 = arith.constant 0 : i32
    %dma_start3A_48 = tpu.memref_slice %arg24[%dma_start3A_47] : memref<2048xf32, #tpu.memory_space<vmem>> -> memref<2048xf32, #tpu.memory_space<vmem>>
    %dma_start3A_49 = tpu.memref_slice %arg4[%add3A_31] : memref<1600000xf32, #tpu.memory_space<hbm>> -> memref<2048xf32, #tpu.memory_space<hbm>>
    tpu.enqueue_dma source(%dma_start3A_49 : memref<2048xf32, #tpu.memory_space<hbm>>) target(%dma_start3A_48 : memref<2048xf32, #tpu.memory_space<vmem>>) target_semaphore(%arg30 : memref<!tpu.dma_semaphore, #tpu.memory_space<semaphore_mem>>)
    %dma_start3A_50 = arith.constant 0 : i32
    %dma_start3A_51 = tpu.memref_slice %arg26[%dma_start3A_50] : memref<2048xi32, #tpu.memory_space<vmem>> -> memref<2048xi32, #tpu.memory_space<vmem>>
    %dma_start3A_52 = tpu.memref_slice %arg5[%add3A_31] : memref<1600000xi32, #tpu.memory_space<hbm>> -> memref<2048xi32, #tpu.memory_space<hbm>>
    %dma_start3A_53 = arith.constant 0 : i32
    %dma_start3A_54 = tpu.memref_slice %arg26[%dma_start3A_53] : memref<2048xi32, #tpu.memory_space<vmem>> -> memref<2048xi32, #tpu.memory_space<vmem>>
    %dma_start3A_55 = tpu.memref_slice %arg5[%add3A_31] : memref<1600000xi32, #tpu.memory_space<hbm>> -> memref<2048xi32, #tpu.memory_space<hbm>>
    tpu.enqueue_dma source(%dma_start3A_55 : memref<2048xi32, #tpu.memory_space<hbm>>) target(%dma_start3A_54 : memref<2048xi32, #tpu.memory_space<vmem>>) target_semaphore(%arg30 : memref<!tpu.dma_semaphore, #tpu.memory_space<semaphore_mem>>)
    %parallel_loop3A = arith.constant 0 : i32
    %parallel_loop3A_56 = arith.constant 3136 : i32
    %parallel_loop3A_57 = arith.constant 1 : i32
    "tpu.trace_start"() <{level = 10 : i32, message = "k1_zero"}> : () -> ()
    scf.for %parallel_loop3A_296 = %parallel_loop3A to %parallel_loop3A_56 step %parallel_loop3A_57  : i32 {
      %parallel_loop3A_297 = arith.constant 0.000000e+00 : f32
      %parallel_loop3A_298 = vector.broadcast %parallel_loop3A_297 : f32 to vector<16xf32>
      %parallel_loop3A_299 = arith.constant 16 : i32
      %parallel_loop3A_300 = arith.muli %parallel_loop3A_296, %parallel_loop3A_299 : i32
      %parallel_loop3A_301 = arith.index_cast %parallel_loop3A_300 : i32 to index
      %parallel_loop3A_302 = tpu.vector_load %arg14[%parallel_loop3A_301] {strides = array<i32>} : memref<50176xf32, #tpu.memory_space<vmem>>, vector<16xf32>,
      tpu.vector_store %arg14[%parallel_loop3A_301], %parallel_loop3A_298 {strides = array<i32>} : memref<50176xf32, #tpu.memory_space<vmem>>, vector<16xf32>,
    } {sc.loop_unroll_factor = 8 : i64, sc.parallel_access}
    "tpu.trace_stop"() : () -> ()
    "tpu.trace_start"() <{level = 10 : i32, message = "k1_edges"}> : () -> ()
    %scan3A = arith.constant 0 : i32
    %scan3A_58 = arith.constant 0 : i32
    %scan3A_59 = arith.constant 12 : i32
    %scan3A_60 = arith.addi %scan3A_58, %scan3A_59 : i32
    %scan3A_61 = arith.constant 1 : i32
    scf.for %scan3A_296 = %scan3A_58 to %scan3A_60 step %scan3A_61  : i32 {
      %mul3A_297 = arith.constant 2 : i32
      %mul3A_298 = arith.muli %mul3A_297, %scan3A_296 : i32
      %add3A_299 = arith.constant 0 : i32
      %add3A_300 = arith.addi %mul3A_298, %add3A_299 : i32
      %mul3A_301 = arith.constant 2048 : i32
      %mul3A_302 = arith.muli %add3A_300, %mul3A_301 : i32
      %add3A_303 = arith.addi %mul3A_2, %mul3A_302 : i32
      %dma_wait3A_304 = arith.constant 0 : i32
      %dma_wait3A_305 = tpu.memref_slice %arg19[%dma_wait3A_304] : memref<2048xf32, #tpu.memory_space<vmem>> -> memref<2048xf32, #tpu.memory_space<vmem>>
      %dma_wait3A_306 = tpu.memref_slice %arg2[%add3A_303] : memref<1600000xf32, #tpu.memory_space<hbm>> -> memref<2048xf32, #tpu.memory_space<hbm>>
      %dma_wait3A_307 = arith.constant 0 : i32
      %dma_wait3A_308 = tpu.memref_slice %arg19[%dma_wait3A_307] : memref<2048xf32, #tpu.memory_space<vmem>> -> memref<2048xf32, #tpu.memory_space<vmem>>
      %dma_wait3A_309 = tpu.memref_slice %arg2[%add3A_303] : memref<1600000xf32, #tpu.memory_space<hbm>> -> memref<2048xf32, #tpu.memory_space<hbm>>
      tpu.wait_dma2 semaphore(%arg29 : memref<!tpu.dma_semaphore, #tpu.memory_space<semaphore_mem>>) src(%dma_wait3A_309 : memref<2048xf32, #tpu.memory_space<hbm>>) dst(%dma_wait3A_308 : memref<2048xf32, #tpu.memory_space<vmem>>)
      %dma_wait3A_310 = arith.constant 0 : i32
      %dma_wait3A_311 = tpu.memref_slice %arg21[%dma_wait3A_310] : memref<2048xf32, #tpu.memory_space<vmem>> -> memref<2048xf32, #tpu.memory_space<vmem>>
      %dma_wait3A_312 = tpu.memref_slice %arg3[%add3A_303] : memref<1600000xf32, #tpu.memory_space<hbm>> -> memref<2048xf32, #tpu.memory_space<hbm>>
      %dma_wait3A_313 = arith.constant 0 : i32
      %dma_wait3A_314 = tpu.memref_slice %arg21[%dma_wait3A_313] : memref<2048xf32, #tpu.memory_space<vmem>> -> memref<2048xf32, #tpu.memory_space<vmem>>
      %dma_wait3A_315 = tpu.memref_slice %arg3[%add3A_303] : memref<1600000xf32, #tpu.memory_space<hbm>> -> memref<2048xf32, #tpu.memory_space<hbm>>
      tpu.wait_dma2 semaphore(%arg29 : memref<!tpu.dma_semaphore, #tpu.memory_space<semaphore_mem>>) src(%dma_wait3A_315 : memref<2048xf32, #tpu.memory_space<hbm>>) dst(%dma_wait3A_314 : memref<2048xf32, #tpu.memory_space<vmem>>)
      %dma_wait3A_316 = arith.constant 0 : i32
      %dma_wait3A_317 = tpu.memref_slice %arg23[%dma_wait3A_316] : memref<2048xf32, #tpu.memory_space<vmem>> -> memref<2048xf32, #tpu.memory_space<vmem>>
      %dma_wait3A_318 = tpu.memref_slice %arg4[%add3A_303] : memref<1600000xf32, #tpu.memory_space<hbm>> -> memref<2048xf32, #tpu.memory_space<hbm>>
      %dma_wait3A_319 = arith.constant 0 : i32
      %dma_wait3A_320 = tpu.memref_slice %arg23[%dma_wait3A_319] : memref<2048xf32, #tpu.memory_space<vmem>> -> memref<2048xf32, #tpu.memory_space<vmem>>
      %dma_wait3A_321 = tpu.memref_slice %arg4[%add3A_303] : memref<1600000xf32, #tpu.memory_space<hbm>> -> memref<2048xf32, #tpu.memory_space<hbm>>
      tpu.wait_dma2 semaphore(%arg29 : memref<!tpu.dma_semaphore, #tpu.memory_space<semaphore_mem>>) src(%dma_wait3A_321 : memref<2048xf32, #tpu.memory_space<hbm>>) dst(%dma_wait3A_320 : memref<2048xf32, #tpu.memory_space<vmem>>)
      %dma_wait3A_322 = arith.constant 0 : i32
      %dma_wait3A_323 = tpu.memref_slice %arg25[%dma_wait3A_322] : memref<2048xi32, #tpu.memory_space<vmem>> -> memref<2048xi32, #tpu.memory_space<vmem>>
      %dma_wait3A_324 = tpu.memref_slice %arg5[%add3A_303] : memref<1600000xi32, #tpu.memory_space<hbm>> -> memref<2048xi32, #tpu.memory_space<hbm>>
      %dma_wait3A_325 = arith.constant 0 : i32
      %dma_wait3A_326 = tpu.memref_slice %arg25[%dma_wait3A_325] : memref<2048xi32, #tpu.memory_space<vmem>> -> memref<2048xi32, #tpu.memory_space<vmem>>
      %dma_wait3A_327 = tpu.memref_slice %arg5[%add3A_303] : memref<1600000xi32, #tpu.memory_space<hbm>> -> memref<2048xi32, #tpu.memory_space<hbm>>
      tpu.wait_dma2 semaphore(%arg29 : memref<!tpu.dma_semaphore, #tpu.memory_space<semaphore_mem>>) src(%dma_wait3A_327 : memref<2048xi32, #tpu.memory_space<hbm>>) dst(%dma_wait3A_326 : memref<2048xi32, #tpu.memory_space<vmem>>)
      %ge3A = arith.constant 2 : i32
      %ge3A_328 = arith.cmpi sge, %add3A_300, %ge3A : i32
      %convert_element_type3A = arith.extui %ge3A_328 : i1 to i32
      %cond3A = arith.constant 0 : i32
      %cond3A_329 = arith.cmpi ne, %convert_element_type3A, %cond3A : i32
      scf.if %cond3A_329 {
        %sub3A = arith.constant 2 : i32
        %sub3A_408 = arith.subi %add3A_300, %sub3A : i32
        %mul3A_409 = arith.constant 2048 : i32
        %mul3A_410 = arith.muli %sub3A_408, %mul3A_409 : i32
        %add3A_411 = arith.addi %mul3A_2, %mul3A_410 : i32
        %dma_wait3A_412 = arith.constant 0 : i32
        %dma_wait3A_413 = tpu.memref_slice %arg27[%dma_wait3A_412] : memref<2048xf32, #tpu.memory_space<vmem>> -> memref<2048xf32, #tpu.memory_space<vmem>>
        %dma_wait3A_414 = tpu.memref_slice %arg10[%add3A_411] : memref<1600000xf32, #tpu.memory_space<hbm>> -> memref<2048xf32, #tpu.memory_space<hbm>>
        %dma_wait3A_415 = tpu.memref_slice %arg10[%add3A_411] : memref<1600000xf32, #tpu.memory_space<hbm>> -> memref<2048xf32, #tpu.memory_space<hbm>>
        %dma_wait3A_416 = arith.constant 0 : i32
        %dma_wait3A_417 = tpu.memref_slice %arg27[%dma_wait3A_416] : memref<2048xf32, #tpu.memory_space<vmem>> -> memref<2048xf32, #tpu.memory_space<vmem>>
        tpu.wait_dma2 semaphore(%arg31 : memref<!tpu.dma_semaphore, #tpu.memory_space<semaphore_mem>>) src(%dma_wait3A_417 : memref<2048xf32, #tpu.memory_space<vmem>>) dst(%dma_wait3A_415 : memref<2048xf32, #tpu.memory_space<hbm>>)
      } else {
      }
      %parallel_loop3A_330 = arith.constant 0 : i32
      %parallel_loop3A_331 = arith.constant 128 : i32
      %parallel_loop3A_332 = arith.constant 1 : i32
      scf.for %parallel_loop3A_408 = %parallel_loop3A_330 to %parallel_loop3A_331 step %parallel_loop3A_332  : i32 {
        %parallel_loop3A_409 = arith.constant 16 : i32
        %parallel_loop3A_410 = arith.muli %parallel_loop3A_408, %parallel_loop3A_409 : i32
        %parallel_loop3A_411 = arith.index_cast %parallel_loop3A_410 : i32 to index
        %parallel_loop3A_412 = tpu.vector_load %arg19[%parallel_loop3A_411] {strides = array<i32>} : memref<2048xf32, #tpu.memory_space<vmem>>, vector<16xf32>,
        %parallel_loop3A_413 = arith.index_cast %parallel_loop3A_410 : i32 to index
        %parallel_loop3A_414 = tpu.vector_load %arg21[%parallel_loop3A_413] {strides = array<i32>} : memref<2048xf32, #tpu.memory_space<vmem>>, vector<16xf32>,
        %parallel_loop3A_415 = arith.mulf %parallel_loop3A_412, %parallel_loop3A_414 : vector<16xf32>
        %parallel_loop3A_416 = arith.index_cast %parallel_loop3A_410 : i32 to index
        %parallel_loop3A_417 = tpu.vector_load %arg23[%parallel_loop3A_416] {strides = array<i32>} : memref<2048xf32, #tpu.memory_space<vmem>>, vector<16xf32>,
        %parallel_loop3A_418 = arith.mulf %parallel_loop3A_415, %parallel_loop3A_417 : vector<16xf32>
        %parallel_loop3A_419 = arith.index_cast %parallel_loop3A_410 : i32 to index
        %parallel_loop3A_420 = tpu.vector_load %arg27[%parallel_loop3A_419] {strides = array<i32>} : memref<2048xf32, #tpu.memory_space<vmem>>, vector<16xf32>,
        tpu.vector_store %arg27[%parallel_loop3A_419], %parallel_loop3A_418 {strides = array<i32>} : memref<2048xf32, #tpu.memory_space<vmem>>, vector<16xf32>,
        %parallel_loop3A_421 = arith.index_cast %parallel_loop3A_410 : i32 to index
        %parallel_loop3A_422 = tpu.vector_load %arg25[%parallel_loop3A_421] {strides = array<i32>} : memref<2048xi32, #tpu.memory_space<vmem>>, vector<16xi32>,
        tpu.vector_store_idx %arg14[%parallel_loop3A_422], %parallel_loop3A_418 {add = true} : memref<50176xf32, #tpu.memory_space<vmem>>[vector<16xi32>], vector<16xf32>,
      } {sc.loop_unroll_factor = 8 : i64, sc.parallel_access}
      %mul3A_333 = arith.constant 2048 : i32
      %mul3A_334 = arith.muli %add3A_300, %mul3A_333 : i32
      %add3A_335 = arith.addi %mul3A_2, %mul3A_334 : i32
      %dma_start3A_336 = arith.constant 0 : i32
      %dma_start3A_337 = tpu.memref_slice %arg27[%dma_start3A_336] : memref<2048xf32, #tpu.memory_space<vmem>> -> memref<2048xf32, #tpu.memory_space<vmem>>
      %dma_start3A_338 = tpu.memref_slice %arg10[%add3A_335] : memref<1600000xf32, #tpu.memory_space<hbm>> -> memref<2048xf32, #tpu.memory_space<hbm>>
      %dma_start3A_339 = tpu.memref_slice %arg10[%add3A_335] : memref<1600000xf32, #tpu.memory_space<hbm>> -> memref<2048xf32, #tpu.memory_space<hbm>>
      %dma_start3A_340 = arith.constant 0 : i32
      %dma_start3A_341 = tpu.memref_slice %arg27[%dma_start3A_340] : memref<2048xf32, #tpu.memory_space<vmem>> -> memref<2048xf32, #tpu.memory_space<vmem>>
      tpu.enqueue_dma source(%dma_start3A_341 : memref<2048xf32, #tpu.memory_space<vmem>>) target(%dma_start3A_339 : memref<2048xf32, #tpu.memory_space<hbm>>) target_semaphore(%arg31 : memref<!tpu.dma_semaphore, #tpu.memory_space<semaphore_mem>>)
      %lt3A = arith.constant 22 : i32
      %lt3A_342 = arith.cmpi slt, %add3A_300, %lt3A : i32
      %convert_element_type3A_343 = arith.extui %lt3A_342 : i1 to i32
      %cond3A_344 = arith.constant 0 : i32
      %cond3A_345 = arith.cmpi ne, %convert_element_type3A_343, %cond3A_344 : i32
      scf.if %cond3A_345 {
        %add3A_408 = arith.constant 2 : i32
        %add3A_409 = arith.addi %add3A_300, %add3A_408 : i32
        %mul3A_410 = arith.constant 2048 : i32
        %mul3A_411 = arith.muli %add3A_409, %mul3A_410 : i32
        %add3A_412 = arith.addi %mul3A_2, %mul3A_411 : i32
        %dma_start3A_413 = arith.constant 0 : i32
        %dma_start3A_414 = tpu.memref_slice %arg19[%dma_start3A_413] : memref<2048xf32, #tpu.memory_space<vmem>> -> memref<2048xf32, #tpu.memory_space<vmem>>
        %dma_start3A_415 = tpu.memref_slice %arg2[%add3A_412] : memref<1600000xf32, #tpu.memory_space<hbm>> -> memref<2048xf32, #tpu.memory_space<hbm>>
        %dma_start3A_416 = arith.constant 0 : i32
        %dma_start3A_417 = tpu.memref_slice %arg19[%dma_start3A_416] : memref<2048xf32, #tpu.memory_space<vmem>> -> memref<2048xf32, #tpu.memory_space<vmem>>
        %dma_start3A_418 = tpu.memref_slice %arg2[%add3A_412] : memref<1600000xf32, #tpu.memory_space<hbm>> -> memref<2048xf32, #tpu.memory_space<hbm>>
        tpu.enqueue_dma source(%dma_start3A_418 : memref<2048xf32, #tpu.memory_space<hbm>>) target(%dma_start3A_417 : memref<2048xf32, #tpu.memory_space<vmem>>) target_semaphore(%arg29 : memref<!tpu.dma_semaphore, #tpu.memory_space<semaphore_mem>>)
        %dma_start3A_419 = arith.constant 0 : i32
        %dma_start3A_420 = tpu.memref_slice %arg21[%dma_start3A_419] : memref<2048xf32, #tpu.memory_space<vmem>> -> memref<2048xf32, #tpu.memory_space<vmem>>
        %dma_start3A_421 = tpu.memref_slice %arg3[%add3A_412] : memref<1600000xf32, #tpu.memory_space<hbm>> -> memref<2048xf32, #tpu.memory_space<hbm>>
        %dma_start3A_422 = arith.constant 0 : i32
        %dma_start3A_423 = tpu.memref_slice %arg21[%dma_start3A_422] : memref<2048xf32, #tpu.memory_space<vmem>> -> memref<2048xf32, #tpu.memory_space<vmem>>
        %dma_start3A_424 = tpu.memref_slice %arg3[%add3A_412] : memref<1600000xf32, #tpu.memory_space<hbm>> -> memref<2048xf32, #tpu.memory_space<hbm>>
        tpu.enqueue_dma source(%dma_start3A_424 : memref<2048xf32, #tpu.memory_space<hbm>>) target(%dma_start3A_423 : memref<2048xf32, #tpu.memory_space<vmem>>) target_semaphore(%arg29 : memref<!tpu.dma_semaphore, #tpu.memory_space<semaphore_mem>>)
        %dma_start3A_425 = arith.constant 0 : i32
        %dma_start3A_426 = tpu.memref_slice %arg23[%dma_start3A_425] : memref<2048xf32, #tpu.memory_space<vmem>> -> memref<2048xf32, #tpu.memory_space<vmem>>
        %dma_start3A_427 = tpu.memref_slice %arg4[%add3A_412] : memref<1600000xf32, #tpu.memory_space<hbm>> -> memref<2048xf32, #tpu.memory_space<hbm>>
        %dma_start3A_428 = arith.constant 0 : i32
        %dma_start3A_429 = tpu.memref_slice %arg23[%dma_start3A_428] : memref<2048xf32, #tpu.memory_space<vmem>> -> memref<2048xf32, #tpu.memory_space<vmem>>
        %dma_start3A_430 = tpu.memref_slice %arg4[%add3A_412] : memref<1600000xf32, #tpu.memory_space<hbm>> -> memref<2048xf32, #tpu.memory_space<hbm>>
        tpu.enqueue_dma source(%dma_start3A_430 : memref<2048xf32, #tpu.memory_space<hbm>>) target(%dma_start3A_429 : memref<2048xf32, #tpu.memory_space<vmem>>) target_semaphore(%arg29 : memref<!tpu.dma_semaphore, #tpu.memory_space<semaphore_mem>>)
        %dma_start3A_431 = arith.constant 0 : i32
        %dma_start3A_432 = tpu.memref_slice %arg25[%dma_start3A_431] : memref<2048xi32, #tpu.memory_space<vmem>> -> memref<2048xi32, #tpu.memory_space<vmem>>
        %dma_start3A_433 = tpu.memref_slice %arg5[%add3A_412] : memref<1600000xi32, #tpu.memory_space<hbm>> -> memref<2048xi32, #tpu.memory_space<hbm>>
        %dma_start3A_434 = arith.constant 0 : i32
        %dma_start3A_435 = tpu.memref_slice %arg25[%dma_start3A_434] : memref<2048xi32, #tpu.memory_space<vmem>> -> memref<2048xi32, #tpu.memory_space<vmem>>
        %dma_start3A_436 = tpu.memref_slice %arg5[%add3A_412] : memref<1600000xi32, #tpu.memory_space<hbm>> -> memref<2048xi32, #tpu.memory_space<hbm>>
        tpu.enqueue_dma source(%dma_start3A_436 : memref<2048xi32, #tpu.memory_space<hbm>>) target(%dma_start3A_435 : memref<2048xi32, #tpu.memory_space<vmem>>) target_semaphore(%arg29 : memref<!tpu.dma_semaphore, #tpu.memory_space<semaphore_mem>>)
      } else {
      }
      %eq3A = arith.constant 22 : i32
      %eq3A_346 = arith.cmpi eq, %add3A_300, %eq3A : i32
      %convert_element_type3A_347 = arith.extui %eq3A_346 : i1 to i32
      %cond3A_348 = arith.constant 0 : i32
      %cond3A_349 = arith.cmpi ne, %convert_element_type3A_347, %cond3A_348 : i32
      scf.if %cond3A_349 {
        %add3A_408 = arith.constant 49152 : i32
        %add3A_409 = arith.addi %mul3A_2, %add3A_408 : i32
        %dma_start3A_410 = arith.constant 0 : i32
        %dma_start3A_411 = tpu.memref_slice %arg19[%dma_start3A_410] : memref<2048xf32, #tpu.memory_space<vmem>> -> memref<848xf32, #tpu.memory_space<vmem>>
        %dma_start3A_412 = tpu.memref_slice %arg2[%add3A_409] : memref<1600000xf32, #tpu.memory_space<hbm>> -> memref<848xf32, #tpu.memory_space<hbm>>
        %dma_start3A_413 = arith.constant 0 : i32
        %dma_start3A_414 = tpu.memref_slice %arg19[%dma_start3A_413] : memref<2048xf32, #tpu.memory_space<vmem>> -> memref<848xf32, #tpu.memory_space<vmem>>
        %dma_start3A_415 = tpu.memref_slice %arg2[%add3A_409] : memref<1600000xf32, #tpu.memory_space<hbm>> -> memref<848xf32, #tpu.memory_space<hbm>>
        tpu.enqueue_dma source(%dma_start3A_415 : memref<848xf32, #tpu.memory_space<hbm>>) target(%dma_start3A_414 : memref<848xf32, #tpu.memory_space<vmem>>) target_semaphore(%arg29 : memref<!tpu.dma_semaphore, #tpu.memory_space<semaphore_mem>>)
        %dma_start3A_416 = arith.constant 0 : i32
        %dma_start3A_417 = tpu.memref_slice %arg21[%dma_start3A_416] : memref<2048xf32, #tpu.memory_space<vmem>> -> memref<848xf32, #tpu.memory_space<vmem>>
        %dma_start3A_418 = tpu.memref_slice %arg3[%add3A_409] : memref<1600000xf32, #tpu.memory_space<hbm>> -> memref<848xf32, #tpu.memory_space<hbm>>
        %dma_start3A_419 = arith.constant 0 : i32
        %dma_start3A_420 = tpu.memref_slice %arg21[%dma_start3A_419] : memref<2048xf32, #tpu.memory_space<vmem>> -> memref<848xf32, #tpu.memory_space<vmem>>
        %dma_start3A_421 = tpu.memref_slice %arg3[%add3A_409] : memref<1600000xf32, #tpu.memory_space<hbm>> -> memref<848xf32, #tpu.memory_space<hbm>>
        tpu.enqueue_dma source(%dma_start3A_421 : memref<848xf32, #tpu.memory_space<hbm>>) target(%dma_start3A_420 : memref<848xf32, #tpu.memory_space<vmem>>) target_semaphore(%arg29 : memref<!tpu.dma_semaphore, #tpu.memory_space<semaphore_mem>>)
        %dma_start3A_422 = arith.constant 0 : i32
        %dma_start3A_423 = tpu.memref_slice %arg23[%dma_start3A_422] : memref<2048xf32, #tpu.memory_space<vmem>> -> memref<848xf32, #tpu.memory_space<vmem>>
        %dma_start3A_424 = tpu.memref_slice %arg4[%add3A_409] : memref<1600000xf32, #tpu.memory_space<hbm>> -> memref<848xf32, #tpu.memory_space<hbm>>
        %dma_start3A_425 = arith.constant 0 : i32
        %dma_start3A_426 = tpu.memref_slice %arg23[%dma_start3A_425] : memref<2048xf32, #tpu.memory_space<vmem>> -> memref<848xf32, #tpu.memory_space<vmem>>
        %dma_start3A_427 = tpu.memref_slice %arg4[%add3A_409] : memref<1600000xf32, #tpu.memory_space<hbm>> -> memref<848xf32, #tpu.memory_space<hbm>>
        tpu.enqueue_dma source(%dma_start3A_427 : memref<848xf32, #tpu.memory_space<hbm>>) target(%dma_start3A_426 : memref<848xf32, #tpu.memory_space<vmem>>) target_semaphore(%arg29 : memref<!tpu.dma_semaphore, #tpu.memory_space<semaphore_mem>>)
        %dma_start3A_428 = arith.constant 0 : i32
        %dma_start3A_429 = tpu.memref_slice %arg25[%dma_start3A_428] : memref<2048xi32, #tpu.memory_space<vmem>> -> memref<848xi32, #tpu.memory_space<vmem>>
        %dma_start3A_430 = tpu.memref_slice %arg5[%add3A_409] : memref<1600000xi32, #tpu.memory_space<hbm>> -> memref<848xi32, #tpu.memory_space<hbm>>
        %dma_start3A_431 = arith.constant 0 : i32
        %dma_start3A_432 = tpu.memref_slice %arg25[%dma_start3A_431] : memref<2048xi32, #tpu.memory_space<vmem>> -> memref<848xi32, #tpu.memory_space<vmem>>
        %dma_start3A_433 = tpu.memref_slice %arg5[%add3A_409] : memref<1600000xi32, #tpu.memory_space<hbm>> -> memref<848xi32, #tpu.memory_space<hbm>>
        tpu.enqueue_dma source(%dma_start3A_433 : memref<848xi32, #tpu.memory_space<hbm>>) target(%dma_start3A_432 : memref<848xi32, #tpu.memory_space<vmem>>) target_semaphore(%arg29 : memref<!tpu.dma_semaphore, #tpu.memory_space<semaphore_mem>>)
      } else {
      }
      %mul3A_350 = arith.constant 2 : i32
      %mul3A_351 = arith.muli %mul3A_350, %scan3A_296 : i32
      %add3A_352 = arith.constant 1 : i32
      %add3A_353 = arith.addi %mul3A_351, %add3A_352 : i32
      %mul3A_354 = arith.constant 2048 : i32
      %mul3A_355 = arith.muli %add3A_353, %mul3A_354 : i32
      %add3A_356 = arith.addi %mul3A_2, %mul3A_355 : i32
      %dma_wait3A_357 = arith.constant 0 : i32
      %dma_wait3A_358 = tpu.memref_slice %arg20[%dma_wait3A_357] : memref<2048xf32, #tpu.memory_space<vmem>> -> memref<2048xf32, #tpu.memory_space<vmem>>
      %dma_wait3A_359 = tpu.memref_slice %arg2[%add3A_356] : memref<1600000xf32, #tpu.memory_space<hbm>> -> memref<2048xf32, #tpu.memory_space<hbm>>
      %dma_wait3A_360 = arith.constant 0 : i32
      %dma_wait3A_361 = tpu.memref_slice %arg20[%dma_wait3A_360] : memref<2048xf32, #tpu.memory_space<vmem>> -> memref<2048xf32, #tpu.memory_space<vmem>>
      %dma_wait3A_362 = tpu.memref_slice %arg2[%add3A_356] : memref<1600000xf32, #tpu.memory_space<hbm>> -> memref<2048xf32, #tpu.memory_space<hbm>>
      tpu.wait_dma2 semaphore(%arg30 : memref<!tpu.dma_semaphore, #tpu.memory_space<semaphore_mem>>) src(%dma_wait3A_362 : memref<2048xf32, #tpu.memory_space<hbm>>) dst(%dma_wait3A_361 : memref<2048xf32, #tpu.memory_space<vmem>>)
      %dma_wait3A_363 = arith.constant 0 : i32
      %dma_wait3A_364 = tpu.memref_slice %arg22[%dma_wait3A_363] : memref<2048xf32, #tpu.memory_space<vmem>> -> memref<2048xf32, #tpu.memory_space<vmem>>
      %dma_wait3A_365 = tpu.memref_slice %arg3[%add3A_356] : memref<1600000xf32, #tpu.memory_space<hbm>> -> memref<2048xf32, #tpu.memory_space<hbm>>
      %dma_wait3A_366 = arith.constant 0 : i32
      %dma_wait3A_367 = tpu.memref_slice %arg22[%dma_wait3A_366] : memref<2048xf32, #tpu.memory_space<vmem>> -> memref<2048xf32, #tpu.memory_space<vmem>>
      %dma_wait3A_368 = tpu.memref_slice %arg3[%add3A_356] : memref<1600000xf32, #tpu.memory_space<hbm>> -> memref<2048xf32, #tpu.memory_space<hbm>>
      tpu.wait_dma2 semaphore(%arg30 : memref<!tpu.dma_semaphore, #tpu.memory_space<semaphore_mem>>) src(%dma_wait3A_368 : memref<2048xf32, #tpu.memory_space<hbm>>) dst(%dma_wait3A_367 : memref<2048xf32, #tpu.memory_space<vmem>>)
      %dma_wait3A_369 = arith.constant 0 : i32
      %dma_wait3A_370 = tpu.memref_slice %arg24[%dma_wait3A_369] : memref<2048xf32, #tpu.memory_space<vmem>> -> memref<2048xf32, #tpu.memory_space<vmem>>
      %dma_wait3A_371 = tpu.memref_slice %arg4[%add3A_356] : memref<1600000xf32, #tpu.memory_space<hbm>> -> memref<2048xf32, #tpu.memory_space<hbm>>
      %dma_wait3A_372 = arith.constant 0 : i32
      %dma_wait3A_373 = tpu.memref_slice %arg24[%dma_wait3A_372] : memref<2048xf32, #tpu.memory_space<vmem>> -> memref<2048xf32, #tpu.memory_space<vmem>>
      %dma_wait3A_374 = tpu.memref_slice %arg4[%add3A_356] : memref<1600000xf32, #tpu.memory_space<hbm>> -> memref<2048xf32, #tpu.memory_space<hbm>>
      tpu.wait_dma2 semaphore(%arg30 : memref<!tpu.dma_semaphore, #tpu.memory_space<semaphore_mem>>) src(%dma_wait3A_374 : memref<2048xf32, #tpu.memory_space<hbm>>) dst(%dma_wait3A_373 : memref<2048xf32, #tpu.memory_space<vmem>>)
      %dma_wait3A_375 = arith.constant 0 : i32
      %dma_wait3A_376 = tpu.memref_slice %arg26[%dma_wait3A_375] : memref<2048xi32, #tpu.memory_space<vmem>> -> memref<2048xi32, #tpu.memory_space<vmem>>
      %dma_wait3A_377 = tpu.memref_slice %arg5[%add3A_356] : memref<1600000xi32, #tpu.memory_space<hbm>> -> memref<2048xi32, #tpu.memory_space<hbm>>
      %dma_wait3A_378 = arith.constant 0 : i32
      %dma_wait3A_379 = tpu.memref_slice %arg26[%dma_wait3A_378] : memref<2048xi32, #tpu.memory_space<vmem>> -> memref<2048xi32, #tpu.memory_space<vmem>>
      %dma_wait3A_380 = tpu.memref_slice %arg5[%add3A_356] : memref<1600000xi32, #tpu.memory_space<hbm>> -> memref<2048xi32, #tpu.memory_space<hbm>>
      tpu.wait_dma2 semaphore(%arg30 : memref<!tpu.dma_semaphore, #tpu.memory_space<semaphore_mem>>) src(%dma_wait3A_380 : memref<2048xi32, #tpu.memory_space<hbm>>) dst(%dma_wait3A_379 : memref<2048xi32, #tpu.memory_space<vmem>>)
      %ge3A_381 = arith.constant 2 : i32
      %ge3A_382 = arith.cmpi sge, %add3A_353, %ge3A_381 : i32
      %convert_element_type3A_383 = arith.extui %ge3A_382 : i1 to i32
      %cond3A_384 = arith.constant 0 : i32
      %cond3A_385 = arith.cmpi ne, %convert_element_type3A_383, %cond3A_384 : i32
      scf.if %cond3A_385 {
        %sub3A = arith.constant 2 : i32
        %sub3A_408 = arith.subi %add3A_353, %sub3A : i32
        %mul3A_409 = arith.constant 2048 : i32
        %mul3A_410 = arith.muli %sub3A_408, %mul3A_409 : i32
        %add3A_411 = arith.addi %mul3A_2, %mul3A_410 : i32
        %dma_wait3A_412 = arith.constant 0 : i32
        %dma_wait3A_413 = tpu.memref_slice %arg28[%dma_wait3A_412] : memref<2048xf32, #tpu.memory_space<vmem>> -> memref<2048xf32, #tpu.memory_space<vmem>>
        %dma_wait3A_414 = tpu.memref_slice %arg10[%add3A_411] : memref<1600000xf32, #tpu.memory_space<hbm>> -> memref<2048xf32, #tpu.memory_space<hbm>>
        %dma_wait3A_415 = tpu.memref_slice %arg10[%add3A_411] : memref<1600000xf32, #tpu.memory_space<hbm>> -> memref<2048xf32, #tpu.memory_space<hbm>>
        %dma_wait3A_416 = arith.constant 0 : i32
        %dma_wait3A_417 = tpu.memref_slice %arg28[%dma_wait3A_416] : memref<2048xf32, #tpu.memory_space<vmem>> -> memref<2048xf32, #tpu.memory_space<vmem>>
        tpu.wait_dma2 semaphore(%arg32 : memref<!tpu.dma_semaphore, #tpu.memory_space<semaphore_mem>>) src(%dma_wait3A_417 : memref<2048xf32, #tpu.memory_space<vmem>>) dst(%dma_wait3A_415 : memref<2048xf32, #tpu.memory_space<hbm>>)
      } else {
      }
      %parallel_loop3A_386 = arith.constant 0 : i32
      %parallel_loop3A_387 = arith.constant 128 : i32
      %parallel_loop3A_388 = arith.constant 1 : i32
      scf.for %parallel_loop3A_408 = %parallel_loop3A_386 to %parallel_loop3A_387 step %parallel_loop3A_388  : i32 {
        %parallel_loop3A_409 = arith.constant 16 : i32
        %parallel_loop3A_410 = arith.muli %parallel_loop3A_408, %parallel_loop3A_409 : i32
        %parallel_loop3A_411 = arith.index_cast %parallel_loop3A_410 : i32 to index
        %parallel_loop3A_412 = tpu.vector_load %arg20[%parallel_loop3A_411] {strides = array<i32>} : memref<2048xf32, #tpu.memory_space<vmem>>, vector<16xf32>,
        %parallel_loop3A_413 = arith.index_cast %parallel_loop3A_410 : i32 to index
        %parallel_loop3A_414 = tpu.vector_load %arg22[%parallel_loop3A_413] {strides = array<i32>} : memref<2048xf32, #tpu.memory_space<vmem>>, vector<16xf32>,
        %parallel_loop3A_415 = arith.mulf %parallel_loop3A_412, %parallel_loop3A_414 : vector<16xf32>
        %parallel_loop3A_416 = arith.index_cast %parallel_loop3A_410 : i32 to index
        %parallel_loop3A_417 = tpu.vector_load %arg24[%parallel_loop3A_416] {strides = array<i32>} : memref<2048xf32, #tpu.memory_space<vmem>>, vector<16xf32>,
        %parallel_loop3A_418 = arith.mulf %parallel_loop3A_415, %parallel_loop3A_417 : vector<16xf32>
        %parallel_loop3A_419 = arith.index_cast %parallel_loop3A_410 : i32 to index
        %parallel_loop3A_420 = tpu.vector_load %arg28[%parallel_loop3A_419] {strides = array<i32>} : memref<2048xf32, #tpu.memory_space<vmem>>, vector<16xf32>,
        tpu.vector_store %arg28[%parallel_loop3A_419], %parallel_loop3A_418 {strides = array<i32>} : memref<2048xf32, #tpu.memory_space<vmem>>, vector<16xf32>,
        %parallel_loop3A_421 = arith.index_cast %parallel_loop3A_410 : i32 to index
        %parallel_loop3A_422 = tpu.vector_load %arg26[%parallel_loop3A_421] {strides = array<i32>} : memref<2048xi32, #tpu.memory_space<vmem>>, vector<16xi32>,
        tpu.vector_store_idx %arg14[%parallel_loop3A_422], %parallel_loop3A_418 {add = true} : memref<50176xf32, #tpu.memory_space<vmem>>[vector<16xi32>], vector<16xf32>,
      } {sc.loop_unroll_factor = 8 : i64, sc.parallel_access}
      %mul3A_389 = arith.constant 2048 : i32
      %mul3A_390 = arith.muli %add3A_353, %mul3A_389 : i32
      %add3A_391 = arith.addi %mul3A_2, %mul3A_390 : i32
      %dma_start3A_392 = arith.constant 0 : i32
      %dma_start3A_393 = tpu.memref_slice %arg28[%dma_start3A_392] : memref<2048xf32, #tpu.memory_space<vmem>> -> memref<2048xf32, #tpu.memory_space<vmem>>
      %dma_start3A_394 = tpu.memref_slice %arg10[%add3A_391] : memref<1600000xf32, #tpu.memory_space<hbm>> -> memref<2048xf32, #tpu.memory_space<hbm>>
      %dma_start3A_395 = tpu.memref_slice %arg10[%add3A_391] : memref<1600000xf32, #tpu.memory_space<hbm>> -> memref<2048xf32, #tpu.memory_space<hbm>>
      %dma_start3A_396 = arith.constant 0 : i32
      %dma_start3A_397 = tpu.memref_slice %arg28[%dma_start3A_396] : memref<2048xf32, #tpu.memory_space<vmem>> -> memref<2048xf32, #tpu.memory_space<vmem>>
      tpu.enqueue_dma source(%dma_start3A_397 : memref<2048xf32, #tpu.memory_space<vmem>>) target(%dma_start3A_395 : memref<2048xf32, #tpu.memory_space<hbm>>) target_semaphore(%arg32 : memref<!tpu.dma_semaphore, #tpu.memory_space<semaphore_mem>>)
      %lt3A_398 = arith.constant 22 : i32
      %lt3A_399 = arith.cmpi slt, %add3A_353, %lt3A_398 : i32
      %convert_element_type3A_400 = arith.extui %lt3A_399 : i1 to i32
      %cond3A_401 = arith.constant 0 : i32
      %cond3A_402 = arith.cmpi ne, %convert_element_type3A_400, %cond3A_401 : i32
      scf.if %cond3A_402 {
        %add3A_408 = arith.constant 2 : i32
        %add3A_409 = arith.addi %add3A_353, %add3A_408 : i32
        %mul3A_410 = arith.constant 2048 : i32
        %mul3A_411 = arith.muli %add3A_409, %mul3A_410 : i32
        %add3A_412 = arith.addi %mul3A_2, %mul3A_411 : i32
        %dma_start3A_413 = arith.constant 0 : i32
        %dma_start3A_414 = tpu.memref_slice %arg20[%dma_start3A_413] : memref<2048xf32, #tpu.memory_space<vmem>> -> memref<2048xf32, #tpu.memory_space<vmem>>
        %dma_start3A_415 = tpu.memref_slice %arg2[%add3A_412] : memref<1600000xf32, #tpu.memory_space<hbm>> -> memref<2048xf32, #tpu.memory_space<hbm>>
        %dma_start3A_416 = arith.constant 0 : i32
        %dma_start3A_417 = tpu.memref_slice %arg20[%dma_start3A_416] : memref<2048xf32, #tpu.memory_space<vmem>> -> memref<2048xf32, #tpu.memory_space<vmem>>
        %dma_start3A_418 = tpu.memref_slice %arg2[%add3A_412] : memref<1600000xf32, #tpu.memory_space<hbm>> -> memref<2048xf32, #tpu.memory_space<hbm>>
        tpu.enqueue_dma source(%dma_start3A_418 : memref<2048xf32, #tpu.memory_space<hbm>>) target(%dma_start3A_417 : memref<2048xf32, #tpu.memory_space<vmem>>) target_semaphore(%arg30 : memref<!tpu.dma_semaphore, #tpu.memory_space<semaphore_mem>>)
        %dma_start3A_419 = arith.constant 0 : i32
        %dma_start3A_420 = tpu.memref_slice %arg22[%dma_start3A_419] : memref<2048xf32, #tpu.memory_space<vmem>> -> memref<2048xf32, #tpu.memory_space<vmem>>
        %dma_start3A_421 = tpu.memref_slice %arg3[%add3A_412] : memref<1600000xf32, #tpu.memory_space<hbm>> -> memref<2048xf32, #tpu.memory_space<hbm>>
        %dma_start3A_422 = arith.constant 0 : i32
        %dma_start3A_423 = tpu.memref_slice %arg22[%dma_start3A_422] : memref<2048xf32, #tpu.memory_space<vmem>> -> memref<2048xf32, #tpu.memory_space<vmem>>
        %dma_start3A_424 = tpu.memref_slice %arg3[%add3A_412] : memref<1600000xf32, #tpu.memory_space<hbm>> -> memref<2048xf32, #tpu.memory_space<hbm>>
        tpu.enqueue_dma source(%dma_start3A_424 : memref<2048xf32, #tpu.memory_space<hbm>>) target(%dma_start3A_423 : memref<2048xf32, #tpu.memory_space<vmem>>) target_semaphore(%arg30 : memref<!tpu.dma_semaphore, #tpu.memory_space<semaphore_mem>>)
        %dma_start3A_425 = arith.constant 0 : i32
        %dma_start3A_426 = tpu.memref_slice %arg24[%dma_start3A_425] : memref<2048xf32, #tpu.memory_space<vmem>> -> memref<2048xf32, #tpu.memory_space<vmem>>
        %dma_start3A_427 = tpu.memref_slice %arg4[%add3A_412] : memref<1600000xf32, #tpu.memory_space<hbm>> -> memref<2048xf32, #tpu.memory_space<hbm>>
        %dma_start3A_428 = arith.constant 0 : i32
        %dma_start3A_429 = tpu.memref_slice %arg24[%dma_start3A_428] : memref<2048xf32, #tpu.memory_space<vmem>> -> memref<2048xf32, #tpu.memory_space<vmem>>
        %dma_start3A_430 = tpu.memref_slice %arg4[%add3A_412] : memref<1600000xf32, #tpu.memory_space<hbm>> -> memref<2048xf32, #tpu.memory_space<hbm>>
        tpu.enqueue_dma source(%dma_start3A_430 : memref<2048xf32, #tpu.memory_space<hbm>>) target(%dma_start3A_429 : memref<2048xf32, #tpu.memory_space<vmem>>) target_semaphore(%arg30 : memref<!tpu.dma_semaphore, #tpu.memory_space<semaphore_mem>>)
        %dma_start3A_431 = arith.constant 0 : i32
        %dma_start3A_432 = tpu.memref_slice %arg26[%dma_start3A_431] : memref<2048xi32, #tpu.memory_space<vmem>> -> memref<2048xi32, #tpu.memory_space<vmem>>
        %dma_start3A_433 = tpu.memref_slice %arg5[%add3A_412] : memref<1600000xi32, #tpu.memory_space<hbm>> -> memref<2048xi32, #tpu.memory_space<hbm>>
        %dma_start3A_434 = arith.constant 0 : i32
        %dma_start3A_435 = tpu.memref_slice %arg26[%dma_start3A_434] : memref<2048xi32, #tpu.memory_space<vmem>> -> memref<2048xi32, #tpu.memory_space<vmem>>
        %dma_start3A_436 = tpu.memref_slice %arg5[%add3A_412] : memref<1600000xi32, #tpu.memory_space<hbm>> -> memref<2048xi32, #tpu.memory_space<hbm>>
        tpu.enqueue_dma source(%dma_start3A_436 : memref<2048xi32, #tpu.memory_space<hbm>>) target(%dma_start3A_435 : memref<2048xi32, #tpu.memory_space<vmem>>) target_semaphore(%arg30 : memref<!tpu.dma_semaphore, #tpu.memory_space<semaphore_mem>>)
      } else {
      }
      %eq3A_403 = arith.constant 22 : i32
      %eq3A_404 = arith.cmpi eq, %add3A_353, %eq3A_403 : i32
      %convert_element_type3A_405 = arith.extui %eq3A_404 : i1 to i32
      %cond3A_406 = arith.constant 0 : i32
      %cond3A_407 = arith.cmpi ne, %convert_element_type3A_405, %cond3A_406 : i32
      scf.if %cond3A_407 {
        %add3A_408 = arith.constant 49152 : i32
        %add3A_409 = arith.addi %mul3A_2, %add3A_408 : i32
        %dma_start3A_410 = arith.constant 0 : i32
        %dma_start3A_411 = tpu.memref_slice %arg19[%dma_start3A_410] : memref<2048xf32, #tpu.memory_space<vmem>> -> memref<848xf32, #tpu.memory_space<vmem>>
        %dma_start3A_412 = tpu.memref_slice %arg2[%add3A_409] : memref<1600000xf32, #tpu.memory_space<hbm>> -> memref<848xf32, #tpu.memory_space<hbm>>
        %dma_start3A_413 = arith.constant 0 : i32
        %dma_start3A_414 = tpu.memref_slice %arg19[%dma_start3A_413] : memref<2048xf32, #tpu.memory_space<vmem>> -> memref<848xf32, #tpu.memory_space<vmem>>
        %dma_start3A_415 = tpu.memref_slice %arg2[%add3A_409] : memref<1600000xf32, #tpu.memory_space<hbm>> -> memref<848xf32, #tpu.memory_space<hbm>>
        tpu.enqueue_dma source(%dma_start3A_415 : memref<848xf32, #tpu.memory_space<hbm>>) target(%dma_start3A_414 : memref<848xf32, #tpu.memory_space<vmem>>) target_semaphore(%arg29 : memref<!tpu.dma_semaphore, #tpu.memory_space<semaphore_mem>>)
        %dma_start3A_416 = arith.constant 0 : i32
        %dma_start3A_417 = tpu.memref_slice %arg21[%dma_start3A_416] : memref<2048xf32, #tpu.memory_space<vmem>> -> memref<848xf32, #tpu.memory_space<vmem>>
        %dma_start3A_418 = tpu.memref_slice %arg3[%add3A_409] : memref<1600000xf32, #tpu.memory_space<hbm>> -> memref<848xf32, #tpu.memory_space<hbm>>
        %dma_start3A_419 = arith.constant 0 : i32
        %dma_start3A_420 = tpu.memref_slice %arg21[%dma_start3A_419] : memref<2048xf32, #tpu.memory_space<vmem>> -> memref<848xf32, #tpu.memory_space<vmem>>
        %dma_start3A_421 = tpu.memref_slice %arg3[%add3A_409] : memref<1600000xf32, #tpu.memory_space<hbm>> -> memref<848xf32, #tpu.memory_space<hbm>>
        tpu.enqueue_dma source(%dma_start3A_421 : memref<848xf32, #tpu.memory_space<hbm>>) target(%dma_start3A_420 : memref<848xf32, #tpu.memory_space<vmem>>) target_semaphore(%arg29 : memref<!tpu.dma_semaphore, #tpu.memory_space<semaphore_mem>>)
        %dma_start3A_422 = arith.constant 0 : i32
        %dma_start3A_423 = tpu.memref_slice %arg23[%dma_start3A_422] : memref<2048xf32, #tpu.memory_space<vmem>> -> memref<848xf32, #tpu.memory_space<vmem>>
        %dma_start3A_424 = tpu.memref_slice %arg4[%add3A_409] : memref<1600000xf32, #tpu.memory_space<hbm>> -> memref<848xf32, #tpu.memory_space<hbm>>
        %dma_start3A_425 = arith.constant 0 : i32
        %dma_start3A_426 = tpu.memref_slice %arg23[%dma_start3A_425] : memref<2048xf32, #tpu.memory_space<vmem>> -> memref<848xf32, #tpu.memory_space<vmem>>
        %dma_start3A_427 = tpu.memref_slice %arg4[%add3A_409] : memref<1600000xf32, #tpu.memory_space<hbm>> -> memref<848xf32, #tpu.memory_space<hbm>>
        tpu.enqueue_dma source(%dma_start3A_427 : memref<848xf32, #tpu.memory_space<hbm>>) target(%dma_start3A_426 : memref<848xf32, #tpu.memory_space<vmem>>) target_semaphore(%arg29 : memref<!tpu.dma_semaphore, #tpu.memory_space<semaphore_mem>>)
        %dma_start3A_428 = arith.constant 0 : i32
        %dma_start3A_429 = tpu.memref_slice %arg25[%dma_start3A_428] : memref<2048xi32, #tpu.memory_space<vmem>> -> memref<848xi32, #tpu.memory_space<vmem>>
        %dma_start3A_430 = tpu.memref_slice %arg5[%add3A_409] : memref<1600000xi32, #tpu.memory_space<hbm>> -> memref<848xi32, #tpu.memory_space<hbm>>
        %dma_start3A_431 = arith.constant 0 : i32
        %dma_start3A_432 = tpu.memref_slice %arg25[%dma_start3A_431] : memref<2048xi32, #tpu.memory_space<vmem>> -> memref<848xi32, #tpu.memory_space<vmem>>
        %dma_start3A_433 = tpu.memref_slice %arg5[%add3A_409] : memref<1600000xi32, #tpu.memory_space<hbm>> -> memref<848xi32, #tpu.memory_space<hbm>>
        tpu.enqueue_dma source(%dma_start3A_433 : memref<848xi32, #tpu.memory_space<hbm>>) target(%dma_start3A_432 : memref<848xi32, #tpu.memory_space<vmem>>) target_semaphore(%arg29 : memref<!tpu.dma_semaphore, #tpu.memory_space<semaphore_mem>>)
      } else {
      }
    }
    %scan3A_62 = arith.constant 12 : i32
    %add3A_63 = arith.constant 49152 : i32
    %add3A_64 = arith.addi %mul3A_2, %add3A_63 : i32
    %dma_wait3A = arith.constant 0 : i32
    %dma_wait3A_65 = tpu.memref_slice %arg19[%dma_wait3A] : memref<2048xf32, #tpu.memory_space<vmem>> -> memref<848xf32, #tpu.memory_space<vmem>>
    %dma_wait3A_66 = tpu.memref_slice %arg2[%add3A_64] : memref<1600000xf32, #tpu.memory_space<hbm>> -> memref<848xf32, #tpu.memory_space<hbm>>
    %dma_wait3A_67 = arith.constant 0 : i32
    %dma_wait3A_68 = tpu.memref_slice %arg19[%dma_wait3A_67] : memref<2048xf32, #tpu.memory_space<vmem>> -> memref<848xf32, #tpu.memory_space<vmem>>
    %dma_wait3A_69 = tpu.memref_slice %arg2[%add3A_64] : memref<1600000xf32, #tpu.memory_space<hbm>> -> memref<848xf32, #tpu.memory_space<hbm>>
    tpu.wait_dma2 semaphore(%arg29 : memref<!tpu.dma_semaphore, #tpu.memory_space<semaphore_mem>>) src(%dma_wait3A_69 : memref<848xf32, #tpu.memory_space<hbm>>) dst(%dma_wait3A_68 : memref<848xf32, #tpu.memory_space<vmem>>)
    %dma_wait3A_70 = arith.constant 0 : i32
    %dma_wait3A_71 = tpu.memref_slice %arg21[%dma_wait3A_70] : memref<2048xf32, #tpu.memory_space<vmem>> -> memref<848xf32, #tpu.memory_space<vmem>>
    %dma_wait3A_72 = tpu.memref_slice %arg3[%add3A_64] : memref<1600000xf32, #tpu.memory_space<hbm>> -> memref<848xf32, #tpu.memory_space<hbm>>
    %dma_wait3A_73 = arith.constant 0 : i32
    %dma_wait3A_74 = tpu.memref_slice %arg21[%dma_wait3A_73] : memref<2048xf32, #tpu.memory_space<vmem>> -> memref<848xf32, #tpu.memory_space<vmem>>
    %dma_wait3A_75 = tpu.memref_slice %arg3[%add3A_64] : memref<1600000xf32, #tpu.memory_space<hbm>> -> memref<848xf32, #tpu.memory_space<hbm>>
    tpu.wait_dma2 semaphore(%arg29 : memref<!tpu.dma_semaphore, #tpu.memory_space<semaphore_mem>>) src(%dma_wait3A_75 : memref<848xf32, #tpu.memory_space<hbm>>) dst(%dma_wait3A_74 : memref<848xf32, #tpu.memory_space<vmem>>)
    %dma_wait3A_76 = arith.constant 0 : i32
    %dma_wait3A_77 = tpu.memref_slice %arg23[%dma_wait3A_76] : memref<2048xf32, #tpu.memory_space<vmem>> -> memref<848xf32, #tpu.memory_space<vmem>>
    %dma_wait3A_78 = tpu.memref_slice %arg4[%add3A_64] : memref<1600000xf32, #tpu.memory_space<hbm>> -> memref<848xf32, #tpu.memory_space<hbm>>
    %dma_wait3A_79 = arith.constant 0 : i32
    %dma_wait3A_80 = tpu.memref_slice %arg23[%dma_wait3A_79] : memref<2048xf32, #tpu.memory_space<vmem>> -> memref<848xf32, #tpu.memory_space<vmem>>
    %dma_wait3A_81 = tpu.memref_slice %arg4[%add3A_64] : memref<1600000xf32, #tpu.memory_space<hbm>> -> memref<848xf32, #tpu.memory_space<hbm>>
    tpu.wait_dma2 semaphore(%arg29 : memref<!tpu.dma_semaphore, #tpu.memory_space<semaphore_mem>>) src(%dma_wait3A_81 : memref<848xf32, #tpu.memory_space<hbm>>) dst(%dma_wait3A_80 : memref<848xf32, #tpu.memory_space<vmem>>)
    %dma_wait3A_82 = arith.constant 0 : i32
    %dma_wait3A_83 = tpu.memref_slice %arg25[%dma_wait3A_82] : memref<2048xi32, #tpu.memory_space<vmem>> -> memref<848xi32, #tpu.memory_space<vmem>>
    %dma_wait3A_84 = tpu.memref_slice %arg5[%add3A_64] : memref<1600000xi32, #tpu.memory_space<hbm>> -> memref<848xi32, #tpu.memory_space<hbm>>
    %dma_wait3A_85 = arith.constant 0 : i32
    %dma_wait3A_86 = tpu.memref_slice %arg25[%dma_wait3A_85] : memref<2048xi32, #tpu.memory_space<vmem>> -> memref<848xi32, #tpu.memory_space<vmem>>
    %dma_wait3A_87 = tpu.memref_slice %arg5[%add3A_64] : memref<1600000xi32, #tpu.memory_space<hbm>> -> memref<848xi32, #tpu.memory_space<hbm>>
    tpu.wait_dma2 semaphore(%arg29 : memref<!tpu.dma_semaphore, #tpu.memory_space<semaphore_mem>>) src(%dma_wait3A_87 : memref<848xi32, #tpu.memory_space<hbm>>) dst(%dma_wait3A_86 : memref<848xi32, #tpu.memory_space<vmem>>)
    %add3A_88 = arith.constant 45056 : i32
    %add3A_89 = arith.addi %mul3A_2, %add3A_88 : i32
    %dma_wait3A_90 = arith.constant 0 : i32
    %dma_wait3A_91 = tpu.memref_slice %arg27[%dma_wait3A_90] : memref<2048xf32, #tpu.memory_space<vmem>> -> memref<2048xf32, #tpu.memory_space<vmem>>
    %dma_wait3A_92 = tpu.memref_slice %arg10[%add3A_89] : memref<1600000xf32, #tpu.memory_space<hbm>> -> memref<2048xf32, #tpu.memory_space<hbm>>
    %dma_wait3A_93 = tpu.memref_slice %arg10[%add3A_89] : memref<1600000xf32, #tpu.memory_space<hbm>> -> memref<2048xf32, #tpu.memory_space<hbm>>
    %dma_wait3A_94 = arith.constant 0 : i32
    %dma_wait3A_95 = tpu.memref_slice %arg27[%dma_wait3A_94] : memref<2048xf32, #tpu.memory_space<vmem>> -> memref<2048xf32, #tpu.memory_space<vmem>>
    tpu.wait_dma2 semaphore(%arg31 : memref<!tpu.dma_semaphore, #tpu.memory_space<semaphore_mem>>) src(%dma_wait3A_95 : memref<2048xf32, #tpu.memory_space<vmem>>) dst(%dma_wait3A_93 : memref<2048xf32, #tpu.memory_space<hbm>>)
    %parallel_loop3A_96 = arith.constant 0 : i32
    %parallel_loop3A_97 = arith.constant 53 : i32
    %parallel_loop3A_98 = arith.constant 1 : i32
    scf.for %parallel_loop3A_296 = %parallel_loop3A_96 to %parallel_loop3A_97 step %parallel_loop3A_98  : i32 {
      %parallel_loop3A_297 = arith.constant 16 : i32
      %parallel_loop3A_298 = arith.muli %parallel_loop3A_296, %parallel_loop3A_297 : i32
      %parallel_loop3A_299 = arith.index_cast %parallel_loop3A_298 : i32 to index
      %parallel_loop3A_300 = tpu.vector_load %arg19[%parallel_loop3A_299] {strides = array<i32>} : memref<2048xf32, #tpu.memory_space<vmem>>, vector<16xf32>,
      %parallel_loop3A_301 = arith.index_cast %parallel_loop3A_298 : i32 to index
      %parallel_loop3A_302 = tpu.vector_load %arg21[%parallel_loop3A_301] {strides = array<i32>} : memref<2048xf32, #tpu.memory_space<vmem>>, vector<16xf32>,
      %parallel_loop3A_303 = arith.mulf %parallel_loop3A_300, %parallel_loop3A_302 : vector<16xf32>
      %parallel_loop3A_304 = arith.index_cast %parallel_loop3A_298 : i32 to index
      %parallel_loop3A_305 = tpu.vector_load %arg23[%parallel_loop3A_304] {strides = array<i32>} : memref<2048xf32, #tpu.memory_space<vmem>>, vector<16xf32>,
      %parallel_loop3A_306 = arith.mulf %parallel_loop3A_303, %parallel_loop3A_305 : vector<16xf32>
      %parallel_loop3A_307 = arith.index_cast %parallel_loop3A_298 : i32 to index
      %parallel_loop3A_308 = tpu.vector_load %arg27[%parallel_loop3A_307] {strides = array<i32>} : memref<2048xf32, #tpu.memory_space<vmem>>, vector<16xf32>,
      tpu.vector_store %arg27[%parallel_loop3A_307], %parallel_loop3A_306 {strides = array<i32>} : memref<2048xf32, #tpu.memory_space<vmem>>, vector<16xf32>,
      %parallel_loop3A_309 = arith.index_cast %parallel_loop3A_298 : i32 to index
      %parallel_loop3A_310 = tpu.vector_load %arg25[%parallel_loop3A_309] {strides = array<i32>} : memref<2048xi32, #tpu.memory_space<vmem>>, vector<16xi32>,
      tpu.vector_store_idx %arg14[%parallel_loop3A_310], %parallel_loop3A_306 {add = true} : memref<50176xf32, #tpu.memory_space<vmem>>[vector<16xi32>], vector<16xf32>,
    } {sc.loop_unroll_factor = 1 : i64, sc.parallel_access}
    %add3A_99 = arith.constant 49152 : i32
    %add3A_100 = arith.addi %mul3A_2, %add3A_99 : i32
    %dma_start3A_101 = arith.constant 0 : i32
    %dma_start3A_102 = tpu.memref_slice %arg27[%dma_start3A_101] : memref<2048xf32, #tpu.memory_space<vmem>> -> memref<848xf32, #tpu.memory_space<vmem>>
    %dma_start3A_103 = tpu.memref_slice %arg10[%add3A_100] : memref<1600000xf32, #tpu.memory_space<hbm>> -> memref<848xf32, #tpu.memory_space<hbm>>
    %dma_start3A_104 = tpu.memref_slice %arg10[%add3A_100] : memref<1600000xf32, #tpu.memory_space<hbm>> -> memref<848xf32, #tpu.memory_space<hbm>>
    %dma_start3A_105 = arith.constant 0 : i32
    %dma_start3A_106 = tpu.memref_slice %arg27[%dma_start3A_105] : memref<2048xf32, #tpu.memory_space<vmem>> -> memref<848xf32, #tpu.memory_space<vmem>>
    tpu.enqueue_dma source(%dma_start3A_106 : memref<848xf32, #tpu.memory_space<vmem>>) target(%dma_start3A_104 : memref<848xf32, #tpu.memory_space<hbm>>) target_semaphore(%arg31 : memref<!tpu.dma_semaphore, #tpu.memory_space<semaphore_mem>>)
    %add3A_107 = arith.constant 47104 : i32
    %add3A_108 = arith.addi %mul3A_2, %add3A_107 : i32
    %dma_wait3A_109 = arith.constant 0 : i32
    %dma_wait3A_110 = tpu.memref_slice %arg28[%dma_wait3A_109] : memref<2048xf32, #tpu.memory_space<vmem>> -> memref<2048xf32, #tpu.memory_space<vmem>>
    %dma_wait3A_111 = tpu.memref_slice %arg10[%add3A_108] : memref<1600000xf32, #tpu.memory_space<hbm>> -> memref<2048xf32, #tpu.memory_space<hbm>>
    %dma_wait3A_112 = tpu.memref_slice %arg10[%add3A_108] : memref<1600000xf32, #tpu.memory_space<hbm>> -> memref<2048xf32, #tpu.memory_space<hbm>>
    %dma_wait3A_113 = arith.constant 0 : i32
    %dma_wait3A_114 = tpu.memref_slice %arg28[%dma_wait3A_113] : memref<2048xf32, #tpu.memory_space<vmem>> -> memref<2048xf32, #tpu.memory_space<vmem>>
    tpu.wait_dma2 semaphore(%arg32 : memref<!tpu.dma_semaphore, #tpu.memory_space<semaphore_mem>>) src(%dma_wait3A_114 : memref<2048xf32, #tpu.memory_space<vmem>>) dst(%dma_wait3A_112 : memref<2048xf32, #tpu.memory_space<hbm>>)
    %add3A_115 = arith.constant 49152 : i32
    %add3A_116 = arith.addi %mul3A_2, %add3A_115 : i32
    %dma_wait3A_117 = arith.constant 0 : i32
    %dma_wait3A_118 = tpu.memref_slice %arg27[%dma_wait3A_117] : memref<2048xf32, #tpu.memory_space<vmem>> -> memref<848xf32, #tpu.memory_space<vmem>>
    %dma_wait3A_119 = tpu.memref_slice %arg10[%add3A_116] : memref<1600000xf32, #tpu.memory_space<hbm>> -> memref<848xf32, #tpu.memory_space<hbm>>
    %dma_wait3A_120 = tpu.memref_slice %arg10[%add3A_116] : memref<1600000xf32, #tpu.memory_space<hbm>> -> memref<848xf32, #tpu.memory_space<hbm>>
    %dma_wait3A_121 = arith.constant 0 : i32
    %dma_wait3A_122 = tpu.memref_slice %arg27[%dma_wait3A_121] : memref<2048xf32, #tpu.memory_space<vmem>> -> memref<848xf32, #tpu.memory_space<vmem>>
    tpu.wait_dma2 semaphore(%arg31 : memref<!tpu.dma_semaphore, #tpu.memory_space<semaphore_mem>>) src(%dma_wait3A_122 : memref<848xf32, #tpu.memory_space<vmem>>) dst(%dma_wait3A_120 : memref<848xf32, #tpu.memory_space<hbm>>)
    "tpu.trace_stop"() : () -> ()
    "tpu.trace_start"() <{level = 10 : i32, message = "k1_stage"}> : () -> ()
    %mul3A_123 = arith.constant 50176 : i32
    %mul3A_124 = arith.muli %arg1, %mul3A_123 : i32
    "tpu.region"() ({
      %run_scoped3A = tpu.sem_alloc : memref<!tpu.dma_semaphore, #tpu.memory_space<semaphore_mem>>
      %dma_start3A_296 = tpu.memref_slice %arg15[%mul3A_124] : memref<802816xf32, #tpu.memory_space<vmem_shared>> -> memref<50176xf32, #tpu.memory_space<vmem_shared>>
      %dma_start3A_297 = tpu.memref_slice %arg15[%mul3A_124] : memref<802816xf32, #tpu.memory_space<vmem_shared>> -> memref<50176xf32, #tpu.memory_space<vmem_shared>>
      tpu.enqueue_dma source(%arg14 : memref<50176xf32, #tpu.memory_space<vmem>>) target(%dma_start3A_297 : memref<50176xf32, #tpu.memory_space<vmem_shared>>) target_semaphore(%run_scoped3A : memref<!tpu.dma_semaphore, #tpu.memory_space<semaphore_mem>>)
      %dma_wait3A_298 = tpu.memref_slice %arg15[%mul3A_124] : memref<802816xf32, #tpu.memory_space<vmem_shared>> -> memref<50176xf32, #tpu.memory_space<vmem_shared>>
      %dma_wait3A_299 = tpu.memref_slice %arg15[%mul3A_124] : memref<802816xf32, #tpu.memory_space<vmem_shared>> -> memref<50176xf32, #tpu.memory_space<vmem_shared>>
      tpu.wait_dma2 semaphore(%run_scoped3A : memref<!tpu.dma_semaphore, #tpu.memory_space<semaphore_mem>>) src(%arg14 : memref<50176xf32, #tpu.memory_space<vmem>>) dst(%dma_wait3A_299 : memref<50176xf32, #tpu.memory_space<vmem_shared>>)
      tpu.yield
    }) : () -> ()
    %barrier3A = arith.constant 0 : index
    tpu.barrier barrier_id(%barrier3A)
    "tpu.trace_stop"() : () -> ()
    %add3A_125 = arith.constant 0 : i32
    %add3A_126 = arith.addi %mul3A_4, %add3A_125 : i32
    %dma_start3A_127 = arith.constant 0 : i32
    %dma_start3A_128 = tpu.memref_slice %arg19[%dma_start3A_127] : memref<2048xf32, #tpu.memory_space<vmem>> -> memref<2048xf32, #tpu.memory_space<vmem>>
    %dma_start3A_129 = tpu.memref_slice %arg6[%add3A_126] : memref<1600000xf32, #tpu.memory_space<hbm>> -> memref<2048xf32, #tpu.memory_space<hbm>>
    %dma_start3A_130 = arith.constant 0 : i32
    %dma_start3A_131 = tpu.memref_slice %arg19[%dma_start3A_130] : memref<2048xf32, #tpu.memory_space<vmem>> -> memref<2048xf32, #tpu.memory_space<vmem>>
    %dma_start3A_132 = tpu.memref_slice %arg6[%add3A_126] : memref<1600000xf32, #tpu.memory_space<hbm>> -> memref<2048xf32, #tpu.memory_space<hbm>>
    tpu.enqueue_dma source(%dma_start3A_132 : memref<2048xf32, #tpu.memory_space<hbm>>) target(%dma_start3A_131 : memref<2048xf32, #tpu.memory_space<vmem>>) target_semaphore(%arg29 : memref<!tpu.dma_semaphore, #tpu.memory_space<semaphore_mem>>)
    %dma_start3A_133 = arith.constant 0 : i32
    %dma_start3A_134 = tpu.memref_slice %arg21[%dma_start3A_133] : memref<2048xf32, #tpu.memory_space<vmem>> -> memref<2048xf32, #tpu.memory_space<vmem>>
    %dma_start3A_135 = tpu.memref_slice %arg7[%add3A_126] : memref<1600000xf32, #tpu.memory_space<hbm>> -> memref<2048xf32, #tpu.memory_space<hbm>>
    %dma_start3A_136 = arith.constant 0 : i32
    %dma_start3A_137 = tpu.memref_slice %arg21[%dma_start3A_136] : memref<2048xf32, #tpu.memory_space<vmem>> -> memref<2048xf32, #tpu.memory_space<vmem>>
    %dma_start3A_138 = tpu.memref_slice %arg7[%add3A_126] : memref<1600000xf32, #tpu.memory_space<hbm>> -> memref<2048xf32, #tpu.memory_space<hbm>>
    tpu.enqueue_dma source(%dma_start3A_138 : memref<2048xf32, #tpu.memory_space<hbm>>) target(%dma_start3A_137 : memref<2048xf32, #tpu.memory_space<vmem>>) target_semaphore(%arg29 : memref<!tpu.dma_semaphore, #tpu.memory_space<semaphore_mem>>)
    %dma_start3A_139 = arith.constant 0 : i32
    %dma_start3A_140 = tpu.memref_slice %arg23[%dma_start3A_139] : memref<2048xf32, #tpu.memory_space<vmem>> -> memref<2048xf32, #tpu.memory_space<vmem>>
    %dma_start3A_141 = tpu.memref_slice %arg8[%add3A_126] : memref<1600000xf32, #tpu.memory_space<hbm>> -> memref<2048xf32, #tpu.memory_space<hbm>>
    %dma_start3A_142 = arith.constant 0 : i32
    %dma_start3A_143 = tpu.memref_slice %arg23[%dma_start3A_142] : memref<2048xf32, #tpu.memory_space<vmem>> -> memref<2048xf32, #tpu.memory_space<vmem>>
    %dma_start3A_144 = tpu.memref_slice %arg8[%add3A_126] : memref<1600000xf32, #tpu.memory_space<hbm>> -> memref<2048xf32, #tpu.memory_space<hbm>>
    tpu.enqueue_dma source(%dma_start3A_144 : memref<2048xf32, #tpu.memory_space<hbm>>) target(%dma_start3A_143 : memref<2048xf32, #tpu.memory_space<vmem>>) target_semaphore(%arg29 : memref<!tpu.dma_semaphore, #tpu.memory_space<semaphore_mem>>)
    %dma_start3A_145 = arith.constant 0 : i32
    %dma_start3A_146 = tpu.memref_slice %arg25[%dma_start3A_145] : memref<2048xi32, #tpu.memory_space<vmem>> -> memref<2048xi32, #tpu.memory_space<vmem>>
    %dma_start3A_147 = tpu.memref_slice %arg9[%add3A_126] : memref<1600000xi32, #tpu.memory_space<hbm>> -> memref<2048xi32, #tpu.memory_space<hbm>>
    %dma_start3A_148 = arith.constant 0 : i32
    %dma_start3A_149 = tpu.memref_slice %arg25[%dma_start3A_148] : memref<2048xi32, #tpu.memory_space<vmem>> -> memref<2048xi32, #tpu.memory_space<vmem>>
    %dma_start3A_150 = tpu.memref_slice %arg9[%add3A_126] : memref<1600000xi32, #tpu.memory_space<hbm>> -> memref<2048xi32, #tpu.memory_space<hbm>>
    tpu.enqueue_dma source(%dma_start3A_150 : memref<2048xi32, #tpu.memory_space<hbm>>) target(%dma_start3A_149 : memref<2048xi32, #tpu.memory_space<vmem>>) target_semaphore(%arg29 : memref<!tpu.dma_semaphore, #tpu.memory_space<semaphore_mem>>)
    %add3A_151 = arith.constant 2048 : i32
    %add3A_152 = arith.addi %mul3A_4, %add3A_151 : i32
    %dma_start3A_153 = arith.constant 0 : i32
    %dma_start3A_154 = tpu.memref_slice %arg20[%dma_start3A_153] : memref<2048xf32, #tpu.memory_space<vmem>> -> memref<2048xf32, #tpu.memory_space<vmem>>
    %dma_start3A_155 = tpu.memref_slice %arg6[%add3A_152] : memref<1600000xf32, #tpu.memory_space<hbm>> -> memref<2048xf32, #tpu.memory_space<hbm>>
    %dma_start3A_156 = arith.constant 0 : i32
    %dma_start3A_157 = tpu.memref_slice %arg20[%dma_start3A_156] : memref<2048xf32, #tpu.memory_space<vmem>> -> memref<2048xf32, #tpu.memory_space<vmem>>
    %dma_start3A_158 = tpu.memref_slice %arg6[%add3A_152] : memref<1600000xf32, #tpu.memory_space<hbm>> -> memref<2048xf32, #tpu.memory_space<hbm>>
    tpu.enqueue_dma source(%dma_start3A_158 : memref<2048xf32, #tpu.memory_space<hbm>>) target(%dma_start3A_157 : memref<2048xf32, #tpu.memory_space<vmem>>) target_semaphore(%arg30 : memref<!tpu.dma_semaphore, #tpu.memory_space<semaphore_mem>>)
    %dma_start3A_159 = arith.constant 0 : i32
    %dma_start3A_160 = tpu.memref_slice %arg22[%dma_start3A_159] : memref<2048xf32, #tpu.memory_space<vmem>> -> memref<2048xf32, #tpu.memory_space<vmem>>
    %dma_start3A_161 = tpu.memref_slice %arg7[%add3A_152] : memref<1600000xf32, #tpu.memory_space<hbm>> -> memref<2048xf32, #tpu.memory_space<hbm>>
    %dma_start3A_162 = arith.constant 0 : i32
    %dma_start3A_163 = tpu.memref_slice %arg22[%dma_start3A_162] : memref<2048xf32, #tpu.memory_space<vmem>> -> memref<2048xf32, #tpu.memory_space<vmem>>
    %dma_start3A_164 = tpu.memref_slice %arg7[%add3A_152] : memref<1600000xf32, #tpu.memory_space<hbm>> -> memref<2048xf32, #tpu.memory_space<hbm>>
    tpu.enqueue_dma source(%dma_start3A_164 : memref<2048xf32, #tpu.memory_space<hbm>>) target(%dma_start3A_163 : memref<2048xf32, #tpu.memory_space<vmem>>) target_semaphore(%arg30 : memref<!tpu.dma_semaphore, #tpu.memory_space<semaphore_mem>>)
    %dma_start3A_165 = arith.constant 0 : i32
    %dma_start3A_166 = tpu.memref_slice %arg24[%dma_start3A_165] : memref<2048xf32, #tpu.memory_space<vmem>> -> memref<2048xf32, #tpu.memory_space<vmem>>
    %dma_start3A_167 = tpu.memref_slice %arg8[%add3A_152] : memref<1600000xf32, #tpu.memory_space<hbm>> -> memref<2048xf32, #tpu.memory_space<hbm>>
    %dma_start3A_168 = arith.constant 0 : i32
    %dma_start3A_169 = tpu.memref_slice %arg24[%dma_start3A_168] : memref<2048xf32, #tpu.memory_space<vmem>> -> memref<2048xf32, #tpu.memory_space<vmem>>
    %dma_start3A_170 = tpu.memref_slice %arg8[%add3A_152] : memref<1600000xf32, #tpu.memory_space<hbm>> -> memref<2048xf32, #tpu.memory_space<hbm>>
    tpu.enqueue_dma source(%dma_start3A_170 : memref<2048xf32, #tpu.memory_space<hbm>>) target(%dma_start3A_169 : memref<2048xf32, #tpu.memory_space<vmem>>) target_semaphore(%arg30 : memref<!tpu.dma_semaphore, #tpu.memory_space<semaphore_mem>>)
    %dma_start3A_171 = arith.constant 0 : i32
    %dma_start3A_172 = tpu.memref_slice %arg26[%dma_start3A_171] : memref<2048xi32, #tpu.memory_space<vmem>> -> memref<2048xi32, #tpu.memory_space<vmem>>
    %dma_start3A_173 = tpu.memref_slice %arg9[%add3A_152] : memref<1600000xi32, #tpu.memory_space<hbm>> -> memref<2048xi32, #tpu.memory_space<hbm>>
    %dma_start3A_174 = arith.constant 0 : i32
    %dma_start3A_175 = tpu.memref_slice %arg26[%dma_start3A_174] : memref<2048xi32, #tpu.memory_space<vmem>> -> memref<2048xi32, #tpu.memory_space<vmem>>
    %dma_start3A_176 = tpu.memref_slice %arg9[%add3A_152] : memref<1600000xi32, #tpu.memory_space<hbm>> -> memref<2048xi32, #tpu.memory_space<hbm>>
    tpu.enqueue_dma source(%dma_start3A_176 : memref<2048xi32, #tpu.memory_space<hbm>>) target(%dma_start3A_175 : memref<2048xi32, #tpu.memory_space<vmem>>) target_semaphore(%arg30 : memref<!tpu.dma_semaphore, #tpu.memory_space<semaphore_mem>>)
    %parallel_loop3A_177 = arith.constant 0 : i32
    %parallel_loop3A_178 = arith.constant 3136 : i32
    %parallel_loop3A_179 = arith.constant 1 : i32
    "tpu.trace_start"() <{level = 10 : i32, message = "k1_zero"}> : () -> ()
    scf.for %parallel_loop3A_296 = %parallel_loop3A_177 to %parallel_loop3A_178 step %parallel_loop3A_179  : i32 {
      %parallel_loop3A_297 = arith.constant 0.000000e+00 : f32
      %parallel_loop3A_298 = vector.broadcast %parallel_loop3A_297 : f32 to vector<16xf32>
      %parallel_loop3A_299 = arith.constant 16 : i32
      %parallel_loop3A_300 = arith.muli %parallel_loop3A_296, %parallel_loop3A_299 : i32
      %parallel_loop3A_301 = arith.index_cast %parallel_loop3A_300 : i32 to index
      %parallel_loop3A_302 = tpu.vector_load %arg14[%parallel_loop3A_301] {strides = array<i32>} : memref<50176xf32, #tpu.memory_space<vmem>>, vector<16xf32>,
      tpu.vector_store %arg14[%parallel_loop3A_301], %parallel_loop3A_298 {strides = array<i32>} : memref<50176xf32, #tpu.memory_space<vmem>>, vector<16xf32>,
    } {sc.loop_unroll_factor = 8 : i64, sc.parallel_access}
    "tpu.trace_stop"() : () -> ()
    "tpu.trace_start"() <{level = 10 : i32, message = "k1_reduce"}> : () -> ()
    %mul3A_180 = arith.constant 3136 : i32
    %mul3A_181 = arith.muli %arg1, %mul3A_180 : i32
    %parallel_loop3A_182 = arith.constant 0 : i32
    %parallel_loop3A_183 = arith.constant 196 : i32
    %parallel_loop3A_184 = arith.constant 1 : i32
    scf.for %parallel_loop3A_296 = %parallel_loop3A_182 to %parallel_loop3A_183 step %parallel_loop3A_184  : i32 {
      %parallel_loop3A_297 = arith.constant 0.000000e+00 : f32
      %parallel_loop3A_298 = vector.broadcast %parallel_loop3A_297 : f32 to vector<16xf32>
      %parallel_loop3A_299 = arith.constant 16 : i32
      %parallel_loop3A_300 = arith.muli %parallel_loop3A_296, %parallel_loop3A_299 : i32
      %parallel_loop3A_301 = arith.index_cast %parallel_loop3A_300 : i32 to index
      %parallel_loop3A_302 = tpu.vector_load %arg16[%parallel_loop3A_301] {strides = array<i32>} : memref<3136xf32, #tpu.memory_space<vmem>>, vector<16xf32>,
      tpu.vector_store %arg16[%parallel_loop3A_301], %parallel_loop3A_298 {strides = array<i32>} : memref<3136xf32, #tpu.memory_space<vmem>>, vector<16xf32>,
    } {sc.loop_unroll_factor = 7 : i64, sc.parallel_access}
    %add3A_185 = arith.constant 0 : i32
    %add3A_186 = arith.addi %add3A_185, %mul3A_181 : i32
    %dma_start3A_187 = tpu.memref_slice %arg15[%add3A_186] : memref<802816xf32, #tpu.memory_space<vmem_shared>> -> memref<3136xf32, #tpu.memory_space<vmem_shared>>
    %dma_start3A_188 = tpu.memref_slice %arg15[%add3A_186] : memref<802816xf32, #tpu.memory_space<vmem_shared>> -> memref<3136xf32, #tpu.memory_space<vmem_shared>>
    tpu.enqueue_dma source(%dma_start3A_188 : memref<3136xf32, #tpu.memory_space<vmem_shared>>) target(%arg17 : memref<3136xf32, #tpu.memory_space<vmem>>) target_semaphore(%arg33 : memref<!tpu.dma_semaphore, #tpu.memory_space<semaphore_mem>>)
    %add3A_189 = arith.constant 50176 : i32
    %add3A_190 = arith.addi %add3A_189, %mul3A_181 : i32
    %dma_start3A_191 = tpu.memref_slice %arg15[%add3A_190] : memref<802816xf32, #tpu.memory_space<vmem_shared>> -> memref<3136xf32, #tpu.memory_space<vmem_shared>>
    %dma_start3A_192 = tpu.memref_slice %arg15[%add3A_190] : memref<802816xf32, #tpu.memory_space<vmem_shared>> -> memref<3136xf32, #tpu.memory_space<vmem_shared>>
    tpu.enqueue_dma source(%dma_start3A_192 : memref<3136xf32, #tpu.memory_space<vmem_shared>>) target(%arg18 : memref<3136xf32, #tpu.memory_space<vmem>>) target_semaphore(%arg34 : memref<!tpu.dma_semaphore, #tpu.memory_space<semaphore_mem>>)
    %scan3A_193 = arith.constant 0 : i32
    %scan3A_194 = arith.constant 0 : i32
    %scan3A_195 = arith.constant 8 : i32
    %scan3A_196 = arith.addi %scan3A_194, %scan3A_195 : i32
    %scan3A_197 = arith.constant 1 : i32
    scf.for %scan3A_296 = %scan3A_194 to %scan3A_196 step %scan3A_197  : i32 {
      %mul3A_297 = arith.constant 2 : i32
      %mul3A_298 = arith.muli %mul3A_297, %scan3A_296 : i32
      %add3A_299 = arith.constant 0 : i32
      %add3A_300 = arith.addi %mul3A_298, %add3A_299 : i32
      %mul3A_301 = arith.constant 50176 : i32
      %mul3A_302 = arith.muli %add3A_300, %mul3A_301 : i32
      %add3A_303 = arith.addi %mul3A_302, %mul3A_181 : i32
      %dma_wait3A_304 = tpu.memref_slice %arg15[%add3A_303] : memref<802816xf32, #tpu.memory_space<vmem_shared>> -> memref<3136xf32, #tpu.memory_space<vmem_shared>>
      %dma_wait3A_305 = tpu.memref_slice %arg15[%add3A_303] : memref<802816xf32, #tpu.memory_space<vmem_shared>> -> memref<3136xf32, #tpu.memory_space<vmem_shared>>
      tpu.wait_dma2 semaphore(%arg33 : memref<!tpu.dma_semaphore, #tpu.memory_space<semaphore_mem>>) src(%dma_wait3A_305 : memref<3136xf32, #tpu.memory_space<vmem_shared>>) dst(%arg17 : memref<3136xf32, #tpu.memory_space<vmem>>)
      %parallel_loop3A_306 = arith.constant 0 : i32
      %parallel_loop3A_307 = arith.constant 196 : i32
      %parallel_loop3A_308 = arith.constant 1 : i32
      scf.for %parallel_loop3A_328 = %parallel_loop3A_306 to %parallel_loop3A_307 step %parallel_loop3A_308  : i32 {
        %parallel_loop3A_329 = arith.constant 16 : i32
        %parallel_loop3A_330 = arith.muli %parallel_loop3A_328, %parallel_loop3A_329 : i32
        %parallel_loop3A_331 = arith.index_cast %parallel_loop3A_330 : i32 to index
        %parallel_loop3A_332 = tpu.vector_load %arg16[%parallel_loop3A_331] {strides = array<i32>} : memref<3136xf32, #tpu.memory_space<vmem>>, vector<16xf32>,
        %parallel_loop3A_333 = arith.index_cast %parallel_loop3A_330 : i32 to index
        %parallel_loop3A_334 = tpu.vector_load %arg17[%parallel_loop3A_333] {strides = array<i32>} : memref<3136xf32, #tpu.memory_space<vmem>>, vector<16xf32>,
        %parallel_loop3A_335 = arith.addf %parallel_loop3A_332, %parallel_loop3A_334 : vector<16xf32>
        %parallel_loop3A_336 = arith.index_cast %parallel_loop3A_330 : i32 to index
        %parallel_loop3A_337 = tpu.vector_load %arg16[%parallel_loop3A_336] {strides = array<i32>} : memref<3136xf32, #tpu.memory_space<vmem>>, vector<16xf32>,
        tpu.vector_store %arg16[%parallel_loop3A_336], %parallel_loop3A_335 {strides = array<i32>} : memref<3136xf32, #tpu.memory_space<vmem>>, vector<16xf32>,
      } {sc.loop_unroll_factor = 7 : i64, sc.parallel_access}
      %lt3A = arith.constant 14 : i32
      %lt3A_309 = arith.cmpi slt, %add3A_300, %lt3A : i32
      %convert_element_type3A = arith.extui %lt3A_309 : i1 to i32
      %cond3A = arith.constant 0 : i32
      %cond3A_310 = arith.cmpi ne, %convert_element_type3A, %cond3A : i32
      scf.if %cond3A_310 {
        %add3A_328 = arith.constant 2 : i32
        %add3A_329 = arith.addi %add3A_300, %add3A_328 : i32
        %mul3A_330 = arith.constant 50176 : i32
        %mul3A_331 = arith.muli %add3A_329, %mul3A_330 : i32
        %add3A_332 = arith.addi %mul3A_331, %mul3A_181 : i32
        %dma_start3A_333 = tpu.memref_slice %arg15[%add3A_332] : memref<802816xf32, #tpu.memory_space<vmem_shared>> -> memref<3136xf32, #tpu.memory_space<vmem_shared>>
        %dma_start3A_334 = tpu.memref_slice %arg15[%add3A_332] : memref<802816xf32, #tpu.memory_space<vmem_shared>> -> memref<3136xf32, #tpu.memory_space<vmem_shared>>
        tpu.enqueue_dma source(%dma_start3A_334 : memref<3136xf32, #tpu.memory_space<vmem_shared>>) target(%arg17 : memref<3136xf32, #tpu.memory_space<vmem>>) target_semaphore(%arg33 : memref<!tpu.dma_semaphore, #tpu.memory_space<semaphore_mem>>)
      } else {
      }
      %mul3A_311 = arith.constant 2 : i32
      %mul3A_312 = arith.muli %mul3A_311, %scan3A_296 : i32
      %add3A_313 = arith.constant 1 : i32
      %add3A_314 = arith.addi %mul3A_312, %add3A_313 : i32
      %mul3A_315 = arith.constant 50176 : i32
      %mul3A_316 = arith.muli %add3A_314, %mul3A_315 : i32
      %add3A_317 = arith.addi %mul3A_316, %mul3A_181 : i32
      %dma_wait3A_318 = tpu.memref_slice %arg15[%add3A_317] : memref<802816xf32, #tpu.memory_space<vmem_shared>> -> memref<3136xf32, #tpu.memory_space<vmem_shared>>
      %dma_wait3A_319 = tpu.memref_slice %arg15[%add3A_317] : memref<802816xf32, #tpu.memory_space<vmem_shared>> -> memref<3136xf32, #tpu.memory_space<vmem_shared>>
      tpu.wait_dma2 semaphore(%arg34 : memref<!tpu.dma_semaphore, #tpu.memory_space<semaphore_mem>>) src(%dma_wait3A_319 : memref<3136xf32, #tpu.memory_space<vmem_shared>>) dst(%arg18 : memref<3136xf32, #tpu.memory_space<vmem>>)
      %parallel_loop3A_320 = arith.constant 0 : i32
      %parallel_loop3A_321 = arith.constant 196 : i32
      %parallel_loop3A_322 = arith.constant 1 : i32
      scf.for %parallel_loop3A_328 = %parallel_loop3A_320 to %parallel_loop3A_321 step %parallel_loop3A_322  : i32 {
        %parallel_loop3A_329 = arith.constant 16 : i32
        %parallel_loop3A_330 = arith.muli %parallel_loop3A_328, %parallel_loop3A_329 : i32
        %parallel_loop3A_331 = arith.index_cast %parallel_loop3A_330 : i32 to index
        %parallel_loop3A_332 = tpu.vector_load %arg16[%parallel_loop3A_331] {strides = array<i32>} : memref<3136xf32, #tpu.memory_space<vmem>>, vector<16xf32>,
        %parallel_loop3A_333 = arith.index_cast %parallel_loop3A_330 : i32 to index
        %parallel_loop3A_334 = tpu.vector_load %arg18[%parallel_loop3A_333] {strides = array<i32>} : memref<3136xf32, #tpu.memory_space<vmem>>, vector<16xf32>,
        %parallel_loop3A_335 = arith.addf %parallel_loop3A_332, %parallel_loop3A_334 : vector<16xf32>
        %parallel_loop3A_336 = arith.index_cast %parallel_loop3A_330 : i32 to index
        %parallel_loop3A_337 = tpu.vector_load %arg16[%parallel_loop3A_336] {strides = array<i32>} : memref<3136xf32, #tpu.memory_space<vmem>>, vector<16xf32>,
        tpu.vector_store %arg16[%parallel_loop3A_336], %parallel_loop3A_335 {strides = array<i32>} : memref<3136xf32, #tpu.memory_space<vmem>>, vector<16xf32>,
      } {sc.loop_unroll_factor = 7 : i64, sc.parallel_access}
      %lt3A_323 = arith.constant 14 : i32
      %lt3A_324 = arith.cmpi slt, %add3A_314, %lt3A_323 : i32
      %convert_element_type3A_325 = arith.extui %lt3A_324 : i1 to i32
      %cond3A_326 = arith.constant 0 : i32
      %cond3A_327 = arith.cmpi ne, %convert_element_type3A_325, %cond3A_326 : i32
      scf.if %cond3A_327 {
        %add3A_328 = arith.constant 2 : i32
        %add3A_329 = arith.addi %add3A_314, %add3A_328 : i32
        %mul3A_330 = arith.constant 50176 : i32
        %mul3A_331 = arith.muli %add3A_329, %mul3A_330 : i32
        %add3A_332 = arith.addi %mul3A_331, %mul3A_181 : i32
        %dma_start3A_333 = tpu.memref_slice %arg15[%add3A_332] : memref<802816xf32, #tpu.memory_space<vmem_shared>> -> memref<3136xf32, #tpu.memory_space<vmem_shared>>
        %dma_start3A_334 = tpu.memref_slice %arg15[%add3A_332] : memref<802816xf32, #tpu.memory_space<vmem_shared>> -> memref<3136xf32, #tpu.memory_space<vmem_shared>>
        tpu.enqueue_dma source(%dma_start3A_334 : memref<3136xf32, #tpu.memory_space<vmem_shared>>) target(%arg18 : memref<3136xf32, #tpu.memory_space<vmem>>) target_semaphore(%arg34 : memref<!tpu.dma_semaphore, #tpu.memory_space<semaphore_mem>>)
      } else {
      }
    }
    %scan3A_198 = arith.constant 8 : i32
    %mul3A_199 = arith.constant 50176 : i32
    %mul3A_200 = arith.muli %arg0, %mul3A_199 : i32
    %add3A_201 = arith.addi %mul3A_200, %mul3A_181 : i32
    "tpu.region"() ({
      %run_scoped3A = tpu.sem_alloc : memref<!tpu.dma_semaphore, #tpu.memory_space<semaphore_mem>>
      %dma_start3A_296 = tpu.memref_slice %arg12[%add3A_201] : memref<100352xf32, #tpu.memory_space<hbm>> -> memref<3136xf32, #tpu.memory_space<hbm>>
      %dma_start3A_297 = tpu.memref_slice %arg12[%add3A_201] : memref<100352xf32, #tpu.memory_space<hbm>> -> memref<3136xf32, #tpu.memory_space<hbm>>
      tpu.enqueue_dma source(%arg16 : memref<3136xf32, #tpu.memory_space<vmem>>) target(%dma_start3A_297 : memref<3136xf32, #tpu.memory_space<hbm>>) target_semaphore(%run_scoped3A : memref<!tpu.dma_semaphore, #tpu.memory_space<semaphore_mem>>)
      %dma_wait3A_298 = tpu.memref_slice %arg12[%add3A_201] : memref<100352xf32, #tpu.memory_space<hbm>> -> memref<3136xf32, #tpu.memory_space<hbm>>
      %dma_wait3A_299 = tpu.memref_slice %arg12[%add3A_201] : memref<100352xf32, #tpu.memory_space<hbm>> -> memref<3136xf32, #tpu.memory_space<hbm>>
      tpu.wait_dma2 semaphore(%run_scoped3A : memref<!tpu.dma_semaphore, #tpu.memory_space<semaphore_mem>>) src(%arg16 : memref<3136xf32, #tpu.memory_space<vmem>>) dst(%dma_wait3A_299 : memref<3136xf32, #tpu.memory_space<hbm>>)
      tpu.yield
    }) : () -> ()
    %barrier3A_202 = arith.constant 0 : index
    tpu.barrier barrier_id(%barrier3A_202)
    "tpu.trace_stop"() : () -> ()
    "tpu.trace_start"() <{level = 10 : i32, message = "k1_edges"}> : () -> ()
    %scan3A_203 = arith.constant 0 : i32
    %scan3A_204 = arith.constant 0 : i32
    %scan3A_205 = arith.constant 12 : i32
    %scan3A_206 = arith.addi %scan3A_204, %scan3A_205 : i32
    %scan3A_207 = arith.constant 1 : i32
    scf.for %scan3A_296 = %scan3A_204 to %scan3A_206 step %scan3A_207  : i32 {
      %mul3A_297 = arith.constant 2 : i32
      %mul3A_298 = arith.muli %mul3A_297, %scan3A_296 : i32
      %add3A_299 = arith.constant 0 : i32
      %add3A_300 = arith.addi %mul3A_298, %add3A_299 : i32
      %mul3A_301 = arith.constant 2048 : i32
      %mul3A_302 = arith.muli %add3A_300, %mul3A_301 : i32
      %add3A_303 = arith.addi %mul3A_4, %mul3A_302 : i32
      %dma_wait3A_304 = arith.constant 0 : i32
      %dma_wait3A_305 = tpu.memref_slice %arg19[%dma_wait3A_304] : memref<2048xf32, #tpu.memory_space<vmem>> -> memref<2048xf32, #tpu.memory_space<vmem>>
      %dma_wait3A_306 = tpu.memref_slice %arg6[%add3A_303] : memref<1600000xf32, #tpu.memory_space<hbm>> -> memref<2048xf32, #tpu.memory_space<hbm>>
      %dma_wait3A_307 = arith.constant 0 : i32
      %dma_wait3A_308 = tpu.memref_slice %arg19[%dma_wait3A_307] : memref<2048xf32, #tpu.memory_space<vmem>> -> memref<2048xf32, #tpu.memory_space<vmem>>
      %dma_wait3A_309 = tpu.memref_slice %arg6[%add3A_303] : memref<1600000xf32, #tpu.memory_space<hbm>> -> memref<2048xf32, #tpu.memory_space<hbm>>
      tpu.wait_dma2 semaphore(%arg29 : memref<!tpu.dma_semaphore, #tpu.memory_space<semaphore_mem>>) src(%dma_wait3A_309 : memref<2048xf32, #tpu.memory_space<hbm>>) dst(%dma_wait3A_308 : memref<2048xf32, #tpu.memory_space<vmem>>)
      %dma_wait3A_310 = arith.constant 0 : i32
      %dma_wait3A_311 = tpu.memref_slice %arg21[%dma_wait3A_310] : memref<2048xf32, #tpu.memory_space<vmem>> -> memref<2048xf32, #tpu.memory_space<vmem>>
      %dma_wait3A_312 = tpu.memref_slice %arg7[%add3A_303] : memref<1600000xf32, #tpu.memory_space<hbm>> -> memref<2048xf32, #tpu.memory_space<hbm>>
      %dma_wait3A_313 = arith.constant 0 : i32
      %dma_wait3A_314 = tpu.memref_slice %arg21[%dma_wait3A_313] : memref<2048xf32, #tpu.memory_space<vmem>> -> memref<2048xf32, #tpu.memory_space<vmem>>
      %dma_wait3A_315 = tpu.memref_slice %arg7[%add3A_303] : memref<1600000xf32, #tpu.memory_space<hbm>> -> memref<2048xf32, #tpu.memory_space<hbm>>
      tpu.wait_dma2 semaphore(%arg29 : memref<!tpu.dma_semaphore, #tpu.memory_space<semaphore_mem>>) src(%dma_wait3A_315 : memref<2048xf32, #tpu.memory_space<hbm>>) dst(%dma_wait3A_314 : memref<2048xf32, #tpu.memory_space<vmem>>)
      %dma_wait3A_316 = arith.constant 0 : i32
      %dma_wait3A_317 = tpu.memref_slice %arg23[%dma_wait3A_316] : memref<2048xf32, #tpu.memory_space<vmem>> -> memref<2048xf32, #tpu.memory_space<vmem>>
      %dma_wait3A_318 = tpu.memref_slice %arg8[%add3A_303] : memref<1600000xf32, #tpu.memory_space<hbm>> -> memref<2048xf32, #tpu.memory_space<hbm>>
      %dma_wait3A_319 = arith.constant 0 : i32
      %dma_wait3A_320 = tpu.memref_slice %arg23[%dma_wait3A_319] : memref<2048xf32, #tpu.memory_space<vmem>> -> memref<2048xf32, #tpu.memory_space<vmem>>
      %dma_wait3A_321 = tpu.memref_slice %arg8[%add3A_303] : memref<1600000xf32, #tpu.memory_space<hbm>> -> memref<2048xf32, #tpu.memory_space<hbm>>
      tpu.wait_dma2 semaphore(%arg29 : memref<!tpu.dma_semaphore, #tpu.memory_space<semaphore_mem>>) src(%dma_wait3A_321 : memref<2048xf32, #tpu.memory_space<hbm>>) dst(%dma_wait3A_320 : memref<2048xf32, #tpu.memory_space<vmem>>)
      %dma_wait3A_322 = arith.constant 0 : i32
      %dma_wait3A_323 = tpu.memref_slice %arg25[%dma_wait3A_322] : memref<2048xi32, #tpu.memory_space<vmem>> -> memref<2048xi32, #tpu.memory_space<vmem>>
      %dma_wait3A_324 = tpu.memref_slice %arg9[%add3A_303] : memref<1600000xi32, #tpu.memory_space<hbm>> -> memref<2048xi32, #tpu.memory_space<hbm>>
      %dma_wait3A_325 = arith.constant 0 : i32
      %dma_wait3A_326 = tpu.memref_slice %arg25[%dma_wait3A_325] : memref<2048xi32, #tpu.memory_space<vmem>> -> memref<2048xi32, #tpu.memory_space<vmem>>
      %dma_wait3A_327 = tpu.memref_slice %arg9[%add3A_303] : memref<1600000xi32, #tpu.memory_space<hbm>> -> memref<2048xi32, #tpu.memory_space<hbm>>
      tpu.wait_dma2 semaphore(%arg29 : memref<!tpu.dma_semaphore, #tpu.memory_space<semaphore_mem>>) src(%dma_wait3A_327 : memref<2048xi32, #tpu.memory_space<hbm>>) dst(%dma_wait3A_326 : memref<2048xi32, #tpu.memory_space<vmem>>)
      %ge3A = arith.constant 2 : i32
      %ge3A_328 = arith.cmpi sge, %add3A_300, %ge3A : i32
      %convert_element_type3A = arith.extui %ge3A_328 : i1 to i32
      %cond3A = arith.constant 0 : i32
      %cond3A_329 = arith.cmpi ne, %convert_element_type3A, %cond3A : i32
      scf.if %cond3A_329 {
        %sub3A = arith.constant 2 : i32
        %sub3A_408 = arith.subi %add3A_300, %sub3A : i32
        %mul3A_409 = arith.constant 2048 : i32
        %mul3A_410 = arith.muli %sub3A_408, %mul3A_409 : i32
        %add3A_411 = arith.addi %mul3A_4, %mul3A_410 : i32
        %dma_wait3A_412 = arith.constant 0 : i32
        %dma_wait3A_413 = tpu.memref_slice %arg27[%dma_wait3A_412] : memref<2048xf32, #tpu.memory_space<vmem>> -> memref<2048xf32, #tpu.memory_space<vmem>>
        %dma_wait3A_414 = tpu.memref_slice %arg11[%add3A_411] : memref<1600000xf32, #tpu.memory_space<hbm>> -> memref<2048xf32, #tpu.memory_space<hbm>>
        %dma_wait3A_415 = tpu.memref_slice %arg11[%add3A_411] : memref<1600000xf32, #tpu.memory_space<hbm>> -> memref<2048xf32, #tpu.memory_space<hbm>>
        %dma_wait3A_416 = arith.constant 0 : i32
        %dma_wait3A_417 = tpu.memref_slice %arg27[%dma_wait3A_416] : memref<2048xf32, #tpu.memory_space<vmem>> -> memref<2048xf32, #tpu.memory_space<vmem>>
        tpu.wait_dma2 semaphore(%arg31 : memref<!tpu.dma_semaphore, #tpu.memory_space<semaphore_mem>>) src(%dma_wait3A_417 : memref<2048xf32, #tpu.memory_space<vmem>>) dst(%dma_wait3A_415 : memref<2048xf32, #tpu.memory_space<hbm>>)
      } else {
      }
      %parallel_loop3A_330 = arith.constant 0 : i32
      %parallel_loop3A_331 = arith.constant 128 : i32
      %parallel_loop3A_332 = arith.constant 1 : i32
      scf.for %parallel_loop3A_408 = %parallel_loop3A_330 to %parallel_loop3A_331 step %parallel_loop3A_332  : i32 {
        %parallel_loop3A_409 = arith.constant 16 : i32
        %parallel_loop3A_410 = arith.muli %parallel_loop3A_408, %parallel_loop3A_409 : i32
        %parallel_loop3A_411 = arith.index_cast %parallel_loop3A_410 : i32 to index
        %parallel_loop3A_412 = tpu.vector_load %arg19[%parallel_loop3A_411] {strides = array<i32>} : memref<2048xf32, #tpu.memory_space<vmem>>, vector<16xf32>,
        %parallel_loop3A_413 = arith.index_cast %parallel_loop3A_410 : i32 to index
        %parallel_loop3A_414 = tpu.vector_load %arg21[%parallel_loop3A_413] {strides = array<i32>} : memref<2048xf32, #tpu.memory_space<vmem>>, vector<16xf32>,
        %parallel_loop3A_415 = arith.mulf %parallel_loop3A_412, %parallel_loop3A_414 : vector<16xf32>
        %parallel_loop3A_416 = arith.index_cast %parallel_loop3A_410 : i32 to index
        %parallel_loop3A_417 = tpu.vector_load %arg23[%parallel_loop3A_416] {strides = array<i32>} : memref<2048xf32, #tpu.memory_space<vmem>>, vector<16xf32>,
        %parallel_loop3A_418 = arith.mulf %parallel_loop3A_415, %parallel_loop3A_417 : vector<16xf32>
        %parallel_loop3A_419 = arith.index_cast %parallel_loop3A_410 : i32 to index
        %parallel_loop3A_420 = tpu.vector_load %arg27[%parallel_loop3A_419] {strides = array<i32>} : memref<2048xf32, #tpu.memory_space<vmem>>, vector<16xf32>,
        tpu.vector_store %arg27[%parallel_loop3A_419], %parallel_loop3A_418 {strides = array<i32>} : memref<2048xf32, #tpu.memory_space<vmem>>, vector<16xf32>,
        %parallel_loop3A_421 = arith.index_cast %parallel_loop3A_410 : i32 to index
        %parallel_loop3A_422 = tpu.vector_load %arg25[%parallel_loop3A_421] {strides = array<i32>} : memref<2048xi32, #tpu.memory_space<vmem>>, vector<16xi32>,
        tpu.vector_store_idx %arg14[%parallel_loop3A_422], %parallel_loop3A_418 {add = true} : memref<50176xf32, #tpu.memory_space<vmem>>[vector<16xi32>], vector<16xf32>,
      } {sc.loop_unroll_factor = 8 : i64, sc.parallel_access}
      %mul3A_333 = arith.constant 2048 : i32
      %mul3A_334 = arith.muli %add3A_300, %mul3A_333 : i32
      %add3A_335 = arith.addi %mul3A_4, %mul3A_334 : i32
      %dma_start3A_336 = arith.constant 0 : i32
      %dma_start3A_337 = tpu.memref_slice %arg27[%dma_start3A_336] : memref<2048xf32, #tpu.memory_space<vmem>> -> memref<2048xf32, #tpu.memory_space<vmem>>
      %dma_start3A_338 = tpu.memref_slice %arg11[%add3A_335] : memref<1600000xf32, #tpu.memory_space<hbm>> -> memref<2048xf32, #tpu.memory_space<hbm>>
      %dma_start3A_339 = tpu.memref_slice %arg11[%add3A_335] : memref<1600000xf32, #tpu.memory_space<hbm>> -> memref<2048xf32, #tpu.memory_space<hbm>>
      %dma_start3A_340 = arith.constant 0 : i32
      %dma_start3A_341 = tpu.memref_slice %arg27[%dma_start3A_340] : memref<2048xf32, #tpu.memory_space<vmem>> -> memref<2048xf32, #tpu.memory_space<vmem>>
      tpu.enqueue_dma source(%dma_start3A_341 : memref<2048xf32, #tpu.memory_space<vmem>>) target(%dma_start3A_339 : memref<2048xf32, #tpu.memory_space<hbm>>) target_semaphore(%arg31 : memref<!tpu.dma_semaphore, #tpu.memory_space<semaphore_mem>>)
      %lt3A = arith.constant 22 : i32
      %lt3A_342 = arith.cmpi slt, %add3A_300, %lt3A : i32
      %convert_element_type3A_343 = arith.extui %lt3A_342 : i1 to i32
      %cond3A_344 = arith.constant 0 : i32
      %cond3A_345 = arith.cmpi ne, %convert_element_type3A_343, %cond3A_344 : i32
      scf.if %cond3A_345 {
        %add3A_408 = arith.constant 2 : i32
        %add3A_409 = arith.addi %add3A_300, %add3A_408 : i32
        %mul3A_410 = arith.constant 2048 : i32
        %mul3A_411 = arith.muli %add3A_409, %mul3A_410 : i32
        %add3A_412 = arith.addi %mul3A_4, %mul3A_411 : i32
        %dma_start3A_413 = arith.constant 0 : i32
        %dma_start3A_414 = tpu.memref_slice %arg19[%dma_start3A_413] : memref<2048xf32, #tpu.memory_space<vmem>> -> memref<2048xf32, #tpu.memory_space<vmem>>
        %dma_start3A_415 = tpu.memref_slice %arg6[%add3A_412] : memref<1600000xf32, #tpu.memory_space<hbm>> -> memref<2048xf32, #tpu.memory_space<hbm>>
        %dma_start3A_416 = arith.constant 0 : i32
        %dma_start3A_417 = tpu.memref_slice %arg19[%dma_start3A_416] : memref<2048xf32, #tpu.memory_space<vmem>> -> memref<2048xf32, #tpu.memory_space<vmem>>
        %dma_start3A_418 = tpu.memref_slice %arg6[%add3A_412] : memref<1600000xf32, #tpu.memory_space<hbm>> -> memref<2048xf32, #tpu.memory_space<hbm>>
        tpu.enqueue_dma source(%dma_start3A_418 : memref<2048xf32, #tpu.memory_space<hbm>>) target(%dma_start3A_417 : memref<2048xf32, #tpu.memory_space<vmem>>) target_semaphore(%arg29 : memref<!tpu.dma_semaphore, #tpu.memory_space<semaphore_mem>>)
        %dma_start3A_419 = arith.constant 0 : i32
        %dma_start3A_420 = tpu.memref_slice %arg21[%dma_start3A_419] : memref<2048xf32, #tpu.memory_space<vmem>> -> memref<2048xf32, #tpu.memory_space<vmem>>
        %dma_start3A_421 = tpu.memref_slice %arg7[%add3A_412] : memref<1600000xf32, #tpu.memory_space<hbm>> -> memref<2048xf32, #tpu.memory_space<hbm>>
        %dma_start3A_422 = arith.constant 0 : i32
        %dma_start3A_423 = tpu.memref_slice %arg21[%dma_start3A_422] : memref<2048xf32, #tpu.memory_space<vmem>> -> memref<2048xf32, #tpu.memory_space<vmem>>
        %dma_start3A_424 = tpu.memref_slice %arg7[%add3A_412] : memref<1600000xf32, #tpu.memory_space<hbm>> -> memref<2048xf32, #tpu.memory_space<hbm>>
        tpu.enqueue_dma source(%dma_start3A_424 : memref<2048xf32, #tpu.memory_space<hbm>>) target(%dma_start3A_423 : memref<2048xf32, #tpu.memory_space<vmem>>) target_semaphore(%arg29 : memref<!tpu.dma_semaphore, #tpu.memory_space<semaphore_mem>>)
        %dma_start3A_425 = arith.constant 0 : i32
        %dma_start3A_426 = tpu.memref_slice %arg23[%dma_start3A_425] : memref<2048xf32, #tpu.memory_space<vmem>> -> memref<2048xf32, #tpu.memory_space<vmem>>
        %dma_start3A_427 = tpu.memref_slice %arg8[%add3A_412] : memref<1600000xf32, #tpu.memory_space<hbm>> -> memref<2048xf32, #tpu.memory_space<hbm>>
        %dma_start3A_428 = arith.constant 0 : i32
        %dma_start3A_429 = tpu.memref_slice %arg23[%dma_start3A_428] : memref<2048xf32, #tpu.memory_space<vmem>> -> memref<2048xf32, #tpu.memory_space<vmem>>
        %dma_start3A_430 = tpu.memref_slice %arg8[%add3A_412] : memref<1600000xf32, #tpu.memory_space<hbm>> -> memref<2048xf32, #tpu.memory_space<hbm>>
        tpu.enqueue_dma source(%dma_start3A_430 : memref<2048xf32, #tpu.memory_space<hbm>>) target(%dma_start3A_429 : memref<2048xf32, #tpu.memory_space<vmem>>) target_semaphore(%arg29 : memref<!tpu.dma_semaphore, #tpu.memory_space<semaphore_mem>>)
        %dma_start3A_431 = arith.constant 0 : i32
        %dma_start3A_432 = tpu.memref_slice %arg25[%dma_start3A_431] : memref<2048xi32, #tpu.memory_space<vmem>> -> memref<2048xi32, #tpu.memory_space<vmem>>
        %dma_start3A_433 = tpu.memref_slice %arg9[%add3A_412] : memref<1600000xi32, #tpu.memory_space<hbm>> -> memref<2048xi32, #tpu.memory_space<hbm>>
        %dma_start3A_434 = arith.constant 0 : i32
        %dma_start3A_435 = tpu.memref_slice %arg25[%dma_start3A_434] : memref<2048xi32, #tpu.memory_space<vmem>> -> memref<2048xi32, #tpu.memory_space<vmem>>
        %dma_start3A_436 = tpu.memref_slice %arg9[%add3A_412] : memref<1600000xi32, #tpu.memory_space<hbm>> -> memref<2048xi32, #tpu.memory_space<hbm>>
        tpu.enqueue_dma source(%dma_start3A_436 : memref<2048xi32, #tpu.memory_space<hbm>>) target(%dma_start3A_435 : memref<2048xi32, #tpu.memory_space<vmem>>) target_semaphore(%arg29 : memref<!tpu.dma_semaphore, #tpu.memory_space<semaphore_mem>>)
      } else {
      }
      %eq3A = arith.constant 22 : i32
      %eq3A_346 = arith.cmpi eq, %add3A_300, %eq3A : i32
      %convert_element_type3A_347 = arith.extui %eq3A_346 : i1 to i32
      %cond3A_348 = arith.constant 0 : i32
      %cond3A_349 = arith.cmpi ne, %convert_element_type3A_347, %cond3A_348 : i32
      scf.if %cond3A_349 {
        %add3A_408 = arith.constant 49152 : i32
        %add3A_409 = arith.addi %mul3A_4, %add3A_408 : i32
        %dma_start3A_410 = arith.constant 0 : i32
        %dma_start3A_411 = tpu.memref_slice %arg19[%dma_start3A_410] : memref<2048xf32, #tpu.memory_space<vmem>> -> memref<848xf32, #tpu.memory_space<vmem>>
        %dma_start3A_412 = tpu.memref_slice %arg6[%add3A_409] : memref<1600000xf32, #tpu.memory_space<hbm>> -> memref<848xf32, #tpu.memory_space<hbm>>
        %dma_start3A_413 = arith.constant 0 : i32
        %dma_start3A_414 = tpu.memref_slice %arg19[%dma_start3A_413] : memref<2048xf32, #tpu.memory_space<vmem>> -> memref<848xf32, #tpu.memory_space<vmem>>
        %dma_start3A_415 = tpu.memref_slice %arg6[%add3A_409] : memref<1600000xf32, #tpu.memory_space<hbm>> -> memref<848xf32, #tpu.memory_space<hbm>>
        tpu.enqueue_dma source(%dma_start3A_415 : memref<848xf32, #tpu.memory_space<hbm>>) target(%dma_start3A_414 : memref<848xf32, #tpu.memory_space<vmem>>) target_semaphore(%arg29 : memref<!tpu.dma_semaphore, #tpu.memory_space<semaphore_mem>>)
        %dma_start3A_416 = arith.constant 0 : i32
        %dma_start3A_417 = tpu.memref_slice %arg21[%dma_start3A_416] : memref<2048xf32, #tpu.memory_space<vmem>> -> memref<848xf32, #tpu.memory_space<vmem>>
        %dma_start3A_418 = tpu.memref_slice %arg7[%add3A_409] : memref<1600000xf32, #tpu.memory_space<hbm>> -> memref<848xf32, #tpu.memory_space<hbm>>
        %dma_start3A_419 = arith.constant 0 : i32
        %dma_start3A_420 = tpu.memref_slice %arg21[%dma_start3A_419] : memref<2048xf32, #tpu.memory_space<vmem>> -> memref<848xf32, #tpu.memory_space<vmem>>
        %dma_start3A_421 = tpu.memref_slice %arg7[%add3A_409] : memref<1600000xf32, #tpu.memory_space<hbm>> -> memref<848xf32, #tpu.memory_space<hbm>>
        tpu.enqueue_dma source(%dma_start3A_421 : memref<848xf32, #tpu.memory_space<hbm>>) target(%dma_start3A_420 : memref<848xf32, #tpu.memory_space<vmem>>) target_semaphore(%arg29 : memref<!tpu.dma_semaphore, #tpu.memory_space<semaphore_mem>>)
        %dma_start3A_422 = arith.constant 0 : i32
        %dma_start3A_423 = tpu.memref_slice %arg23[%dma_start3A_422] : memref<2048xf32, #tpu.memory_space<vmem>> -> memref<848xf32, #tpu.memory_space<vmem>>
        %dma_start3A_424 = tpu.memref_slice %arg8[%add3A_409] : memref<1600000xf32, #tpu.memory_space<hbm>> -> memref<848xf32, #tpu.memory_space<hbm>>
        %dma_start3A_425 = arith.constant 0 : i32
        %dma_start3A_426 = tpu.memref_slice %arg23[%dma_start3A_425] : memref<2048xf32, #tpu.memory_space<vmem>> -> memref<848xf32, #tpu.memory_space<vmem>>
        %dma_start3A_427 = tpu.memref_slice %arg8[%add3A_409] : memref<1600000xf32, #tpu.memory_space<hbm>> -> memref<848xf32, #tpu.memory_space<hbm>>
        tpu.enqueue_dma source(%dma_start3A_427 : memref<848xf32, #tpu.memory_space<hbm>>) target(%dma_start3A_426 : memref<848xf32, #tpu.memory_space<vmem>>) target_semaphore(%arg29 : memref<!tpu.dma_semaphore, #tpu.memory_space<semaphore_mem>>)
        %dma_start3A_428 = arith.constant 0 : i32
        %dma_start3A_429 = tpu.memref_slice %arg25[%dma_start3A_428] : memref<2048xi32, #tpu.memory_space<vmem>> -> memref<848xi32, #tpu.memory_space<vmem>>
        %dma_start3A_430 = tpu.memref_slice %arg9[%add3A_409] : memref<1600000xi32, #tpu.memory_space<hbm>> -> memref<848xi32, #tpu.memory_space<hbm>>
        %dma_start3A_431 = arith.constant 0 : i32
        %dma_start3A_432 = tpu.memref_slice %arg25[%dma_start3A_431] : memref<2048xi32, #tpu.memory_space<vmem>> -> memref<848xi32, #tpu.memory_space<vmem>>
        %dma_start3A_433 = tpu.memref_slice %arg9[%add3A_409] : memref<1600000xi32, #tpu.memory_space<hbm>> -> memref<848xi32, #tpu.memory_space<hbm>>
        tpu.enqueue_dma source(%dma_start3A_433 : memref<848xi32, #tpu.memory_space<hbm>>) target(%dma_start3A_432 : memref<848xi32, #tpu.memory_space<vmem>>) target_semaphore(%arg29 : memref<!tpu.dma_semaphore, #tpu.memory_space<semaphore_mem>>)
      } else {
      }
      %mul3A_350 = arith.constant 2 : i32
      %mul3A_351 = arith.muli %mul3A_350, %scan3A_296 : i32
      %add3A_352 = arith.constant 1 : i32
      %add3A_353 = arith.addi %mul3A_351, %add3A_352 : i32
      %mul3A_354 = arith.constant 2048 : i32
      %mul3A_355 = arith.muli %add3A_353, %mul3A_354 : i32
      %add3A_356 = arith.addi %mul3A_4, %mul3A_355 : i32
      %dma_wait3A_357 = arith.constant 0 : i32
      %dma_wait3A_358 = tpu.memref_slice %arg20[%dma_wait3A_357] : memref<2048xf32, #tpu.memory_space<vmem>> -> memref<2048xf32, #tpu.memory_space<vmem>>
      %dma_wait3A_359 = tpu.memref_slice %arg6[%add3A_356] : memref<1600000xf32, #tpu.memory_space<hbm>> -> memref<2048xf32, #tpu.memory_space<hbm>>
      %dma_wait3A_360 = arith.constant 0 : i32
      %dma_wait3A_361 = tpu.memref_slice %arg20[%dma_wait3A_360] : memref<2048xf32, #tpu.memory_space<vmem>> -> memref<2048xf32, #tpu.memory_space<vmem>>
      %dma_wait3A_362 = tpu.memref_slice %arg6[%add3A_356] : memref<1600000xf32, #tpu.memory_space<hbm>> -> memref<2048xf32, #tpu.memory_space<hbm>>
      tpu.wait_dma2 semaphore(%arg30 : memref<!tpu.dma_semaphore, #tpu.memory_space<semaphore_mem>>) src(%dma_wait3A_362 : memref<2048xf32, #tpu.memory_space<hbm>>) dst(%dma_wait3A_361 : memref<2048xf32, #tpu.memory_space<vmem>>)
      %dma_wait3A_363 = arith.constant 0 : i32
      %dma_wait3A_364 = tpu.memref_slice %arg22[%dma_wait3A_363] : memref<2048xf32, #tpu.memory_space<vmem>> -> memref<2048xf32, #tpu.memory_space<vmem>>
      %dma_wait3A_365 = tpu.memref_slice %arg7[%add3A_356] : memref<1600000xf32, #tpu.memory_space<hbm>> -> memref<2048xf32, #tpu.memory_space<hbm>>
      %dma_wait3A_366 = arith.constant 0 : i32
      %dma_wait3A_367 = tpu.memref_slice %arg22[%dma_wait3A_366] : memref<2048xf32, #tpu.memory_space<vmem>> -> memref<2048xf32, #tpu.memory_space<vmem>>
      %dma_wait3A_368 = tpu.memref_slice %arg7[%add3A_356] : memref<1600000xf32, #tpu.memory_space<hbm>> -> memref<2048xf32, #tpu.memory_space<hbm>>
      tpu.wait_dma2 semaphore(%arg30 : memref<!tpu.dma_semaphore, #tpu.memory_space<semaphore_mem>>) src(%dma_wait3A_368 : memref<2048xf32, #tpu.memory_space<hbm>>) dst(%dma_wait3A_367 : memref<2048xf32, #tpu.memory_space<vmem>>)
      %dma_wait3A_369 = arith.constant 0 : i32
      %dma_wait3A_370 = tpu.memref_slice %arg24[%dma_wait3A_369] : memref<2048xf32, #tpu.memory_space<vmem>> -> memref<2048xf32, #tpu.memory_space<vmem>>
      %dma_wait3A_371 = tpu.memref_slice %arg8[%add3A_356] : memref<1600000xf32, #tpu.memory_space<hbm>> -> memref<2048xf32, #tpu.memory_space<hbm>>
      %dma_wait3A_372 = arith.constant 0 : i32
      %dma_wait3A_373 = tpu.memref_slice %arg24[%dma_wait3A_372] : memref<2048xf32, #tpu.memory_space<vmem>> -> memref<2048xf32, #tpu.memory_space<vmem>>
      %dma_wait3A_374 = tpu.memref_slice %arg8[%add3A_356] : memref<1600000xf32, #tpu.memory_space<hbm>> -> memref<2048xf32, #tpu.memory_space<hbm>>
      tpu.wait_dma2 semaphore(%arg30 : memref<!tpu.dma_semaphore, #tpu.memory_space<semaphore_mem>>) src(%dma_wait3A_374 : memref<2048xf32, #tpu.memory_space<hbm>>) dst(%dma_wait3A_373 : memref<2048xf32, #tpu.memory_space<vmem>>)
      %dma_wait3A_375 = arith.constant 0 : i32
      %dma_wait3A_376 = tpu.memref_slice %arg26[%dma_wait3A_375] : memref<2048xi32, #tpu.memory_space<vmem>> -> memref<2048xi32, #tpu.memory_space<vmem>>
      %dma_wait3A_377 = tpu.memref_slice %arg9[%add3A_356] : memref<1600000xi32, #tpu.memory_space<hbm>> -> memref<2048xi32, #tpu.memory_space<hbm>>
      %dma_wait3A_378 = arith.constant 0 : i32
      %dma_wait3A_379 = tpu.memref_slice %arg26[%dma_wait3A_378] : memref<2048xi32, #tpu.memory_space<vmem>> -> memref<2048xi32, #tpu.memory_space<vmem>>
      %dma_wait3A_380 = tpu.memref_slice %arg9[%add3A_356] : memref<1600000xi32, #tpu.memory_space<hbm>> -> memref<2048xi32, #tpu.memory_space<hbm>>
      tpu.wait_dma2 semaphore(%arg30 : memref<!tpu.dma_semaphore, #tpu.memory_space<semaphore_mem>>) src(%dma_wait3A_380 : memref<2048xi32, #tpu.memory_space<hbm>>) dst(%dma_wait3A_379 : memref<2048xi32, #tpu.memory_space<vmem>>)
      %ge3A_381 = arith.constant 2 : i32
      %ge3A_382 = arith.cmpi sge, %add3A_353, %ge3A_381 : i32
      %convert_element_type3A_383 = arith.extui %ge3A_382 : i1 to i32
      %cond3A_384 = arith.constant 0 : i32
      %cond3A_385 = arith.cmpi ne, %convert_element_type3A_383, %cond3A_384 : i32
      scf.if %cond3A_385 {
        %sub3A = arith.constant 2 : i32
        %sub3A_408 = arith.subi %add3A_353, %sub3A : i32
        %mul3A_409 = arith.constant 2048 : i32
        %mul3A_410 = arith.muli %sub3A_408, %mul3A_409 : i32
        %add3A_411 = arith.addi %mul3A_4, %mul3A_410 : i32
        %dma_wait3A_412 = arith.constant 0 : i32
        %dma_wait3A_413 = tpu.memref_slice %arg28[%dma_wait3A_412] : memref<2048xf32, #tpu.memory_space<vmem>> -> memref<2048xf32, #tpu.memory_space<vmem>>
        %dma_wait3A_414 = tpu.memref_slice %arg11[%add3A_411] : memref<1600000xf32, #tpu.memory_space<hbm>> -> memref<2048xf32, #tpu.memory_space<hbm>>
        %dma_wait3A_415 = tpu.memref_slice %arg11[%add3A_411] : memref<1600000xf32, #tpu.memory_space<hbm>> -> memref<2048xf32, #tpu.memory_space<hbm>>
        %dma_wait3A_416 = arith.constant 0 : i32
        %dma_wait3A_417 = tpu.memref_slice %arg28[%dma_wait3A_416] : memref<2048xf32, #tpu.memory_space<vmem>> -> memref<2048xf32, #tpu.memory_space<vmem>>
        tpu.wait_dma2 semaphore(%arg32 : memref<!tpu.dma_semaphore, #tpu.memory_space<semaphore_mem>>) src(%dma_wait3A_417 : memref<2048xf32, #tpu.memory_space<vmem>>) dst(%dma_wait3A_415 : memref<2048xf32, #tpu.memory_space<hbm>>)
      } else {
      }
      %parallel_loop3A_386 = arith.constant 0 : i32
      %parallel_loop3A_387 = arith.constant 128 : i32
      %parallel_loop3A_388 = arith.constant 1 : i32
      scf.for %parallel_loop3A_408 = %parallel_loop3A_386 to %parallel_loop3A_387 step %parallel_loop3A_388  : i32 {
        %parallel_loop3A_409 = arith.constant 16 : i32
        %parallel_loop3A_410 = arith.muli %parallel_loop3A_408, %parallel_loop3A_409 : i32
        %parallel_loop3A_411 = arith.index_cast %parallel_loop3A_410 : i32 to index
        %parallel_loop3A_412 = tpu.vector_load %arg20[%parallel_loop3A_411] {strides = array<i32>} : memref<2048xf32, #tpu.memory_space<vmem>>, vector<16xf32>,
        %parallel_loop3A_413 = arith.index_cast %parallel_loop3A_410 : i32 to index
        %parallel_loop3A_414 = tpu.vector_load %arg22[%parallel_loop3A_413] {strides = array<i32>} : memref<2048xf32, #tpu.memory_space<vmem>>, vector<16xf32>,
        %parallel_loop3A_415 = arith.mulf %parallel_loop3A_412, %parallel_loop3A_414 : vector<16xf32>
        %parallel_loop3A_416 = arith.index_cast %parallel_loop3A_410 : i32 to index
        %parallel_loop3A_417 = tpu.vector_load %arg24[%parallel_loop3A_416] {strides = array<i32>} : memref<2048xf32, #tpu.memory_space<vmem>>, vector<16xf32>,
        %parallel_loop3A_418 = arith.mulf %parallel_loop3A_415, %parallel_loop3A_417 : vector<16xf32>
        %parallel_loop3A_419 = arith.index_cast %parallel_loop3A_410 : i32 to index
        %parallel_loop3A_420 = tpu.vector_load %arg28[%parallel_loop3A_419] {strides = array<i32>} : memref<2048xf32, #tpu.memory_space<vmem>>, vector<16xf32>,
        tpu.vector_store %arg28[%parallel_loop3A_419], %parallel_loop3A_418 {strides = array<i32>} : memref<2048xf32, #tpu.memory_space<vmem>>, vector<16xf32>,
        %parallel_loop3A_421 = arith.index_cast %parallel_loop3A_410 : i32 to index
        %parallel_loop3A_422 = tpu.vector_load %arg26[%parallel_loop3A_421] {strides = array<i32>} : memref<2048xi32, #tpu.memory_space<vmem>>, vector<16xi32>,
        tpu.vector_store_idx %arg14[%parallel_loop3A_422], %parallel_loop3A_418 {add = true} : memref<50176xf32, #tpu.memory_space<vmem>>[vector<16xi32>], vector<16xf32>,
      } {sc.loop_unroll_factor = 8 : i64, sc.parallel_access}
      %mul3A_389 = arith.constant 2048 : i32
      %mul3A_390 = arith.muli %add3A_353, %mul3A_389 : i32
      %add3A_391 = arith.addi %mul3A_4, %mul3A_390 : i32
      %dma_start3A_392 = arith.constant 0 : i32
      %dma_start3A_393 = tpu.memref_slice %arg28[%dma_start3A_392] : memref<2048xf32, #tpu.memory_space<vmem>> -> memref<2048xf32, #tpu.memory_space<vmem>>
      %dma_start3A_394 = tpu.memref_slice %arg11[%add3A_391] : memref<1600000xf32, #tpu.memory_space<hbm>> -> memref<2048xf32, #tpu.memory_space<hbm>>
      %dma_start3A_395 = tpu.memref_slice %arg11[%add3A_391] : memref<1600000xf32, #tpu.memory_space<hbm>> -> memref<2048xf32, #tpu.memory_space<hbm>>
      %dma_start3A_396 = arith.constant 0 : i32
      %dma_start3A_397 = tpu.memref_slice %arg28[%dma_start3A_396] : memref<2048xf32, #tpu.memory_space<vmem>> -> memref<2048xf32, #tpu.memory_space<vmem>>
      tpu.enqueue_dma source(%dma_start3A_397 : memref<2048xf32, #tpu.memory_space<vmem>>) target(%dma_start3A_395 : memref<2048xf32, #tpu.memory_space<hbm>>) target_semaphore(%arg32 : memref<!tpu.dma_semaphore, #tpu.memory_space<semaphore_mem>>)
      %lt3A_398 = arith.constant 22 : i32
      %lt3A_399 = arith.cmpi slt, %add3A_353, %lt3A_398 : i32
      %convert_element_type3A_400 = arith.extui %lt3A_399 : i1 to i32
      %cond3A_401 = arith.constant 0 : i32
      %cond3A_402 = arith.cmpi ne, %convert_element_type3A_400, %cond3A_401 : i32
      scf.if %cond3A_402 {
        %add3A_408 = arith.constant 2 : i32
        %add3A_409 = arith.addi %add3A_353, %add3A_408 : i32
        %mul3A_410 = arith.constant 2048 : i32
        %mul3A_411 = arith.muli %add3A_409, %mul3A_410 : i32
        %add3A_412 = arith.addi %mul3A_4, %mul3A_411 : i32
        %dma_start3A_413 = arith.constant 0 : i32
        %dma_start3A_414 = tpu.memref_slice %arg20[%dma_start3A_413] : memref<2048xf32, #tpu.memory_space<vmem>> -> memref<2048xf32, #tpu.memory_space<vmem>>
        %dma_start3A_415 = tpu.memref_slice %arg6[%add3A_412] : memref<1600000xf32, #tpu.memory_space<hbm>> -> memref<2048xf32, #tpu.memory_space<hbm>>
        %dma_start3A_416 = arith.constant 0 : i32
        %dma_start3A_417 = tpu.memref_slice %arg20[%dma_start3A_416] : memref<2048xf32, #tpu.memory_space<vmem>> -> memref<2048xf32, #tpu.memory_space<vmem>>
        %dma_start3A_418 = tpu.memref_slice %arg6[%add3A_412] : memref<1600000xf32, #tpu.memory_space<hbm>> -> memref<2048xf32, #tpu.memory_space<hbm>>
        tpu.enqueue_dma source(%dma_start3A_418 : memref<2048xf32, #tpu.memory_space<hbm>>) target(%dma_start3A_417 : memref<2048xf32, #tpu.memory_space<vmem>>) target_semaphore(%arg30 : memref<!tpu.dma_semaphore, #tpu.memory_space<semaphore_mem>>)
        %dma_start3A_419 = arith.constant 0 : i32
        %dma_start3A_420 = tpu.memref_slice %arg22[%dma_start3A_419] : memref<2048xf32, #tpu.memory_space<vmem>> -> memref<2048xf32, #tpu.memory_space<vmem>>
        %dma_start3A_421 = tpu.memref_slice %arg7[%add3A_412] : memref<1600000xf32, #tpu.memory_space<hbm>> -> memref<2048xf32, #tpu.memory_space<hbm>>
        %dma_start3A_422 = arith.constant 0 : i32
        %dma_start3A_423 = tpu.memref_slice %arg22[%dma_start3A_422] : memref<2048xf32, #tpu.memory_space<vmem>> -> memref<2048xf32, #tpu.memory_space<vmem>>
        %dma_start3A_424 = tpu.memref_slice %arg7[%add3A_412] : memref<1600000xf32, #tpu.memory_space<hbm>> -> memref<2048xf32, #tpu.memory_space<hbm>>
        tpu.enqueue_dma source(%dma_start3A_424 : memref<2048xf32, #tpu.memory_space<hbm>>) target(%dma_start3A_423 : memref<2048xf32, #tpu.memory_space<vmem>>) target_semaphore(%arg30 : memref<!tpu.dma_semaphore, #tpu.memory_space<semaphore_mem>>)
        %dma_start3A_425 = arith.constant 0 : i32
        %dma_start3A_426 = tpu.memref_slice %arg24[%dma_start3A_425] : memref<2048xf32, #tpu.memory_space<vmem>> -> memref<2048xf32, #tpu.memory_space<vmem>>
        %dma_start3A_427 = tpu.memref_slice %arg8[%add3A_412] : memref<1600000xf32, #tpu.memory_space<hbm>> -> memref<2048xf32, #tpu.memory_space<hbm>>
        %dma_start3A_428 = arith.constant 0 : i32
        %dma_start3A_429 = tpu.memref_slice %arg24[%dma_start3A_428] : memref<2048xf32, #tpu.memory_space<vmem>> -> memref<2048xf32, #tpu.memory_space<vmem>>
        %dma_start3A_430 = tpu.memref_slice %arg8[%add3A_412] : memref<1600000xf32, #tpu.memory_space<hbm>> -> memref<2048xf32, #tpu.memory_space<hbm>>
        tpu.enqueue_dma source(%dma_start3A_430 : memref<2048xf32, #tpu.memory_space<hbm>>) target(%dma_start3A_429 : memref<2048xf32, #tpu.memory_space<vmem>>) target_semaphore(%arg30 : memref<!tpu.dma_semaphore, #tpu.memory_space<semaphore_mem>>)
        %dma_start3A_431 = arith.constant 0 : i32
        %dma_start3A_432 = tpu.memref_slice %arg26[%dma_start3A_431] : memref<2048xi32, #tpu.memory_space<vmem>> -> memref<2048xi32, #tpu.memory_space<vmem>>
        %dma_start3A_433 = tpu.memref_slice %arg9[%add3A_412] : memref<1600000xi32, #tpu.memory_space<hbm>> -> memref<2048xi32, #tpu.memory_space<hbm>>
        %dma_start3A_434 = arith.constant 0 : i32
        %dma_start3A_435 = tpu.memref_slice %arg26[%dma_start3A_434] : memref<2048xi32, #tpu.memory_space<vmem>> -> memref<2048xi32, #tpu.memory_space<vmem>>
        %dma_start3A_436 = tpu.memref_slice %arg9[%add3A_412] : memref<1600000xi32, #tpu.memory_space<hbm>> -> memref<2048xi32, #tpu.memory_space<hbm>>
        tpu.enqueue_dma source(%dma_start3A_436 : memref<2048xi32, #tpu.memory_space<hbm>>) target(%dma_start3A_435 : memref<2048xi32, #tpu.memory_space<vmem>>) target_semaphore(%arg30 : memref<!tpu.dma_semaphore, #tpu.memory_space<semaphore_mem>>)
      } else {
      }
      %eq3A_403 = arith.constant 22 : i32
      %eq3A_404 = arith.cmpi eq, %add3A_353, %eq3A_403 : i32
      %convert_element_type3A_405 = arith.extui %eq3A_404 : i1 to i32
      %cond3A_406 = arith.constant 0 : i32
      %cond3A_407 = arith.cmpi ne, %convert_element_type3A_405, %cond3A_406 : i32
      scf.if %cond3A_407 {
        %add3A_408 = arith.constant 49152 : i32
        %add3A_409 = arith.addi %mul3A_4, %add3A_408 : i32
        %dma_start3A_410 = arith.constant 0 : i32
        %dma_start3A_411 = tpu.memref_slice %arg19[%dma_start3A_410] : memref<2048xf32, #tpu.memory_space<vmem>> -> memref<848xf32, #tpu.memory_space<vmem>>
        %dma_start3A_412 = tpu.memref_slice %arg6[%add3A_409] : memref<1600000xf32, #tpu.memory_space<hbm>> -> memref<848xf32, #tpu.memory_space<hbm>>
        %dma_start3A_413 = arith.constant 0 : i32
        %dma_start3A_414 = tpu.memref_slice %arg19[%dma_start3A_413] : memref<2048xf32, #tpu.memory_space<vmem>> -> memref<848xf32, #tpu.memory_space<vmem>>
        %dma_start3A_415 = tpu.memref_slice %arg6[%add3A_409] : memref<1600000xf32, #tpu.memory_space<hbm>> -> memref<848xf32, #tpu.memory_space<hbm>>
        tpu.enqueue_dma source(%dma_start3A_415 : memref<848xf32, #tpu.memory_space<hbm>>) target(%dma_start3A_414 : memref<848xf32, #tpu.memory_space<vmem>>) target_semaphore(%arg29 : memref<!tpu.dma_semaphore, #tpu.memory_space<semaphore_mem>>)
        %dma_start3A_416 = arith.constant 0 : i32
        %dma_start3A_417 = tpu.memref_slice %arg21[%dma_start3A_416] : memref<2048xf32, #tpu.memory_space<vmem>> -> memref<848xf32, #tpu.memory_space<vmem>>
        %dma_start3A_418 = tpu.memref_slice %arg7[%add3A_409] : memref<1600000xf32, #tpu.memory_space<hbm>> -> memref<848xf32, #tpu.memory_space<hbm>>
        %dma_start3A_419 = arith.constant 0 : i32
        %dma_start3A_420 = tpu.memref_slice %arg21[%dma_start3A_419] : memref<2048xf32, #tpu.memory_space<vmem>> -> memref<848xf32, #tpu.memory_space<vmem>>
        %dma_start3A_421 = tpu.memref_slice %arg7[%add3A_409] : memref<1600000xf32, #tpu.memory_space<hbm>> -> memref<848xf32, #tpu.memory_space<hbm>>
        tpu.enqueue_dma source(%dma_start3A_421 : memref<848xf32, #tpu.memory_space<hbm>>) target(%dma_start3A_420 : memref<848xf32, #tpu.memory_space<vmem>>) target_semaphore(%arg29 : memref<!tpu.dma_semaphore, #tpu.memory_space<semaphore_mem>>)
        %dma_start3A_422 = arith.constant 0 : i32
        %dma_start3A_423 = tpu.memref_slice %arg23[%dma_start3A_422] : memref<2048xf32, #tpu.memory_space<vmem>> -> memref<848xf32, #tpu.memory_space<vmem>>
        %dma_start3A_424 = tpu.memref_slice %arg8[%add3A_409] : memref<1600000xf32, #tpu.memory_space<hbm>> -> memref<848xf32, #tpu.memory_space<hbm>>
        %dma_start3A_425 = arith.constant 0 : i32
        %dma_start3A_426 = tpu.memref_slice %arg23[%dma_start3A_425] : memref<2048xf32, #tpu.memory_space<vmem>> -> memref<848xf32, #tpu.memory_space<vmem>>
        %dma_start3A_427 = tpu.memref_slice %arg8[%add3A_409] : memref<1600000xf32, #tpu.memory_space<hbm>> -> memref<848xf32, #tpu.memory_space<hbm>>
        tpu.enqueue_dma source(%dma_start3A_427 : memref<848xf32, #tpu.memory_space<hbm>>) target(%dma_start3A_426 : memref<848xf32, #tpu.memory_space<vmem>>) target_semaphore(%arg29 : memref<!tpu.dma_semaphore, #tpu.memory_space<semaphore_mem>>)
        %dma_start3A_428 = arith.constant 0 : i32
        %dma_start3A_429 = tpu.memref_slice %arg25[%dma_start3A_428] : memref<2048xi32, #tpu.memory_space<vmem>> -> memref<848xi32, #tpu.memory_space<vmem>>
        %dma_start3A_430 = tpu.memref_slice %arg9[%add3A_409] : memref<1600000xi32, #tpu.memory_space<hbm>> -> memref<848xi32, #tpu.memory_space<hbm>>
        %dma_start3A_431 = arith.constant 0 : i32
        %dma_start3A_432 = tpu.memref_slice %arg25[%dma_start3A_431] : memref<2048xi32, #tpu.memory_space<vmem>> -> memref<848xi32, #tpu.memory_space<vmem>>
        %dma_start3A_433 = tpu.memref_slice %arg9[%add3A_409] : memref<1600000xi32, #tpu.memory_space<hbm>> -> memref<848xi32, #tpu.memory_space<hbm>>
        tpu.enqueue_dma source(%dma_start3A_433 : memref<848xi32, #tpu.memory_space<hbm>>) target(%dma_start3A_432 : memref<848xi32, #tpu.memory_space<vmem>>) target_semaphore(%arg29 : memref<!tpu.dma_semaphore, #tpu.memory_space<semaphore_mem>>)
      } else {
      }
    }
    %scan3A_208 = arith.constant 12 : i32
    %add3A_209 = arith.constant 49152 : i32
    %add3A_210 = arith.addi %mul3A_4, %add3A_209 : i32
    %dma_wait3A_211 = arith.constant 0 : i32
    %dma_wait3A_212 = tpu.memref_slice %arg19[%dma_wait3A_211] : memref<2048xf32, #tpu.memory_space<vmem>> -> memref<848xf32, #tpu.memory_space<vmem>>
    %dma_wait3A_213 = tpu.memref_slice %arg6[%add3A_210] : memref<1600000xf32, #tpu.memory_space<hbm>> -> memref<848xf32, #tpu.memory_space<hbm>>
    %dma_wait3A_214 = arith.constant 0 : i32
    %dma_wait3A_215 = tpu.memref_slice %arg19[%dma_wait3A_214] : memref<2048xf32, #tpu.memory_space<vmem>> -> memref<848xf32, #tpu.memory_space<vmem>>
    %dma_wait3A_216 = tpu.memref_slice %arg6[%add3A_210] : memref<1600000xf32, #tpu.memory_space<hbm>> -> memref<848xf32, #tpu.memory_space<hbm>>
    tpu.wait_dma2 semaphore(%arg29 : memref<!tpu.dma_semaphore, #tpu.memory_space<semaphore_mem>>) src(%dma_wait3A_216 : memref<848xf32, #tpu.memory_space<hbm>>) dst(%dma_wait3A_215 : memref<848xf32, #tpu.memory_space<vmem>>)
    %dma_wait3A_217 = arith.constant 0 : i32
    %dma_wait3A_218 = tpu.memref_slice %arg21[%dma_wait3A_217] : memref<2048xf32, #tpu.memory_space<vmem>> -> memref<848xf32, #tpu.memory_space<vmem>>
    %dma_wait3A_219 = tpu.memref_slice %arg7[%add3A_210] : memref<1600000xf32, #tpu.memory_space<hbm>> -> memref<848xf32, #tpu.memory_space<hbm>>
    %dma_wait3A_220 = arith.constant 0 : i32
    %dma_wait3A_221 = tpu.memref_slice %arg21[%dma_wait3A_220] : memref<2048xf32, #tpu.memory_space<vmem>> -> memref<848xf32, #tpu.memory_space<vmem>>
    %dma_wait3A_222 = tpu.memref_slice %arg7[%add3A_210] : memref<1600000xf32, #tpu.memory_space<hbm>> -> memref<848xf32, #tpu.memory_space<hbm>>
    tpu.wait_dma2 semaphore(%arg29 : memref<!tpu.dma_semaphore, #tpu.memory_space<semaphore_mem>>) src(%dma_wait3A_222 : memref<848xf32, #tpu.memory_space<hbm>>) dst(%dma_wait3A_221 : memref<848xf32, #tpu.memory_space<vmem>>)
    %dma_wait3A_223 = arith.constant 0 : i32
    %dma_wait3A_224 = tpu.memref_slice %arg23[%dma_wait3A_223] : memref<2048xf32, #tpu.memory_space<vmem>> -> memref<848xf32, #tpu.memory_space<vmem>>
    %dma_wait3A_225 = tpu.memref_slice %arg8[%add3A_210] : memref<1600000xf32, #tpu.memory_space<hbm>> -> memref<848xf32, #tpu.memory_space<hbm>>
    %dma_wait3A_226 = arith.constant 0 : i32
    %dma_wait3A_227 = tpu.memref_slice %arg23[%dma_wait3A_226] : memref<2048xf32, #tpu.memory_space<vmem>> -> memref<848xf32, #tpu.memory_space<vmem>>
    %dma_wait3A_228 = tpu.memref_slice %arg8[%add3A_210] : memref<1600000xf32, #tpu.memory_space<hbm>> -> memref<848xf32, #tpu.memory_space<hbm>>
    tpu.wait_dma2 semaphore(%arg29 : memref<!tpu.dma_semaphore, #tpu.memory_space<semaphore_mem>>) src(%dma_wait3A_228 : memref<848xf32, #tpu.memory_space<hbm>>) dst(%dma_wait3A_227 : memref<848xf32, #tpu.memory_space<vmem>>)
    %dma_wait3A_229 = arith.constant 0 : i32
    %dma_wait3A_230 = tpu.memref_slice %arg25[%dma_wait3A_229] : memref<2048xi32, #tpu.memory_space<vmem>> -> memref<848xi32, #tpu.memory_space<vmem>>
    %dma_wait3A_231 = tpu.memref_slice %arg9[%add3A_210] : memref<1600000xi32, #tpu.memory_space<hbm>> -> memref<848xi32, #tpu.memory_space<hbm>>
    %dma_wait3A_232 = arith.constant 0 : i32
    %dma_wait3A_233 = tpu.memref_slice %arg25[%dma_wait3A_232] : memref<2048xi32, #tpu.memory_space<vmem>> -> memref<848xi32, #tpu.memory_space<vmem>>
    %dma_wait3A_234 = tpu.memref_slice %arg9[%add3A_210] : memref<1600000xi32, #tpu.memory_space<hbm>> -> memref<848xi32, #tpu.memory_space<hbm>>
    tpu.wait_dma2 semaphore(%arg29 : memref<!tpu.dma_semaphore, #tpu.memory_space<semaphore_mem>>) src(%dma_wait3A_234 : memref<848xi32, #tpu.memory_space<hbm>>) dst(%dma_wait3A_233 : memref<848xi32, #tpu.memory_space<vmem>>)
    %add3A_235 = arith.constant 45056 : i32
    %add3A_236 = arith.addi %mul3A_4, %add3A_235 : i32
    %dma_wait3A_237 = arith.constant 0 : i32
    %dma_wait3A_238 = tpu.memref_slice %arg27[%dma_wait3A_237] : memref<2048xf32, #tpu.memory_space<vmem>> -> memref<2048xf32, #tpu.memory_space<vmem>>
    %dma_wait3A_239 = tpu.memref_slice %arg11[%add3A_236] : memref<1600000xf32, #tpu.memory_space<hbm>> -> memref<2048xf32, #tpu.memory_space<hbm>>
    %dma_wait3A_240 = tpu.memref_slice %arg11[%add3A_236] : memref<1600000xf32, #tpu.memory_space<hbm>> -> memref<2048xf32, #tpu.memory_space<hbm>>
    %dma_wait3A_241 = arith.constant 0 : i32
    %dma_wait3A_242 = tpu.memref_slice %arg27[%dma_wait3A_241] : memref<2048xf32, #tpu.memory_space<vmem>> -> memref<2048xf32, #tpu.memory_space<vmem>>
    tpu.wait_dma2 semaphore(%arg31 : memref<!tpu.dma_semaphore, #tpu.memory_space<semaphore_mem>>) src(%dma_wait3A_242 : memref<2048xf32, #tpu.memory_space<vmem>>) dst(%dma_wait3A_240 : memref<2048xf32, #tpu.memory_space<hbm>>)
    %parallel_loop3A_243 = arith.constant 0 : i32
    %parallel_loop3A_244 = arith.constant 53 : i32
    %parallel_loop3A_245 = arith.constant 1 : i32
    scf.for %parallel_loop3A_296 = %parallel_loop3A_243 to %parallel_loop3A_244 step %parallel_loop3A_245  : i32 {
      %parallel_loop3A_297 = arith.constant 16 : i32
      %parallel_loop3A_298 = arith.muli %parallel_loop3A_296, %parallel_loop3A_297 : i32
      %parallel_loop3A_299 = arith.index_cast %parallel_loop3A_298 : i32 to index
      %parallel_loop3A_300 = tpu.vector_load %arg19[%parallel_loop3A_299] {strides = array<i32>} : memref<2048xf32, #tpu.memory_space<vmem>>, vector<16xf32>,
      %parallel_loop3A_301 = arith.index_cast %parallel_loop3A_298 : i32 to index
      %parallel_loop3A_302 = tpu.vector_load %arg21[%parallel_loop3A_301] {strides = array<i32>} : memref<2048xf32, #tpu.memory_space<vmem>>, vector<16xf32>,
      %parallel_loop3A_303 = arith.mulf %parallel_loop3A_300, %parallel_loop3A_302 : vector<16xf32>
      %parallel_loop3A_304 = arith.index_cast %parallel_loop3A_298 : i32 to index
      %parallel_loop3A_305 = tpu.vector_load %arg23[%parallel_loop3A_304] {strides = array<i32>} : memref<2048xf32, #tpu.memory_space<vmem>>, vector<16xf32>,
      %parallel_loop3A_306 = arith.mulf %parallel_loop3A_303, %parallel_loop3A_305 : vector<16xf32>
      %parallel_loop3A_307 = arith.index_cast %parallel_loop3A_298 : i32 to index
      %parallel_loop3A_308 = tpu.vector_load %arg27[%parallel_loop3A_307] {strides = array<i32>} : memref<2048xf32, #tpu.memory_space<vmem>>, vector<16xf32>,
      tpu.vector_store %arg27[%parallel_loop3A_307], %parallel_loop3A_306 {strides = array<i32>} : memref<2048xf32, #tpu.memory_space<vmem>>, vector<16xf32>,
      %parallel_loop3A_309 = arith.index_cast %parallel_loop3A_298 : i32 to index
      %parallel_loop3A_310 = tpu.vector_load %arg25[%parallel_loop3A_309] {strides = array<i32>} : memref<2048xi32, #tpu.memory_space<vmem>>, vector<16xi32>,
      tpu.vector_store_idx %arg14[%parallel_loop3A_310], %parallel_loop3A_306 {add = true} : memref<50176xf32, #tpu.memory_space<vmem>>[vector<16xi32>], vector<16xf32>,
    } {sc.loop_unroll_factor = 1 : i64, sc.parallel_access}
    %add3A_246 = arith.constant 49152 : i32
    %add3A_247 = arith.addi %mul3A_4, %add3A_246 : i32
    %dma_start3A_248 = arith.constant 0 : i32
    %dma_start3A_249 = tpu.memref_slice %arg27[%dma_start3A_248] : memref<2048xf32, #tpu.memory_space<vmem>> -> memref<848xf32, #tpu.memory_space<vmem>>
    %dma_start3A_250 = tpu.memref_slice %arg11[%add3A_247] : memref<1600000xf32, #tpu.memory_space<hbm>> -> memref<848xf32, #tpu.memory_space<hbm>>
    %dma_start3A_251 = tpu.memref_slice %arg11[%add3A_247] : memref<1600000xf32, #tpu.memory_space<hbm>> -> memref<848xf32, #tpu.memory_space<hbm>>
    %dma_start3A_252 = arith.constant 0 : i32
    %dma_start3A_253 = tpu.memref_slice %arg27[%dma_start3A_252] : memref<2048xf32, #tpu.memory_space<vmem>> -> memref<848xf32, #tpu.memory_space<vmem>>
    tpu.enqueue_dma source(%dma_start3A_253 : memref<848xf32, #tpu.memory_space<vmem>>) target(%dma_start3A_251 : memref<848xf32, #tpu.memory_space<hbm>>) target_semaphore(%arg31 : memref<!tpu.dma_semaphore, #tpu.memory_space<semaphore_mem>>)
    %add3A_254 = arith.constant 47104 : i32
    %add3A_255 = arith.addi %mul3A_4, %add3A_254 : i32
    %dma_wait3A_256 = arith.constant 0 : i32
    %dma_wait3A_257 = tpu.memref_slice %arg28[%dma_wait3A_256] : memref<2048xf32, #tpu.memory_space<vmem>> -> memref<2048xf32, #tpu.memory_space<vmem>>
    %dma_wait3A_258 = tpu.memref_slice %arg11[%add3A_255] : memref<1600000xf32, #tpu.memory_space<hbm>> -> memref<2048xf32, #tpu.memory_space<hbm>>
    %dma_wait3A_259 = tpu.memref_slice %arg11[%add3A_255] : memref<1600000xf32, #tpu.memory_space<hbm>> -> memref<2048xf32, #tpu.memory_space<hbm>>
    %dma_wait3A_260 = arith.constant 0 : i32
    %dma_wait3A_261 = tpu.memref_slice %arg28[%dma_wait3A_260] : memref<2048xf32, #tpu.memory_space<vmem>> -> memref<2048xf32, #tpu.memory_space<vmem>>
    tpu.wait_dma2 semaphore(%arg32 : memref<!tpu.dma_semaphore, #tpu.memory_space<semaphore_mem>>) src(%dma_wait3A_261 : memref<2048xf32, #tpu.memory_space<vmem>>) dst(%dma_wait3A_259 : memref<2048xf32, #tpu.memory_space<hbm>>)
    %add3A_262 = arith.constant 49152 : i32
    %add3A_263 = arith.addi %mul3A_4, %add3A_262 : i32
    %dma_wait3A_264 = arith.constant 0 : i32
    %dma_wait3A_265 = tpu.memref_slice %arg27[%dma_wait3A_264] : memref<2048xf32, #tpu.memory_space<vmem>> -> memref<848xf32, #tpu.memory_space<vmem>>
    %dma_wait3A_266 = tpu.memref_slice %arg11[%add3A_263] : memref<1600000xf32, #tpu.memory_space<hbm>> -> memref<848xf32, #tpu.memory_space<hbm>>
    %dma_wait3A_267 = tpu.memref_slice %arg11[%add3A_263] : memref<1600000xf32, #tpu.memory_space<hbm>> -> memref<848xf32, #tpu.memory_space<hbm>>
    %dma_wait3A_268 = arith.constant 0 : i32
    %dma_wait3A_269 = tpu.memref_slice %arg27[%dma_wait3A_268] : memref<2048xf32, #tpu.memory_space<vmem>> -> memref<848xf32, #tpu.memory_space<vmem>>
    tpu.wait_dma2 semaphore(%arg31 : memref<!tpu.dma_semaphore, #tpu.memory_space<semaphore_mem>>) src(%dma_wait3A_269 : memref<848xf32, #tpu.memory_space<vmem>>) dst(%dma_wait3A_267 : memref<848xf32, #tpu.memory_space<hbm>>)
    "tpu.trace_stop"() : () -> ()
    "tpu.trace_start"() <{level = 10 : i32, message = "k1_stage"}> : () -> ()
    %mul3A_270 = arith.constant 50176 : i32
    %mul3A_271 = arith.muli %arg1, %mul3A_270 : i32
    "tpu.region"() ({
      %run_scoped3A = tpu.sem_alloc : memref<!tpu.dma_semaphore, #tpu.memory_space<semaphore_mem>>
      %dma_start3A_296 = tpu.memref_slice %arg15[%mul3A_271] : memref<802816xf32, #tpu.memory_space<vmem_shared>> -> memref<50176xf32, #tpu.memory_space<vmem_shared>>
      %dma_start3A_297 = tpu.memref_slice %arg15[%mul3A_271] : memref<802816xf32, #tpu.memory_space<vmem_shared>> -> memref<50176xf32, #tpu.memory_space<vmem_shared>>
      tpu.enqueue_dma source(%arg14 : memref<50176xf32, #tpu.memory_space<vmem>>) target(%dma_start3A_297 : memref<50176xf32, #tpu.memory_space<vmem_shared>>) target_semaphore(%run_scoped3A : memref<!tpu.dma_semaphore, #tpu.memory_space<semaphore_mem>>)
      %dma_wait3A_298 = tpu.memref_slice %arg15[%mul3A_271] : memref<802816xf32, #tpu.memory_space<vmem_shared>> -> memref<50176xf32, #tpu.memory_space<vmem_shared>>
      %dma_wait3A_299 = tpu.memref_slice %arg15[%mul3A_271] : memref<802816xf32, #tpu.memory_space<vmem_shared>> -> memref<50176xf32, #tpu.memory_space<vmem_shared>>
      tpu.wait_dma2 semaphore(%run_scoped3A : memref<!tpu.dma_semaphore, #tpu.memory_space<semaphore_mem>>) src(%arg14 : memref<50176xf32, #tpu.memory_space<vmem>>) dst(%dma_wait3A_299 : memref<50176xf32, #tpu.memory_space<vmem_shared>>)
      tpu.yield
    }) : () -> ()
    %barrier3A_272 = arith.constant 0 : index
    tpu.barrier barrier_id(%barrier3A_272)
    "tpu.trace_stop"() : () -> ()
    "tpu.trace_start"() <{level = 10 : i32, message = "k1_reduce"}> : () -> ()
    %mul3A_273 = arith.constant 3136 : i32
    %mul3A_274 = arith.muli %arg1, %mul3A_273 : i32
    %parallel_loop3A_275 = arith.constant 0 : i32
    %parallel_loop3A_276 = arith.constant 196 : i32
    %parallel_loop3A_277 = arith.constant 1 : i32
    scf.for %parallel_loop3A_296 = %parallel_loop3A_275 to %parallel_loop3A_276 step %parallel_loop3A_277  : i32 {
      %parallel_loop3A_297 = arith.constant 0.000000e+00 : f32
      %parallel_loop3A_298 = vector.broadcast %parallel_loop3A_297 : f32 to vector<16xf32>
      %parallel_loop3A_299 = arith.constant 16 : i32
      %parallel_loop3A_300 = arith.muli %parallel_loop3A_296, %parallel_loop3A_299 : i32
      %parallel_loop3A_301 = arith.index_cast %parallel_loop3A_300 : i32 to index
      %parallel_loop3A_302 = tpu.vector_load %arg16[%parallel_loop3A_301] {strides = array<i32>} : memref<3136xf32, #tpu.memory_space<vmem>>, vector<16xf32>,
      tpu.vector_store %arg16[%parallel_loop3A_301], %parallel_loop3A_298 {strides = array<i32>} : memref<3136xf32, #tpu.memory_space<vmem>>, vector<16xf32>,
    } {sc.loop_unroll_factor = 7 : i64, sc.parallel_access}
    %add3A_278 = arith.constant 0 : i32
    %add3A_279 = arith.addi %add3A_278, %mul3A_274 : i32
    %dma_start3A_280 = tpu.memref_slice %arg15[%add3A_279] : memref<802816xf32, #tpu.memory_space<vmem_shared>> -> memref<3136xf32, #tpu.memory_space<vmem_shared>>
    %dma_start3A_281 = tpu.memref_slice %arg15[%add3A_279] : memref<802816xf32, #tpu.memory_space<vmem_shared>> -> memref<3136xf32, #tpu.memory_space<vmem_shared>>
    tpu.enqueue_dma source(%dma_start3A_281 : memref<3136xf32, #tpu.memory_space<vmem_shared>>) target(%arg17 : memref<3136xf32, #tpu.memory_space<vmem>>) target_semaphore(%arg33 : memref<!tpu.dma_semaphore, #tpu.memory_space<semaphore_mem>>)
    %add3A_282 = arith.constant 50176 : i32
    %add3A_283 = arith.addi %add3A_282, %mul3A_274 : i32
    %dma_start3A_284 = tpu.memref_slice %arg15[%add3A_283] : memref<802816xf32, #tpu.memory_space<vmem_shared>> -> memref<3136xf32, #tpu.memory_space<vmem_shared>>
    %dma_start3A_285 = tpu.memref_slice %arg15[%add3A_283] : memref<802816xf32, #tpu.memory_space<vmem_shared>> -> memref<3136xf32, #tpu.memory_space<vmem_shared>>
    tpu.enqueue_dma source(%dma_start3A_285 : memref<3136xf32, #tpu.memory_space<vmem_shared>>) target(%arg18 : memref<3136xf32, #tpu.memory_space<vmem>>) target_semaphore(%arg34 : memref<!tpu.dma_semaphore, #tpu.memory_space<semaphore_mem>>)
    %scan3A_286 = arith.constant 0 : i32
    %scan3A_287 = arith.constant 0 : i32
    %scan3A_288 = arith.constant 8 : i32
    %scan3A_289 = arith.addi %scan3A_287, %scan3A_288 : i32
    %scan3A_290 = arith.constant 1 : i32
    scf.for %scan3A_296 = %scan3A_287 to %scan3A_289 step %scan3A_290  : i32 {
      %mul3A_297 = arith.constant 2 : i32
      %mul3A_298 = arith.muli %mul3A_297, %scan3A_296 : i32
      %add3A_299 = arith.constant 0 : i32
      %add3A_300 = arith.addi %mul3A_298, %add3A_299 : i32
      %mul3A_301 = arith.constant 50176 : i32
      %mul3A_302 = arith.muli %add3A_300, %mul3A_301 : i32
      %add3A_303 = arith.addi %mul3A_302, %mul3A_274 : i32
      %dma_wait3A_304 = tpu.memref_slice %arg15[%add3A_303] : memref<802816xf32, #tpu.memory_space<vmem_shared>> -> memref<3136xf32, #tpu.memory_space<vmem_shared>>
      %dma_wait3A_305 = tpu.memref_slice %arg15[%add3A_303] : memref<802816xf32, #tpu.memory_space<vmem_shared>> -> memref<3136xf32, #tpu.memory_space<vmem_shared>>
      tpu.wait_dma2 semaphore(%arg33 : memref<!tpu.dma_semaphore, #tpu.memory_space<semaphore_mem>>) src(%dma_wait3A_305 : memref<3136xf32, #tpu.memory_space<vmem_shared>>) dst(%arg17 : memref<3136xf32, #tpu.memory_space<vmem>>)
      %parallel_loop3A_306 = arith.constant 0 : i32
      %parallel_loop3A_307 = arith.constant 196 : i32
      %parallel_loop3A_308 = arith.constant 1 : i32
      scf.for %parallel_loop3A_328 = %parallel_loop3A_306 to %parallel_loop3A_307 step %parallel_loop3A_308  : i32 {
        %parallel_loop3A_329 = arith.constant 16 : i32
        %parallel_loop3A_330 = arith.muli %parallel_loop3A_328, %parallel_loop3A_329 : i32
        %parallel_loop3A_331 = arith.index_cast %parallel_loop3A_330 : i32 to index
        %parallel_loop3A_332 = tpu.vector_load %arg16[%parallel_loop3A_331] {strides = array<i32>} : memref<3136xf32, #tpu.memory_space<vmem>>, vector<16xf32>,
        %parallel_loop3A_333 = arith.index_cast %parallel_loop3A_330 : i32 to index
        %parallel_loop3A_334 = tpu.vector_load %arg17[%parallel_loop3A_333] {strides = array<i32>} : memref<3136xf32, #tpu.memory_space<vmem>>, vector<16xf32>,
        %parallel_loop3A_335 = arith.addf %parallel_loop3A_332, %parallel_loop3A_334 : vector<16xf32>
        %parallel_loop3A_336 = arith.index_cast %parallel_loop3A_330 : i32 to index
        %parallel_loop3A_337 = tpu.vector_load %arg16[%parallel_loop3A_336] {strides = array<i32>} : memref<3136xf32, #tpu.memory_space<vmem>>, vector<16xf32>,
        tpu.vector_store %arg16[%parallel_loop3A_336], %parallel_loop3A_335 {strides = array<i32>} : memref<3136xf32, #tpu.memory_space<vmem>>, vector<16xf32>,
      } {sc.loop_unroll_factor = 7 : i64, sc.parallel_access}
      %lt3A = arith.constant 14 : i32
      %lt3A_309 = arith.cmpi slt, %add3A_300, %lt3A : i32
      %convert_element_type3A = arith.extui %lt3A_309 : i1 to i32
      %cond3A = arith.constant 0 : i32
      %cond3A_310 = arith.cmpi ne, %convert_element_type3A, %cond3A : i32
      scf.if %cond3A_310 {
        %add3A_328 = arith.constant 2 : i32
        %add3A_329 = arith.addi %add3A_300, %add3A_328 : i32
        %mul3A_330 = arith.constant 50176 : i32
        %mul3A_331 = arith.muli %add3A_329, %mul3A_330 : i32
        %add3A_332 = arith.addi %mul3A_331, %mul3A_274 : i32
        %dma_start3A_333 = tpu.memref_slice %arg15[%add3A_332] : memref<802816xf32, #tpu.memory_space<vmem_shared>> -> memref<3136xf32, #tpu.memory_space<vmem_shared>>
        %dma_start3A_334 = tpu.memref_slice %arg15[%add3A_332] : memref<802816xf32, #tpu.memory_space<vmem_shared>> -> memref<3136xf32, #tpu.memory_space<vmem_shared>>
        tpu.enqueue_dma source(%dma_start3A_334 : memref<3136xf32, #tpu.memory_space<vmem_shared>>) target(%arg17 : memref<3136xf32, #tpu.memory_space<vmem>>) target_semaphore(%arg33 : memref<!tpu.dma_semaphore, #tpu.memory_space<semaphore_mem>>)
      } else {
      }
      %mul3A_311 = arith.constant 2 : i32
      %mul3A_312 = arith.muli %mul3A_311, %scan3A_296 : i32
      %add3A_313 = arith.constant 1 : i32
      %add3A_314 = arith.addi %mul3A_312, %add3A_313 : i32
      %mul3A_315 = arith.constant 50176 : i32
      %mul3A_316 = arith.muli %add3A_314, %mul3A_315 : i32
      %add3A_317 = arith.addi %mul3A_316, %mul3A_274 : i32
      %dma_wait3A_318 = tpu.memref_slice %arg15[%add3A_317] : memref<802816xf32, #tpu.memory_space<vmem_shared>> -> memref<3136xf32, #tpu.memory_space<vmem_shared>>
      %dma_wait3A_319 = tpu.memref_slice %arg15[%add3A_317] : memref<802816xf32, #tpu.memory_space<vmem_shared>> -> memref<3136xf32, #tpu.memory_space<vmem_shared>>
      tpu.wait_dma2 semaphore(%arg34 : memref<!tpu.dma_semaphore, #tpu.memory_space<semaphore_mem>>) src(%dma_wait3A_319 : memref<3136xf32, #tpu.memory_space<vmem_shared>>) dst(%arg18 : memref<3136xf32, #tpu.memory_space<vmem>>)
      %parallel_loop3A_320 = arith.constant 0 : i32
      %parallel_loop3A_321 = arith.constant 196 : i32
      %parallel_loop3A_322 = arith.constant 1 : i32
      scf.for %parallel_loop3A_328 = %parallel_loop3A_320 to %parallel_loop3A_321 step %parallel_loop3A_322  : i32 {
        %parallel_loop3A_329 = arith.constant 16 : i32
        %parallel_loop3A_330 = arith.muli %parallel_loop3A_328, %parallel_loop3A_329 : i32
        %parallel_loop3A_331 = arith.index_cast %parallel_loop3A_330 : i32 to index
        %parallel_loop3A_332 = tpu.vector_load %arg16[%parallel_loop3A_331] {strides = array<i32>} : memref<3136xf32, #tpu.memory_space<vmem>>, vector<16xf32>,
        %parallel_loop3A_333 = arith.index_cast %parallel_loop3A_330 : i32 to index
        %parallel_loop3A_334 = tpu.vector_load %arg18[%parallel_loop3A_333] {strides = array<i32>} : memref<3136xf32, #tpu.memory_space<vmem>>, vector<16xf32>,
        %parallel_loop3A_335 = arith.addf %parallel_loop3A_332, %parallel_loop3A_334 : vector<16xf32>
        %parallel_loop3A_336 = arith.index_cast %parallel_loop3A_330 : i32 to index
        %parallel_loop3A_337 = tpu.vector_load %arg16[%parallel_loop3A_336] {strides = array<i32>} : memref<3136xf32, #tpu.memory_space<vmem>>, vector<16xf32>,
        tpu.vector_store %arg16[%parallel_loop3A_336], %parallel_loop3A_335 {strides = array<i32>} : memref<3136xf32, #tpu.memory_space<vmem>>, vector<16xf32>,
      } {sc.loop_unroll_factor = 7 : i64, sc.parallel_access}
      %lt3A_323 = arith.constant 14 : i32
      %lt3A_324 = arith.cmpi slt, %add3A_314, %lt3A_323 : i32
      %convert_element_type3A_325 = arith.extui %lt3A_324 : i1 to i32
      %cond3A_326 = arith.constant 0 : i32
      %cond3A_327 = arith.cmpi ne, %convert_element_type3A_325, %cond3A_326 : i32
      scf.if %cond3A_327 {
        %add3A_328 = arith.constant 2 : i32
        %add3A_329 = arith.addi %add3A_314, %add3A_328 : i32
        %mul3A_330 = arith.constant 50176 : i32
        %mul3A_331 = arith.muli %add3A_329, %mul3A_330 : i32
        %add3A_332 = arith.addi %mul3A_331, %mul3A_274 : i32
        %dma_start3A_333 = tpu.memref_slice %arg15[%add3A_332] : memref<802816xf32, #tpu.memory_space<vmem_shared>> -> memref<3136xf32, #tpu.memory_space<vmem_shared>>
        %dma_start3A_334 = tpu.memref_slice %arg15[%add3A_332] : memref<802816xf32, #tpu.memory_space<vmem_shared>> -> memref<3136xf32, #tpu.memory_space<vmem_shared>>
        tpu.enqueue_dma source(%dma_start3A_334 : memref<3136xf32, #tpu.memory_space<vmem_shared>>) target(%arg18 : memref<3136xf32, #tpu.memory_space<vmem>>) target_semaphore(%arg34 : memref<!tpu.dma_semaphore, #tpu.memory_space<semaphore_mem>>)
      } else {
      }
    }
    %scan3A_291 = arith.constant 8 : i32
    %mul3A_292 = arith.constant 50176 : i32
    %mul3A_293 = arith.muli %arg0, %mul3A_292 : i32
    %add3A_294 = arith.addi %mul3A_293, %mul3A_274 : i32
    "tpu.region"() ({
      %run_scoped3A = tpu.sem_alloc : memref<!tpu.dma_semaphore, #tpu.memory_space<semaphore_mem>>
      %dma_start3A_296 = tpu.memref_slice %arg13[%add3A_294] : memref<100352xf32, #tpu.memory_space<hbm>> -> memref<3136xf32, #tpu.memory_space<hbm>>
      %dma_start3A_297 = tpu.memref_slice %arg13[%add3A_294] : memref<100352xf32, #tpu.memory_space<hbm>> -> memref<3136xf32, #tpu.memory_space<hbm>>
      tpu.enqueue_dma source(%arg16 : memref<3136xf32, #tpu.memory_space<vmem>>) target(%dma_start3A_297 : memref<3136xf32, #tpu.memory_space<hbm>>) target_semaphore(%run_scoped3A : memref<!tpu.dma_semaphore, #tpu.memory_space<semaphore_mem>>)
      %dma_wait3A_298 = tpu.memref_slice %arg13[%add3A_294] : memref<100352xf32, #tpu.memory_space<hbm>> -> memref<3136xf32, #tpu.memory_space<hbm>>
      %dma_wait3A_299 = tpu.memref_slice %arg13[%add3A_294] : memref<100352xf32, #tpu.memory_space<hbm>> -> memref<3136xf32, #tpu.memory_space<hbm>>
      tpu.wait_dma2 semaphore(%run_scoped3A : memref<!tpu.dma_semaphore, #tpu.memory_space<semaphore_mem>>) src(%arg16 : memref<3136xf32, #tpu.memory_space<vmem>>) dst(%dma_wait3A_299 : memref<3136xf32, #tpu.memory_space<hbm>>)
      tpu.yield
    }) : () -> ()
    %barrier3A_295 = arith.constant 0 : index
    tpu.barrier barrier_id(%barrier3A_295)
    "tpu.trace_stop"() : () -> ()
    return
  }
}

#map = affine_map<(d0, d1) -> (0)>
module attributes {stable_mosaic.version = 14 : i64} {
  func.func @_k2_body(%arg0: i32, %arg1: i32, %arg2: memref<1600000xi32, #tpu.memory_space<hbm>>, %arg3: memref<1600000xi32, #tpu.memory_space<hbm>>, %arg4: memref<1600000xf32, #tpu.memory_space<hbm>>, %arg5: memref<100352xf32, #tpu.memory_space<hbm>>, %arg6: memref<1600000xi32, #tpu.memory_space<hbm>>, %arg7: memref<1600000xi32, #tpu.memory_space<hbm>>, %arg8: memref<1600000xf32, #tpu.memory_space<hbm>>, %arg9: memref<100352xf32, #tpu.memory_space<hbm>>, %arg10: memref<1650000xf32, #tpu.memory_space<hbm>>, %arg11: memref<1650000xf32, #tpu.memory_space<hbm>>, %arg12: memref<50176xf32, #tpu.memory_space<vmem_shared>>, %arg13: memref<50176xf32, #tpu.memory_space<vmem>>, %arg14: memref<3136xf32, #tpu.memory_space<vmem>>, %arg15: memref<3136xf32, #tpu.memory_space<vmem>>, %arg16: memref<3136xf32, #tpu.memory_space<vmem>>, %arg17: memref<4096xi32, #tpu.memory_space<vmem>>, %arg18: memref<4096xi32, #tpu.memory_space<vmem>>, %arg19: memref<4096xi32, #tpu.memory_space<vmem>>, %arg20: memref<4096xi32, #tpu.memory_space<vmem>>, %arg21: memref<4096xf32, #tpu.memory_space<vmem>>, %arg22: memref<4096xf32, #tpu.memory_space<vmem>>, %arg23: memref<4096xf32, #tpu.memory_space<vmem>>, %arg24: memref<4096xf32, #tpu.memory_space<vmem>>, %arg25: memref<!tpu.dma_semaphore, #tpu.memory_space<semaphore_mem>>, %arg26: memref<!tpu.dma_semaphore, #tpu.memory_space<semaphore_mem>>, %arg27: memref<!tpu.dma_semaphore, #tpu.memory_space<semaphore_mem>>, %arg28: memref<!tpu.dma_semaphore, #tpu.memory_space<semaphore_mem>>, %arg29: memref<!tpu.dma_semaphore, #tpu.memory_space<semaphore_mem>>, %arg30: memref<!tpu.dma_semaphore, #tpu.memory_space<semaphore_mem>>) attributes {dimension_semantics = [#tpu.dimension_semantics<core_parallel>, #tpu.dimension_semantics<subcore_parallel>], iteration_bounds = array<i64: 2, 16>, scalar_prefetch = 0 : i64, scratch_operands = 19 : i64, tpu.core_type = #tpu.core_type<sc_vector_subcore>, window_params = [{transform_indices = #map}, {transform_indices = #map}, {transform_indices = #map}, {transform_indices = #map}, {transform_indices = #map}, {transform_indices = #map}, {transform_indices = #map}, {transform_indices = #map}, {transform_indices = #map}, {transform_indices = #map}]} {
    %mul3A = arith.constant 2 : i32
    %mul3A_0 = arith.muli %arg1, %mul3A : i32
    %add3A = arith.addi %mul3A_0, %arg0 : i32
    %mul3A_1 = arith.constant 50000 : i32
    %mul3A_2 = arith.muli %add3A, %mul3A_1 : i32
    %add3A_3 = arith.constant 0 : i32
    %add3A_4 = arith.addi %mul3A_2, %add3A_3 : i32
    %dma_start3A = arith.constant 0 : i32
    %dma_start3A_5 = tpu.memref_slice %arg17[%dma_start3A] : memref<4096xi32, #tpu.memory_space<vmem>> -> memref<4096xi32, #tpu.memory_space<vmem>>
    %dma_start3A_6 = tpu.memref_slice %arg2[%add3A_4] : memref<1600000xi32, #tpu.memory_space<hbm>> -> memref<4096xi32, #tpu.memory_space<hbm>>
    %dma_start3A_7 = arith.constant 0 : i32
    %dma_start3A_8 = tpu.memref_slice %arg17[%dma_start3A_7] : memref<4096xi32, #tpu.memory_space<vmem>> -> memref<4096xi32, #tpu.memory_space<vmem>>
    %dma_start3A_9 = tpu.memref_slice %arg2[%add3A_4] : memref<1600000xi32, #tpu.memory_space<hbm>> -> memref<4096xi32, #tpu.memory_space<hbm>>
    tpu.enqueue_dma source(%dma_start3A_9 : memref<4096xi32, #tpu.memory_space<hbm>>) target(%dma_start3A_8 : memref<4096xi32, #tpu.memory_space<vmem>>) target_semaphore(%arg27 : memref<!tpu.dma_semaphore, #tpu.memory_space<semaphore_mem>>)
    %dma_start3A_10 = arith.constant 0 : i32
    %dma_start3A_11 = tpu.memref_slice %arg19[%dma_start3A_10] : memref<4096xi32, #tpu.memory_space<vmem>> -> memref<4096xi32, #tpu.memory_space<vmem>>
    %dma_start3A_12 = tpu.memref_slice %arg3[%add3A_4] : memref<1600000xi32, #tpu.memory_space<hbm>> -> memref<4096xi32, #tpu.memory_space<hbm>>
    %dma_start3A_13 = arith.constant 0 : i32
    %dma_start3A_14 = tpu.memref_slice %arg19[%dma_start3A_13] : memref<4096xi32, #tpu.memory_space<vmem>> -> memref<4096xi32, #tpu.memory_space<vmem>>
    %dma_start3A_15 = tpu.memref_slice %arg3[%add3A_4] : memref<1600000xi32, #tpu.memory_space<hbm>> -> memref<4096xi32, #tpu.memory_space<hbm>>
    tpu.enqueue_dma source(%dma_start3A_15 : memref<4096xi32, #tpu.memory_space<hbm>>) target(%dma_start3A_14 : memref<4096xi32, #tpu.memory_space<vmem>>) target_semaphore(%arg27 : memref<!tpu.dma_semaphore, #tpu.memory_space<semaphore_mem>>)
    %dma_start3A_16 = arith.constant 0 : i32
    %dma_start3A_17 = tpu.memref_slice %arg21[%dma_start3A_16] : memref<4096xf32, #tpu.memory_space<vmem>> -> memref<4096xf32, #tpu.memory_space<vmem>>
    %dma_start3A_18 = tpu.memref_slice %arg4[%add3A_4] : memref<1600000xf32, #tpu.memory_space<hbm>> -> memref<4096xf32, #tpu.memory_space<hbm>>
    %dma_start3A_19 = arith.constant 0 : i32
    %dma_start3A_20 = tpu.memref_slice %arg21[%dma_start3A_19] : memref<4096xf32, #tpu.memory_space<vmem>> -> memref<4096xf32, #tpu.memory_space<vmem>>
    %dma_start3A_21 = tpu.memref_slice %arg4[%add3A_4] : memref<1600000xf32, #tpu.memory_space<hbm>> -> memref<4096xf32, #tpu.memory_space<hbm>>
    tpu.enqueue_dma source(%dma_start3A_21 : memref<4096xf32, #tpu.memory_space<hbm>>) target(%dma_start3A_20 : memref<4096xf32, #tpu.memory_space<vmem>>) target_semaphore(%arg27 : memref<!tpu.dma_semaphore, #tpu.memory_space<semaphore_mem>>)
    %add3A_22 = arith.constant 4096 : i32
    %add3A_23 = arith.addi %mul3A_2, %add3A_22 : i32
    %dma_start3A_24 = arith.constant 0 : i32
    %dma_start3A_25 = tpu.memref_slice %arg18[%dma_start3A_24] : memref<4096xi32, #tpu.memory_space<vmem>> -> memref<4096xi32, #tpu.memory_space<vmem>>
    %dma_start3A_26 = tpu.memref_slice %arg2[%add3A_23] : memref<1600000xi32, #tpu.memory_space<hbm>> -> memref<4096xi32, #tpu.memory_space<hbm>>
    %dma_start3A_27 = arith.constant 0 : i32
    %dma_start3A_28 = tpu.memref_slice %arg18[%dma_start3A_27] : memref<4096xi32, #tpu.memory_space<vmem>> -> memref<4096xi32, #tpu.memory_space<vmem>>
    %dma_start3A_29 = tpu.memref_slice %arg2[%add3A_23] : memref<1600000xi32, #tpu.memory_space<hbm>> -> memref<4096xi32, #tpu.memory_space<hbm>>
    tpu.enqueue_dma source(%dma_start3A_29 : memref<4096xi32, #tpu.memory_space<hbm>>) target(%dma_start3A_28 : memref<4096xi32, #tpu.memory_space<vmem>>) target_semaphore(%arg28 : memref<!tpu.dma_semaphore, #tpu.memory_space<semaphore_mem>>)
    %dma_start3A_30 = arith.constant 0 : i32
    %dma_start3A_31 = tpu.memref_slice %arg20[%dma_start3A_30] : memref<4096xi32, #tpu.memory_space<vmem>> -> memref<4096xi32, #tpu.memory_space<vmem>>
    %dma_start3A_32 = tpu.memref_slice %arg3[%add3A_23] : memref<1600000xi32, #tpu.memory_space<hbm>> -> memref<4096xi32, #tpu.memory_space<hbm>>
    %dma_start3A_33 = arith.constant 0 : i32
    %dma_start3A_34 = tpu.memref_slice %arg20[%dma_start3A_33] : memref<4096xi32, #tpu.memory_space<vmem>> -> memref<4096xi32, #tpu.memory_space<vmem>>
    %dma_start3A_35 = tpu.memref_slice %arg3[%add3A_23] : memref<1600000xi32, #tpu.memory_space<hbm>> -> memref<4096xi32, #tpu.memory_space<hbm>>
    tpu.enqueue_dma source(%dma_start3A_35 : memref<4096xi32, #tpu.memory_space<hbm>>) target(%dma_start3A_34 : memref<4096xi32, #tpu.memory_space<vmem>>) target_semaphore(%arg28 : memref<!tpu.dma_semaphore, #tpu.memory_space<semaphore_mem>>)
    %dma_start3A_36 = arith.constant 0 : i32
    %dma_start3A_37 = tpu.memref_slice %arg22[%dma_start3A_36] : memref<4096xf32, #tpu.memory_space<vmem>> -> memref<4096xf32, #tpu.memory_space<vmem>>
    %dma_start3A_38 = tpu.memref_slice %arg4[%add3A_23] : memref<1600000xf32, #tpu.memory_space<hbm>> -> memref<4096xf32, #tpu.memory_space<hbm>>
    %dma_start3A_39 = arith.constant 0 : i32
    %dma_start3A_40 = tpu.memref_slice %arg22[%dma_start3A_39] : memref<4096xf32, #tpu.memory_space<vmem>> -> memref<4096xf32, #tpu.memory_space<vmem>>
    %dma_start3A_41 = tpu.memref_slice %arg4[%add3A_23] : memref<1600000xf32, #tpu.memory_space<hbm>> -> memref<4096xf32, #tpu.memory_space<hbm>>
    tpu.enqueue_dma source(%dma_start3A_41 : memref<4096xf32, #tpu.memory_space<hbm>>) target(%dma_start3A_40 : memref<4096xf32, #tpu.memory_space<vmem>>) target_semaphore(%arg28 : memref<!tpu.dma_semaphore, #tpu.memory_space<semaphore_mem>>)
    %mul3A_42 = arith.constant 3136 : i32
    %mul3A_43 = arith.muli %arg1, %mul3A_42 : i32
    %parallel_loop3A = arith.constant 0 : i32
    %parallel_loop3A_44 = arith.constant 196 : i32
    %parallel_loop3A_45 = arith.constant 1 : i32
    "tpu.trace_start"() <{level = 10 : i32, message = "k2_init"}> : () -> ()
    scf.for %parallel_loop3A_272 = %parallel_loop3A to %parallel_loop3A_44 step %parallel_loop3A_45  : i32 {
      %parallel_loop3A_273 = arith.constant 1.000000e+00 : f32
      %parallel_loop3A_274 = vector.broadcast %parallel_loop3A_273 : f32 to vector<16xf32>
      %parallel_loop3A_275 = arith.constant 16 : i32
      %parallel_loop3A_276 = arith.muli %parallel_loop3A_272, %parallel_loop3A_275 : i32
      %parallel_loop3A_277 = arith.index_cast %parallel_loop3A_276 : i32 to index
      %parallel_loop3A_278 = tpu.vector_load %arg14[%parallel_loop3A_277] {strides = array<i32>} : memref<3136xf32, #tpu.memory_space<vmem>>, vector<16xf32>,
      tpu.vector_store %arg14[%parallel_loop3A_277], %parallel_loop3A_274 {strides = array<i32>} : memref<3136xf32, #tpu.memory_space<vmem>>, vector<16xf32>,
    } {sc.loop_unroll_factor = 7 : i64, sc.parallel_access}
    "tpu.trace_stop"() : () -> ()
    %add3A_46 = arith.constant 0 : i32
    %add3A_47 = arith.addi %add3A_46, %mul3A_43 : i32
    %dma_start3A_48 = tpu.memref_slice %arg5[%add3A_47] : memref<100352xf32, #tpu.memory_space<hbm>> -> memref<3136xf32, #tpu.memory_space<hbm>>
    %dma_start3A_49 = tpu.memref_slice %arg5[%add3A_47] : memref<100352xf32, #tpu.memory_space<hbm>> -> memref<3136xf32, #tpu.memory_space<hbm>>
    tpu.enqueue_dma source(%dma_start3A_49 : memref<3136xf32, #tpu.memory_space<hbm>>) target(%arg15 : memref<3136xf32, #tpu.memory_space<vmem>>) target_semaphore(%arg25 : memref<!tpu.dma_semaphore, #tpu.memory_space<semaphore_mem>>)
    %add3A_50 = arith.constant 50176 : i32
    %add3A_51 = arith.addi %add3A_50, %mul3A_43 : i32
    %dma_start3A_52 = tpu.memref_slice %arg5[%add3A_51] : memref<100352xf32, #tpu.memory_space<hbm>> -> memref<3136xf32, #tpu.memory_space<hbm>>
    %dma_start3A_53 = tpu.memref_slice %arg5[%add3A_51] : memref<100352xf32, #tpu.memory_space<hbm>> -> memref<3136xf32, #tpu.memory_space<hbm>>
    tpu.enqueue_dma source(%dma_start3A_53 : memref<3136xf32, #tpu.memory_space<hbm>>) target(%arg16 : memref<3136xf32, #tpu.memory_space<vmem>>) target_semaphore(%arg26 : memref<!tpu.dma_semaphore, #tpu.memory_space<semaphore_mem>>)
    "tpu.trace_start"() <{level = 10 : i32, message = "k2_reduce"}> : () -> ()
    %add3A_54 = arith.constant 0 : i32
    %add3A_55 = arith.addi %add3A_54, %mul3A_43 : i32
    %dma_wait3A = tpu.memref_slice %arg5[%add3A_55] : memref<100352xf32, #tpu.memory_space<hbm>> -> memref<3136xf32, #tpu.memory_space<hbm>>
    %dma_wait3A_56 = tpu.memref_slice %arg5[%add3A_55] : memref<100352xf32, #tpu.memory_space<hbm>> -> memref<3136xf32, #tpu.memory_space<hbm>>
    tpu.wait_dma2 semaphore(%arg25 : memref<!tpu.dma_semaphore, #tpu.memory_space<semaphore_mem>>) src(%dma_wait3A_56 : memref<3136xf32, #tpu.memory_space<hbm>>) dst(%arg15 : memref<3136xf32, #tpu.memory_space<vmem>>)
    %parallel_loop3A_57 = arith.constant 0 : i32
    %parallel_loop3A_58 = arith.constant 196 : i32
    %parallel_loop3A_59 = arith.constant 1 : i32
    scf.for %parallel_loop3A_272 = %parallel_loop3A_57 to %parallel_loop3A_58 step %parallel_loop3A_59  : i32 {
      %parallel_loop3A_273 = arith.constant 16 : i32
      %parallel_loop3A_274 = arith.muli %parallel_loop3A_272, %parallel_loop3A_273 : i32
      %parallel_loop3A_275 = arith.index_cast %parallel_loop3A_274 : i32 to index
      %parallel_loop3A_276 = tpu.vector_load %arg14[%parallel_loop3A_275] {strides = array<i32>} : memref<3136xf32, #tpu.memory_space<vmem>>, vector<16xf32>,
      %parallel_loop3A_277 = arith.index_cast %parallel_loop3A_274 : i32 to index
      %parallel_loop3A_278 = tpu.vector_load %arg15[%parallel_loop3A_277] {strides = array<i32>} : memref<3136xf32, #tpu.memory_space<vmem>>, vector<16xf32>,
      %parallel_loop3A_279 = arith.addf %parallel_loop3A_276, %parallel_loop3A_278 : vector<16xf32>
      %parallel_loop3A_280 = arith.index_cast %parallel_loop3A_274 : i32 to index
      %parallel_loop3A_281 = tpu.vector_load %arg14[%parallel_loop3A_280] {strides = array<i32>} : memref<3136xf32, #tpu.memory_space<vmem>>, vector<16xf32>,
      tpu.vector_store %arg14[%parallel_loop3A_280], %parallel_loop3A_279 {strides = array<i32>} : memref<3136xf32, #tpu.memory_space<vmem>>, vector<16xf32>,
    } {sc.loop_unroll_factor = 7 : i64, sc.parallel_access}
    %add3A_60 = arith.constant 50176 : i32
    %add3A_61 = arith.addi %add3A_60, %mul3A_43 : i32
    %dma_wait3A_62 = tpu.memref_slice %arg5[%add3A_61] : memref<100352xf32, #tpu.memory_space<hbm>> -> memref<3136xf32, #tpu.memory_space<hbm>>
    %dma_wait3A_63 = tpu.memref_slice %arg5[%add3A_61] : memref<100352xf32, #tpu.memory_space<hbm>> -> memref<3136xf32, #tpu.memory_space<hbm>>
    tpu.wait_dma2 semaphore(%arg26 : memref<!tpu.dma_semaphore, #tpu.memory_space<semaphore_mem>>) src(%dma_wait3A_63 : memref<3136xf32, #tpu.memory_space<hbm>>) dst(%arg16 : memref<3136xf32, #tpu.memory_space<vmem>>)
    %parallel_loop3A_64 = arith.constant 0 : i32
    %parallel_loop3A_65 = arith.constant 196 : i32
    %parallel_loop3A_66 = arith.constant 1 : i32
    scf.for %parallel_loop3A_272 = %parallel_loop3A_64 to %parallel_loop3A_65 step %parallel_loop3A_66  : i32 {
      %parallel_loop3A_273 = arith.constant 16 : i32
      %parallel_loop3A_274 = arith.muli %parallel_loop3A_272, %parallel_loop3A_273 : i32
      %parallel_loop3A_275 = arith.index_cast %parallel_loop3A_274 : i32 to index
      %parallel_loop3A_276 = tpu.vector_load %arg14[%parallel_loop3A_275] {strides = array<i32>} : memref<3136xf32, #tpu.memory_space<vmem>>, vector<16xf32>,
      %parallel_loop3A_277 = arith.index_cast %parallel_loop3A_274 : i32 to index
      %parallel_loop3A_278 = tpu.vector_load %arg16[%parallel_loop3A_277] {strides = array<i32>} : memref<3136xf32, #tpu.memory_space<vmem>>, vector<16xf32>,
      %parallel_loop3A_279 = arith.addf %parallel_loop3A_276, %parallel_loop3A_278 : vector<16xf32>
      %parallel_loop3A_280 = arith.index_cast %parallel_loop3A_274 : i32 to index
      %parallel_loop3A_281 = tpu.vector_load %arg14[%parallel_loop3A_280] {strides = array<i32>} : memref<3136xf32, #tpu.memory_space<vmem>>, vector<16xf32>,
      tpu.vector_store %arg14[%parallel_loop3A_280], %parallel_loop3A_279 {strides = array<i32>} : memref<3136xf32, #tpu.memory_space<vmem>>, vector<16xf32>,
    } {sc.loop_unroll_factor = 7 : i64, sc.parallel_access}
    %parallel_loop3A_67 = arith.constant 0 : i32
    %parallel_loop3A_68 = arith.constant 196 : i32
    %parallel_loop3A_69 = arith.constant 1 : i32
    "tpu.trace_stop"() : () -> ()
    "tpu.trace_start"() <{level = 10 : i32, message = "k2_newton"}> : () -> ()
    scf.for %parallel_loop3A_272 = %parallel_loop3A_67 to %parallel_loop3A_68 step %parallel_loop3A_69  : i32 {
      %parallel_loop3A_273 = arith.constant 16 : i32
      %parallel_loop3A_274 = arith.muli %parallel_loop3A_272, %parallel_loop3A_273 : i32
      %parallel_loop3A_275 = arith.index_cast %parallel_loop3A_274 : i32 to index
      %parallel_loop3A_276 = tpu.vector_load %arg14[%parallel_loop3A_275] {strides = array<i32>} : memref<3136xf32, #tpu.memory_space<vmem>>, vector<16xf32>,
      %parallel_loop3A_277 = vector.bitcast %parallel_loop3A_276 : vector<16xf32> to vector<16xi32>
      %parallel_loop3A_278 = arith.constant 1 : i32
      %parallel_loop3A_279 = vector.broadcast %parallel_loop3A_278 : i32 to vector<16xi32>
      %parallel_loop3A_280 = arith.shrsi %parallel_loop3A_277, %parallel_loop3A_279 : vector<16xi32>
      %parallel_loop3A_281 = arith.constant 1597463007 : i32
      %parallel_loop3A_282 = vector.broadcast %parallel_loop3A_281 : i32 to vector<16xi32>
      %parallel_loop3A_283 = arith.subi %parallel_loop3A_282, %parallel_loop3A_280 : vector<16xi32>
      %parallel_loop3A_284 = vector.bitcast %parallel_loop3A_283 : vector<16xi32> to vector<16xf32>
      %parallel_loop3A_285 = arith.constant 5.000000e-01 : f32
      %parallel_loop3A_286 = vector.broadcast %parallel_loop3A_285 : f32 to vector<16xf32>
      %parallel_loop3A_287 = arith.mulf %parallel_loop3A_286, %parallel_loop3A_276 : vector<16xf32>
      %parallel_loop3A_288 = arith.mulf %parallel_loop3A_287, %parallel_loop3A_284 : vector<16xf32>
      %parallel_loop3A_289 = arith.mulf %parallel_loop3A_288, %parallel_loop3A_284 : vector<16xf32>
      %parallel_loop3A_290 = arith.constant 1.500000e+00 : f32
      %parallel_loop3A_291 = vector.broadcast %parallel_loop3A_290 : f32 to vector<16xf32>
      %parallel_loop3A_292 = arith.subf %parallel_loop3A_291, %parallel_loop3A_289 : vector<16xf32>
      %parallel_loop3A_293 = arith.mulf %parallel_loop3A_284, %parallel_loop3A_292 : vector<16xf32>
      %parallel_loop3A_294 = arith.constant 5.000000e-01 : f32
      %parallel_loop3A_295 = vector.broadcast %parallel_loop3A_294 : f32 to vector<16xf32>
      %parallel_loop3A_296 = arith.mulf %parallel_loop3A_295, %parallel_loop3A_276 : vector<16xf32>
      %parallel_loop3A_297 = arith.mulf %parallel_loop3A_296, %parallel_loop3A_293 : vector<16xf32>
      %parallel_loop3A_298 = arith.mulf %parallel_loop3A_297, %parallel_loop3A_293 : vector<16xf32>
      %parallel_loop3A_299 = arith.constant 1.500000e+00 : f32
      %parallel_loop3A_300 = vector.broadcast %parallel_loop3A_299 : f32 to vector<16xf32>
      %parallel_loop3A_301 = arith.subf %parallel_loop3A_300, %parallel_loop3A_298 : vector<16xf32>
      %parallel_loop3A_302 = arith.mulf %parallel_loop3A_293, %parallel_loop3A_301 : vector<16xf32>
      %parallel_loop3A_303 = arith.constant 5.000000e-01 : f32
      %parallel_loop3A_304 = vector.broadcast %parallel_loop3A_303 : f32 to vector<16xf32>
      %parallel_loop3A_305 = arith.mulf %parallel_loop3A_304, %parallel_loop3A_276 : vector<16xf32>
      %parallel_loop3A_306 = arith.mulf %parallel_loop3A_305, %parallel_loop3A_302 : vector<16xf32>
      %parallel_loop3A_307 = arith.mulf %parallel_loop3A_306, %parallel_loop3A_302 : vector<16xf32>
      %parallel_loop3A_308 = arith.constant 1.500000e+00 : f32
      %parallel_loop3A_309 = vector.broadcast %parallel_loop3A_308 : f32 to vector<16xf32>
      %parallel_loop3A_310 = arith.subf %parallel_loop3A_309, %parallel_loop3A_307 : vector<16xf32>
      %parallel_loop3A_311 = arith.mulf %parallel_loop3A_302, %parallel_loop3A_310 : vector<16xf32>
      %parallel_loop3A_312 = arith.constant 0.000000e+00 : f32
      %parallel_loop3A_313 = vector.broadcast %parallel_loop3A_312 : f32 to vector<16xf32>
      %parallel_loop3A_314 = arith.cmpf ogt, %parallel_loop3A_276, %parallel_loop3A_313 : vector<16xf32>
      %parallel_loop3A_315 = arith.constant 0.000000e+00 : f32
      %parallel_loop3A_316 = vector.broadcast %parallel_loop3A_315 : f32 to vector<16xf32>
      %parallel_loop3A_317 = arith.select %parallel_loop3A_314, %parallel_loop3A_311, %parallel_loop3A_316 : vector<16xi1>, vector<16xf32>
      %parallel_loop3A_318 = arith.index_cast %parallel_loop3A_274 : i32 to index
      %parallel_loop3A_319 = tpu.vector_load %arg15[%parallel_loop3A_318] {strides = array<i32>} : memref<3136xf32, #tpu.memory_space<vmem>>, vector<16xf32>,
      tpu.vector_store %arg15[%parallel_loop3A_318], %parallel_loop3A_317 {strides = array<i32>} : memref<3136xf32, #tpu.memory_space<vmem>>, vector<16xf32>,
    } {sc.loop_unroll_factor = 4 : i64, sc.parallel_access}
    "tpu.region"() ({
      %run_scoped3A = tpu.sem_alloc : memref<!tpu.dma_semaphore, #tpu.memory_space<semaphore_mem>>
      %dma_start3A_272 = tpu.memref_slice %arg12[%mul3A_43] : memref<50176xf32, #tpu.memory_space<vmem_shared>> -> memref<3136xf32, #tpu.memory_space<vmem_shared>>
      %dma_start3A_273 = tpu.memref_slice %arg12[%mul3A_43] : memref<50176xf32, #tpu.memory_space<vmem_shared>> -> memref<3136xf32, #tpu.memory_space<vmem_shared>>
      tpu.enqueue_dma source(%arg15 : memref<3136xf32, #tpu.memory_space<vmem>>) target(%dma_start3A_273 : memref<3136xf32, #tpu.memory_space<vmem_shared>>) target_semaphore(%run_scoped3A : memref<!tpu.dma_semaphore, #tpu.memory_space<semaphore_mem>>)
      %dma_wait3A_274 = tpu.memref_slice %arg12[%mul3A_43] : memref<50176xf32, #tpu.memory_space<vmem_shared>> -> memref<3136xf32, #tpu.memory_space<vmem_shared>>
      %dma_wait3A_275 = tpu.memref_slice %arg12[%mul3A_43] : memref<50176xf32, #tpu.memory_space<vmem_shared>> -> memref<3136xf32, #tpu.memory_space<vmem_shared>>
      tpu.wait_dma2 semaphore(%run_scoped3A : memref<!tpu.dma_semaphore, #tpu.memory_space<semaphore_mem>>) src(%arg15 : memref<3136xf32, #tpu.memory_space<vmem>>) dst(%dma_wait3A_275 : memref<3136xf32, #tpu.memory_space<vmem_shared>>)
      tpu.yield
    }) : () -> ()
    "tpu.trace_stop"() : () -> ()
    "tpu.trace_start"() <{level = 10 : i32, message = "k2_barrier"}> : () -> ()
    %barrier3A = arith.constant 0 : index
    tpu.barrier barrier_id(%barrier3A)
    "tpu.trace_stop"() : () -> ()
    "tpu.trace_start"() <{level = 10 : i32, message = "k2_dcopy"}> : () -> ()
    "tpu.region"() ({
      %run_scoped3A = tpu.sem_alloc : memref<!tpu.dma_semaphore, #tpu.memory_space<semaphore_mem>>
      tpu.enqueue_dma source(%arg12 : memref<50176xf32, #tpu.memory_space<vmem_shared>>) target(%arg13 : memref<50176xf32, #tpu.memory_space<vmem>>) target_semaphore(%run_scoped3A : memref<!tpu.dma_semaphore, #tpu.memory_space<semaphore_mem>>)
      tpu.wait_dma2 semaphore(%run_scoped3A : memref<!tpu.dma_semaphore, #tpu.memory_space<semaphore_mem>>) src(%arg12 : memref<50176xf32, #tpu.memory_space<vmem_shared>>) dst(%arg13 : memref<50176xf32, #tpu.memory_space<vmem>>)
      tpu.yield
    }) : () -> ()
    "tpu.trace_stop"() : () -> ()
    "tpu.trace_start"() <{level = 10 : i32, message = "k2_gather"}> : () -> ()
    %scan3A = arith.constant 0 : i32
    %scan3A_70 = arith.constant 0 : i32
    %scan3A_71 = arith.constant 6 : i32
    %scan3A_72 = arith.addi %scan3A_70, %scan3A_71 : i32
    %scan3A_73 = arith.constant 1 : i32
    scf.for %scan3A_272 = %scan3A_70 to %scan3A_72 step %scan3A_73  : i32 {
      %mul3A_273 = arith.constant 2 : i32
      %mul3A_274 = arith.muli %mul3A_273, %scan3A_272 : i32
      %add3A_275 = arith.constant 0 : i32
      %add3A_276 = arith.addi %mul3A_274, %add3A_275 : i32
      %mul3A_277 = arith.constant 4096 : i32
      %mul3A_278 = arith.muli %add3A_276, %mul3A_277 : i32
      %add3A_279 = arith.addi %mul3A_2, %mul3A_278 : i32
      %dma_wait3A_280 = arith.constant 0 : i32
      %dma_wait3A_281 = tpu.memref_slice %arg17[%dma_wait3A_280] : memref<4096xi32, #tpu.memory_space<vmem>> -> memref<4096xi32, #tpu.memory_space<vmem>>
      %dma_wait3A_282 = tpu.memref_slice %arg2[%add3A_279] : memref<1600000xi32, #tpu.memory_space<hbm>> -> memref<4096xi32, #tpu.memory_space<hbm>>
      %dma_wait3A_283 = arith.constant 0 : i32
      %dma_wait3A_284 = tpu.memref_slice %arg17[%dma_wait3A_283] : memref<4096xi32, #tpu.memory_space<vmem>> -> memref<4096xi32, #tpu.memory_space<vmem>>
      %dma_wait3A_285 = tpu.memref_slice %arg2[%add3A_279] : memref<1600000xi32, #tpu.memory_space<hbm>> -> memref<4096xi32, #tpu.memory_space<hbm>>
      tpu.wait_dma2 semaphore(%arg27 : memref<!tpu.dma_semaphore, #tpu.memory_space<semaphore_mem>>) src(%dma_wait3A_285 : memref<4096xi32, #tpu.memory_space<hbm>>) dst(%dma_wait3A_284 : memref<4096xi32, #tpu.memory_space<vmem>>)
      %dma_wait3A_286 = arith.constant 0 : i32
      %dma_wait3A_287 = tpu.memref_slice %arg19[%dma_wait3A_286] : memref<4096xi32, #tpu.memory_space<vmem>> -> memref<4096xi32, #tpu.memory_space<vmem>>
      %dma_wait3A_288 = tpu.memref_slice %arg3[%add3A_279] : memref<1600000xi32, #tpu.memory_space<hbm>> -> memref<4096xi32, #tpu.memory_space<hbm>>
      %dma_wait3A_289 = arith.constant 0 : i32
      %dma_wait3A_290 = tpu.memref_slice %arg19[%dma_wait3A_289] : memref<4096xi32, #tpu.memory_space<vmem>> -> memref<4096xi32, #tpu.memory_space<vmem>>
      %dma_wait3A_291 = tpu.memref_slice %arg3[%add3A_279] : memref<1600000xi32, #tpu.memory_space<hbm>> -> memref<4096xi32, #tpu.memory_space<hbm>>
      tpu.wait_dma2 semaphore(%arg27 : memref<!tpu.dma_semaphore, #tpu.memory_space<semaphore_mem>>) src(%dma_wait3A_291 : memref<4096xi32, #tpu.memory_space<hbm>>) dst(%dma_wait3A_290 : memref<4096xi32, #tpu.memory_space<vmem>>)
      %dma_wait3A_292 = arith.constant 0 : i32
      %dma_wait3A_293 = tpu.memref_slice %arg21[%dma_wait3A_292] : memref<4096xf32, #tpu.memory_space<vmem>> -> memref<4096xf32, #tpu.memory_space<vmem>>
      %dma_wait3A_294 = tpu.memref_slice %arg4[%add3A_279] : memref<1600000xf32, #tpu.memory_space<hbm>> -> memref<4096xf32, #tpu.memory_space<hbm>>
      %dma_wait3A_295 = arith.constant 0 : i32
      %dma_wait3A_296 = tpu.memref_slice %arg21[%dma_wait3A_295] : memref<4096xf32, #tpu.memory_space<vmem>> -> memref<4096xf32, #tpu.memory_space<vmem>>
      %dma_wait3A_297 = tpu.memref_slice %arg4[%add3A_279] : memref<1600000xf32, #tpu.memory_space<hbm>> -> memref<4096xf32, #tpu.memory_space<hbm>>
      tpu.wait_dma2 semaphore(%arg27 : memref<!tpu.dma_semaphore, #tpu.memory_space<semaphore_mem>>) src(%dma_wait3A_297 : memref<4096xf32, #tpu.memory_space<hbm>>) dst(%dma_wait3A_296 : memref<4096xf32, #tpu.memory_space<vmem>>)
      %ge3A = arith.constant 2 : i32
      %ge3A_298 = arith.cmpi sge, %add3A_276, %ge3A : i32
      %convert_element_type3A_299 = arith.extui %ge3A_298 : i1 to i32
      %cond3A_300 = arith.constant 0 : i32
      %cond3A_301 = arith.cmpi ne, %convert_element_type3A_299, %cond3A_300 : i32
      scf.if %cond3A_301 {
        %sub3A = arith.constant 2 : i32
        %sub3A_375 = arith.subi %add3A_276, %sub3A : i32
        %mul3A_376 = arith.constant 4096 : i32
        %mul3A_377 = arith.muli %sub3A_375, %mul3A_376 : i32
        %add3A_378 = arith.addi %mul3A_2, %mul3A_377 : i32
        %dma_wait3A_379 = arith.constant 0 : i32
        %dma_wait3A_380 = tpu.memref_slice %arg23[%dma_wait3A_379] : memref<4096xf32, #tpu.memory_space<vmem>> -> memref<4096xf32, #tpu.memory_space<vmem>>
        %dma_wait3A_381 = tpu.memref_slice %arg10[%add3A_378] : memref<1650000xf32, #tpu.memory_space<hbm>> -> memref<4096xf32, #tpu.memory_space<hbm>>
        %dma_wait3A_382 = tpu.memref_slice %arg10[%add3A_378] : memref<1650000xf32, #tpu.memory_space<hbm>> -> memref<4096xf32, #tpu.memory_space<hbm>>
        %dma_wait3A_383 = arith.constant 0 : i32
        %dma_wait3A_384 = tpu.memref_slice %arg23[%dma_wait3A_383] : memref<4096xf32, #tpu.memory_space<vmem>> -> memref<4096xf32, #tpu.memory_space<vmem>>
        tpu.wait_dma2 semaphore(%arg29 : memref<!tpu.dma_semaphore, #tpu.memory_space<semaphore_mem>>) src(%dma_wait3A_384 : memref<4096xf32, #tpu.memory_space<vmem>>) dst(%dma_wait3A_382 : memref<4096xf32, #tpu.memory_space<hbm>>)
      } else {
      }
      %parallel_loop3A_302 = arith.constant 0 : i32
      %parallel_loop3A_303 = arith.constant 256 : i32
      %parallel_loop3A_304 = arith.constant 1 : i32
      scf.for %parallel_loop3A_375 = %parallel_loop3A_302 to %parallel_loop3A_303 step %parallel_loop3A_304  : i32 {
        %parallel_loop3A_376 = arith.constant 16 : i32
        %parallel_loop3A_377 = arith.muli %parallel_loop3A_375, %parallel_loop3A_376 : i32
        %parallel_loop3A_378 = arith.index_cast %parallel_loop3A_377 : i32 to index
        %parallel_loop3A_379 = tpu.vector_load %arg17[%parallel_loop3A_378] {strides = array<i32>} : memref<4096xi32, #tpu.memory_space<vmem>>, vector<16xi32>,
        %parallel_loop3A_380 = tpu.vector_load_idx %arg13[%parallel_loop3A_379] : memref<50176xf32, #tpu.memory_space<vmem>>[vector<16xi32>], vector<16xf32>,
        %parallel_loop3A_381 = arith.index_cast %parallel_loop3A_377 : i32 to index
        %parallel_loop3A_382 = tpu.vector_load %arg19[%parallel_loop3A_381] {strides = array<i32>} : memref<4096xi32, #tpu.memory_space<vmem>>, vector<16xi32>,
        %parallel_loop3A_383 = tpu.vector_load_idx %arg13[%parallel_loop3A_382] : memref<50176xf32, #tpu.memory_space<vmem>>[vector<16xi32>], vector<16xf32>,
        %parallel_loop3A_384 = arith.index_cast %parallel_loop3A_377 : i32 to index
        %parallel_loop3A_385 = tpu.vector_load %arg21[%parallel_loop3A_384] {strides = array<i32>} : memref<4096xf32, #tpu.memory_space<vmem>>, vector<16xf32>,
        %parallel_loop3A_386 = arith.mulf %parallel_loop3A_385, %parallel_loop3A_380 : vector<16xf32>
        %parallel_loop3A_387 = arith.mulf %parallel_loop3A_386, %parallel_loop3A_383 : vector<16xf32>
        %parallel_loop3A_388 = arith.index_cast %parallel_loop3A_377 : i32 to index
        %parallel_loop3A_389 = tpu.vector_load %arg23[%parallel_loop3A_388] {strides = array<i32>} : memref<4096xf32, #tpu.memory_space<vmem>>, vector<16xf32>,
        tpu.vector_store %arg23[%parallel_loop3A_388], %parallel_loop3A_387 {strides = array<i32>} : memref<4096xf32, #tpu.memory_space<vmem>>, vector<16xf32>,
      } {sc.loop_unroll_factor = 8 : i64, sc.parallel_access}
      %mul3A_305 = arith.constant 4096 : i32
      %mul3A_306 = arith.muli %add3A_276, %mul3A_305 : i32
      %add3A_307 = arith.addi %mul3A_2, %mul3A_306 : i32
      %dma_start3A_308 = arith.constant 0 : i32
      %dma_start3A_309 = tpu.memref_slice %arg23[%dma_start3A_308] : memref<4096xf32, #tpu.memory_space<vmem>> -> memref<4096xf32, #tpu.memory_space<vmem>>
      %dma_start3A_310 = tpu.memref_slice %arg10[%add3A_307] : memref<1650000xf32, #tpu.memory_space<hbm>> -> memref<4096xf32, #tpu.memory_space<hbm>>
      %dma_start3A_311 = tpu.memref_slice %arg10[%add3A_307] : memref<1650000xf32, #tpu.memory_space<hbm>> -> memref<4096xf32, #tpu.memory_space<hbm>>
      %dma_start3A_312 = arith.constant 0 : i32
      %dma_start3A_313 = tpu.memref_slice %arg23[%dma_start3A_312] : memref<4096xf32, #tpu.memory_space<vmem>> -> memref<4096xf32, #tpu.memory_space<vmem>>
      tpu.enqueue_dma source(%dma_start3A_313 : memref<4096xf32, #tpu.memory_space<vmem>>) target(%dma_start3A_311 : memref<4096xf32, #tpu.memory_space<hbm>>) target_semaphore(%arg29 : memref<!tpu.dma_semaphore, #tpu.memory_space<semaphore_mem>>)
      %lt3A_314 = arith.constant 10 : i32
      %lt3A_315 = arith.cmpi slt, %add3A_276, %lt3A_314 : i32
      %convert_element_type3A_316 = arith.extui %lt3A_315 : i1 to i32
      %cond3A_317 = arith.constant 0 : i32
      %cond3A_318 = arith.cmpi ne, %convert_element_type3A_316, %cond3A_317 : i32
      scf.if %cond3A_318 {
        %add3A_375 = arith.constant 2 : i32
        %add3A_376 = arith.addi %add3A_276, %add3A_375 : i32
        %mul3A_377 = arith.constant 4096 : i32
        %mul3A_378 = arith.muli %add3A_376, %mul3A_377 : i32
        %add3A_379 = arith.addi %mul3A_2, %mul3A_378 : i32
        %dma_start3A_380 = arith.constant 0 : i32
        %dma_start3A_381 = tpu.memref_slice %arg17[%dma_start3A_380] : memref<4096xi32, #tpu.memory_space<vmem>> -> memref<4096xi32, #tpu.memory_space<vmem>>
        %dma_start3A_382 = tpu.memref_slice %arg2[%add3A_379] : memref<1600000xi32, #tpu.memory_space<hbm>> -> memref<4096xi32, #tpu.memory_space<hbm>>
        %dma_start3A_383 = arith.constant 0 : i32
        %dma_start3A_384 = tpu.memref_slice %arg17[%dma_start3A_383] : memref<4096xi32, #tpu.memory_space<vmem>> -> memref<4096xi32, #tpu.memory_space<vmem>>
        %dma_start3A_385 = tpu.memref_slice %arg2[%add3A_379] : memref<1600000xi32, #tpu.memory_space<hbm>> -> memref<4096xi32, #tpu.memory_space<hbm>>
        tpu.enqueue_dma source(%dma_start3A_385 : memref<4096xi32, #tpu.memory_space<hbm>>) target(%dma_start3A_384 : memref<4096xi32, #tpu.memory_space<vmem>>) target_semaphore(%arg27 : memref<!tpu.dma_semaphore, #tpu.memory_space<semaphore_mem>>)
        %dma_start3A_386 = arith.constant 0 : i32
        %dma_start3A_387 = tpu.memref_slice %arg19[%dma_start3A_386] : memref<4096xi32, #tpu.memory_space<vmem>> -> memref<4096xi32, #tpu.memory_space<vmem>>
        %dma_start3A_388 = tpu.memref_slice %arg3[%add3A_379] : memref<1600000xi32, #tpu.memory_space<hbm>> -> memref<4096xi32, #tpu.memory_space<hbm>>
        %dma_start3A_389 = arith.constant 0 : i32
        %dma_start3A_390 = tpu.memref_slice %arg19[%dma_start3A_389] : memref<4096xi32, #tpu.memory_space<vmem>> -> memref<4096xi32, #tpu.memory_space<vmem>>
        %dma_start3A_391 = tpu.memref_slice %arg3[%add3A_379] : memref<1600000xi32, #tpu.memory_space<hbm>> -> memref<4096xi32, #tpu.memory_space<hbm>>
        tpu.enqueue_dma source(%dma_start3A_391 : memref<4096xi32, #tpu.memory_space<hbm>>) target(%dma_start3A_390 : memref<4096xi32, #tpu.memory_space<vmem>>) target_semaphore(%arg27 : memref<!tpu.dma_semaphore, #tpu.memory_space<semaphore_mem>>)
        %dma_start3A_392 = arith.constant 0 : i32
        %dma_start3A_393 = tpu.memref_slice %arg21[%dma_start3A_392] : memref<4096xf32, #tpu.memory_space<vmem>> -> memref<4096xf32, #tpu.memory_space<vmem>>
        %dma_start3A_394 = tpu.memref_slice %arg4[%add3A_379] : memref<1600000xf32, #tpu.memory_space<hbm>> -> memref<4096xf32, #tpu.memory_space<hbm>>
        %dma_start3A_395 = arith.constant 0 : i32
        %dma_start3A_396 = tpu.memref_slice %arg21[%dma_start3A_395] : memref<4096xf32, #tpu.memory_space<vmem>> -> memref<4096xf32, #tpu.memory_space<vmem>>
        %dma_start3A_397 = tpu.memref_slice %arg4[%add3A_379] : memref<1600000xf32, #tpu.memory_space<hbm>> -> memref<4096xf32, #tpu.memory_space<hbm>>
        tpu.enqueue_dma source(%dma_start3A_397 : memref<4096xf32, #tpu.memory_space<hbm>>) target(%dma_start3A_396 : memref<4096xf32, #tpu.memory_space<vmem>>) target_semaphore(%arg27 : memref<!tpu.dma_semaphore, #tpu.memory_space<semaphore_mem>>)
      } else {
      }
      %eq3A = arith.constant 10 : i32
      %eq3A_319 = arith.cmpi eq, %add3A_276, %eq3A : i32
      %convert_element_type3A_320 = arith.extui %eq3A_319 : i1 to i32
      %cond3A_321 = arith.constant 0 : i32
      %cond3A_322 = arith.cmpi ne, %convert_element_type3A_320, %cond3A_321 : i32
      scf.if %cond3A_322 {
        %add3A_375 = arith.constant 49152 : i32
        %add3A_376 = arith.addi %mul3A_2, %add3A_375 : i32
        %dma_start3A_377 = arith.constant 0 : i32
        %dma_start3A_378 = tpu.memref_slice %arg17[%dma_start3A_377] : memref<4096xi32, #tpu.memory_space<vmem>> -> memref<848xi32, #tpu.memory_space<vmem>>
        %dma_start3A_379 = tpu.memref_slice %arg2[%add3A_376] : memref<1600000xi32, #tpu.memory_space<hbm>> -> memref<848xi32, #tpu.memory_space<hbm>>
        %dma_start3A_380 = arith.constant 0 : i32
        %dma_start3A_381 = tpu.memref_slice %arg17[%dma_start3A_380] : memref<4096xi32, #tpu.memory_space<vmem>> -> memref<848xi32, #tpu.memory_space<vmem>>
        %dma_start3A_382 = tpu.memref_slice %arg2[%add3A_376] : memref<1600000xi32, #tpu.memory_space<hbm>> -> memref<848xi32, #tpu.memory_space<hbm>>
        tpu.enqueue_dma source(%dma_start3A_382 : memref<848xi32, #tpu.memory_space<hbm>>) target(%dma_start3A_381 : memref<848xi32, #tpu.memory_space<vmem>>) target_semaphore(%arg27 : memref<!tpu.dma_semaphore, #tpu.memory_space<semaphore_mem>>)
        %dma_start3A_383 = arith.constant 0 : i32
        %dma_start3A_384 = tpu.memref_slice %arg19[%dma_start3A_383] : memref<4096xi32, #tpu.memory_space<vmem>> -> memref<848xi32, #tpu.memory_space<vmem>>
        %dma_start3A_385 = tpu.memref_slice %arg3[%add3A_376] : memref<1600000xi32, #tpu.memory_space<hbm>> -> memref<848xi32, #tpu.memory_space<hbm>>
        %dma_start3A_386 = arith.constant 0 : i32
        %dma_start3A_387 = tpu.memref_slice %arg19[%dma_start3A_386] : memref<4096xi32, #tpu.memory_space<vmem>> -> memref<848xi32, #tpu.memory_space<vmem>>
        %dma_start3A_388 = tpu.memref_slice %arg3[%add3A_376] : memref<1600000xi32, #tpu.memory_space<hbm>> -> memref<848xi32, #tpu.memory_space<hbm>>
        tpu.enqueue_dma source(%dma_start3A_388 : memref<848xi32, #tpu.memory_space<hbm>>) target(%dma_start3A_387 : memref<848xi32, #tpu.memory_space<vmem>>) target_semaphore(%arg27 : memref<!tpu.dma_semaphore, #tpu.memory_space<semaphore_mem>>)
        %dma_start3A_389 = arith.constant 0 : i32
        %dma_start3A_390 = tpu.memref_slice %arg21[%dma_start3A_389] : memref<4096xf32, #tpu.memory_space<vmem>> -> memref<848xf32, #tpu.memory_space<vmem>>
        %dma_start3A_391 = tpu.memref_slice %arg4[%add3A_376] : memref<1600000xf32, #tpu.memory_space<hbm>> -> memref<848xf32, #tpu.memory_space<hbm>>
        %dma_start3A_392 = arith.constant 0 : i32
        %dma_start3A_393 = tpu.memref_slice %arg21[%dma_start3A_392] : memref<4096xf32, #tpu.memory_space<vmem>> -> memref<848xf32, #tpu.memory_space<vmem>>
        %dma_start3A_394 = tpu.memref_slice %arg4[%add3A_376] : memref<1600000xf32, #tpu.memory_space<hbm>> -> memref<848xf32, #tpu.memory_space<hbm>>
        tpu.enqueue_dma source(%dma_start3A_394 : memref<848xf32, #tpu.memory_space<hbm>>) target(%dma_start3A_393 : memref<848xf32, #tpu.memory_space<vmem>>) target_semaphore(%arg27 : memref<!tpu.dma_semaphore, #tpu.memory_space<semaphore_mem>>)
      } else {
      }
      %mul3A_323 = arith.constant 2 : i32
      %mul3A_324 = arith.muli %mul3A_323, %scan3A_272 : i32
      %add3A_325 = arith.constant 1 : i32
      %add3A_326 = arith.addi %mul3A_324, %add3A_325 : i32
      %mul3A_327 = arith.constant 4096 : i32
      %mul3A_328 = arith.muli %add3A_326, %mul3A_327 : i32
      %add3A_329 = arith.addi %mul3A_2, %mul3A_328 : i32
      %dma_wait3A_330 = arith.constant 0 : i32
      %dma_wait3A_331 = tpu.memref_slice %arg18[%dma_wait3A_330] : memref<4096xi32, #tpu.memory_space<vmem>> -> memref<4096xi32, #tpu.memory_space<vmem>>
      %dma_wait3A_332 = tpu.memref_slice %arg2[%add3A_329] : memref<1600000xi32, #tpu.memory_space<hbm>> -> memref<4096xi32, #tpu.memory_space<hbm>>
      %dma_wait3A_333 = arith.constant 0 : i32
      %dma_wait3A_334 = tpu.memref_slice %arg18[%dma_wait3A_333] : memref<4096xi32, #tpu.memory_space<vmem>> -> memref<4096xi32, #tpu.memory_space<vmem>>
      %dma_wait3A_335 = tpu.memref_slice %arg2[%add3A_329] : memref<1600000xi32, #tpu.memory_space<hbm>> -> memref<4096xi32, #tpu.memory_space<hbm>>
      tpu.wait_dma2 semaphore(%arg28 : memref<!tpu.dma_semaphore, #tpu.memory_space<semaphore_mem>>) src(%dma_wait3A_335 : memref<4096xi32, #tpu.memory_space<hbm>>) dst(%dma_wait3A_334 : memref<4096xi32, #tpu.memory_space<vmem>>)
      %dma_wait3A_336 = arith.constant 0 : i32
      %dma_wait3A_337 = tpu.memref_slice %arg20[%dma_wait3A_336] : memref<4096xi32, #tpu.memory_space<vmem>> -> memref<4096xi32, #tpu.memory_space<vmem>>
      %dma_wait3A_338 = tpu.memref_slice %arg3[%add3A_329] : memref<1600000xi32, #tpu.memory_space<hbm>> -> memref<4096xi32, #tpu.memory_space<hbm>>
      %dma_wait3A_339 = arith.constant 0 : i32
      %dma_wait3A_340 = tpu.memref_slice %arg20[%dma_wait3A_339] : memref<4096xi32, #tpu.memory_space<vmem>> -> memref<4096xi32, #tpu.memory_space<vmem>>
      %dma_wait3A_341 = tpu.memref_slice %arg3[%add3A_329] : memref<1600000xi32, #tpu.memory_space<hbm>> -> memref<4096xi32, #tpu.memory_space<hbm>>
      tpu.wait_dma2 semaphore(%arg28 : memref<!tpu.dma_semaphore, #tpu.memory_space<semaphore_mem>>) src(%dma_wait3A_341 : memref<4096xi32, #tpu.memory_space<hbm>>) dst(%dma_wait3A_340 : memref<4096xi32, #tpu.memory_space<vmem>>)
      %dma_wait3A_342 = arith.constant 0 : i32
      %dma_wait3A_343 = tpu.memref_slice %arg22[%dma_wait3A_342] : memref<4096xf32, #tpu.memory_space<vmem>> -> memref<4096xf32, #tpu.memory_space<vmem>>
      %dma_wait3A_344 = tpu.memref_slice %arg4[%add3A_329] : memref<1600000xf32, #tpu.memory_space<hbm>> -> memref<4096xf32, #tpu.memory_space<hbm>>
      %dma_wait3A_345 = arith.constant 0 : i32
      %dma_wait3A_346 = tpu.memref_slice %arg22[%dma_wait3A_345] : memref<4096xf32, #tpu.memory_space<vmem>> -> memref<4096xf32, #tpu.memory_space<vmem>>
      %dma_wait3A_347 = tpu.memref_slice %arg4[%add3A_329] : memref<1600000xf32, #tpu.memory_space<hbm>> -> memref<4096xf32, #tpu.memory_space<hbm>>
      tpu.wait_dma2 semaphore(%arg28 : memref<!tpu.dma_semaphore, #tpu.memory_space<semaphore_mem>>) src(%dma_wait3A_347 : memref<4096xf32, #tpu.memory_space<hbm>>) dst(%dma_wait3A_346 : memref<4096xf32, #tpu.memory_space<vmem>>)
      %ge3A_348 = arith.constant 2 : i32
      %ge3A_349 = arith.cmpi sge, %add3A_326, %ge3A_348 : i32
      %convert_element_type3A_350 = arith.extui %ge3A_349 : i1 to i32
      %cond3A_351 = arith.constant 0 : i32
      %cond3A_352 = arith.cmpi ne, %convert_element_type3A_350, %cond3A_351 : i32
      scf.if %cond3A_352 {
        %sub3A = arith.constant 2 : i32
        %sub3A_375 = arith.subi %add3A_326, %sub3A : i32
        %mul3A_376 = arith.constant 4096 : i32
        %mul3A_377 = arith.muli %sub3A_375, %mul3A_376 : i32
        %add3A_378 = arith.addi %mul3A_2, %mul3A_377 : i32
        %dma_wait3A_379 = arith.constant 0 : i32
        %dma_wait3A_380 = tpu.memref_slice %arg24[%dma_wait3A_379] : memref<4096xf32, #tpu.memory_space<vmem>> -> memref<4096xf32, #tpu.memory_space<vmem>>
        %dma_wait3A_381 = tpu.memref_slice %arg10[%add3A_378] : memref<1650000xf32, #tpu.memory_space<hbm>> -> memref<4096xf32, #tpu.memory_space<hbm>>
        %dma_wait3A_382 = tpu.memref_slice %arg10[%add3A_378] : memref<1650000xf32, #tpu.memory_space<hbm>> -> memref<4096xf32, #tpu.memory_space<hbm>>
        %dma_wait3A_383 = arith.constant 0 : i32
        %dma_wait3A_384 = tpu.memref_slice %arg24[%dma_wait3A_383] : memref<4096xf32, #tpu.memory_space<vmem>> -> memref<4096xf32, #tpu.memory_space<vmem>>
        tpu.wait_dma2 semaphore(%arg30 : memref<!tpu.dma_semaphore, #tpu.memory_space<semaphore_mem>>) src(%dma_wait3A_384 : memref<4096xf32, #tpu.memory_space<vmem>>) dst(%dma_wait3A_382 : memref<4096xf32, #tpu.memory_space<hbm>>)
      } else {
      }
      %parallel_loop3A_353 = arith.constant 0 : i32
      %parallel_loop3A_354 = arith.constant 256 : i32
      %parallel_loop3A_355 = arith.constant 1 : i32
      scf.for %parallel_loop3A_375 = %parallel_loop3A_353 to %parallel_loop3A_354 step %parallel_loop3A_355  : i32 {
        %parallel_loop3A_376 = arith.constant 16 : i32
        %parallel_loop3A_377 = arith.muli %parallel_loop3A_375, %parallel_loop3A_376 : i32
        %parallel_loop3A_378 = arith.index_cast %parallel_loop3A_377 : i32 to index
        %parallel_loop3A_379 = tpu.vector_load %arg18[%parallel_loop3A_378] {strides = array<i32>} : memref<4096xi32, #tpu.memory_space<vmem>>, vector<16xi32>,
        %parallel_loop3A_380 = tpu.vector_load_idx %arg13[%parallel_loop3A_379] : memref<50176xf32, #tpu.memory_space<vmem>>[vector<16xi32>], vector<16xf32>,
        %parallel_loop3A_381 = arith.index_cast %parallel_loop3A_377 : i32 to index
        %parallel_loop3A_382 = tpu.vector_load %arg20[%parallel_loop3A_381] {strides = array<i32>} : memref<4096xi32, #tpu.memory_space<vmem>>, vector<16xi32>,
        %parallel_loop3A_383 = tpu.vector_load_idx %arg13[%parallel_loop3A_382] : memref<50176xf32, #tpu.memory_space<vmem>>[vector<16xi32>], vector<16xf32>,
        %parallel_loop3A_384 = arith.index_cast %parallel_loop3A_377 : i32 to index
        %parallel_loop3A_385 = tpu.vector_load %arg22[%parallel_loop3A_384] {strides = array<i32>} : memref<4096xf32, #tpu.memory_space<vmem>>, vector<16xf32>,
        %parallel_loop3A_386 = arith.mulf %parallel_loop3A_385, %parallel_loop3A_380 : vector<16xf32>
        %parallel_loop3A_387 = arith.mulf %parallel_loop3A_386, %parallel_loop3A_383 : vector<16xf32>
        %parallel_loop3A_388 = arith.index_cast %parallel_loop3A_377 : i32 to index
        %parallel_loop3A_389 = tpu.vector_load %arg24[%parallel_loop3A_388] {strides = array<i32>} : memref<4096xf32, #tpu.memory_space<vmem>>, vector<16xf32>,
        tpu.vector_store %arg24[%parallel_loop3A_388], %parallel_loop3A_387 {strides = array<i32>} : memref<4096xf32, #tpu.memory_space<vmem>>, vector<16xf32>,
      } {sc.loop_unroll_factor = 8 : i64, sc.parallel_access}
      %mul3A_356 = arith.constant 4096 : i32
      %mul3A_357 = arith.muli %add3A_326, %mul3A_356 : i32
      %add3A_358 = arith.addi %mul3A_2, %mul3A_357 : i32
      %dma_start3A_359 = arith.constant 0 : i32
      %dma_start3A_360 = tpu.memref_slice %arg24[%dma_start3A_359] : memref<4096xf32, #tpu.memory_space<vmem>> -> memref<4096xf32, #tpu.memory_space<vmem>>
      %dma_start3A_361 = tpu.memref_slice %arg10[%add3A_358] : memref<1650000xf32, #tpu.memory_space<hbm>> -> memref<4096xf32, #tpu.memory_space<hbm>>
      %dma_start3A_362 = tpu.memref_slice %arg10[%add3A_358] : memref<1650000xf32, #tpu.memory_space<hbm>> -> memref<4096xf32, #tpu.memory_space<hbm>>
      %dma_start3A_363 = arith.constant 0 : i32
      %dma_start3A_364 = tpu.memref_slice %arg24[%dma_start3A_363] : memref<4096xf32, #tpu.memory_space<vmem>> -> memref<4096xf32, #tpu.memory_space<vmem>>
      tpu.enqueue_dma source(%dma_start3A_364 : memref<4096xf32, #tpu.memory_space<vmem>>) target(%dma_start3A_362 : memref<4096xf32, #tpu.memory_space<hbm>>) target_semaphore(%arg30 : memref<!tpu.dma_semaphore, #tpu.memory_space<semaphore_mem>>)
      %lt3A_365 = arith.constant 10 : i32
      %lt3A_366 = arith.cmpi slt, %add3A_326, %lt3A_365 : i32
      %convert_element_type3A_367 = arith.extui %lt3A_366 : i1 to i32
      %cond3A_368 = arith.constant 0 : i32
      %cond3A_369 = arith.cmpi ne, %convert_element_type3A_367, %cond3A_368 : i32
      scf.if %cond3A_369 {
        %add3A_375 = arith.constant 2 : i32
        %add3A_376 = arith.addi %add3A_326, %add3A_375 : i32
        %mul3A_377 = arith.constant 4096 : i32
        %mul3A_378 = arith.muli %add3A_376, %mul3A_377 : i32
        %add3A_379 = arith.addi %mul3A_2, %mul3A_378 : i32
        %dma_start3A_380 = arith.constant 0 : i32
        %dma_start3A_381 = tpu.memref_slice %arg18[%dma_start3A_380] : memref<4096xi32, #tpu.memory_space<vmem>> -> memref<4096xi32, #tpu.memory_space<vmem>>
        %dma_start3A_382 = tpu.memref_slice %arg2[%add3A_379] : memref<1600000xi32, #tpu.memory_space<hbm>> -> memref<4096xi32, #tpu.memory_space<hbm>>
        %dma_start3A_383 = arith.constant 0 : i32
        %dma_start3A_384 = tpu.memref_slice %arg18[%dma_start3A_383] : memref<4096xi32, #tpu.memory_space<vmem>> -> memref<4096xi32, #tpu.memory_space<vmem>>
        %dma_start3A_385 = tpu.memref_slice %arg2[%add3A_379] : memref<1600000xi32, #tpu.memory_space<hbm>> -> memref<4096xi32, #tpu.memory_space<hbm>>
        tpu.enqueue_dma source(%dma_start3A_385 : memref<4096xi32, #tpu.memory_space<hbm>>) target(%dma_start3A_384 : memref<4096xi32, #tpu.memory_space<vmem>>) target_semaphore(%arg28 : memref<!tpu.dma_semaphore, #tpu.memory_space<semaphore_mem>>)
        %dma_start3A_386 = arith.constant 0 : i32
        %dma_start3A_387 = tpu.memref_slice %arg20[%dma_start3A_386] : memref<4096xi32, #tpu.memory_space<vmem>> -> memref<4096xi32, #tpu.memory_space<vmem>>
        %dma_start3A_388 = tpu.memref_slice %arg3[%add3A_379] : memref<1600000xi32, #tpu.memory_space<hbm>> -> memref<4096xi32, #tpu.memory_space<hbm>>
        %dma_start3A_389 = arith.constant 0 : i32
        %dma_start3A_390 = tpu.memref_slice %arg20[%dma_start3A_389] : memref<4096xi32, #tpu.memory_space<vmem>> -> memref<4096xi32, #tpu.memory_space<vmem>>
        %dma_start3A_391 = tpu.memref_slice %arg3[%add3A_379] : memref<1600000xi32, #tpu.memory_space<hbm>> -> memref<4096xi32, #tpu.memory_space<hbm>>
        tpu.enqueue_dma source(%dma_start3A_391 : memref<4096xi32, #tpu.memory_space<hbm>>) target(%dma_start3A_390 : memref<4096xi32, #tpu.memory_space<vmem>>) target_semaphore(%arg28 : memref<!tpu.dma_semaphore, #tpu.memory_space<semaphore_mem>>)
        %dma_start3A_392 = arith.constant 0 : i32
        %dma_start3A_393 = tpu.memref_slice %arg22[%dma_start3A_392] : memref<4096xf32, #tpu.memory_space<vmem>> -> memref<4096xf32, #tpu.memory_space<vmem>>
        %dma_start3A_394 = tpu.memref_slice %arg4[%add3A_379] : memref<1600000xf32, #tpu.memory_space<hbm>> -> memref<4096xf32, #tpu.memory_space<hbm>>
        %dma_start3A_395 = arith.constant 0 : i32
        %dma_start3A_396 = tpu.memref_slice %arg22[%dma_start3A_395] : memref<4096xf32, #tpu.memory_space<vmem>> -> memref<4096xf32, #tpu.memory_space<vmem>>
        %dma_start3A_397 = tpu.memref_slice %arg4[%add3A_379] : memref<1600000xf32, #tpu.memory_space<hbm>> -> memref<4096xf32, #tpu.memory_space<hbm>>
        tpu.enqueue_dma source(%dma_start3A_397 : memref<4096xf32, #tpu.memory_space<hbm>>) target(%dma_start3A_396 : memref<4096xf32, #tpu.memory_space<vmem>>) target_semaphore(%arg28 : memref<!tpu.dma_semaphore, #tpu.memory_space<semaphore_mem>>)
      } else {
      }
      %eq3A_370 = arith.constant 10 : i32
      %eq3A_371 = arith.cmpi eq, %add3A_326, %eq3A_370 : i32
      %convert_element_type3A_372 = arith.extui %eq3A_371 : i1 to i32
      %cond3A_373 = arith.constant 0 : i32
      %cond3A_374 = arith.cmpi ne, %convert_element_type3A_372, %cond3A_373 : i32
      scf.if %cond3A_374 {
        %add3A_375 = arith.constant 49152 : i32
        %add3A_376 = arith.addi %mul3A_2, %add3A_375 : i32
        %dma_start3A_377 = arith.constant 0 : i32
        %dma_start3A_378 = tpu.memref_slice %arg17[%dma_start3A_377] : memref<4096xi32, #tpu.memory_space<vmem>> -> memref<848xi32, #tpu.memory_space<vmem>>
        %dma_start3A_379 = tpu.memref_slice %arg2[%add3A_376] : memref<1600000xi32, #tpu.memory_space<hbm>> -> memref<848xi32, #tpu.memory_space<hbm>>
        %dma_start3A_380 = arith.constant 0 : i32
        %dma_start3A_381 = tpu.memref_slice %arg17[%dma_start3A_380] : memref<4096xi32, #tpu.memory_space<vmem>> -> memref<848xi32, #tpu.memory_space<vmem>>
        %dma_start3A_382 = tpu.memref_slice %arg2[%add3A_376] : memref<1600000xi32, #tpu.memory_space<hbm>> -> memref<848xi32, #tpu.memory_space<hbm>>
        tpu.enqueue_dma source(%dma_start3A_382 : memref<848xi32, #tpu.memory_space<hbm>>) target(%dma_start3A_381 : memref<848xi32, #tpu.memory_space<vmem>>) target_semaphore(%arg27 : memref<!tpu.dma_semaphore, #tpu.memory_space<semaphore_mem>>)
        %dma_start3A_383 = arith.constant 0 : i32
        %dma_start3A_384 = tpu.memref_slice %arg19[%dma_start3A_383] : memref<4096xi32, #tpu.memory_space<vmem>> -> memref<848xi32, #tpu.memory_space<vmem>>
        %dma_start3A_385 = tpu.memref_slice %arg3[%add3A_376] : memref<1600000xi32, #tpu.memory_space<hbm>> -> memref<848xi32, #tpu.memory_space<hbm>>
        %dma_start3A_386 = arith.constant 0 : i32
        %dma_start3A_387 = tpu.memref_slice %arg19[%dma_start3A_386] : memref<4096xi32, #tpu.memory_space<vmem>> -> memref<848xi32, #tpu.memory_space<vmem>>
        %dma_start3A_388 = tpu.memref_slice %arg3[%add3A_376] : memref<1600000xi32, #tpu.memory_space<hbm>> -> memref<848xi32, #tpu.memory_space<hbm>>
        tpu.enqueue_dma source(%dma_start3A_388 : memref<848xi32, #tpu.memory_space<hbm>>) target(%dma_start3A_387 : memref<848xi32, #tpu.memory_space<vmem>>) target_semaphore(%arg27 : memref<!tpu.dma_semaphore, #tpu.memory_space<semaphore_mem>>)
        %dma_start3A_389 = arith.constant 0 : i32
        %dma_start3A_390 = tpu.memref_slice %arg21[%dma_start3A_389] : memref<4096xf32, #tpu.memory_space<vmem>> -> memref<848xf32, #tpu.memory_space<vmem>>
        %dma_start3A_391 = tpu.memref_slice %arg4[%add3A_376] : memref<1600000xf32, #tpu.memory_space<hbm>> -> memref<848xf32, #tpu.memory_space<hbm>>
        %dma_start3A_392 = arith.constant 0 : i32
        %dma_start3A_393 = tpu.memref_slice %arg21[%dma_start3A_392] : memref<4096xf32, #tpu.memory_space<vmem>> -> memref<848xf32, #tpu.memory_space<vmem>>
        %dma_start3A_394 = tpu.memref_slice %arg4[%add3A_376] : memref<1600000xf32, #tpu.memory_space<hbm>> -> memref<848xf32, #tpu.memory_space<hbm>>
        tpu.enqueue_dma source(%dma_start3A_394 : memref<848xf32, #tpu.memory_space<hbm>>) target(%dma_start3A_393 : memref<848xf32, #tpu.memory_space<vmem>>) target_semaphore(%arg27 : memref<!tpu.dma_semaphore, #tpu.memory_space<semaphore_mem>>)
      } else {
      }
    }
    %scan3A_74 = arith.constant 6 : i32
    %add3A_75 = arith.constant 49152 : i32
    %add3A_76 = arith.addi %mul3A_2, %add3A_75 : i32
    %dma_wait3A_77 = arith.constant 0 : i32
    %dma_wait3A_78 = tpu.memref_slice %arg17[%dma_wait3A_77] : memref<4096xi32, #tpu.memory_space<vmem>> -> memref<848xi32, #tpu.memory_space<vmem>>
    %dma_wait3A_79 = tpu.memref_slice %arg2[%add3A_76] : memref<1600000xi32, #tpu.memory_space<hbm>> -> memref<848xi32, #tpu.memory_space<hbm>>
    %dma_wait3A_80 = arith.constant 0 : i32
    %dma_wait3A_81 = tpu.memref_slice %arg17[%dma_wait3A_80] : memref<4096xi32, #tpu.memory_space<vmem>> -> memref<848xi32, #tpu.memory_space<vmem>>
    %dma_wait3A_82 = tpu.memref_slice %arg2[%add3A_76] : memref<1600000xi32, #tpu.memory_space<hbm>> -> memref<848xi32, #tpu.memory_space<hbm>>
    tpu.wait_dma2 semaphore(%arg27 : memref<!tpu.dma_semaphore, #tpu.memory_space<semaphore_mem>>) src(%dma_wait3A_82 : memref<848xi32, #tpu.memory_space<hbm>>) dst(%dma_wait3A_81 : memref<848xi32, #tpu.memory_space<vmem>>)
    %dma_wait3A_83 = arith.constant 0 : i32
    %dma_wait3A_84 = tpu.memref_slice %arg19[%dma_wait3A_83] : memref<4096xi32, #tpu.memory_space<vmem>> -> memref<848xi32, #tpu.memory_space<vmem>>
    %dma_wait3A_85 = tpu.memref_slice %arg3[%add3A_76] : memref<1600000xi32, #tpu.memory_space<hbm>> -> memref<848xi32, #tpu.memory_space<hbm>>
    %dma_wait3A_86 = arith.constant 0 : i32
    %dma_wait3A_87 = tpu.memref_slice %arg19[%dma_wait3A_86] : memref<4096xi32, #tpu.memory_space<vmem>> -> memref<848xi32, #tpu.memory_space<vmem>>
    %dma_wait3A_88 = tpu.memref_slice %arg3[%add3A_76] : memref<1600000xi32, #tpu.memory_space<hbm>> -> memref<848xi32, #tpu.memory_space<hbm>>
    tpu.wait_dma2 semaphore(%arg27 : memref<!tpu.dma_semaphore, #tpu.memory_space<semaphore_mem>>) src(%dma_wait3A_88 : memref<848xi32, #tpu.memory_space<hbm>>) dst(%dma_wait3A_87 : memref<848xi32, #tpu.memory_space<vmem>>)
    %dma_wait3A_89 = arith.constant 0 : i32
    %dma_wait3A_90 = tpu.memref_slice %arg21[%dma_wait3A_89] : memref<4096xf32, #tpu.memory_space<vmem>> -> memref<848xf32, #tpu.memory_space<vmem>>
    %dma_wait3A_91 = tpu.memref_slice %arg4[%add3A_76] : memref<1600000xf32, #tpu.memory_space<hbm>> -> memref<848xf32, #tpu.memory_space<hbm>>
    %dma_wait3A_92 = arith.constant 0 : i32
    %dma_wait3A_93 = tpu.memref_slice %arg21[%dma_wait3A_92] : memref<4096xf32, #tpu.memory_space<vmem>> -> memref<848xf32, #tpu.memory_space<vmem>>
    %dma_wait3A_94 = tpu.memref_slice %arg4[%add3A_76] : memref<1600000xf32, #tpu.memory_space<hbm>> -> memref<848xf32, #tpu.memory_space<hbm>>
    tpu.wait_dma2 semaphore(%arg27 : memref<!tpu.dma_semaphore, #tpu.memory_space<semaphore_mem>>) src(%dma_wait3A_94 : memref<848xf32, #tpu.memory_space<hbm>>) dst(%dma_wait3A_93 : memref<848xf32, #tpu.memory_space<vmem>>)
    %add3A_95 = arith.constant 40960 : i32
    %add3A_96 = arith.addi %mul3A_2, %add3A_95 : i32
    %dma_wait3A_97 = arith.constant 0 : i32
    %dma_wait3A_98 = tpu.memref_slice %arg23[%dma_wait3A_97] : memref<4096xf32, #tpu.memory_space<vmem>> -> memref<4096xf32, #tpu.memory_space<vmem>>
    %dma_wait3A_99 = tpu.memref_slice %arg10[%add3A_96] : memref<1650000xf32, #tpu.memory_space<hbm>> -> memref<4096xf32, #tpu.memory_space<hbm>>
    %dma_wait3A_100 = tpu.memref_slice %arg10[%add3A_96] : memref<1650000xf32, #tpu.memory_space<hbm>> -> memref<4096xf32, #tpu.memory_space<hbm>>
    %dma_wait3A_101 = arith.constant 0 : i32
    %dma_wait3A_102 = tpu.memref_slice %arg23[%dma_wait3A_101] : memref<4096xf32, #tpu.memory_space<vmem>> -> memref<4096xf32, #tpu.memory_space<vmem>>
    tpu.wait_dma2 semaphore(%arg29 : memref<!tpu.dma_semaphore, #tpu.memory_space<semaphore_mem>>) src(%dma_wait3A_102 : memref<4096xf32, #tpu.memory_space<vmem>>) dst(%dma_wait3A_100 : memref<4096xf32, #tpu.memory_space<hbm>>)
    %parallel_loop3A_103 = arith.constant 0 : i32
    %parallel_loop3A_104 = arith.constant 53 : i32
    %parallel_loop3A_105 = arith.constant 1 : i32
    scf.for %parallel_loop3A_272 = %parallel_loop3A_103 to %parallel_loop3A_104 step %parallel_loop3A_105  : i32 {
      %parallel_loop3A_273 = arith.constant 16 : i32
      %parallel_loop3A_274 = arith.muli %parallel_loop3A_272, %parallel_loop3A_273 : i32
      %parallel_loop3A_275 = arith.index_cast %parallel_loop3A_274 : i32 to index
      %parallel_loop3A_276 = tpu.vector_load %arg17[%parallel_loop3A_275] {strides = array<i32>} : memref<4096xi32, #tpu.memory_space<vmem>>, vector<16xi32>,
      %parallel_loop3A_277 = tpu.vector_load_idx %arg13[%parallel_loop3A_276] : memref<50176xf32, #tpu.memory_space<vmem>>[vector<16xi32>], vector<16xf32>,
      %parallel_loop3A_278 = arith.index_cast %parallel_loop3A_274 : i32 to index
      %parallel_loop3A_279 = tpu.vector_load %arg19[%parallel_loop3A_278] {strides = array<i32>} : memref<4096xi32, #tpu.memory_space<vmem>>, vector<16xi32>,
      %parallel_loop3A_280 = tpu.vector_load_idx %arg13[%parallel_loop3A_279] : memref<50176xf32, #tpu.memory_space<vmem>>[vector<16xi32>], vector<16xf32>,
      %parallel_loop3A_281 = arith.index_cast %parallel_loop3A_274 : i32 to index
      %parallel_loop3A_282 = tpu.vector_load %arg21[%parallel_loop3A_281] {strides = array<i32>} : memref<4096xf32, #tpu.memory_space<vmem>>, vector<16xf32>,
      %parallel_loop3A_283 = arith.mulf %parallel_loop3A_282, %parallel_loop3A_277 : vector<16xf32>
      %parallel_loop3A_284 = arith.mulf %parallel_loop3A_283, %parallel_loop3A_280 : vector<16xf32>
      %parallel_loop3A_285 = arith.index_cast %parallel_loop3A_274 : i32 to index
      %parallel_loop3A_286 = tpu.vector_load %arg23[%parallel_loop3A_285] {strides = array<i32>} : memref<4096xf32, #tpu.memory_space<vmem>>, vector<16xf32>,
      tpu.vector_store %arg23[%parallel_loop3A_285], %parallel_loop3A_284 {strides = array<i32>} : memref<4096xf32, #tpu.memory_space<vmem>>, vector<16xf32>,
    } {sc.loop_unroll_factor = 1 : i64, sc.parallel_access}
    %add3A_106 = arith.constant 49152 : i32
    %add3A_107 = arith.addi %mul3A_2, %add3A_106 : i32
    %dma_start3A_108 = arith.constant 0 : i32
    %dma_start3A_109 = tpu.memref_slice %arg23[%dma_start3A_108] : memref<4096xf32, #tpu.memory_space<vmem>> -> memref<848xf32, #tpu.memory_space<vmem>>
    %dma_start3A_110 = tpu.memref_slice %arg10[%add3A_107] : memref<1650000xf32, #tpu.memory_space<hbm>> -> memref<848xf32, #tpu.memory_space<hbm>>
    %dma_start3A_111 = tpu.memref_slice %arg10[%add3A_107] : memref<1650000xf32, #tpu.memory_space<hbm>> -> memref<848xf32, #tpu.memory_space<hbm>>
    %dma_start3A_112 = arith.constant 0 : i32
    %dma_start3A_113 = tpu.memref_slice %arg23[%dma_start3A_112] : memref<4096xf32, #tpu.memory_space<vmem>> -> memref<848xf32, #tpu.memory_space<vmem>>
    tpu.enqueue_dma source(%dma_start3A_113 : memref<848xf32, #tpu.memory_space<vmem>>) target(%dma_start3A_111 : memref<848xf32, #tpu.memory_space<hbm>>) target_semaphore(%arg29 : memref<!tpu.dma_semaphore, #tpu.memory_space<semaphore_mem>>)
    %add3A_114 = arith.constant 45056 : i32
    %add3A_115 = arith.addi %mul3A_2, %add3A_114 : i32
    %dma_wait3A_116 = arith.constant 0 : i32
    %dma_wait3A_117 = tpu.memref_slice %arg24[%dma_wait3A_116] : memref<4096xf32, #tpu.memory_space<vmem>> -> memref<4096xf32, #tpu.memory_space<vmem>>
    %dma_wait3A_118 = tpu.memref_slice %arg10[%add3A_115] : memref<1650000xf32, #tpu.memory_space<hbm>> -> memref<4096xf32, #tpu.memory_space<hbm>>
    %dma_wait3A_119 = tpu.memref_slice %arg10[%add3A_115] : memref<1650000xf32, #tpu.memory_space<hbm>> -> memref<4096xf32, #tpu.memory_space<hbm>>
    %dma_wait3A_120 = arith.constant 0 : i32
    %dma_wait3A_121 = tpu.memref_slice %arg24[%dma_wait3A_120] : memref<4096xf32, #tpu.memory_space<vmem>> -> memref<4096xf32, #tpu.memory_space<vmem>>
    tpu.wait_dma2 semaphore(%arg30 : memref<!tpu.dma_semaphore, #tpu.memory_space<semaphore_mem>>) src(%dma_wait3A_121 : memref<4096xf32, #tpu.memory_space<vmem>>) dst(%dma_wait3A_119 : memref<4096xf32, #tpu.memory_space<hbm>>)
    %add3A_122 = arith.constant 49152 : i32
    %add3A_123 = arith.addi %mul3A_2, %add3A_122 : i32
    %dma_wait3A_124 = arith.constant 0 : i32
    %dma_wait3A_125 = tpu.memref_slice %arg23[%dma_wait3A_124] : memref<4096xf32, #tpu.memory_space<vmem>> -> memref<848xf32, #tpu.memory_space<vmem>>
    %dma_wait3A_126 = tpu.memref_slice %arg10[%add3A_123] : memref<1650000xf32, #tpu.memory_space<hbm>> -> memref<848xf32, #tpu.memory_space<hbm>>
    %dma_wait3A_127 = tpu.memref_slice %arg10[%add3A_123] : memref<1650000xf32, #tpu.memory_space<hbm>> -> memref<848xf32, #tpu.memory_space<hbm>>
    %dma_wait3A_128 = arith.constant 0 : i32
    %dma_wait3A_129 = tpu.memref_slice %arg23[%dma_wait3A_128] : memref<4096xf32, #tpu.memory_space<vmem>> -> memref<848xf32, #tpu.memory_space<vmem>>
    tpu.wait_dma2 semaphore(%arg29 : memref<!tpu.dma_semaphore, #tpu.memory_space<semaphore_mem>>) src(%dma_wait3A_129 : memref<848xf32, #tpu.memory_space<vmem>>) dst(%dma_wait3A_127 : memref<848xf32, #tpu.memory_space<hbm>>)
    %lt3A = arith.constant 25 : i32
    "tpu.trace_stop"() : () -> ()
    "tpu.trace_start"() <{level = 10 : i32, message = "k2_diag"}> : () -> ()
    %lt3A_130 = arith.cmpi slt, %add3A, %lt3A : i32
    %convert_element_type3A = arith.extui %lt3A_130 : i1 to i32
    %cond3A = arith.constant 0 : i32
    %cond3A_131 = arith.cmpi ne, %convert_element_type3A, %cond3A : i32
    scf.if %cond3A_131 {
      %mul3A_272 = arith.constant 2000 : i32
      %mul3A_273 = arith.muli %add3A, %mul3A_272 : i32
      %parallel_loop3A_274 = arith.constant 0 : i32
      %parallel_loop3A_275 = arith.constant 125 : i32
      %parallel_loop3A_276 = arith.constant 1 : i32
      scf.for %parallel_loop3A_279 = %parallel_loop3A_274 to %parallel_loop3A_275 step %parallel_loop3A_276  : i32 {
        %parallel_loop3A_280 = arith.constant 16 : i32
        %parallel_loop3A_281 = arith.muli %parallel_loop3A_279, %parallel_loop3A_280 : i32
        %parallel_loop3A_282 = arith.addi %mul3A_273, %parallel_loop3A_281 : i32
        %parallel_loop3A_283 = arith.index_cast %parallel_loop3A_282 : i32 to index
        %parallel_loop3A_284 = tpu.vector_load %arg13[%parallel_loop3A_283] {strides = array<i32>} : memref<50176xf32, #tpu.memory_space<vmem>>, vector<16xf32>,
        %parallel_loop3A_285 = arith.mulf %parallel_loop3A_284, %parallel_loop3A_284 : vector<16xf32>
        %parallel_loop3A_286 = arith.constant 16 : i32
        %parallel_loop3A_287 = arith.muli %parallel_loop3A_279, %parallel_loop3A_286 : i32
        %parallel_loop3A_288 = arith.index_cast %parallel_loop3A_287 : i32 to index
        %parallel_loop3A_289 = tpu.vector_load %arg23[%parallel_loop3A_288] {strides = array<i32>} : memref<4096xf32, #tpu.memory_space<vmem>>, vector<16xf32>,
        tpu.vector_store %arg23[%parallel_loop3A_288], %parallel_loop3A_285 {strides = array<i32>} : memref<4096xf32, #tpu.memory_space<vmem>>, vector<16xf32>,
      } {sc.loop_unroll_factor = 5 : i64, sc.parallel_access}
      %add3A_277 = arith.constant 1600000 : i32
      %add3A_278 = arith.addi %add3A_277, %mul3A_273 : i32
      "tpu.region"() ({
        %run_scoped3A = tpu.sem_alloc : memref<!tpu.dma_semaphore, #tpu.memory_space<semaphore_mem>>
        %dma_start3A_279 = arith.constant 0 : i32
        %dma_start3A_280 = tpu.memref_slice %arg23[%dma_start3A_279] : memref<4096xf32, #tpu.memory_space<vmem>> -> memref<2000xf32, #tpu.memory_space<vmem>>
        %dma_start3A_281 = tpu.memref_slice %arg10[%add3A_278] : memref<1650000xf32, #tpu.memory_space<hbm>> -> memref<2000xf32, #tpu.memory_space<hbm>>
        %dma_start3A_282 = tpu.memref_slice %arg10[%add3A_278] : memref<1650000xf32, #tpu.memory_space<hbm>> -> memref<2000xf32, #tpu.memory_space<hbm>>
        %dma_start3A_283 = arith.constant 0 : i32
        %dma_start3A_284 = tpu.memref_slice %arg23[%dma_start3A_283] : memref<4096xf32, #tpu.memory_space<vmem>> -> memref<2000xf32, #tpu.memory_space<vmem>>
        tpu.enqueue_dma source(%dma_start3A_284 : memref<2000xf32, #tpu.memory_space<vmem>>) target(%dma_start3A_282 : memref<2000xf32, #tpu.memory_space<hbm>>) target_semaphore(%run_scoped3A : memref<!tpu.dma_semaphore, #tpu.memory_space<semaphore_mem>>)
        %dma_wait3A_285 = arith.constant 0 : i32
        %dma_wait3A_286 = tpu.memref_slice %arg23[%dma_wait3A_285] : memref<4096xf32, #tpu.memory_space<vmem>> -> memref<2000xf32, #tpu.memory_space<vmem>>
        %dma_wait3A_287 = tpu.memref_slice %arg10[%add3A_278] : memref<1650000xf32, #tpu.memory_space<hbm>> -> memref<2000xf32, #tpu.memory_space<hbm>>
        %dma_wait3A_288 = tpu.memref_slice %arg10[%add3A_278] : memref<1650000xf32, #tpu.memory_space<hbm>> -> memref<2000xf32, #tpu.memory_space<hbm>>
        %dma_wait3A_289 = arith.constant 0 : i32
        %dma_wait3A_290 = tpu.memref_slice %arg23[%dma_wait3A_289] : memref<4096xf32, #tpu.memory_space<vmem>> -> memref<2000xf32, #tpu.memory_space<vmem>>
        tpu.wait_dma2 semaphore(%run_scoped3A : memref<!tpu.dma_semaphore, #tpu.memory_space<semaphore_mem>>) src(%dma_wait3A_290 : memref<2000xf32, #tpu.memory_space<vmem>>) dst(%dma_wait3A_288 : memref<2000xf32, #tpu.memory_space<hbm>>)
        tpu.yield
      }) : () -> ()
    } else {
    }
    "tpu.trace_stop"() : () -> ()
    %barrier3A_132 = arith.constant 0 : index
    tpu.barrier barrier_id(%barrier3A_132)
    %mul3A_133 = arith.constant 50000 : i32
    %mul3A_134 = arith.muli %add3A, %mul3A_133 : i32
    %add3A_135 = arith.constant 0 : i32
    %add3A_136 = arith.addi %mul3A_134, %add3A_135 : i32
    %dma_start3A_137 = arith.constant 0 : i32
    %dma_start3A_138 = tpu.memref_slice %arg17[%dma_start3A_137] : memref<4096xi32, #tpu.memory_space<vmem>> -> memref<4096xi32, #tpu.memory_space<vmem>>
    %dma_start3A_139 = tpu.memref_slice %arg6[%add3A_136] : memref<1600000xi32, #tpu.memory_space<hbm>> -> memref<4096xi32, #tpu.memory_space<hbm>>
    %dma_start3A_140 = arith.constant 0 : i32
    %dma_start3A_141 = tpu.memref_slice %arg17[%dma_start3A_140] : memref<4096xi32, #tpu.memory_space<vmem>> -> memref<4096xi32, #tpu.memory_space<vmem>>
    %dma_start3A_142 = tpu.memref_slice %arg6[%add3A_136] : memref<1600000xi32, #tpu.memory_space<hbm>> -> memref<4096xi32, #tpu.memory_space<hbm>>
    tpu.enqueue_dma source(%dma_start3A_142 : memref<4096xi32, #tpu.memory_space<hbm>>) target(%dma_start3A_141 : memref<4096xi32, #tpu.memory_space<vmem>>) target_semaphore(%arg27 : memref<!tpu.dma_semaphore, #tpu.memory_space<semaphore_mem>>)
    %dma_start3A_143 = arith.constant 0 : i32
    %dma_start3A_144 = tpu.memref_slice %arg19[%dma_start3A_143] : memref<4096xi32, #tpu.memory_space<vmem>> -> memref<4096xi32, #tpu.memory_space<vmem>>
    %dma_start3A_145 = tpu.memref_slice %arg7[%add3A_136] : memref<1600000xi32, #tpu.memory_space<hbm>> -> memref<4096xi32, #tpu.memory_space<hbm>>
    %dma_start3A_146 = arith.constant 0 : i32
    %dma_start3A_147 = tpu.memref_slice %arg19[%dma_start3A_146] : memref<4096xi32, #tpu.memory_space<vmem>> -> memref<4096xi32, #tpu.memory_space<vmem>>
    %dma_start3A_148 = tpu.memref_slice %arg7[%add3A_136] : memref<1600000xi32, #tpu.memory_space<hbm>> -> memref<4096xi32, #tpu.memory_space<hbm>>
    tpu.enqueue_dma source(%dma_start3A_148 : memref<4096xi32, #tpu.memory_space<hbm>>) target(%dma_start3A_147 : memref<4096xi32, #tpu.memory_space<vmem>>) target_semaphore(%arg27 : memref<!tpu.dma_semaphore, #tpu.memory_space<semaphore_mem>>)
    %dma_start3A_149 = arith.constant 0 : i32
    %dma_start3A_150 = tpu.memref_slice %arg21[%dma_start3A_149] : memref<4096xf32, #tpu.memory_space<vmem>> -> memref<4096xf32, #tpu.memory_space<vmem>>
    %dma_start3A_151 = tpu.memref_slice %arg8[%add3A_136] : memref<1600000xf32, #tpu.memory_space<hbm>> -> memref<4096xf32, #tpu.memory_space<hbm>>
    %dma_start3A_152 = arith.constant 0 : i32
    %dma_start3A_153 = tpu.memref_slice %arg21[%dma_start3A_152] : memref<4096xf32, #tpu.memory_space<vmem>> -> memref<4096xf32, #tpu.memory_space<vmem>>
    %dma_start3A_154 = tpu.memref_slice %arg8[%add3A_136] : memref<1600000xf32, #tpu.memory_space<hbm>> -> memref<4096xf32, #tpu.memory_space<hbm>>
    tpu.enqueue_dma source(%dma_start3A_154 : memref<4096xf32, #tpu.memory_space<hbm>>) target(%dma_start3A_153 : memref<4096xf32, #tpu.memory_space<vmem>>) target_semaphore(%arg27 : memref<!tpu.dma_semaphore, #tpu.memory_space<semaphore_mem>>)
    %add3A_155 = arith.constant 4096 : i32
    %add3A_156 = arith.addi %mul3A_134, %add3A_155 : i32
    %dma_start3A_157 = arith.constant 0 : i32
    %dma_start3A_158 = tpu.memref_slice %arg18[%dma_start3A_157] : memref<4096xi32, #tpu.memory_space<vmem>> -> memref<4096xi32, #tpu.memory_space<vmem>>
    %dma_start3A_159 = tpu.memref_slice %arg6[%add3A_156] : memref<1600000xi32, #tpu.memory_space<hbm>> -> memref<4096xi32, #tpu.memory_space<hbm>>
    %dma_start3A_160 = arith.constant 0 : i32
    %dma_start3A_161 = tpu.memref_slice %arg18[%dma_start3A_160] : memref<4096xi32, #tpu.memory_space<vmem>> -> memref<4096xi32, #tpu.memory_space<vmem>>
    %dma_start3A_162 = tpu.memref_slice %arg6[%add3A_156] : memref<1600000xi32, #tpu.memory_space<hbm>> -> memref<4096xi32, #tpu.memory_space<hbm>>
    tpu.enqueue_dma source(%dma_start3A_162 : memref<4096xi32, #tpu.memory_space<hbm>>) target(%dma_start3A_161 : memref<4096xi32, #tpu.memory_space<vmem>>) target_semaphore(%arg28 : memref<!tpu.dma_semaphore, #tpu.memory_space<semaphore_mem>>)
    %dma_start3A_163 = arith.constant 0 : i32
    %dma_start3A_164 = tpu.memref_slice %arg20[%dma_start3A_163] : memref<4096xi32, #tpu.memory_space<vmem>> -> memref<4096xi32, #tpu.memory_space<vmem>>
    %dma_start3A_165 = tpu.memref_slice %arg7[%add3A_156] : memref<1600000xi32, #tpu.memory_space<hbm>> -> memref<4096xi32, #tpu.memory_space<hbm>>
    %dma_start3A_166 = arith.constant 0 : i32
    %dma_start3A_167 = tpu.memref_slice %arg20[%dma_start3A_166] : memref<4096xi32, #tpu.memory_space<vmem>> -> memref<4096xi32, #tpu.memory_space<vmem>>
    %dma_start3A_168 = tpu.memref_slice %arg7[%add3A_156] : memref<1600000xi32, #tpu.memory_space<hbm>> -> memref<4096xi32, #tpu.memory_space<hbm>>
    tpu.enqueue_dma source(%dma_start3A_168 : memref<4096xi32, #tpu.memory_space<hbm>>) target(%dma_start3A_167 : memref<4096xi32, #tpu.memory_space<vmem>>) target_semaphore(%arg28 : memref<!tpu.dma_semaphore, #tpu.memory_space<semaphore_mem>>)
    %dma_start3A_169 = arith.constant 0 : i32
    %dma_start3A_170 = tpu.memref_slice %arg22[%dma_start3A_169] : memref<4096xf32, #tpu.memory_space<vmem>> -> memref<4096xf32, #tpu.memory_space<vmem>>
    %dma_start3A_171 = tpu.memref_slice %arg8[%add3A_156] : memref<1600000xf32, #tpu.memory_space<hbm>> -> memref<4096xf32, #tpu.memory_space<hbm>>
    %dma_start3A_172 = arith.constant 0 : i32
    %dma_start3A_173 = tpu.memref_slice %arg22[%dma_start3A_172] : memref<4096xf32, #tpu.memory_space<vmem>> -> memref<4096xf32, #tpu.memory_space<vmem>>
    %dma_start3A_174 = tpu.memref_slice %arg8[%add3A_156] : memref<1600000xf32, #tpu.memory_space<hbm>> -> memref<4096xf32, #tpu.memory_space<hbm>>
    tpu.enqueue_dma source(%dma_start3A_174 : memref<4096xf32, #tpu.memory_space<hbm>>) target(%dma_start3A_173 : memref<4096xf32, #tpu.memory_space<vmem>>) target_semaphore(%arg28 : memref<!tpu.dma_semaphore, #tpu.memory_space<semaphore_mem>>)
    %mul3A_175 = arith.constant 3136 : i32
    %mul3A_176 = arith.muli %arg1, %mul3A_175 : i32
    %parallel_loop3A_177 = arith.constant 0 : i32
    %parallel_loop3A_178 = arith.constant 196 : i32
    %parallel_loop3A_179 = arith.constant 1 : i32
    "tpu.trace_start"() <{level = 10 : i32, message = "k2_init"}> : () -> ()
    scf.for %parallel_loop3A_272 = %parallel_loop3A_177 to %parallel_loop3A_178 step %parallel_loop3A_179  : i32 {
      %parallel_loop3A_273 = arith.constant 1.000000e+00 : f32
      %parallel_loop3A_274 = vector.broadcast %parallel_loop3A_273 : f32 to vector<16xf32>
      %parallel_loop3A_275 = arith.constant 16 : i32
      %parallel_loop3A_276 = arith.muli %parallel_loop3A_272, %parallel_loop3A_275 : i32
      %parallel_loop3A_277 = arith.index_cast %parallel_loop3A_276 : i32 to index
      %parallel_loop3A_278 = tpu.vector_load %arg14[%parallel_loop3A_277] {strides = array<i32>} : memref<3136xf32, #tpu.memory_space<vmem>>, vector<16xf32>,
      tpu.vector_store %arg14[%parallel_loop3A_277], %parallel_loop3A_274 {strides = array<i32>} : memref<3136xf32, #tpu.memory_space<vmem>>, vector<16xf32>,
    } {sc.loop_unroll_factor = 7 : i64, sc.parallel_access}
    "tpu.trace_stop"() : () -> ()
    %add3A_180 = arith.constant 0 : i32
    %add3A_181 = arith.addi %add3A_180, %mul3A_176 : i32
    %dma_start3A_182 = tpu.memref_slice %arg9[%add3A_181] : memref<100352xf32, #tpu.memory_space<hbm>> -> memref<3136xf32, #tpu.memory_space<hbm>>
    %dma_start3A_183 = tpu.memref_slice %arg9[%add3A_181] : memref<100352xf32, #tpu.memory_space<hbm>> -> memref<3136xf32, #tpu.memory_space<hbm>>
    tpu.enqueue_dma source(%dma_start3A_183 : memref<3136xf32, #tpu.memory_space<hbm>>) target(%arg15 : memref<3136xf32, #tpu.memory_space<vmem>>) target_semaphore(%arg25 : memref<!tpu.dma_semaphore, #tpu.memory_space<semaphore_mem>>)
    %add3A_184 = arith.constant 50176 : i32
    %add3A_185 = arith.addi %add3A_184, %mul3A_176 : i32
    %dma_start3A_186 = tpu.memref_slice %arg9[%add3A_185] : memref<100352xf32, #tpu.memory_space<hbm>> -> memref<3136xf32, #tpu.memory_space<hbm>>
    %dma_start3A_187 = tpu.memref_slice %arg9[%add3A_185] : memref<100352xf32, #tpu.memory_space<hbm>> -> memref<3136xf32, #tpu.memory_space<hbm>>
    tpu.enqueue_dma source(%dma_start3A_187 : memref<3136xf32, #tpu.memory_space<hbm>>) target(%arg16 : memref<3136xf32, #tpu.memory_space<vmem>>) target_semaphore(%arg26 : memref<!tpu.dma_semaphore, #tpu.memory_space<semaphore_mem>>)
    "tpu.trace_start"() <{level = 10 : i32, message = "k2_reduce"}> : () -> ()
    %add3A_188 = arith.constant 0 : i32
    %add3A_189 = arith.addi %add3A_188, %mul3A_176 : i32
    %dma_wait3A_190 = tpu.memref_slice %arg9[%add3A_189] : memref<100352xf32, #tpu.memory_space<hbm>> -> memref<3136xf32, #tpu.memory_space<hbm>>
    %dma_wait3A_191 = tpu.memref_slice %arg9[%add3A_189] : memref<100352xf32, #tpu.memory_space<hbm>> -> memref<3136xf32, #tpu.memory_space<hbm>>
    tpu.wait_dma2 semaphore(%arg25 : memref<!tpu.dma_semaphore, #tpu.memory_space<semaphore_mem>>) src(%dma_wait3A_191 : memref<3136xf32, #tpu.memory_space<hbm>>) dst(%arg15 : memref<3136xf32, #tpu.memory_space<vmem>>)
    %parallel_loop3A_192 = arith.constant 0 : i32
    %parallel_loop3A_193 = arith.constant 196 : i32
    %parallel_loop3A_194 = arith.constant 1 : i32
    scf.for %parallel_loop3A_272 = %parallel_loop3A_192 to %parallel_loop3A_193 step %parallel_loop3A_194  : i32 {
      %parallel_loop3A_273 = arith.constant 16 : i32
      %parallel_loop3A_274 = arith.muli %parallel_loop3A_272, %parallel_loop3A_273 : i32
      %parallel_loop3A_275 = arith.index_cast %parallel_loop3A_274 : i32 to index
      %parallel_loop3A_276 = tpu.vector_load %arg14[%parallel_loop3A_275] {strides = array<i32>} : memref<3136xf32, #tpu.memory_space<vmem>>, vector<16xf32>,
      %parallel_loop3A_277 = arith.index_cast %parallel_loop3A_274 : i32 to index
      %parallel_loop3A_278 = tpu.vector_load %arg15[%parallel_loop3A_277] {strides = array<i32>} : memref<3136xf32, #tpu.memory_space<vmem>>, vector<16xf32>,
      %parallel_loop3A_279 = arith.addf %parallel_loop3A_276, %parallel_loop3A_278 : vector<16xf32>
      %parallel_loop3A_280 = arith.index_cast %parallel_loop3A_274 : i32 to index
      %parallel_loop3A_281 = tpu.vector_load %arg14[%parallel_loop3A_280] {strides = array<i32>} : memref<3136xf32, #tpu.memory_space<vmem>>, vector<16xf32>,
      tpu.vector_store %arg14[%parallel_loop3A_280], %parallel_loop3A_279 {strides = array<i32>} : memref<3136xf32, #tpu.memory_space<vmem>>, vector<16xf32>,
    } {sc.loop_unroll_factor = 7 : i64, sc.parallel_access}
    %add3A_195 = arith.constant 50176 : i32
    %add3A_196 = arith.addi %add3A_195, %mul3A_176 : i32
    %dma_wait3A_197 = tpu.memref_slice %arg9[%add3A_196] : memref<100352xf32, #tpu.memory_space<hbm>> -> memref<3136xf32, #tpu.memory_space<hbm>>
    %dma_wait3A_198 = tpu.memref_slice %arg9[%add3A_196] : memref<100352xf32, #tpu.memory_space<hbm>> -> memref<3136xf32, #tpu.memory_space<hbm>>
    tpu.wait_dma2 semaphore(%arg26 : memref<!tpu.dma_semaphore, #tpu.memory_space<semaphore_mem>>) src(%dma_wait3A_198 : memref<3136xf32, #tpu.memory_space<hbm>>) dst(%arg16 : memref<3136xf32, #tpu.memory_space<vmem>>)
    %parallel_loop3A_199 = arith.constant 0 : i32
    %parallel_loop3A_200 = arith.constant 196 : i32
    %parallel_loop3A_201 = arith.constant 1 : i32
    scf.for %parallel_loop3A_272 = %parallel_loop3A_199 to %parallel_loop3A_200 step %parallel_loop3A_201  : i32 {
      %parallel_loop3A_273 = arith.constant 16 : i32
      %parallel_loop3A_274 = arith.muli %parallel_loop3A_272, %parallel_loop3A_273 : i32
      %parallel_loop3A_275 = arith.index_cast %parallel_loop3A_274 : i32 to index
      %parallel_loop3A_276 = tpu.vector_load %arg14[%parallel_loop3A_275] {strides = array<i32>} : memref<3136xf32, #tpu.memory_space<vmem>>, vector<16xf32>,
      %parallel_loop3A_277 = arith.index_cast %parallel_loop3A_274 : i32 to index
      %parallel_loop3A_278 = tpu.vector_load %arg16[%parallel_loop3A_277] {strides = array<i32>} : memref<3136xf32, #tpu.memory_space<vmem>>, vector<16xf32>,
      %parallel_loop3A_279 = arith.addf %parallel_loop3A_276, %parallel_loop3A_278 : vector<16xf32>
      %parallel_loop3A_280 = arith.index_cast %parallel_loop3A_274 : i32 to index
      %parallel_loop3A_281 = tpu.vector_load %arg14[%parallel_loop3A_280] {strides = array<i32>} : memref<3136xf32, #tpu.memory_space<vmem>>, vector<16xf32>,
      tpu.vector_store %arg14[%parallel_loop3A_280], %parallel_loop3A_279 {strides = array<i32>} : memref<3136xf32, #tpu.memory_space<vmem>>, vector<16xf32>,
    } {sc.loop_unroll_factor = 7 : i64, sc.parallel_access}
    %parallel_loop3A_202 = arith.constant 0 : i32
    %parallel_loop3A_203 = arith.constant 196 : i32
    %parallel_loop3A_204 = arith.constant 1 : i32
    "tpu.trace_stop"() : () -> ()
    "tpu.trace_start"() <{level = 10 : i32, message = "k2_newton"}> : () -> ()
    scf.for %parallel_loop3A_272 = %parallel_loop3A_202 to %parallel_loop3A_203 step %parallel_loop3A_204  : i32 {
      %parallel_loop3A_273 = arith.constant 16 : i32
      %parallel_loop3A_274 = arith.muli %parallel_loop3A_272, %parallel_loop3A_273 : i32
      %parallel_loop3A_275 = arith.index_cast %parallel_loop3A_274 : i32 to index
      %parallel_loop3A_276 = tpu.vector_load %arg14[%parallel_loop3A_275] {strides = array<i32>} : memref<3136xf32, #tpu.memory_space<vmem>>, vector<16xf32>,
      %parallel_loop3A_277 = vector.bitcast %parallel_loop3A_276 : vector<16xf32> to vector<16xi32>
      %parallel_loop3A_278 = arith.constant 1 : i32
      %parallel_loop3A_279 = vector.broadcast %parallel_loop3A_278 : i32 to vector<16xi32>
      %parallel_loop3A_280 = arith.shrsi %parallel_loop3A_277, %parallel_loop3A_279 : vector<16xi32>
      %parallel_loop3A_281 = arith.constant 1597463007 : i32
      %parallel_loop3A_282 = vector.broadcast %parallel_loop3A_281 : i32 to vector<16xi32>
      %parallel_loop3A_283 = arith.subi %parallel_loop3A_282, %parallel_loop3A_280 : vector<16xi32>
      %parallel_loop3A_284 = vector.bitcast %parallel_loop3A_283 : vector<16xi32> to vector<16xf32>
      %parallel_loop3A_285 = arith.constant 5.000000e-01 : f32
      %parallel_loop3A_286 = vector.broadcast %parallel_loop3A_285 : f32 to vector<16xf32>
      %parallel_loop3A_287 = arith.mulf %parallel_loop3A_286, %parallel_loop3A_276 : vector<16xf32>
      %parallel_loop3A_288 = arith.mulf %parallel_loop3A_287, %parallel_loop3A_284 : vector<16xf32>
      %parallel_loop3A_289 = arith.mulf %parallel_loop3A_288, %parallel_loop3A_284 : vector<16xf32>
      %parallel_loop3A_290 = arith.constant 1.500000e+00 : f32
      %parallel_loop3A_291 = vector.broadcast %parallel_loop3A_290 : f32 to vector<16xf32>
      %parallel_loop3A_292 = arith.subf %parallel_loop3A_291, %parallel_loop3A_289 : vector<16xf32>
      %parallel_loop3A_293 = arith.mulf %parallel_loop3A_284, %parallel_loop3A_292 : vector<16xf32>
      %parallel_loop3A_294 = arith.constant 5.000000e-01 : f32
      %parallel_loop3A_295 = vector.broadcast %parallel_loop3A_294 : f32 to vector<16xf32>
      %parallel_loop3A_296 = arith.mulf %parallel_loop3A_295, %parallel_loop3A_276 : vector<16xf32>
      %parallel_loop3A_297 = arith.mulf %parallel_loop3A_296, %parallel_loop3A_293 : vector<16xf32>
      %parallel_loop3A_298 = arith.mulf %parallel_loop3A_297, %parallel_loop3A_293 : vector<16xf32>
      %parallel_loop3A_299 = arith.constant 1.500000e+00 : f32
      %parallel_loop3A_300 = vector.broadcast %parallel_loop3A_299 : f32 to vector<16xf32>
      %parallel_loop3A_301 = arith.subf %parallel_loop3A_300, %parallel_loop3A_298 : vector<16xf32>
      %parallel_loop3A_302 = arith.mulf %parallel_loop3A_293, %parallel_loop3A_301 : vector<16xf32>
      %parallel_loop3A_303 = arith.constant 5.000000e-01 : f32
      %parallel_loop3A_304 = vector.broadcast %parallel_loop3A_303 : f32 to vector<16xf32>
      %parallel_loop3A_305 = arith.mulf %parallel_loop3A_304, %parallel_loop3A_276 : vector<16xf32>
      %parallel_loop3A_306 = arith.mulf %parallel_loop3A_305, %parallel_loop3A_302 : vector<16xf32>
      %parallel_loop3A_307 = arith.mulf %parallel_loop3A_306, %parallel_loop3A_302 : vector<16xf32>
      %parallel_loop3A_308 = arith.constant 1.500000e+00 : f32
      %parallel_loop3A_309 = vector.broadcast %parallel_loop3A_308 : f32 to vector<16xf32>
      %parallel_loop3A_310 = arith.subf %parallel_loop3A_309, %parallel_loop3A_307 : vector<16xf32>
      %parallel_loop3A_311 = arith.mulf %parallel_loop3A_302, %parallel_loop3A_310 : vector<16xf32>
      %parallel_loop3A_312 = arith.constant 0.000000e+00 : f32
      %parallel_loop3A_313 = vector.broadcast %parallel_loop3A_312 : f32 to vector<16xf32>
      %parallel_loop3A_314 = arith.cmpf ogt, %parallel_loop3A_276, %parallel_loop3A_313 : vector<16xf32>
      %parallel_loop3A_315 = arith.constant 0.000000e+00 : f32
      %parallel_loop3A_316 = vector.broadcast %parallel_loop3A_315 : f32 to vector<16xf32>
      %parallel_loop3A_317 = arith.select %parallel_loop3A_314, %parallel_loop3A_311, %parallel_loop3A_316 : vector<16xi1>, vector<16xf32>
      %parallel_loop3A_318 = arith.index_cast %parallel_loop3A_274 : i32 to index
      %parallel_loop3A_319 = tpu.vector_load %arg15[%parallel_loop3A_318] {strides = array<i32>} : memref<3136xf32, #tpu.memory_space<vmem>>, vector<16xf32>,
      tpu.vector_store %arg15[%parallel_loop3A_318], %parallel_loop3A_317 {strides = array<i32>} : memref<3136xf32, #tpu.memory_space<vmem>>, vector<16xf32>,
    } {sc.loop_unroll_factor = 4 : i64, sc.parallel_access}
    "tpu.region"() ({
      %run_scoped3A = tpu.sem_alloc : memref<!tpu.dma_semaphore, #tpu.memory_space<semaphore_mem>>
      %dma_start3A_272 = tpu.memref_slice %arg12[%mul3A_176] : memref<50176xf32, #tpu.memory_space<vmem_shared>> -> memref<3136xf32, #tpu.memory_space<vmem_shared>>
      %dma_start3A_273 = tpu.memref_slice %arg12[%mul3A_176] : memref<50176xf32, #tpu.memory_space<vmem_shared>> -> memref<3136xf32, #tpu.memory_space<vmem_shared>>
      tpu.enqueue_dma source(%arg15 : memref<3136xf32, #tpu.memory_space<vmem>>) target(%dma_start3A_273 : memref<3136xf32, #tpu.memory_space<vmem_shared>>) target_semaphore(%run_scoped3A : memref<!tpu.dma_semaphore, #tpu.memory_space<semaphore_mem>>)
      %dma_wait3A_274 = tpu.memref_slice %arg12[%mul3A_176] : memref<50176xf32, #tpu.memory_space<vmem_shared>> -> memref<3136xf32, #tpu.memory_space<vmem_shared>>
      %dma_wait3A_275 = tpu.memref_slice %arg12[%mul3A_176] : memref<50176xf32, #tpu.memory_space<vmem_shared>> -> memref<3136xf32, #tpu.memory_space<vmem_shared>>
      tpu.wait_dma2 semaphore(%run_scoped3A : memref<!tpu.dma_semaphore, #tpu.memory_space<semaphore_mem>>) src(%arg15 : memref<3136xf32, #tpu.memory_space<vmem>>) dst(%dma_wait3A_275 : memref<3136xf32, #tpu.memory_space<vmem_shared>>)
      tpu.yield
    }) : () -> ()
    "tpu.trace_stop"() : () -> ()
    "tpu.trace_start"() <{level = 10 : i32, message = "k2_barrier"}> : () -> ()
    %barrier3A_205 = arith.constant 0 : index
    tpu.barrier barrier_id(%barrier3A_205)
    "tpu.trace_stop"() : () -> ()
    "tpu.trace_start"() <{level = 10 : i32, message = "k2_dcopy"}> : () -> ()
    "tpu.region"() ({
      %run_scoped3A = tpu.sem_alloc : memref<!tpu.dma_semaphore, #tpu.memory_space<semaphore_mem>>
      tpu.enqueue_dma source(%arg12 : memref<50176xf32, #tpu.memory_space<vmem_shared>>) target(%arg13 : memref<50176xf32, #tpu.memory_space<vmem>>) target_semaphore(%run_scoped3A : memref<!tpu.dma_semaphore, #tpu.memory_space<semaphore_mem>>)
      tpu.wait_dma2 semaphore(%run_scoped3A : memref<!tpu.dma_semaphore, #tpu.memory_space<semaphore_mem>>) src(%arg12 : memref<50176xf32, #tpu.memory_space<vmem_shared>>) dst(%arg13 : memref<50176xf32, #tpu.memory_space<vmem>>)
      tpu.yield
    }) : () -> ()
    "tpu.trace_stop"() : () -> ()
    "tpu.trace_start"() <{level = 10 : i32, message = "k2_gather"}> : () -> ()
    %scan3A_206 = arith.constant 0 : i32
    %scan3A_207 = arith.constant 0 : i32
    %scan3A_208 = arith.constant 6 : i32
    %scan3A_209 = arith.addi %scan3A_207, %scan3A_208 : i32
    %scan3A_210 = arith.constant 1 : i32
    scf.for %scan3A_272 = %scan3A_207 to %scan3A_209 step %scan3A_210  : i32 {
      %mul3A_273 = arith.constant 2 : i32
      %mul3A_274 = arith.muli %mul3A_273, %scan3A_272 : i32
      %add3A_275 = arith.constant 0 : i32
      %add3A_276 = arith.addi %mul3A_274, %add3A_275 : i32
      %mul3A_277 = arith.constant 4096 : i32
      %mul3A_278 = arith.muli %add3A_276, %mul3A_277 : i32
      %add3A_279 = arith.addi %mul3A_134, %mul3A_278 : i32
      %dma_wait3A_280 = arith.constant 0 : i32
      %dma_wait3A_281 = tpu.memref_slice %arg17[%dma_wait3A_280] : memref<4096xi32, #tpu.memory_space<vmem>> -> memref<4096xi32, #tpu.memory_space<vmem>>
      %dma_wait3A_282 = tpu.memref_slice %arg6[%add3A_279] : memref<1600000xi32, #tpu.memory_space<hbm>> -> memref<4096xi32, #tpu.memory_space<hbm>>
      %dma_wait3A_283 = arith.constant 0 : i32
      %dma_wait3A_284 = tpu.memref_slice %arg17[%dma_wait3A_283] : memref<4096xi32, #tpu.memory_space<vmem>> -> memref<4096xi32, #tpu.memory_space<vmem>>
      %dma_wait3A_285 = tpu.memref_slice %arg6[%add3A_279] : memref<1600000xi32, #tpu.memory_space<hbm>> -> memref<4096xi32, #tpu.memory_space<hbm>>
      tpu.wait_dma2 semaphore(%arg27 : memref<!tpu.dma_semaphore, #tpu.memory_space<semaphore_mem>>) src(%dma_wait3A_285 : memref<4096xi32, #tpu.memory_space<hbm>>) dst(%dma_wait3A_284 : memref<4096xi32, #tpu.memory_space<vmem>>)
      %dma_wait3A_286 = arith.constant 0 : i32
      %dma_wait3A_287 = tpu.memref_slice %arg19[%dma_wait3A_286] : memref<4096xi32, #tpu.memory_space<vmem>> -> memref<4096xi32, #tpu.memory_space<vmem>>
      %dma_wait3A_288 = tpu.memref_slice %arg7[%add3A_279] : memref<1600000xi32, #tpu.memory_space<hbm>> -> memref<4096xi32, #tpu.memory_space<hbm>>
      %dma_wait3A_289 = arith.constant 0 : i32
      %dma_wait3A_290 = tpu.memref_slice %arg19[%dma_wait3A_289] : memref<4096xi32, #tpu.memory_space<vmem>> -> memref<4096xi32, #tpu.memory_space<vmem>>
      %dma_wait3A_291 = tpu.memref_slice %arg7[%add3A_279] : memref<1600000xi32, #tpu.memory_space<hbm>> -> memref<4096xi32, #tpu.memory_space<hbm>>
      tpu.wait_dma2 semaphore(%arg27 : memref<!tpu.dma_semaphore, #tpu.memory_space<semaphore_mem>>) src(%dma_wait3A_291 : memref<4096xi32, #tpu.memory_space<hbm>>) dst(%dma_wait3A_290 : memref<4096xi32, #tpu.memory_space<vmem>>)
      %dma_wait3A_292 = arith.constant 0 : i32
      %dma_wait3A_293 = tpu.memref_slice %arg21[%dma_wait3A_292] : memref<4096xf32, #tpu.memory_space<vmem>> -> memref<4096xf32, #tpu.memory_space<vmem>>
      %dma_wait3A_294 = tpu.memref_slice %arg8[%add3A_279] : memref<1600000xf32, #tpu.memory_space<hbm>> -> memref<4096xf32, #tpu.memory_space<hbm>>
      %dma_wait3A_295 = arith.constant 0 : i32
      %dma_wait3A_296 = tpu.memref_slice %arg21[%dma_wait3A_295] : memref<4096xf32, #tpu.memory_space<vmem>> -> memref<4096xf32, #tpu.memory_space<vmem>>
      %dma_wait3A_297 = tpu.memref_slice %arg8[%add3A_279] : memref<1600000xf32, #tpu.memory_space<hbm>> -> memref<4096xf32, #tpu.memory_space<hbm>>
      tpu.wait_dma2 semaphore(%arg27 : memref<!tpu.dma_semaphore, #tpu.memory_space<semaphore_mem>>) src(%dma_wait3A_297 : memref<4096xf32, #tpu.memory_space<hbm>>) dst(%dma_wait3A_296 : memref<4096xf32, #tpu.memory_space<vmem>>)
      %ge3A = arith.constant 2 : i32
      %ge3A_298 = arith.cmpi sge, %add3A_276, %ge3A : i32
      %convert_element_type3A_299 = arith.extui %ge3A_298 : i1 to i32
      %cond3A_300 = arith.constant 0 : i32
      %cond3A_301 = arith.cmpi ne, %convert_element_type3A_299, %cond3A_300 : i32
      scf.if %cond3A_301 {
        %sub3A = arith.constant 2 : i32
        %sub3A_375 = arith.subi %add3A_276, %sub3A : i32
        %mul3A_376 = arith.constant 4096 : i32
        %mul3A_377 = arith.muli %sub3A_375, %mul3A_376 : i32
        %add3A_378 = arith.addi %mul3A_134, %mul3A_377 : i32
        %dma_wait3A_379 = arith.constant 0 : i32
        %dma_wait3A_380 = tpu.memref_slice %arg23[%dma_wait3A_379] : memref<4096xf32, #tpu.memory_space<vmem>> -> memref<4096xf32, #tpu.memory_space<vmem>>
        %dma_wait3A_381 = tpu.memref_slice %arg11[%add3A_378] : memref<1650000xf32, #tpu.memory_space<hbm>> -> memref<4096xf32, #tpu.memory_space<hbm>>
        %dma_wait3A_382 = tpu.memref_slice %arg11[%add3A_378] : memref<1650000xf32, #tpu.memory_space<hbm>> -> memref<4096xf32, #tpu.memory_space<hbm>>
        %dma_wait3A_383 = arith.constant 0 : i32
        %dma_wait3A_384 = tpu.memref_slice %arg23[%dma_wait3A_383] : memref<4096xf32, #tpu.memory_space<vmem>> -> memref<4096xf32, #tpu.memory_space<vmem>>
        tpu.wait_dma2 semaphore(%arg29 : memref<!tpu.dma_semaphore, #tpu.memory_space<semaphore_mem>>) src(%dma_wait3A_384 : memref<4096xf32, #tpu.memory_space<vmem>>) dst(%dma_wait3A_382 : memref<4096xf32, #tpu.memory_space<hbm>>)
      } else {
      }
      %parallel_loop3A_302 = arith.constant 0 : i32
      %parallel_loop3A_303 = arith.constant 256 : i32
      %parallel_loop3A_304 = arith.constant 1 : i32
      scf.for %parallel_loop3A_375 = %parallel_loop3A_302 to %parallel_loop3A_303 step %parallel_loop3A_304  : i32 {
        %parallel_loop3A_376 = arith.constant 16 : i32
        %parallel_loop3A_377 = arith.muli %parallel_loop3A_375, %parallel_loop3A_376 : i32
        %parallel_loop3A_378 = arith.index_cast %parallel_loop3A_377 : i32 to index
        %parallel_loop3A_379 = tpu.vector_load %arg17[%parallel_loop3A_378] {strides = array<i32>} : memref<4096xi32, #tpu.memory_space<vmem>>, vector<16xi32>,
        %parallel_loop3A_380 = tpu.vector_load_idx %arg13[%parallel_loop3A_379] : memref<50176xf32, #tpu.memory_space<vmem>>[vector<16xi32>], vector<16xf32>,
        %parallel_loop3A_381 = arith.index_cast %parallel_loop3A_377 : i32 to index
        %parallel_loop3A_382 = tpu.vector_load %arg19[%parallel_loop3A_381] {strides = array<i32>} : memref<4096xi32, #tpu.memory_space<vmem>>, vector<16xi32>,
        %parallel_loop3A_383 = tpu.vector_load_idx %arg13[%parallel_loop3A_382] : memref<50176xf32, #tpu.memory_space<vmem>>[vector<16xi32>], vector<16xf32>,
        %parallel_loop3A_384 = arith.index_cast %parallel_loop3A_377 : i32 to index
        %parallel_loop3A_385 = tpu.vector_load %arg21[%parallel_loop3A_384] {strides = array<i32>} : memref<4096xf32, #tpu.memory_space<vmem>>, vector<16xf32>,
        %parallel_loop3A_386 = arith.mulf %parallel_loop3A_385, %parallel_loop3A_380 : vector<16xf32>
        %parallel_loop3A_387 = arith.mulf %parallel_loop3A_386, %parallel_loop3A_383 : vector<16xf32>
        %parallel_loop3A_388 = arith.index_cast %parallel_loop3A_377 : i32 to index
        %parallel_loop3A_389 = tpu.vector_load %arg23[%parallel_loop3A_388] {strides = array<i32>} : memref<4096xf32, #tpu.memory_space<vmem>>, vector<16xf32>,
        tpu.vector_store %arg23[%parallel_loop3A_388], %parallel_loop3A_387 {strides = array<i32>} : memref<4096xf32, #tpu.memory_space<vmem>>, vector<16xf32>,
      } {sc.loop_unroll_factor = 8 : i64, sc.parallel_access}
      %mul3A_305 = arith.constant 4096 : i32
      %mul3A_306 = arith.muli %add3A_276, %mul3A_305 : i32
      %add3A_307 = arith.addi %mul3A_134, %mul3A_306 : i32
      %dma_start3A_308 = arith.constant 0 : i32
      %dma_start3A_309 = tpu.memref_slice %arg23[%dma_start3A_308] : memref<4096xf32, #tpu.memory_space<vmem>> -> memref<4096xf32, #tpu.memory_space<vmem>>
      %dma_start3A_310 = tpu.memref_slice %arg11[%add3A_307] : memref<1650000xf32, #tpu.memory_space<hbm>> -> memref<4096xf32, #tpu.memory_space<hbm>>
      %dma_start3A_311 = tpu.memref_slice %arg11[%add3A_307] : memref<1650000xf32, #tpu.memory_space<hbm>> -> memref<4096xf32, #tpu.memory_space<hbm>>
      %dma_start3A_312 = arith.constant 0 : i32
      %dma_start3A_313 = tpu.memref_slice %arg23[%dma_start3A_312] : memref<4096xf32, #tpu.memory_space<vmem>> -> memref<4096xf32, #tpu.memory_space<vmem>>
      tpu.enqueue_dma source(%dma_start3A_313 : memref<4096xf32, #tpu.memory_space<vmem>>) target(%dma_start3A_311 : memref<4096xf32, #tpu.memory_space<hbm>>) target_semaphore(%arg29 : memref<!tpu.dma_semaphore, #tpu.memory_space<semaphore_mem>>)
      %lt3A_314 = arith.constant 10 : i32
      %lt3A_315 = arith.cmpi slt, %add3A_276, %lt3A_314 : i32
      %convert_element_type3A_316 = arith.extui %lt3A_315 : i1 to i32
      %cond3A_317 = arith.constant 0 : i32
      %cond3A_318 = arith.cmpi ne, %convert_element_type3A_316, %cond3A_317 : i32
      scf.if %cond3A_318 {
        %add3A_375 = arith.constant 2 : i32
        %add3A_376 = arith.addi %add3A_276, %add3A_375 : i32
        %mul3A_377 = arith.constant 4096 : i32
        %mul3A_378 = arith.muli %add3A_376, %mul3A_377 : i32
        %add3A_379 = arith.addi %mul3A_134, %mul3A_378 : i32
        %dma_start3A_380 = arith.constant 0 : i32
        %dma_start3A_381 = tpu.memref_slice %arg17[%dma_start3A_380] : memref<4096xi32, #tpu.memory_space<vmem>> -> memref<4096xi32, #tpu.memory_space<vmem>>
        %dma_start3A_382 = tpu.memref_slice %arg6[%add3A_379] : memref<1600000xi32, #tpu.memory_space<hbm>> -> memref<4096xi32, #tpu.memory_space<hbm>>
        %dma_start3A_383 = arith.constant 0 : i32
        %dma_start3A_384 = tpu.memref_slice %arg17[%dma_start3A_383] : memref<4096xi32, #tpu.memory_space<vmem>> -> memref<4096xi32, #tpu.memory_space<vmem>>
        %dma_start3A_385 = tpu.memref_slice %arg6[%add3A_379] : memref<1600000xi32, #tpu.memory_space<hbm>> -> memref<4096xi32, #tpu.memory_space<hbm>>
        tpu.enqueue_dma source(%dma_start3A_385 : memref<4096xi32, #tpu.memory_space<hbm>>) target(%dma_start3A_384 : memref<4096xi32, #tpu.memory_space<vmem>>) target_semaphore(%arg27 : memref<!tpu.dma_semaphore, #tpu.memory_space<semaphore_mem>>)
        %dma_start3A_386 = arith.constant 0 : i32
        %dma_start3A_387 = tpu.memref_slice %arg19[%dma_start3A_386] : memref<4096xi32, #tpu.memory_space<vmem>> -> memref<4096xi32, #tpu.memory_space<vmem>>
        %dma_start3A_388 = tpu.memref_slice %arg7[%add3A_379] : memref<1600000xi32, #tpu.memory_space<hbm>> -> memref<4096xi32, #tpu.memory_space<hbm>>
        %dma_start3A_389 = arith.constant 0 : i32
        %dma_start3A_390 = tpu.memref_slice %arg19[%dma_start3A_389] : memref<4096xi32, #tpu.memory_space<vmem>> -> memref<4096xi32, #tpu.memory_space<vmem>>
        %dma_start3A_391 = tpu.memref_slice %arg7[%add3A_379] : memref<1600000xi32, #tpu.memory_space<hbm>> -> memref<4096xi32, #tpu.memory_space<hbm>>
        tpu.enqueue_dma source(%dma_start3A_391 : memref<4096xi32, #tpu.memory_space<hbm>>) target(%dma_start3A_390 : memref<4096xi32, #tpu.memory_space<vmem>>) target_semaphore(%arg27 : memref<!tpu.dma_semaphore, #tpu.memory_space<semaphore_mem>>)
        %dma_start3A_392 = arith.constant 0 : i32
        %dma_start3A_393 = tpu.memref_slice %arg21[%dma_start3A_392] : memref<4096xf32, #tpu.memory_space<vmem>> -> memref<4096xf32, #tpu.memory_space<vmem>>
        %dma_start3A_394 = tpu.memref_slice %arg8[%add3A_379] : memref<1600000xf32, #tpu.memory_space<hbm>> -> memref<4096xf32, #tpu.memory_space<hbm>>
        %dma_start3A_395 = arith.constant 0 : i32
        %dma_start3A_396 = tpu.memref_slice %arg21[%dma_start3A_395] : memref<4096xf32, #tpu.memory_space<vmem>> -> memref<4096xf32, #tpu.memory_space<vmem>>
        %dma_start3A_397 = tpu.memref_slice %arg8[%add3A_379] : memref<1600000xf32, #tpu.memory_space<hbm>> -> memref<4096xf32, #tpu.memory_space<hbm>>
        tpu.enqueue_dma source(%dma_start3A_397 : memref<4096xf32, #tpu.memory_space<hbm>>) target(%dma_start3A_396 : memref<4096xf32, #tpu.memory_space<vmem>>) target_semaphore(%arg27 : memref<!tpu.dma_semaphore, #tpu.memory_space<semaphore_mem>>)
      } else {
      }
      %eq3A = arith.constant 10 : i32
      %eq3A_319 = arith.cmpi eq, %add3A_276, %eq3A : i32
      %convert_element_type3A_320 = arith.extui %eq3A_319 : i1 to i32
      %cond3A_321 = arith.constant 0 : i32
      %cond3A_322 = arith.cmpi ne, %convert_element_type3A_320, %cond3A_321 : i32
      scf.if %cond3A_322 {
        %add3A_375 = arith.constant 49152 : i32
        %add3A_376 = arith.addi %mul3A_134, %add3A_375 : i32
        %dma_start3A_377 = arith.constant 0 : i32
        %dma_start3A_378 = tpu.memref_slice %arg17[%dma_start3A_377] : memref<4096xi32, #tpu.memory_space<vmem>> -> memref<848xi32, #tpu.memory_space<vmem>>
        %dma_start3A_379 = tpu.memref_slice %arg6[%add3A_376] : memref<1600000xi32, #tpu.memory_space<hbm>> -> memref<848xi32, #tpu.memory_space<hbm>>
        %dma_start3A_380 = arith.constant 0 : i32
        %dma_start3A_381 = tpu.memref_slice %arg17[%dma_start3A_380] : memref<4096xi32, #tpu.memory_space<vmem>> -> memref<848xi32, #tpu.memory_space<vmem>>
        %dma_start3A_382 = tpu.memref_slice %arg6[%add3A_376] : memref<1600000xi32, #tpu.memory_space<hbm>> -> memref<848xi32, #tpu.memory_space<hbm>>
        tpu.enqueue_dma source(%dma_start3A_382 : memref<848xi32, #tpu.memory_space<hbm>>) target(%dma_start3A_381 : memref<848xi32, #tpu.memory_space<vmem>>) target_semaphore(%arg27 : memref<!tpu.dma_semaphore, #tpu.memory_space<semaphore_mem>>)
        %dma_start3A_383 = arith.constant 0 : i32
        %dma_start3A_384 = tpu.memref_slice %arg19[%dma_start3A_383] : memref<4096xi32, #tpu.memory_space<vmem>> -> memref<848xi32, #tpu.memory_space<vmem>>
        %dma_start3A_385 = tpu.memref_slice %arg7[%add3A_376] : memref<1600000xi32, #tpu.memory_space<hbm>> -> memref<848xi32, #tpu.memory_space<hbm>>
        %dma_start3A_386 = arith.constant 0 : i32
        %dma_start3A_387 = tpu.memref_slice %arg19[%dma_start3A_386] : memref<4096xi32, #tpu.memory_space<vmem>> -> memref<848xi32, #tpu.memory_space<vmem>>
        %dma_start3A_388 = tpu.memref_slice %arg7[%add3A_376] : memref<1600000xi32, #tpu.memory_space<hbm>> -> memref<848xi32, #tpu.memory_space<hbm>>
        tpu.enqueue_dma source(%dma_start3A_388 : memref<848xi32, #tpu.memory_space<hbm>>) target(%dma_start3A_387 : memref<848xi32, #tpu.memory_space<vmem>>) target_semaphore(%arg27 : memref<!tpu.dma_semaphore, #tpu.memory_space<semaphore_mem>>)
        %dma_start3A_389 = arith.constant 0 : i32
        %dma_start3A_390 = tpu.memref_slice %arg21[%dma_start3A_389] : memref<4096xf32, #tpu.memory_space<vmem>> -> memref<848xf32, #tpu.memory_space<vmem>>
        %dma_start3A_391 = tpu.memref_slice %arg8[%add3A_376] : memref<1600000xf32, #tpu.memory_space<hbm>> -> memref<848xf32, #tpu.memory_space<hbm>>
        %dma_start3A_392 = arith.constant 0 : i32
        %dma_start3A_393 = tpu.memref_slice %arg21[%dma_start3A_392] : memref<4096xf32, #tpu.memory_space<vmem>> -> memref<848xf32, #tpu.memory_space<vmem>>
        %dma_start3A_394 = tpu.memref_slice %arg8[%add3A_376] : memref<1600000xf32, #tpu.memory_space<hbm>> -> memref<848xf32, #tpu.memory_space<hbm>>
        tpu.enqueue_dma source(%dma_start3A_394 : memref<848xf32, #tpu.memory_space<hbm>>) target(%dma_start3A_393 : memref<848xf32, #tpu.memory_space<vmem>>) target_semaphore(%arg27 : memref<!tpu.dma_semaphore, #tpu.memory_space<semaphore_mem>>)
      } else {
      }
      %mul3A_323 = arith.constant 2 : i32
      %mul3A_324 = arith.muli %mul3A_323, %scan3A_272 : i32
      %add3A_325 = arith.constant 1 : i32
      %add3A_326 = arith.addi %mul3A_324, %add3A_325 : i32
      %mul3A_327 = arith.constant 4096 : i32
      %mul3A_328 = arith.muli %add3A_326, %mul3A_327 : i32
      %add3A_329 = arith.addi %mul3A_134, %mul3A_328 : i32
      %dma_wait3A_330 = arith.constant 0 : i32
      %dma_wait3A_331 = tpu.memref_slice %arg18[%dma_wait3A_330] : memref<4096xi32, #tpu.memory_space<vmem>> -> memref<4096xi32, #tpu.memory_space<vmem>>
      %dma_wait3A_332 = tpu.memref_slice %arg6[%add3A_329] : memref<1600000xi32, #tpu.memory_space<hbm>> -> memref<4096xi32, #tpu.memory_space<hbm>>
      %dma_wait3A_333 = arith.constant 0 : i32
      %dma_wait3A_334 = tpu.memref_slice %arg18[%dma_wait3A_333] : memref<4096xi32, #tpu.memory_space<vmem>> -> memref<4096xi32, #tpu.memory_space<vmem>>
      %dma_wait3A_335 = tpu.memref_slice %arg6[%add3A_329] : memref<1600000xi32, #tpu.memory_space<hbm>> -> memref<4096xi32, #tpu.memory_space<hbm>>
      tpu.wait_dma2 semaphore(%arg28 : memref<!tpu.dma_semaphore, #tpu.memory_space<semaphore_mem>>) src(%dma_wait3A_335 : memref<4096xi32, #tpu.memory_space<hbm>>) dst(%dma_wait3A_334 : memref<4096xi32, #tpu.memory_space<vmem>>)
      %dma_wait3A_336 = arith.constant 0 : i32
      %dma_wait3A_337 = tpu.memref_slice %arg20[%dma_wait3A_336] : memref<4096xi32, #tpu.memory_space<vmem>> -> memref<4096xi32, #tpu.memory_space<vmem>>
      %dma_wait3A_338 = tpu.memref_slice %arg7[%add3A_329] : memref<1600000xi32, #tpu.memory_space<hbm>> -> memref<4096xi32, #tpu.memory_space<hbm>>
      %dma_wait3A_339 = arith.constant 0 : i32
      %dma_wait3A_340 = tpu.memref_slice %arg20[%dma_wait3A_339] : memref<4096xi32, #tpu.memory_space<vmem>> -> memref<4096xi32, #tpu.memory_space<vmem>>
      %dma_wait3A_341 = tpu.memref_slice %arg7[%add3A_329] : memref<1600000xi32, #tpu.memory_space<hbm>> -> memref<4096xi32, #tpu.memory_space<hbm>>
      tpu.wait_dma2 semaphore(%arg28 : memref<!tpu.dma_semaphore, #tpu.memory_space<semaphore_mem>>) src(%dma_wait3A_341 : memref<4096xi32, #tpu.memory_space<hbm>>) dst(%dma_wait3A_340 : memref<4096xi32, #tpu.memory_space<vmem>>)
      %dma_wait3A_342 = arith.constant 0 : i32
      %dma_wait3A_343 = tpu.memref_slice %arg22[%dma_wait3A_342] : memref<4096xf32, #tpu.memory_space<vmem>> -> memref<4096xf32, #tpu.memory_space<vmem>>
      %dma_wait3A_344 = tpu.memref_slice %arg8[%add3A_329] : memref<1600000xf32, #tpu.memory_space<hbm>> -> memref<4096xf32, #tpu.memory_space<hbm>>
      %dma_wait3A_345 = arith.constant 0 : i32
      %dma_wait3A_346 = tpu.memref_slice %arg22[%dma_wait3A_345] : memref<4096xf32, #tpu.memory_space<vmem>> -> memref<4096xf32, #tpu.memory_space<vmem>>
      %dma_wait3A_347 = tpu.memref_slice %arg8[%add3A_329] : memref<1600000xf32, #tpu.memory_space<hbm>> -> memref<4096xf32, #tpu.memory_space<hbm>>
      tpu.wait_dma2 semaphore(%arg28 : memref<!tpu.dma_semaphore, #tpu.memory_space<semaphore_mem>>) src(%dma_wait3A_347 : memref<4096xf32, #tpu.memory_space<hbm>>) dst(%dma_wait3A_346 : memref<4096xf32, #tpu.memory_space<vmem>>)
      %ge3A_348 = arith.constant 2 : i32
      %ge3A_349 = arith.cmpi sge, %add3A_326, %ge3A_348 : i32
      %convert_element_type3A_350 = arith.extui %ge3A_349 : i1 to i32
      %cond3A_351 = arith.constant 0 : i32
      %cond3A_352 = arith.cmpi ne, %convert_element_type3A_350, %cond3A_351 : i32
      scf.if %cond3A_352 {
        %sub3A = arith.constant 2 : i32
        %sub3A_375 = arith.subi %add3A_326, %sub3A : i32
        %mul3A_376 = arith.constant 4096 : i32
        %mul3A_377 = arith.muli %sub3A_375, %mul3A_376 : i32
        %add3A_378 = arith.addi %mul3A_134, %mul3A_377 : i32
        %dma_wait3A_379 = arith.constant 0 : i32
        %dma_wait3A_380 = tpu.memref_slice %arg24[%dma_wait3A_379] : memref<4096xf32, #tpu.memory_space<vmem>> -> memref<4096xf32, #tpu.memory_space<vmem>>
        %dma_wait3A_381 = tpu.memref_slice %arg11[%add3A_378] : memref<1650000xf32, #tpu.memory_space<hbm>> -> memref<4096xf32, #tpu.memory_space<hbm>>
        %dma_wait3A_382 = tpu.memref_slice %arg11[%add3A_378] : memref<1650000xf32, #tpu.memory_space<hbm>> -> memref<4096xf32, #tpu.memory_space<hbm>>
        %dma_wait3A_383 = arith.constant 0 : i32
        %dma_wait3A_384 = tpu.memref_slice %arg24[%dma_wait3A_383] : memref<4096xf32, #tpu.memory_space<vmem>> -> memref<4096xf32, #tpu.memory_space<vmem>>
        tpu.wait_dma2 semaphore(%arg30 : memref<!tpu.dma_semaphore, #tpu.memory_space<semaphore_mem>>) src(%dma_wait3A_384 : memref<4096xf32, #tpu.memory_space<vmem>>) dst(%dma_wait3A_382 : memref<4096xf32, #tpu.memory_space<hbm>>)
      } else {
      }
      %parallel_loop3A_353 = arith.constant 0 : i32
      %parallel_loop3A_354 = arith.constant 256 : i32
      %parallel_loop3A_355 = arith.constant 1 : i32
      scf.for %parallel_loop3A_375 = %parallel_loop3A_353 to %parallel_loop3A_354 step %parallel_loop3A_355  : i32 {
        %parallel_loop3A_376 = arith.constant 16 : i32
        %parallel_loop3A_377 = arith.muli %parallel_loop3A_375, %parallel_loop3A_376 : i32
        %parallel_loop3A_378 = arith.index_cast %parallel_loop3A_377 : i32 to index
        %parallel_loop3A_379 = tpu.vector_load %arg18[%parallel_loop3A_378] {strides = array<i32>} : memref<4096xi32, #tpu.memory_space<vmem>>, vector<16xi32>,
        %parallel_loop3A_380 = tpu.vector_load_idx %arg13[%parallel_loop3A_379] : memref<50176xf32, #tpu.memory_space<vmem>>[vector<16xi32>], vector<16xf32>,
        %parallel_loop3A_381 = arith.index_cast %parallel_loop3A_377 : i32 to index
        %parallel_loop3A_382 = tpu.vector_load %arg20[%parallel_loop3A_381] {strides = array<i32>} : memref<4096xi32, #tpu.memory_space<vmem>>, vector<16xi32>,
        %parallel_loop3A_383 = tpu.vector_load_idx %arg13[%parallel_loop3A_382] : memref<50176xf32, #tpu.memory_space<vmem>>[vector<16xi32>], vector<16xf32>,
        %parallel_loop3A_384 = arith.index_cast %parallel_loop3A_377 : i32 to index
        %parallel_loop3A_385 = tpu.vector_load %arg22[%parallel_loop3A_384] {strides = array<i32>} : memref<4096xf32, #tpu.memory_space<vmem>>, vector<16xf32>,
        %parallel_loop3A_386 = arith.mulf %parallel_loop3A_385, %parallel_loop3A_380 : vector<16xf32>
        %parallel_loop3A_387 = arith.mulf %parallel_loop3A_386, %parallel_loop3A_383 : vector<16xf32>
        %parallel_loop3A_388 = arith.index_cast %parallel_loop3A_377 : i32 to index
        %parallel_loop3A_389 = tpu.vector_load %arg24[%parallel_loop3A_388] {strides = array<i32>} : memref<4096xf32, #tpu.memory_space<vmem>>, vector<16xf32>,
        tpu.vector_store %arg24[%parallel_loop3A_388], %parallel_loop3A_387 {strides = array<i32>} : memref<4096xf32, #tpu.memory_space<vmem>>, vector<16xf32>,
      } {sc.loop_unroll_factor = 8 : i64, sc.parallel_access}
      %mul3A_356 = arith.constant 4096 : i32
      %mul3A_357 = arith.muli %add3A_326, %mul3A_356 : i32
      %add3A_358 = arith.addi %mul3A_134, %mul3A_357 : i32
      %dma_start3A_359 = arith.constant 0 : i32
      %dma_start3A_360 = tpu.memref_slice %arg24[%dma_start3A_359] : memref<4096xf32, #tpu.memory_space<vmem>> -> memref<4096xf32, #tpu.memory_space<vmem>>
      %dma_start3A_361 = tpu.memref_slice %arg11[%add3A_358] : memref<1650000xf32, #tpu.memory_space<hbm>> -> memref<4096xf32, #tpu.memory_space<hbm>>
      %dma_start3A_362 = tpu.memref_slice %arg11[%add3A_358] : memref<1650000xf32, #tpu.memory_space<hbm>> -> memref<4096xf32, #tpu.memory_space<hbm>>
      %dma_start3A_363 = arith.constant 0 : i32
      %dma_start3A_364 = tpu.memref_slice %arg24[%dma_start3A_363] : memref<4096xf32, #tpu.memory_space<vmem>> -> memref<4096xf32, #tpu.memory_space<vmem>>
      tpu.enqueue_dma source(%dma_start3A_364 : memref<4096xf32, #tpu.memory_space<vmem>>) target(%dma_start3A_362 : memref<4096xf32, #tpu.memory_space<hbm>>) target_semaphore(%arg30 : memref<!tpu.dma_semaphore, #tpu.memory_space<semaphore_mem>>)
      %lt3A_365 = arith.constant 10 : i32
      %lt3A_366 = arith.cmpi slt, %add3A_326, %lt3A_365 : i32
      %convert_element_type3A_367 = arith.extui %lt3A_366 : i1 to i32
      %cond3A_368 = arith.constant 0 : i32
      %cond3A_369 = arith.cmpi ne, %convert_element_type3A_367, %cond3A_368 : i32
      scf.if %cond3A_369 {
        %add3A_375 = arith.constant 2 : i32
        %add3A_376 = arith.addi %add3A_326, %add3A_375 : i32
        %mul3A_377 = arith.constant 4096 : i32
        %mul3A_378 = arith.muli %add3A_376, %mul3A_377 : i32
        %add3A_379 = arith.addi %mul3A_134, %mul3A_378 : i32
        %dma_start3A_380 = arith.constant 0 : i32
        %dma_start3A_381 = tpu.memref_slice %arg18[%dma_start3A_380] : memref<4096xi32, #tpu.memory_space<vmem>> -> memref<4096xi32, #tpu.memory_space<vmem>>
        %dma_start3A_382 = tpu.memref_slice %arg6[%add3A_379] : memref<1600000xi32, #tpu.memory_space<hbm>> -> memref<4096xi32, #tpu.memory_space<hbm>>
        %dma_start3A_383 = arith.constant 0 : i32
        %dma_start3A_384 = tpu.memref_slice %arg18[%dma_start3A_383] : memref<4096xi32, #tpu.memory_space<vmem>> -> memref<4096xi32, #tpu.memory_space<vmem>>
        %dma_start3A_385 = tpu.memref_slice %arg6[%add3A_379] : memref<1600000xi32, #tpu.memory_space<hbm>> -> memref<4096xi32, #tpu.memory_space<hbm>>
        tpu.enqueue_dma source(%dma_start3A_385 : memref<4096xi32, #tpu.memory_space<hbm>>) target(%dma_start3A_384 : memref<4096xi32, #tpu.memory_space<vmem>>) target_semaphore(%arg28 : memref<!tpu.dma_semaphore, #tpu.memory_space<semaphore_mem>>)
        %dma_start3A_386 = arith.constant 0 : i32
        %dma_start3A_387 = tpu.memref_slice %arg20[%dma_start3A_386] : memref<4096xi32, #tpu.memory_space<vmem>> -> memref<4096xi32, #tpu.memory_space<vmem>>
        %dma_start3A_388 = tpu.memref_slice %arg7[%add3A_379] : memref<1600000xi32, #tpu.memory_space<hbm>> -> memref<4096xi32, #tpu.memory_space<hbm>>
        %dma_start3A_389 = arith.constant 0 : i32
        %dma_start3A_390 = tpu.memref_slice %arg20[%dma_start3A_389] : memref<4096xi32, #tpu.memory_space<vmem>> -> memref<4096xi32, #tpu.memory_space<vmem>>
        %dma_start3A_391 = tpu.memref_slice %arg7[%add3A_379] : memref<1600000xi32, #tpu.memory_space<hbm>> -> memref<4096xi32, #tpu.memory_space<hbm>>
        tpu.enqueue_dma source(%dma_start3A_391 : memref<4096xi32, #tpu.memory_space<hbm>>) target(%dma_start3A_390 : memref<4096xi32, #tpu.memory_space<vmem>>) target_semaphore(%arg28 : memref<!tpu.dma_semaphore, #tpu.memory_space<semaphore_mem>>)
        %dma_start3A_392 = arith.constant 0 : i32
        %dma_start3A_393 = tpu.memref_slice %arg22[%dma_start3A_392] : memref<4096xf32, #tpu.memory_space<vmem>> -> memref<4096xf32, #tpu.memory_space<vmem>>
        %dma_start3A_394 = tpu.memref_slice %arg8[%add3A_379] : memref<1600000xf32, #tpu.memory_space<hbm>> -> memref<4096xf32, #tpu.memory_space<hbm>>
        %dma_start3A_395 = arith.constant 0 : i32
        %dma_start3A_396 = tpu.memref_slice %arg22[%dma_start3A_395] : memref<4096xf32, #tpu.memory_space<vmem>> -> memref<4096xf32, #tpu.memory_space<vmem>>
        %dma_start3A_397 = tpu.memref_slice %arg8[%add3A_379] : memref<1600000xf32, #tpu.memory_space<hbm>> -> memref<4096xf32, #tpu.memory_space<hbm>>
        tpu.enqueue_dma source(%dma_start3A_397 : memref<4096xf32, #tpu.memory_space<hbm>>) target(%dma_start3A_396 : memref<4096xf32, #tpu.memory_space<vmem>>) target_semaphore(%arg28 : memref<!tpu.dma_semaphore, #tpu.memory_space<semaphore_mem>>)
      } else {
      }
      %eq3A_370 = arith.constant 10 : i32
      %eq3A_371 = arith.cmpi eq, %add3A_326, %eq3A_370 : i32
      %convert_element_type3A_372 = arith.extui %eq3A_371 : i1 to i32
      %cond3A_373 = arith.constant 0 : i32
      %cond3A_374 = arith.cmpi ne, %convert_element_type3A_372, %cond3A_373 : i32
      scf.if %cond3A_374 {
        %add3A_375 = arith.constant 49152 : i32
        %add3A_376 = arith.addi %mul3A_134, %add3A_375 : i32
        %dma_start3A_377 = arith.constant 0 : i32
        %dma_start3A_378 = tpu.memref_slice %arg17[%dma_start3A_377] : memref<4096xi32, #tpu.memory_space<vmem>> -> memref<848xi32, #tpu.memory_space<vmem>>
        %dma_start3A_379 = tpu.memref_slice %arg6[%add3A_376] : memref<1600000xi32, #tpu.memory_space<hbm>> -> memref<848xi32, #tpu.memory_space<hbm>>
        %dma_start3A_380 = arith.constant 0 : i32
        %dma_start3A_381 = tpu.memref_slice %arg17[%dma_start3A_380] : memref<4096xi32, #tpu.memory_space<vmem>> -> memref<848xi32, #tpu.memory_space<vmem>>
        %dma_start3A_382 = tpu.memref_slice %arg6[%add3A_376] : memref<1600000xi32, #tpu.memory_space<hbm>> -> memref<848xi32, #tpu.memory_space<hbm>>
        tpu.enqueue_dma source(%dma_start3A_382 : memref<848xi32, #tpu.memory_space<hbm>>) target(%dma_start3A_381 : memref<848xi32, #tpu.memory_space<vmem>>) target_semaphore(%arg27 : memref<!tpu.dma_semaphore, #tpu.memory_space<semaphore_mem>>)
        %dma_start3A_383 = arith.constant 0 : i32
        %dma_start3A_384 = tpu.memref_slice %arg19[%dma_start3A_383] : memref<4096xi32, #tpu.memory_space<vmem>> -> memref<848xi32, #tpu.memory_space<vmem>>
        %dma_start3A_385 = tpu.memref_slice %arg7[%add3A_376] : memref<1600000xi32, #tpu.memory_space<hbm>> -> memref<848xi32, #tpu.memory_space<hbm>>
        %dma_start3A_386 = arith.constant 0 : i32
        %dma_start3A_387 = tpu.memref_slice %arg19[%dma_start3A_386] : memref<4096xi32, #tpu.memory_space<vmem>> -> memref<848xi32, #tpu.memory_space<vmem>>
        %dma_start3A_388 = tpu.memref_slice %arg7[%add3A_376] : memref<1600000xi32, #tpu.memory_space<hbm>> -> memref<848xi32, #tpu.memory_space<hbm>>
        tpu.enqueue_dma source(%dma_start3A_388 : memref<848xi32, #tpu.memory_space<hbm>>) target(%dma_start3A_387 : memref<848xi32, #tpu.memory_space<vmem>>) target_semaphore(%arg27 : memref<!tpu.dma_semaphore, #tpu.memory_space<semaphore_mem>>)
        %dma_start3A_389 = arith.constant 0 : i32
        %dma_start3A_390 = tpu.memref_slice %arg21[%dma_start3A_389] : memref<4096xf32, #tpu.memory_space<vmem>> -> memref<848xf32, #tpu.memory_space<vmem>>
        %dma_start3A_391 = tpu.memref_slice %arg8[%add3A_376] : memref<1600000xf32, #tpu.memory_space<hbm>> -> memref<848xf32, #tpu.memory_space<hbm>>
        %dma_start3A_392 = arith.constant 0 : i32
        %dma_start3A_393 = tpu.memref_slice %arg21[%dma_start3A_392] : memref<4096xf32, #tpu.memory_space<vmem>> -> memref<848xf32, #tpu.memory_space<vmem>>
        %dma_start3A_394 = tpu.memref_slice %arg8[%add3A_376] : memref<1600000xf32, #tpu.memory_space<hbm>> -> memref<848xf32, #tpu.memory_space<hbm>>
        tpu.enqueue_dma source(%dma_start3A_394 : memref<848xf32, #tpu.memory_space<hbm>>) target(%dma_start3A_393 : memref<848xf32, #tpu.memory_space<vmem>>) target_semaphore(%arg27 : memref<!tpu.dma_semaphore, #tpu.memory_space<semaphore_mem>>)
      } else {
      }
    }
    %scan3A_211 = arith.constant 6 : i32
    %add3A_212 = arith.constant 49152 : i32
    %add3A_213 = arith.addi %mul3A_134, %add3A_212 : i32
    %dma_wait3A_214 = arith.constant 0 : i32
    %dma_wait3A_215 = tpu.memref_slice %arg17[%dma_wait3A_214] : memref<4096xi32, #tpu.memory_space<vmem>> -> memref<848xi32, #tpu.memory_space<vmem>>
    %dma_wait3A_216 = tpu.memref_slice %arg6[%add3A_213] : memref<1600000xi32, #tpu.memory_space<hbm>> -> memref<848xi32, #tpu.memory_space<hbm>>
    %dma_wait3A_217 = arith.constant 0 : i32
    %dma_wait3A_218 = tpu.memref_slice %arg17[%dma_wait3A_217] : memref<4096xi32, #tpu.memory_space<vmem>> -> memref<848xi32, #tpu.memory_space<vmem>>
    %dma_wait3A_219 = tpu.memref_slice %arg6[%add3A_213] : memref<1600000xi32, #tpu.memory_space<hbm>> -> memref<848xi32, #tpu.memory_space<hbm>>
    tpu.wait_dma2 semaphore(%arg27 : memref<!tpu.dma_semaphore, #tpu.memory_space<semaphore_mem>>) src(%dma_wait3A_219 : memref<848xi32, #tpu.memory_space<hbm>>) dst(%dma_wait3A_218 : memref<848xi32, #tpu.memory_space<vmem>>)
    %dma_wait3A_220 = arith.constant 0 : i32
    %dma_wait3A_221 = tpu.memref_slice %arg19[%dma_wait3A_220] : memref<4096xi32, #tpu.memory_space<vmem>> -> memref<848xi32, #tpu.memory_space<vmem>>
    %dma_wait3A_222 = tpu.memref_slice %arg7[%add3A_213] : memref<1600000xi32, #tpu.memory_space<hbm>> -> memref<848xi32, #tpu.memory_space<hbm>>
    %dma_wait3A_223 = arith.constant 0 : i32
    %dma_wait3A_224 = tpu.memref_slice %arg19[%dma_wait3A_223] : memref<4096xi32, #tpu.memory_space<vmem>> -> memref<848xi32, #tpu.memory_space<vmem>>
    %dma_wait3A_225 = tpu.memref_slice %arg7[%add3A_213] : memref<1600000xi32, #tpu.memory_space<hbm>> -> memref<848xi32, #tpu.memory_space<hbm>>
    tpu.wait_dma2 semaphore(%arg27 : memref<!tpu.dma_semaphore, #tpu.memory_space<semaphore_mem>>) src(%dma_wait3A_225 : memref<848xi32, #tpu.memory_space<hbm>>) dst(%dma_wait3A_224 : memref<848xi32, #tpu.memory_space<vmem>>)
    %dma_wait3A_226 = arith.constant 0 : i32
    %dma_wait3A_227 = tpu.memref_slice %arg21[%dma_wait3A_226] : memref<4096xf32, #tpu.memory_space<vmem>> -> memref<848xf32, #tpu.memory_space<vmem>>
    %dma_wait3A_228 = tpu.memref_slice %arg8[%add3A_213] : memref<1600000xf32, #tpu.memory_space<hbm>> -> memref<848xf32, #tpu.memory_space<hbm>>
    %dma_wait3A_229 = arith.constant 0 : i32
    %dma_wait3A_230 = tpu.memref_slice %arg21[%dma_wait3A_229] : memref<4096xf32, #tpu.memory_space<vmem>> -> memref<848xf32, #tpu.memory_space<vmem>>
    %dma_wait3A_231 = tpu.memref_slice %arg8[%add3A_213] : memref<1600000xf32, #tpu.memory_space<hbm>> -> memref<848xf32, #tpu.memory_space<hbm>>
    tpu.wait_dma2 semaphore(%arg27 : memref<!tpu.dma_semaphore, #tpu.memory_space<semaphore_mem>>) src(%dma_wait3A_231 : memref<848xf32, #tpu.memory_space<hbm>>) dst(%dma_wait3A_230 : memref<848xf32, #tpu.memory_space<vmem>>)
    %add3A_232 = arith.constant 40960 : i32
    %add3A_233 = arith.addi %mul3A_134, %add3A_232 : i32
    %dma_wait3A_234 = arith.constant 0 : i32
    %dma_wait3A_235 = tpu.memref_slice %arg23[%dma_wait3A_234] : memref<4096xf32, #tpu.memory_space<vmem>> -> memref<4096xf32, #tpu.memory_space<vmem>>
    %dma_wait3A_236 = tpu.memref_slice %arg11[%add3A_233] : memref<1650000xf32, #tpu.memory_space<hbm>> -> memref<4096xf32, #tpu.memory_space<hbm>>
    %dma_wait3A_237 = tpu.memref_slice %arg11[%add3A_233] : memref<1650000xf32, #tpu.memory_space<hbm>> -> memref<4096xf32, #tpu.memory_space<hbm>>
    %dma_wait3A_238 = arith.constant 0 : i32
    %dma_wait3A_239 = tpu.memref_slice %arg23[%dma_wait3A_238] : memref<4096xf32, #tpu.memory_space<vmem>> -> memref<4096xf32, #tpu.memory_space<vmem>>
    tpu.wait_dma2 semaphore(%arg29 : memref<!tpu.dma_semaphore, #tpu.memory_space<semaphore_mem>>) src(%dma_wait3A_239 : memref<4096xf32, #tpu.memory_space<vmem>>) dst(%dma_wait3A_237 : memref<4096xf32, #tpu.memory_space<hbm>>)
    %parallel_loop3A_240 = arith.constant 0 : i32
    %parallel_loop3A_241 = arith.constant 53 : i32
    %parallel_loop3A_242 = arith.constant 1 : i32
    scf.for %parallel_loop3A_272 = %parallel_loop3A_240 to %parallel_loop3A_241 step %parallel_loop3A_242  : i32 {
      %parallel_loop3A_273 = arith.constant 16 : i32
      %parallel_loop3A_274 = arith.muli %parallel_loop3A_272, %parallel_loop3A_273 : i32
      %parallel_loop3A_275 = arith.index_cast %parallel_loop3A_274 : i32 to index
      %parallel_loop3A_276 = tpu.vector_load %arg17[%parallel_loop3A_275] {strides = array<i32>} : memref<4096xi32, #tpu.memory_space<vmem>>, vector<16xi32>,
      %parallel_loop3A_277 = tpu.vector_load_idx %arg13[%parallel_loop3A_276] : memref<50176xf32, #tpu.memory_space<vmem>>[vector<16xi32>], vector<16xf32>,
      %parallel_loop3A_278 = arith.index_cast %parallel_loop3A_274 : i32 to index
      %parallel_loop3A_279 = tpu.vector_load %arg19[%parallel_loop3A_278] {strides = array<i32>} : memref<4096xi32, #tpu.memory_space<vmem>>, vector<16xi32>,
      %parallel_loop3A_280 = tpu.vector_load_idx %arg13[%parallel_loop3A_279] : memref<50176xf32, #tpu.memory_space<vmem>>[vector<16xi32>], vector<16xf32>,
      %parallel_loop3A_281 = arith.index_cast %parallel_loop3A_274 : i32 to index
      %parallel_loop3A_282 = tpu.vector_load %arg21[%parallel_loop3A_281] {strides = array<i32>} : memref<4096xf32, #tpu.memory_space<vmem>>, vector<16xf32>,
      %parallel_loop3A_283 = arith.mulf %parallel_loop3A_282, %parallel_loop3A_277 : vector<16xf32>
      %parallel_loop3A_284 = arith.mulf %parallel_loop3A_283, %parallel_loop3A_280 : vector<16xf32>
      %parallel_loop3A_285 = arith.index_cast %parallel_loop3A_274 : i32 to index
      %parallel_loop3A_286 = tpu.vector_load %arg23[%parallel_loop3A_285] {strides = array<i32>} : memref<4096xf32, #tpu.memory_space<vmem>>, vector<16xf32>,
      tpu.vector_store %arg23[%parallel_loop3A_285], %parallel_loop3A_284 {strides = array<i32>} : memref<4096xf32, #tpu.memory_space<vmem>>, vector<16xf32>,
    } {sc.loop_unroll_factor = 1 : i64, sc.parallel_access}
    %add3A_243 = arith.constant 49152 : i32
    %add3A_244 = arith.addi %mul3A_134, %add3A_243 : i32
    %dma_start3A_245 = arith.constant 0 : i32
    %dma_start3A_246 = tpu.memref_slice %arg23[%dma_start3A_245] : memref<4096xf32, #tpu.memory_space<vmem>> -> memref<848xf32, #tpu.memory_space<vmem>>
    %dma_start3A_247 = tpu.memref_slice %arg11[%add3A_244] : memref<1650000xf32, #tpu.memory_space<hbm>> -> memref<848xf32, #tpu.memory_space<hbm>>
    %dma_start3A_248 = tpu.memref_slice %arg11[%add3A_244] : memref<1650000xf32, #tpu.memory_space<hbm>> -> memref<848xf32, #tpu.memory_space<hbm>>
    %dma_start3A_249 = arith.constant 0 : i32
    %dma_start3A_250 = tpu.memref_slice %arg23[%dma_start3A_249] : memref<4096xf32, #tpu.memory_space<vmem>> -> memref<848xf32, #tpu.memory_space<vmem>>
    tpu.enqueue_dma source(%dma_start3A_250 : memref<848xf32, #tpu.memory_space<vmem>>) target(%dma_start3A_248 : memref<848xf32, #tpu.memory_space<hbm>>) target_semaphore(%arg29 : memref<!tpu.dma_semaphore, #tpu.memory_space<semaphore_mem>>)
    %add3A_251 = arith.constant 45056 : i32
    %add3A_252 = arith.addi %mul3A_134, %add3A_251 : i32
    %dma_wait3A_253 = arith.constant 0 : i32
    %dma_wait3A_254 = tpu.memref_slice %arg24[%dma_wait3A_253] : memref<4096xf32, #tpu.memory_space<vmem>> -> memref<4096xf32, #tpu.memory_space<vmem>>
    %dma_wait3A_255 = tpu.memref_slice %arg11[%add3A_252] : memref<1650000xf32, #tpu.memory_space<hbm>> -> memref<4096xf32, #tpu.memory_space<hbm>>
    %dma_wait3A_256 = tpu.memref_slice %arg11[%add3A_252] : memref<1650000xf32, #tpu.memory_space<hbm>> -> memref<4096xf32, #tpu.memory_space<hbm>>
    %dma_wait3A_257 = arith.constant 0 : i32
    %dma_wait3A_258 = tpu.memref_slice %arg24[%dma_wait3A_257] : memref<4096xf32, #tpu.memory_space<vmem>> -> memref<4096xf32, #tpu.memory_space<vmem>>
    tpu.wait_dma2 semaphore(%arg30 : memref<!tpu.dma_semaphore, #tpu.memory_space<semaphore_mem>>) src(%dma_wait3A_258 : memref<4096xf32, #tpu.memory_space<vmem>>) dst(%dma_wait3A_256 : memref<4096xf32, #tpu.memory_space<hbm>>)
    %add3A_259 = arith.constant 49152 : i32
    %add3A_260 = arith.addi %mul3A_134, %add3A_259 : i32
    %dma_wait3A_261 = arith.constant 0 : i32
    %dma_wait3A_262 = tpu.memref_slice %arg23[%dma_wait3A_261] : memref<4096xf32, #tpu.memory_space<vmem>> -> memref<848xf32, #tpu.memory_space<vmem>>
    %dma_wait3A_263 = tpu.memref_slice %arg11[%add3A_260] : memref<1650000xf32, #tpu.memory_space<hbm>> -> memref<848xf32, #tpu.memory_space<hbm>>
    %dma_wait3A_264 = tpu.memref_slice %arg11[%add3A_260] : memref<1650000xf32, #tpu.memory_space<hbm>> -> memref<848xf32, #tpu.memory_space<hbm>>
    %dma_wait3A_265 = arith.constant 0 : i32
    %dma_wait3A_266 = tpu.memref_slice %arg23[%dma_wait3A_265] : memref<4096xf32, #tpu.memory_space<vmem>> -> memref<848xf32, #tpu.memory_space<vmem>>
    tpu.wait_dma2 semaphore(%arg29 : memref<!tpu.dma_semaphore, #tpu.memory_space<semaphore_mem>>) src(%dma_wait3A_266 : memref<848xf32, #tpu.memory_space<vmem>>) dst(%dma_wait3A_264 : memref<848xf32, #tpu.memory_space<hbm>>)
    %lt3A_267 = arith.constant 25 : i32
    "tpu.trace_stop"() : () -> ()
    "tpu.trace_start"() <{level = 10 : i32, message = "k2_diag"}> : () -> ()
    %lt3A_268 = arith.cmpi slt, %add3A, %lt3A_267 : i32
    %convert_element_type3A_269 = arith.extui %lt3A_268 : i1 to i32
    %cond3A_270 = arith.constant 0 : i32
    %cond3A_271 = arith.cmpi ne, %convert_element_type3A_269, %cond3A_270 : i32
    scf.if %cond3A_271 {
      %mul3A_272 = arith.constant 2000 : i32
      %mul3A_273 = arith.muli %add3A, %mul3A_272 : i32
      %parallel_loop3A_274 = arith.constant 0 : i32
      %parallel_loop3A_275 = arith.constant 125 : i32
      %parallel_loop3A_276 = arith.constant 1 : i32
      scf.for %parallel_loop3A_279 = %parallel_loop3A_274 to %parallel_loop3A_275 step %parallel_loop3A_276  : i32 {
        %parallel_loop3A_280 = arith.constant 16 : i32
        %parallel_loop3A_281 = arith.muli %parallel_loop3A_279, %parallel_loop3A_280 : i32
        %parallel_loop3A_282 = arith.addi %mul3A_273, %parallel_loop3A_281 : i32
        %parallel_loop3A_283 = arith.index_cast %parallel_loop3A_282 : i32 to index
        %parallel_loop3A_284 = tpu.vector_load %arg13[%parallel_loop3A_283] {strides = array<i32>} : memref<50176xf32, #tpu.memory_space<vmem>>, vector<16xf32>,
        %parallel_loop3A_285 = arith.mulf %parallel_loop3A_284, %parallel_loop3A_284 : vector<16xf32>
        %parallel_loop3A_286 = arith.constant 16 : i32
        %parallel_loop3A_287 = arith.muli %parallel_loop3A_279, %parallel_loop3A_286 : i32
        %parallel_loop3A_288 = arith.index_cast %parallel_loop3A_287 : i32 to index
        %parallel_loop3A_289 = tpu.vector_load %arg23[%parallel_loop3A_288] {strides = array<i32>} : memref<4096xf32, #tpu.memory_space<vmem>>, vector<16xf32>,
        tpu.vector_store %arg23[%parallel_loop3A_288], %parallel_loop3A_285 {strides = array<i32>} : memref<4096xf32, #tpu.memory_space<vmem>>, vector<16xf32>,
      } {sc.loop_unroll_factor = 5 : i64, sc.parallel_access}
      %add3A_277 = arith.constant 1600000 : i32
      %add3A_278 = arith.addi %add3A_277, %mul3A_273 : i32
      "tpu.region"() ({
        %run_scoped3A = tpu.sem_alloc : memref<!tpu.dma_semaphore, #tpu.memory_space<semaphore_mem>>
        %dma_start3A_279 = arith.constant 0 : i32
        %dma_start3A_280 = tpu.memref_slice %arg23[%dma_start3A_279] : memref<4096xf32, #tpu.memory_space<vmem>> -> memref<2000xf32, #tpu.memory_space<vmem>>
        %dma_start3A_281 = tpu.memref_slice %arg11[%add3A_278] : memref<1650000xf32, #tpu.memory_space<hbm>> -> memref<2000xf32, #tpu.memory_space<hbm>>
        %dma_start3A_282 = tpu.memref_slice %arg11[%add3A_278] : memref<1650000xf32, #tpu.memory_space<hbm>> -> memref<2000xf32, #tpu.memory_space<hbm>>
        %dma_start3A_283 = arith.constant 0 : i32
        %dma_start3A_284 = tpu.memref_slice %arg23[%dma_start3A_283] : memref<4096xf32, #tpu.memory_space<vmem>> -> memref<2000xf32, #tpu.memory_space<vmem>>
        tpu.enqueue_dma source(%dma_start3A_284 : memref<2000xf32, #tpu.memory_space<vmem>>) target(%dma_start3A_282 : memref<2000xf32, #tpu.memory_space<hbm>>) target_semaphore(%run_scoped3A : memref<!tpu.dma_semaphore, #tpu.memory_space<semaphore_mem>>)
        %dma_wait3A_285 = arith.constant 0 : i32
        %dma_wait3A_286 = tpu.memref_slice %arg23[%dma_wait3A_285] : memref<4096xf32, #tpu.memory_space<vmem>> -> memref<2000xf32, #tpu.memory_space<vmem>>
        %dma_wait3A_287 = tpu.memref_slice %arg11[%add3A_278] : memref<1650000xf32, #tpu.memory_space<hbm>> -> memref<2000xf32, #tpu.memory_space<hbm>>
        %dma_wait3A_288 = tpu.memref_slice %arg11[%add3A_278] : memref<1650000xf32, #tpu.memory_space<hbm>> -> memref<2000xf32, #tpu.memory_space<hbm>>
        %dma_wait3A_289 = arith.constant 0 : i32
        %dma_wait3A_290 = tpu.memref_slice %arg23[%dma_wait3A_289] : memref<4096xf32, #tpu.memory_space<vmem>> -> memref<2000xf32, #tpu.memory_space<vmem>>
        tpu.wait_dma2 semaphore(%run_scoped3A : memref<!tpu.dma_semaphore, #tpu.memory_space<semaphore_mem>>) src(%dma_wait3A_290 : memref<2000xf32, #tpu.memory_space<vmem>>) dst(%dma_wait3A_288 : memref<2000xf32, #tpu.memory_space<hbm>>)
        tpu.yield
      }) : () -> ()
    } else {
    }
    "tpu.trace_stop"() : () -> ()
    return
  }
}

</mosaic_0001>

<sc_bundles>
// kernel: kernel.4.cloned.1.call-start
scs
__scs_entry_jumppad:
0x0: {  	(pc) =	sbr.rel $0x88, $3  }
0x1: {  	(tag) =	ssettag $0x0;
	lr =	simm.s32 $0x1  }
0x2: {  	[smem:$0x3F97] =	sst lr;
	_ =	strace $0xD0000000  }
0x3: {  	_ = 	snop  }
0x4: {  	_ = 	snop  }
0x5: {  	_ = 	snop  }
0x6: {  	_ = 	snop  }
0x7: {  	_ = 	snop  }
__scs_overlays_trampoline_lowered:
0x8: {  	[smem:$0x3FA6] =	sst s0  }
0x9: {  	[smem:$0x3FA7] =	sst s1  }
0xa: {  	[smem:$0x3FA8] =	sst s2  }
0xb: {  	[smem:$0x3FA9] =	sst s3  }
0xc: {  	[smem:$0x3FAA] =	sst s4  }
0xd: {  	[smem:$0x3FAB] =	sst s5  }
0xe: {  	[smem:$0x3FAC] =	sst s6  }
0xf: {  	[smem:$0x3FAD] =	sst s7  }
0x10: {  	[smem:$0x3FAE] =	sst s8  }
0x11: {  	[smem:$0x3FAF] =	sst s9;
	s0 =	simm.s32 @!p0 $0x0  }
0x12: {  	s1 =	sld [smem:$0x3F95];
	s0 =	simm.s32 @p0 $0x1  }
0x13: {  	[smem:$0x3FB0] =	sst s0;
	s0 =	simm.s32 @!p1 $0x0  }
0x14: {  	s2 =	sld [smem:$0x3F94];
	s0 =	simm.s32 @p1 $0x1  }
0x15: {  	[smem:$0x3FB1] =	sst s0;
	s0 =	simm.s32 @!p2 $0x0  }
0x16: {  	s3 =	sld [smem:$0x3FDB];
	s0 =	simm.s32 @p2 $0x1  }
0x17: {  	s4 =	simm.s32 $0x1BF5;
	[smem:$0x3FB3] =	sst s0  }
0x18: {  	s0 =	sld [smem:$0x3F96];
	_ =	swait.ge [sflag:s4], $0x0  }
0x19: {  	s7 =	sld [smem:$0x3F97]  }
0x1a: {  	s8 =	sadd.s32 $0xFFFFE003, lr  }
0x1b: {  	s9 =	sadd.s32 $0xFFFFFEF7, lr;
	s5 =	simm.s32 $0xFFFFFFFF;
	p2 =	slt.u32 s8, $0xFFFFF086  }
0x1c: {  	p1 =	slt.u32 s9, $0xF7A;
	s5 =	simm.s32 @!p2 $0x0  }
0x1d: {  	s5 =	simm.s32 @p1 $0x1;
	p0 =	seq.s32 s7, s2  }
0x1e: {  	s7 =	smul.u32 @!p0 $0xF7A, s2;
	p2 =	seq.s32 @!p0 s5, $0x0  }
0x1f: {  	s9 =	smul.u32 $0xF7A, s1;
	s8 =	simm.s32 @!p0 $0x1BF5;
	p2 =	por !p2, p0  }
0x20: {  	[sflag:s8] =	ssyncset.s32 @!p0 $0xFFFFF086;
	s6 =	sadd.s32 @!p0 s3, s7;
	s7 =	simm.s32 @!p0 $0x108  }
0x21: {  	s3 =	sadd.s32 s3, s9;
	s6 =	sadd.s32 @!p0 $0x88, s6;
	s7 =	simm.s32 @p2 $0x1082  }
0x22: {  	[simem:s7], [sflag:s8] =	dma.local @!p0 [hbm:s6], $0xF7A  }
0x23: {  	s9 =	sor.u32 $0xD0000000, s2;
	s6 =	simm.s32 $0x108;
	_ =	swait.ge @!p0 [sflag:s8], $0x0  }
0x24: {  	s3 =	sadd.s32 $0x88, s3;
	s6 =	simm.s32 @!p1 $0x1082;
	[sflag:s4] =	ssyncset.s32 $0xFFFFF086  }
0x25: {  	[simem:s6], [sflag:s4] =	dma.local [hbm:s3], $0xF7A  }
0x26: {  	[smem:$0x3F97] =	sst s1;
	(tag) =	ssettag s2;
	_ =	strace s9  }
0x27: {  	s1 =	sld [smem:$0x3FA7]  }
0x28: {  	s2 =	sld [smem:$0x3FA8]  }
0x29: {  	s4 =	sld [smem:$0x3FAA]  }
0x2a: {  	p0 =	seq.s32 s5, $0x0;
	s5 =	sld [smem:$0x3FAB]  }
0x2b: {  	s6 =	sld [smem:$0x3FAC]  }
0x2c: {  	s7 =	sld [smem:$0x3FAD]  }
0x2d: {  	s3 =	simm.s32 $0x108;
	s8 =	sld [smem:$0x3FAE]  }
0x2e: {  	s3 =	simm.s32 @!p0 $0x1082;
	s9 =	sld [smem:$0x3FAF]  }
0x2f: {  	lr =	sadd.s32 s0, s3;
	s0 =	sld [smem:$0x3FA6]  }
0x30: {  	s3 =	sld [smem:$0x3FA9]  }
0x31: {  	[smem:$0x3FB2] =	sst s10  }
0x32: {  	s10 =	sld [smem:$0x3FB0];
	_ =	sdelay $0x3  }
0x33: {  	p0 =	seq.s32 s10, $0x1;
	s10 =	sld [smem:$0x3FB2];
	_ =	sdelay $0x3  }
0x34: {  	[smem:$0x3FB2] =	sst s10  }
0x35: {  	s10 =	sld [smem:$0x3FB1];
	_ =	sdelay $0x3  }
0x36: {  	p1 =	seq.s32 s10, $0x1;
	s10 =	sld [smem:$0x3FB2];
	_ =	sdelay $0x3  }
0x37: {  	[smem:$0x3FB2] =	sst s10  }
0x38: {  	s10 =	sld [smem:$0x3FB3]  }
0x39: {  	_ = 	snop;
	(pc) =	sbr.ind lr, $3  }
0x3a: {  	_ = 	snop  }
0x3b: {  	_ = 	snop  }
0x3c: {  	p2 =	seq.s32 s10, $0x1;
	s10 =	sld [smem:$0x3FB2]  }
0x3d: {  	_ =	shalt  }
0x3e: {  	_ =	shalt  }
0x3f: {  	_ =	shalt  }
0x40: {  	_ =	shalt  }
0x41: {  	_ =	shalt  }
0x42: {  	_ =	shalt  }
0x43: {  	_ =	shalt  }
0x44: {  	_ =	shalt  }
0x45: {  	_ =	shalt  }
0x46: {  	_ =	shalt  }
0x47: {  	_ =	shalt  }
0x48: {  	_ =	shalt  }
0x49: {  	_ =	shalt  }
0x4a: {  	_ =	shalt  }
0x4b: {  	_ =	shalt  }
0x4c: {  	_ =	shalt  }
0x4d: {  	_ =	shalt  }
0x4e: {  	_ =	shalt  }
0x4f: {  	_ =	shalt  }
0x50: {  	_ =	shalt  }
0x51: {  	_ =	shalt  }
0x52: {  	_ =	shalt  }
0x53: {  	_ =	shalt  }
0x54: {  	_ =	shalt  }
0x55: {  	_ =	shalt  }
0x56: {  	_ =	shalt  }
0x57: {  	_ =	shalt  }
0x58: {  	_ =	shalt  }
0x59: {  	_ =	shalt  }
0x5a: {  	_ =	shalt  }
0x5b: {  	_ =	shalt  }
0x5c: {  	_ =	shalt  }
0x5d: {  	_ =	shalt  }
0x5e: {  	_ =	shalt  }
0x5f: {  	_ =	shalt  }
0x60: {  	_ =	shalt  }
0x61: {  	_ =	shalt  }
0x62: {  	_ =	shalt  }
0x63: {  	_ =	shalt  }
0x64: {  	_ =	shalt  }
0x65: {  	_ =	shalt  }
0x66: {  	_ =	shalt  }
0x67: {  	_ =	shalt  }
0x68: {  	_ =	shalt  }
0x69: {  	_ =	shalt  }
0x6a: {  	_ =	shalt  }
0x6b: {  	_ =	shalt  }
0x6c: {  	_ =	shalt  }
0x6d: {  	_ =	shalt  }
0x6e: {  	_ =	shalt  }
0x6f: {  	_ =	shalt  }
0x70: {  	_ =	shalt  }
0x71: {  	_ =	shalt  }
0x72: {  	_ =	shalt  }
0x73: {  	_ =	shalt  }
0x74: {  	_ =	shalt  }
0x75: {  	_ =	shalt  }
0x76: {  	_ =	shalt  }
0x77: {  	_ =	shalt  }
0x78: {  	_ =	shalt  }
0x79: {  	_ =	shalt  }
0x7a: {  	_ =	shalt  }
0x7b: {  	_ =	shalt  }
0x7c: {  	_ =	shalt  }
0x7d: {  	_ =	shalt  }
0x7e: {  	_ =	shalt  }
0x7f: {  	_ =	shalt  }
0x80: {  	_ =	shalt  }
0x81: {  	_ =	shalt  }
0x82: {  	_ =	shalt  }
0x83: {  	_ =	shalt  }
0x84: {  	_ =	shalt  }
0x85: {  	_ =	shalt  }
0x86: {  	_ =	shalt  }
0x87: {  	_ =	shalt  }
.Lfunc_end0:
.L_simem_size_0:
called_computation_lowered:
.L_overlay_start_0:
0x88: {  	s2 =	sld [smem:$0x3FD9]  }
0x89: {  	s3 =	sld [smem:$0x3FFE];
	_ =	sdelay $0x1  }
0x8a: {  	s1 =	srdreg.scid  }
0x8b: {  	s0 =	sand.u32 $0x1, s1  }
0x8c: {  	s17 =	sshll.u32 s0, $0xA;
	s2 =	sadd.s32 s3, s2  }
0x8d: {  	s2 =	sadd.s32 s2, s17  }
0x8e: {  	[smem:$0x3FBE] =	sst s2  }
0x8f: {  	_ = 	snop  }
0x90: {  	s2 =	sld [smem:$0x3FC9]  }
0x91: {  	s18 =	sld [smem:$0x3FC8]  }
0x92: {  	s4 =	sld [smem:$0x3FC7]  }
0x93: {  	s5 =	sld [smem:$0x3FC6]  }
0x94: {  	s6 =	sld [smem:$0x3FC5]  }
0x95: {  	s7 =	sld [smem:$0x3FC4]  }
0x96: {  	s8 =	sld [smem:$0x3FC3]  }
0x97: {  	s9 =	sld [smem:$0x3FC1];
	(tm) =	ssettm $0x1  }
0x98: {  	s10 =	sld [smem:$0x3FFB];
	_ =	sdelay $0x3  }
0x99: {  	_ =	strace s10  }
0x9a: {  	s10 =	sld [smem:$0x3FFC];
	_ =	sdelay $0x3  }
0x9b: {  	_ =	strace s10  }
0x9c: {  	s10 =	sld [smem:$0x3FFD];
	_ =	sdelay $0x3  }
0x9d: {  	_ =	strace s10  }
0x9e: {  	_ =	strace $0x8FFFFFFF  }
0x9f: {  	s19 =	sld [smem:$0x3FDB];
	_ =	sdelay $0x1  }
0xa0: {  	s11 =	simm.s32 $_scs_section_size  }
0xa1: {  	s12 =	simm.s32 $_size__tile_overlayer_lowered;
	s13 =	simm.s32 $_tile_overlayer_lowered  }
0xa2: {  	s22 =	simm.s32 $0x1BFF;
	s21 =	sshll.u32 s13, $0x1;
	s10 =	sadd.s32 s11, s19  }
0xa3: {  	s14 =	simm.s32 $0x0;
	s20 =	sshll.u32 s12, $0x1;
	s12 =	sadd.s32 s21, s10  }
0xa4: {  	[timem:s14], [sflag:s22] =	dma.local [hbm:s12], s20  }
0xa5: {  	_ =	swait.ge [sflag:s22], s20  }
0xa6: {  	s11 =	ssub.s32 $0x0, s20;
	[sflag:s22] =	ssyncset.done $0x0  }
0xa7: {  	[sflag:s22] =	ssyncadd.s32 s11;
	_ =	sdelay $0x1  }
0xa8: {  	s23 =	simm.s32 $0x1B8B  }
0xa9: {  	_ =	swait.ge [sflag:s23], $0x1  }
0xaa: {  	[sflag:s23] =	ssyncset.done $0x0  }
0xab: {  	s25 =	simm.s32 $0x1B8E;
	s24 =	sld [smem:$0x3FFE];
	[sflag:s23] =	ssyncadd.s32 $0xFFFFFFFF  }
0xac: {  	s26 =	simm.s32 $execute0_lowered;
	[smem:$0x3FD2] =	sst s25  }
0xad: {  	s12 =	sshll.u32 s26, $0x1;
	_ =	strace $0x80000046;
	[dreg:$0x1] =	wrdreg $0xFFFFFFFF  }
0xae: {  	s28 =	simm.s32 $_size_execute0_lowered;
	s10 =	sadd.s32 s10, s12;
	[dreg:$0x0] =	wrdreg $0x0  }
0xaf: {  	s12 =	sshll.u32 s28, $0x1;
	[dreg:$0x2] =	wrdreg s10  }
0xb0: {  	[dreg:$0x3] =	wrdreg s12  }
0xb1: {  	[dreg:$0x4] =	wrdreg $0xC0  }
0xb2: {  	_ =	task [dreg:s14], $0x5FFFF  }
0xb3: {  	[dreg:$0x1] =	wrdreg $0xFFFFFFFF  }
0xb4: {  	[dreg:$0x0] =	wrdreg $0x60  }
0xb5: {  	[dreg:$0x2] =	wrdreg s2  }
0xb6: {  	[dreg:$0x3] =	wrdreg s18  }
0xb7: {  	[dreg:$0x4] =	wrdreg s4  }
0xb8: {  	[dreg:$0x5] =	wrdreg s8  }
0xb9: {  	[dreg:$0x6] =	wrdreg s5  }
0xba: {  	[dreg:$0x7] =	wrdreg s6  }
0xbb: {  	[dreg:$0x8] =	wrdreg s7  }
0xbc: {  	[dreg:$0x9] =	wrdreg s9  }
0xbd: {  	[dreg:$0xa] =	wrdreg s24  }
0xbe: {  	[dreg:$0xb] =	wrdreg $0xC4000  }
0xbf: {  	[dreg:$0xc] =	wrdreg $0x9  }
0xc0: {  	_ =	task.clear_ibuf [dreg:s14], $0xDFFFF;
	_ =	strace $0x90000046  }
0xc1: {  	s29 =	simm.s32 $0x9;
	_ =	strace $0x80000050  }
0xc2: {  	_ =	swait.ge [sflag:s29], $0x1  }
0xc3: {  	[sflag:s29] =	ssyncadd.s32 $0xFFFFFFFF  }
0xc4: {  	_ =	strace $0x90000050  }
0xc5: {  	_ =	sfence  }
0xc6: {  	s30 =	sld [smem:$0x0];
	_ =	sdelay $0x2  }
0xc7: {  	s31 =	sshll.u32 s1, $0xD;
	s1 =	sshrl.u32 s1, $0x2  }
0xc8: {  	s3 =	sand.u32 $0x4000, s31;
	s1 =	sadd.s32 s1, s30  }
0xc9: {  	s0 =	sor.u32 s3, s0;
	s1 =	sshll.u32 s1, $0x11  }
0xca: {  	s0 =	sor.u32 s1, s0  }
0xcb: {  	s0 =	sadd.s32 $0x8F2B, s0  }
0xcc: {  	[sflag:s0] =	ssyncadd.remote.s32 $0x1  }
0xcd: {  	_ =	sfence.sel $0xFFFF  }
0xce: {  	[dreg:$0x0] =	wrdreg $0xFFFFFFFF;
	(pc) =	sbr.abs _section_cstart, $3  }
0xcf: {  	[dreg:$0x1] =	wrdreg $0xFFFFFFFF  }
0xd0: {  	_ =	task.clear_ibuf [dreg:s14], $0x2FFFF;
	_ =	strace $0x9FFFFFFF  }
0xd1: {  	(tm) =	ssettm $0x7FFFFFFF  }
tec
execute0_lowered:
.L_overlay_start_1:
0x0: {  	(tag) =	ssettag $0x1  }
0x1: {  	s5 =	rddreg [dreg:$0x0]  }
0x2: {  	s6 =	rddreg [dreg:$0x1]  }
0x3: {  	s7 =	rddreg [dreg:$0x2]  }
0x4: {  	s8 =	rddreg [dreg:$0x3]  }
0x5: {  	s9 =	rddreg [dreg:$0x4]  }
0x6: {  	s16 =	rddreg [dreg:$0x5]  }
0x7: {  	s17 =	rddreg [dreg:$0x6]  }
0x8: {  	s18 =	rddreg [dreg:$0x7]  }
0x9: {  	s0 =	rddreg [dreg:$0x8]  }
0xa: {  	s1 =	srdreg.scid;
	s4 =	stileid.u32  }
0xb: {  	s10 =	rddreg [dreg:$0x9];
	s1 =	sand.u32 $0x1, s1;
	s3 =	sshll.u32 s4, $0x1  }
0xc: {  	s12 =	simm.s32 $0x0;
	s11 =	smul.u32 $0xC40, s4;
	s3 =	sor.u32 s1, s3  }
0xd: {  	[smem:$0x7FF] =	sst s12;
	s14 =	smul.u32 $0xC350, s3  }
0xe: {  	s13 =	sadd.s32 $0xE00, s0;
	s15 =	sadd.s32 $0x31C00, s0;
	s4 =	smul.u32 $0x31000, s4  }
0xf: {  	s2 =	smul.u32 $0xC400, s1;
	s1 =	ssub.s32 $0x2, s1;
	s3 =	sshrl.u32 s14, $0x3  }
0x10: {  	_ =	strace $0x80000047;
	s19 =	sshrl.u32 s1, $0x1;
	s20 =	sadd.s32 s5, s3  }
0x11: {  	s23 =	sshrl.u32 s4, $0x2;
	s21 =	sadd.s32 s6, s3;
	[dreg:$0xb] =	wrdreg s20  }
0x12: {  	s2 =	sadd.s32 s11, s2;
	s22 =	sadd.s32 s7, s3;
	[dreg:$0xc] =	wrdreg s21  }
0x13: {  	s2 =	sshrl.u32 s2, $0x3;
	s24 =	sadd.s32 s8, s3;
	[dreg:$0xd] =	wrdreg s22  }
0x14: {  	s0 =	sadd.s32 s2, s0;
	s2 =	sadd.s32 s23, s10;
	[dreg:$0xe] =	wrdreg s24  }
0x15: {  	s1 =	ssub.s32 s1, s19;
	s25 =	sadd.s32 s16, s3;
	[dreg:$0xf] =	wrdreg s2  }
0x16: {  	s19 =	sadd.s32 $0x800, s14;
	s26 =	sadd.s32 s17, s3;
	[dreg:$0x11] =	wrdreg s25  }
0x17: {  	s4 =	sshrl.u32 s19, $0x3;
	s20 =	sadd.s32 s9, s3;
	[dreg:$0x12] =	wrdreg s26  }
0x18: {  	s2 =	sadd.s32 $0x1800, s3;
	s3 =	sadd.s32 s18, s3;
	[dreg:$0x10] =	wrdreg s20  }
0x19: {  	s21 =	sadd.s32 s6, s4;
	[dreg:$0x13] =	wrdreg s3  }
0x1a: {  	s22 =	sadd.s32 s7, s4;
	[dreg:$0x15] =	wrdreg s21  }
0x1b: {  	s23 =	sadd.s32 s8, s4;
	[dreg:$0x16] =	wrdreg s22  }
0x1c: {  	s24 =	sadd.s32 s9, s4;
	[dreg:$0x17] =	wrdreg s23  }
0x1d: {  	s25 =	sadd.s32 s16, s4;
	[dreg:$0x18] =	wrdreg s24  }
0x1e: {  	s26 =	sadd.s32 s17, s4;
	[dreg:$0x19] =	wrdreg s25  }
0x1f: {  	s30 =	simm.s32 $0x1B580;
	s20 =	sadd.s32 s5, s4;
	[dreg:$0x1a] =	wrdreg s26  }
0x20: {  	s31 =	simm.s32 $0x1C580;
	s4 =	sadd.s32 s18, s4;
	[dreg:$0x14] =	wrdreg s20  }
0x21: {  	s29 =	simm.s32 $0x1;
	s5 =	sadd.s32 s5, s2;
	[dreg:$0x1b] =	wrdreg s4  }
0x22: {  	s6 =	sadd.s32 s6, s2;
	s7 =	sadd.s32 s7, s2;
	[dreg:$0x1c] =	wrdreg s5  }
0x23: {  	s8 =	sadd.s32 s8, s2;
	s21 =	sadd.s32 s9, s2;
	[dreg:$0x1d] =	wrdreg s6  }
0x24: {  	s22 =	sadd.s32 s16, s2;
	s26 =	sadd.s32 s17, s2;
	[dreg:$0x1e] =	wrdreg s7  }
0x25: {  	s28 =	sadd.s32 s18, s2;
	s23 =	sadd.s32 $0x62A00, s0;
	[dreg:$0x1f] =	wrdreg s8  }
0x26: {  	s0 =	sadd.s32 $0x65C00, s0;
	s24 =	smax.u32 s1, $0x1;
	[smem:$0x7F6] =	sst s21  }
0x27: {  	s25 =	sadd.s32 s11, s10;
	s16 =	sadd.s32 $0x1000, s14;
	[smem:$0x7F7] =	sst s22  }
0x28: {  	s9 =	simm.s32 $0x1D580;
	s1 =	simm.s32 $0x1F580;
	[smem:$0x7F9] =	sst s23  }
0x29: {  	s3 =	simm.s32 $0x5;
	s20 =	sadd.s32 s13, s2;
	[smem:$0x7FA] =	sst s0  }
.Ltmp0:
0x2a: {  	s2 =	sadd.s32 s15, s2;
	[smem:$0x7FB] =	sst s24;
	(pc) =	sbr.rel .LBB2_1-.Ltmp0, $4  }
0x2b: {  	s23 =	sadd.s32 $0x1800, s14;
	[smem:$0x7FC] =	sst s25;
	s0 =	sadd.s32 $0xC400, s25  }
0x2c: {  	s21 =	simm.s32 $0x1E580;
	s6 =	simm.s32 $0x1ED80;
	[smem:$0x7F5] =	sst s20  }
0x2d: {  	s4 =	simm.s32 $0x6;
	s7 =	simm.s32 $0x0;
	[smem:$0x7F8] =	sst s2  }
0x2e: {  	v0 =	vimm.f32 $0.0e+00;
	[smem:$0x7FD] =	sst s0;
	s0 =	simm.s32 $0x2;
	s2 =	simm.s32 $0x1A100  }
.LBB2_41:
0x2f: {  	s5 =	sld [smem:$0x7FA];
	_ =	sdelay $0x1  }
0x30: {  	s7 =	simm.s32 $0x18800  }
0x31: {  	[hbm4b:s5+s12] =	stream.linear.scatter [tilespmem:s7], [sflag:$0x7], $0xC40, $0x200038;
	[tilespmem:$0x1FD80] =	vst v63  }
0x32: {  	_ =	swait.ge [sflag:s20], $0xC40  }
0x33: {  	[sflag:s20] =	ssyncset.done $0x0  }
0x34: {  	[sflag:s20] =	ssyncadd.s32 $0xFFFFF3C0  }
0x35: {  	s24 =	sld [smem:$0x7F4];
	[bflag:$0x0] =	sbarrier.arrive $0xFFFF  }
0x36: {  	s25 =	sld [smem:$0x7FB];
	_ =	sdelay $0x1  }
0x37: {  	s7 =	sadd.s32 $0x1, s24  }
0x38: {  	p0 =	sne.s32 s7, s25  }
.Ltmp1:
0x39: {  	_ = 	snop;
	(pc) =	sbr.rel @!p0 .LBB2_42-.Ltmp1, $2  }
0x3a: {  	_ =	sdelay $0x2  }
0x3b: {  	_ =	strace $0x9000004F  }
.LBB2_1:
0x3c: {  	[smem:$0x7F4] =	sst s7  }
0x3d: {  	s5 =	rddreg [dreg:$0xb];
	s22 =	simm.s32 $0x1AD80  }
0x3e: {  	[tilespmem:s22], [sflag:$0x1] =	stream.linear.gather [hbm4b:s5+s12], $0x800, $0x38;
	[tilespmem:$0x1FD80] =	vst v63  }
0x3f: {  	s24 =	rddreg [dreg:$0xc];
	s25 =	simm.s32 $0x1BD80  }
0x40: {  	[tilespmem:s25], [sflag:$0x1] =	stream.linear.gather [hbm4b:s24+s12], $0x800, $0x38;
	[tilespmem:$0x1FD80] =	vst v63  }
0x41: {  	s7 =	rddreg [dreg:$0xd];
	s8 =	simm.s32 $0x1CD80  }
0x42: {  	[tilespmem:s8], [sflag:$0x1] =	stream.linear.gather [hbm4b:s7+s12], $0x800, $0x38;
	[tilespmem:$0x1FD80] =	vst v63  }
0x43: {  	s17 =	rddreg [dreg:$0xe];
	s18 =	simm.s32 $0x1DD80  }
0x44: {  	[tilespmem:s18], [sflag:$0x1] =	stream.linear.gather [hbm4b:s17+s12], $0x800, $0x38;
	[tilespmem:$0x1FD80] =	vst v63  }
0x45: {  	s20 =	rddreg [dreg:$0x14]  }
0x46: {  	[tilespmem:s30], [sflag:$0x2] =	stream.linear.gather [hbm4b:s20+s12], $0x800, $0x38;
	[tilespmem:$0x1FD80] =	vst v63  }
0x47: {  	s22 =	rddreg [dreg:$0x15]  }
0x48: {  	[tilespmem:s31], [sflag:$0x2] =	stream.linear.gather [hbm4b:s22+s12], $0x800, $0x38;
	[tilespmem:$0x1FD80] =	vst v63  }
0x49: {  	s24 =	rddreg [dreg:$0x16]  }
0x4a: {  	[tilespmem:s9], [sflag:$0x2] =	stream.linear.gather [hbm4b:s24+s12], $0x800, $0x38;
	[tilespmem:$0x1FD80] =	vst v63  }
0x4b: {  	s5 =	simm.s32 $0x40;
	s25 =	rddreg [dreg:$0x17]  }
0x4c: {  	[tilespmem:s21], [sflag:$0x2] =	stream.linear.gather [hbm4b:s25+s12], $0x800, $0x38;
	[tilespmem:$0x1FD80] =	vst v63  }
0x4d: {  	_ =	strace $0x80000048;
	[tilespmem:s5+$0xFFFFFFC0] =	vst v0  }
0x4e: {  	[tilespmem:s5+$0x30] =	vst v0  }
0x4f: {  	[tilespmem:s5+$0x20] =	vst v0  }
0x50: {  	[tilespmem:s5+$0x10] =	vst v0  }
0x51: {  	[tilespmem:s5+$0x0] =	vst v0  }
0x52: {  	[tilespmem:s5+$0xFFFFFFF0] =	vst v0  }
0x53: {  	s7 =	simm.s32 $0x0;
	[tilespmem:s5+$0xFFFFFFE0] =	vst v0  }
.LBB2_2:
0x54: {  	s7 =	sadd.s32 $0x8, s7;
	[tilespmem:s5+$0xFFFFFFD0] =	vst v0;
	s5 =	sadd.s32 $0x80, s5  }
0x55: {  	[tilespmem:s5+$0xFFFFFFC0] =	vst v0;
	p0 =	slt.u32 s7, $0xC38  }
0x56: {  	[tilespmem:s5+$0x30] =	vst v0  }
.Ltmp2:
0x57: {  	[tilespmem:s5+$0x20] =	vst v0;
	(pc) =	sbr.rel @p0 .LBB2_2-.Ltmp2, $4  }
0x58: {  	[tilespmem:s5+$0x10] =	vst v0  }
0x59: {  	[tilespmem:s5+$0x0] =	vst v0  }
0x5a: {  	[tilespmem:s5+$0xFFFFFFF0] =	vst v0  }
0x5b: {  	[tilespmem:s5+$0xFFFFFFE0] =	vst v0  }
0x5c: {  	[tilespmem:s5+$0xFFFFFFD0] =	vst v0  }
0x5d: {  	_ =	strace $0x90000048  }
0x5e: {  	s5 =	simm.s32 $0x0;
	_ =	strace $0x80000049  }
.LBB2_4:
0x5f: {  	_ =	swait.ge [sflag:s29], $0x800  }
0x60: {  	[sflag:s29] =	ssyncset.done $0x0  }
0x61: {  	[sflag:s29] =	ssyncadd.s32 $0xFFFFF800  }
0x62: {  	_ =	swait.ge [sflag:s29], $0x800  }
0x63: {  	[sflag:s29] =	ssyncset.done $0x0  }
0x64: {  	[sflag:s29] =	ssyncadd.s32 $0xFFFFF800  }
0x65: {  	_ =	swait.ge [sflag:s29], $0x800  }
0x66: {  	[sflag:s29] =	ssyncset.done $0x0  }
0x67: {  	[sflag:s29] =	ssyncadd.s32 $0xFFFFF800  }
0x68: {  	_ =	swait.ge [sflag:s29], $0x800  }
0x69: {  	p0 =	seq.s32 s5, $0x0;
	[sflag:s29] =	ssyncset.done $0x0  }
0x6a: {  	s7 =	simm.s32 @!p0 $0x3;
	[sflag:s29] =	ssyncadd.s32 $0xFFFFF800  }
0x6b: {  	_ =	swait.ge @!p0 [sflag:s7], $0x800  }
0x6c: {  	[sflag:s7] =	ssyncset.done @!p0 $0x0  }
0x6d: {  	s8 =	simm.s32 $0x1BDC0;
	[sflag:s7] =	ssyncadd.s32 @!p0 $0xFFFFF800  }
0x6e: {  	s17 =	simm.s32 $0x1ADC0;
	v1 =	vld [tilespmem:s8+$0xFFFFFFD0]  }
0x6f: {  	v2 =	vld [tilespmem:s17+$0xFFFFFFE0]  }
0x70: {  	v3 =	vld [tilespmem:s8+$0xFFFFFFE0]  }
0x71: {  	v4 =	vld [tilespmem:s17+$0xFFFFFFF0]  }
0x72: {  	v5 =	vld [tilespmem:s8+$0xFFFFFFF0]  }
0x73: {  	v6 =	vld [tilespmem:s17+$0x0]  }
0x74: {  	s25 =	simm.s32 $0x1CDC0;
	v7 =	vld [tilespmem:s8+$0x0]  }
0x75: {  	v8 =	vld [tilespmem:s25+$0x0]  }
0x76: {  	v9 =	vld [tilespmem:s25+$0xFFFFFFF0]  }
0x77: {  	v10 =	vld [tilespmem:s17+$0x10]  }
0x78: {  	v11 =	vld [tilespmem:s8+$0x10]  }
0x79: {  	v12 =	vld [tilespmem:s17+$0x20]  }
0x7a: {  	v13 =	vld [tilespmem:s8+$0x20]  }
0x7b: {  	v14 =	vld [tilespmem:s17+$0x30]  }
0x7c: {  	v15 =	vld [tilespmem:s8+$0x30]  }
0x7d: {  	v16 =	vld [tilespmem:s25+$0x30]  }
0x7e: {  	v17 =	vld [tilespmem:s17+$0xFFFFFFC0]  }
0x7f: {  	v18 =	vld [tilespmem:s25+$0x10]  }
0x80: {  	v19 =	vld [tilespmem:s25+$0xFFFFFFE0]  }
0x81: {  	v46 =	vld [tilespmem:s25+$0x20];
	v6 =	vmul.f32 v7, v6  }
0x82: {  	v47 =	vld [tilespmem:s17+$0xFFFFFFD0];
	v14 =	vmul.f32 v15, v14  }
0x83: {  	v49 =	vld [tilespmem:s8+$0xFFFFFFC0];
	v4 =	vmul.f32 v5, v4;
	v48 =	vmul.f32 v8, v6  }
0x84: {  	s18 =	simm.s32 $0x1EDC0;
	v51 =	vld [tilespmem:s25+$0xFFFFFFD0];
	v50 =	vmul.f32 v11, v10;
	v52 =	vmul.f32 v16, v14  }
0x85: {  	s20 =	simm.s32 $0x1DDC0;
	v53 =	vld [tilespmem:s25+$0xFFFFFFC0];
	v2 =	vmul.f32 v3, v2;
	v3 =	vmul.f32 v9, v4;
	[tilespmem:s18+$0x0] =	vst v48  }
0x86: {  	v54 =	vmul.f32 v13, v12;
	v8 =	vmul.f32 v18, v50;
	[tilespmem:s18+$0x30] =	vst v52;
	v55 =	vld [tilespmem:s20+$0x0]  }
0x87: {  	v1 =	vmul.f32 v1, v47;
	v56 =	vmul.f32 v19, v2;
	[tilespmem:s18+$0xFFFFFFF0] =	vst v3;
	v57 =	vld [tilespmem:s20+$0x30]  }
0x88: {  	v2 =	vmul.f32 v49, v17;
	v4 =	vmul.f32 v46, v54;
	[tilespmem:s18+$0x10] =	vst v8;
	v58 =	vld [tilespmem:s20+$0xFFFFFFF0]  }
0x89: {  	v59 =	vmul.f32 v51, v1;
	[tilespmem:s18+$0xFFFFFFE0] =	vst v56;
	v60 =	vld [tilespmem:s20+$0x10]  }
0x8a: {  	v1 =	vmul.f32 v53, v2;
	[tilespmem:s18+$0x20] =	vst v4;
	v61 =	vld [tilespmem:s20+$0xFFFFFFE0]  }
0x8b: {  	[tilespmem:s18+$0xFFFFFFD0] =	vst v59;
	v62 =	vld [tilespmem:s20+$0x20]  }
0x8c: {  	v63 =	vld [tilespmem:s20+$0xFFFFFFD0];
	[tilespmem:s18+$0xFFFFFFC0] =	vst v1  }
0x8d: {  	v2 =	vld [tilespmem:s20+$0xFFFFFFC0]  }
0x8e: {  	[tilespmem:v55+s12+$0x0] =	vst.idx.add.f32.msk $0xffff, v48  }
0x8f: {  	[tilespmem:v57+s12+$0x0] =	vst.idx.add.f32.msk $0xffff, v52  }
0x90: {  	[tilespmem:v58+s12+$0x0] =	vst.idx.add.f32.msk $0xffff, v3  }
0x91: {  	[tilespmem:v60+s12+$0x0] =	vst.idx.add.f32.msk $0xffff, v8  }
0x92: {  	[tilespmem:v61+s12+$0x0] =	vst.idx.add.f32.msk $0xffff, v56  }
0x93: {  	s22 =	simm.s32 $0x1CE40;
	s24 =	simm.s32 $0x1EE40;
	s7 =	sshll.u32 s5, $0xC;
	[tilespmem:v62+s12+$0x0] =	vst.idx.add.f32.msk $0xffff, v4  }
0x94: {  	s25 =	simm.s32 $0x1DE40;
	s18 =	sadd.s32 s14, s7;
	s20 =	simm.s32 $0x0;
	[tilespmem:v63+s12+$0x0] =	vst.idx.add.f32.msk $0xffff, v59  }
.LBB2_5:
0x95: {  	s20 =	sadd.s32 $0x8, s20;
	[tilespmem:v2+s12+$0x0] =	vst.idx.add.f32.msk $0xffff, v1;
	s17 =	sadd.s32 $0x80, s17;
	s8 =	sadd.s32 $0x80, s8  }
0x96: {  	v1 =	vld [tilespmem:s8+$0xFFFFFFD0];
	p1 =	slt.u32 s20, $0x78  }
0x97: {  	v2 =	vld [tilespmem:s17+$0xFFFFFFE0]  }
0x98: {  	v3 =	vld [tilespmem:s8+$0xFFFFFFE0]  }
0x99: {  	v4 =	vld [tilespmem:s17+$0xFFFFFFF0]  }
0x9a: {  	v5 =	vld [tilespmem:s8+$0xFFFFFFF0]  }
0x9b: {  	v6 =	vld [tilespmem:s17+$0x0]  }
0x9c: {  	v7 =	vld [tilespmem:s8+$0x0]  }
0x9d: {  	v8 =	vld [tilespmem:s22+$0x0]  }
0x9e: {  	v9 =	vld [tilespmem:s22+$0xFFFFFFF0]  }
0x9f: {  	v10 =	vld [tilespmem:s17+$0x10]  }
0xa0: {  	v11 =	vld [tilespmem:s8+$0x10]  }
0xa1: {  	v12 =	vld [tilespmem:s17+$0x20]  }
0xa2: {  	v13 =	vld [tilespmem:s8+$0x20]  }
0xa3: {  	v14 =	vld [tilespmem:s17+$0x30]  }
0xa4: {  	v15 =	vld [tilespmem:s8+$0x30]  }
0xa5: {  	v10 =	vmul.f32 v11, v10;
	v11 =	vld [tilespmem:s22+$0x30]  }
0xa6: {  	v16 =	vld [tilespmem:s17+$0xFFFFFFC0]  }
0xa7: {  	v17 =	vld [tilespmem:s22+$0x10];
	v12 =	vmul.f32 v13, v12  }
0xa8: {  	v13 =	vld [tilespmem:s22+$0xFFFFFFE0]  }
0xa9: {  	v6 =	vmul.f32 v7, v6;
	v7 =	vld [tilespmem:s22+$0x20];
	v14 =	vmul.f32 v15, v14  }
0xaa: {  	v15 =	vld [tilespmem:s17+$0xFFFFFFD0]  }
0xab: {  	v4 =	vmul.f32 v5, v4;
	v5 =	vmul.f32 v8, v6;
	v18 =	vld [tilespmem:s8+$0xFFFFFFC0]  }
0xac: {  	v6 =	vld [tilespmem:s22+$0xFFFFFFD0];
	v8 =	vmul.f32 v17, v10;
	v10 =	vmul.f32 v11, v14  }
0xad: {  	v2 =	vmul.f32 v3, v2;
	v3 =	vmul.f32 v9, v4;
	v11 =	vld [tilespmem:s22+$0xFFFFFFC0];
	[tilespmem:s24+$0x0] =	vst v5  }
0xae: {  	v4 =	vld [tilespmem:s25+$0x0];
	[tilespmem:s24+$0x30] =	vst v10  }
0xaf: {  	v9 =	vmul.f32 v13, v2;
	v1 =	vmul.f32 v1, v15;
	[tilespmem:s24+$0xFFFFFFF0] =	vst v3;
	v13 =	vld [tilespmem:s25+$0x30]  }
0xb0: {  	v7 =	vmul.f32 v7, v12;
	v2 =	vmul.f32 v18, v16;
	v14 =	vld [tilespmem:s25+$0xFFFFFFF0];
	[tilespmem:s24+$0x10] =	vst v8  }
0xb1: {  	v6 =	vmul.f32 v6, v1;
	[tilespmem:s24+$0xFFFFFFE0] =	vst v9;
	v12 =	vld [tilespmem:s25+$0x10]  }
0xb2: {  	v1 =	vmul.f32 v11, v2;
	v11 =	vld [tilespmem:s25+$0xFFFFFFE0];
	[tilespmem:s24+$0x20] =	vst v7  }
0xb3: {  	[tilespmem:s24+$0xFFFFFFD0] =	vst v6;
	v15 =	vld [tilespmem:s25+$0x20]  }
0xb4: {  	[tilespmem:s24+$0xFFFFFFC0] =	vst v1;
	v16 =	vld [tilespmem:s25+$0xFFFFFFD0]  }
0xb5: {  	v2 =	vld [tilespmem:s25+$0xFFFFFFC0]  }
0xb6: {  	[tilespmem:v4+s12+$0x0] =	vst.idx.add.f32.msk $0xffff, v5  }
0xb7: {  	[tilespmem:v13+s12+$0x0] =	vst.idx.add.f32.msk $0xffff, v10  }
.Ltmp3:
0xb8: {  	[tilespmem:v14+s12+$0x0] =	vst.idx.add.f32.msk $0xffff, v3;
	(pc) =	sbr.rel @p1 .LBB2_5-.Ltmp3, $4  }
0xb9: {  	[tilespmem:v12+s12+$0x0] =	vst.idx.add.f32.msk $0xffff, v8  }
0xba: {  	[tilespmem:v11+s12+$0x0] =	vst.idx.add.f32.msk $0xffff, v9  }
0xbb: {  	[tilespmem:v15+s12+$0x0] =	vst.idx.add.f32.msk $0xffff, v7  }
0xbc: {  	s22 =	sadd.s32 $0x80, s22;
	s24 =	sadd.s32 $0x80, s24;
	s25 =	sadd.s32 $0x80, s25;
	[tilespmem:v16+s12+$0x0] =	vst.idx.add.f32.msk $0xffff, v6  }
0xbd: {  	_ =	sdelay $0x2  }
0xbe: {  	s8 =	sshrl.u32 s18, $0x3  }
0xbf: {  	[tilespmem:v2+s12+$0x0] =	vst.idx.add.f32.msk $0xffff, v1;
	p1 =	seq.s32 s5, $0xB;
	s8 =	sadd.s32 s13, s8  }
0xc0: {  	[hbm4b:s8+s12] =	stream.linear.scatter [tilespmem:s6], [sflag:$0x3], $0x800, $0x200038;
	[tilespmem:$0x1FD80] =	vst v63  }
0xc1: {  	s17 =	simm.s32 @p1 $0x1AD80;
	s18 =	rddreg [dreg:$0x1c];
	s8 =	simm.s32 @p1 $0x0  }
0xc2: {  	[tilespmem:s17], [sflag:$0x1] =	stream.linear.gather @p1 [hbm4b:s18+s8], $0x350, $0x200038;
	[tilespmem:$0x1FD80] =	vst v63  }
0xc3: {  	s17 =	simm.s32 @p1 $0x1BD80;
	s18 =	rddreg [dreg:$0x1d]  }
0xc4: {  	[tilespmem:s17], [sflag:$0x1] =	stream.linear.gather @p1 [hbm4b:s18+s8], $0x350, $0x200038;
	[tilespmem:$0x1FD80] =	vst v63  }
0xc5: {  	s17 =	simm.s32 @p1 $0x1CD80;
	s18 =	rddreg [dreg:$0x1e]  }
0xc6: {  	[tilespmem:s17], [sflag:$0x1] =	stream.linear.gather @p1 [hbm4b:s18+s8], $0x350, $0x200038;
	[tilespmem:$0x1FD80] =	vst v63  }
0xc7: {  	s17 =	simm.s32 @p1 $0x1DD80;
	s18 =	rddreg [dreg:$0x1f]  }
0xc8: {  	[tilespmem:s17], [sflag:$0x1] =	stream.linear.gather @p1 [hbm4b:s18+s8], $0x350, $0x200038;
	[tilespmem:$0x1FD80] =	vst v63  }
0xc9: {  	s8 =	sadd.s32 @!p1 s7, s16  }
0xca: {  	s17 =	rddreg [dreg:$0x0];
	s8 =	sshrl.u32 @!p1 s8, $0x3  }
0xcb: {  	s20 =	simm.s32 @!p1 $0x1AD80;
	s18 =	simm.s32 @!p1 $0x0;
	s17 =	sadd.s32 @!p1 s17, s8  }
0xcc: {  	[tilespmem:s20], [sflag:$0x1] =	stream.linear.gather @!p1 [hbm4b:s17+s18], $0x800, $0x200038;
	[tilespmem:$0x1FD80] =	vst v63  }
0xcd: {  	s17 =	rddreg [dreg:$0x1]  }
0xce: {  	s20 =	simm.s32 @!p1 $0x1BD80;
	s17 =	sadd.s32 @!p1 s17, s8  }
0xcf: {  	[tilespmem:s20], [sflag:$0x1] =	stream.linear.gather @!p1 [hbm4b:s17+s18], $0x800, $0x200038;
	[tilespmem:$0x1FD80] =	vst v63  }
0xd0: {  	s17 =	rddreg [dreg:$0x2]  }
0xd1: {  	s20 =	simm.s32 @!p1 $0x1CD80;
	s17 =	sadd.s32 @!p1 s17, s8  }
0xd2: {  	[tilespmem:s20], [sflag:$0x1] =	stream.linear.gather @!p1 [hbm4b:s17+s18], $0x800, $0x200038;
	[tilespmem:$0x1FD80] =	vst v63  }
0xd3: {  	s17 =	rddreg [dreg:$0x3]  }
0xd4: {  	s8 =	sadd.s32 @!p1 s17, s8;
	s17 =	simm.s32 @!p1 $0x1DD80  }
0xd5: {  	[tilespmem:s17], [sflag:$0x1] =	stream.linear.gather @!p1 [hbm4b:s8+s18], $0x800, $0x200038;
	[tilespmem:$0x1FD80] =	vst v63  }
0xd6: {  	_ =	swait.ge [sflag:s0], $0x800  }
0xd7: {  	[sflag:s0] =	ssyncset.done $0x0  }
0xd8: {  	[sflag:s0] =	ssyncadd.s32 $0xFFFFF800  }
0xd9: {  	_ =	swait.ge [sflag:s0], $0x800  }
0xda: {  	[sflag:s0] =	ssyncset.done $0x0  }
0xdb: {  	[sflag:s0] =	ssyncadd.s32 $0xFFFFF800  }
0xdc: {  	_ =	swait.ge [sflag:s0], $0x800  }
0xdd: {  	[sflag:s0] =	ssyncset.done $0x0  }
0xde: {  	[sflag:s0] =	ssyncadd.s32 $0xFFFFF800  }
0xdf: {  	_ =	swait.ge [sflag:s0], $0x800  }
0xe0: {  	[sflag:s0] =	ssyncset.done $0x0  }
0xe1: {  	s8 =	simm.s32 @!p0 $0x4;
	[sflag:s0] =	ssyncadd.s32 $0xFFFFF800  }
0xe2: {  	_ =	swait.ge @!p0 [sflag:s8], $0x800  }
0xe3: {  	[sflag:s8] =	ssyncset.done @!p0 $0x0  }
0xe4: {  	[sflag:s8] =	ssyncadd.s32 @!p0 $0xFFFFF800;
	s8 =	simm.s32 $0x1C5C0  }
0xe5: {  	s17 =	simm.s32 $0x1B5C0;
	v1 =	vld [tilespmem:s8+$0xFFFFFFD0]  }
0xe6: {  	v2 =	vld [tilespmem:s17+$0xFFFFFFE0]  }
0xe7: {  	v3 =	vld [tilespmem:s8+$0xFFFFFFE0]  }
0xe8: {  	v4 =	vld [tilespmem:s17+$0xFFFFFFF0]  }
0xe9: {  	v5 =	vld [tilespmem:s8+$0xFFFFFFF0]  }
0xea: {  	v6 =	vld [tilespmem:s17+$0x0]  }
0xeb: {  	s24 =	simm.s32 $0x1D5C0;
	v7 =	vld [tilespmem:s8+$0x0]  }
0xec: {  	v8 =	vld [tilespmem:s24+$0x0]  }
0xed: {  	v9 =	vld [tilespmem:s24+$0xFFFFFFF0]  }
0xee: {  	v10 =	vld [tilespmem:s17+$0x10]  }
0xef: {  	v11 =	vld [tilespmem:s8+$0x10]  }
0xf0: {  	v12 =	vld [tilespmem:s17+$0x20]  }
0xf1: {  	v13 =	vld [tilespmem:s8+$0x20]  }
0xf2: {  	v14 =	vld [tilespmem:s17+$0x30]  }
0xf3: {  	v15 =	vld [tilespmem:s8+$0x30]  }
0xf4: {  	v16 =	vld [tilespmem:s24+$0x30]  }
0xf5: {  	v17 =	vld [tilespmem:s17+$0xFFFFFFC0]  }
0xf6: {  	v18 =	vld [tilespmem:s24+$0x10]  }
0xf7: {  	v19 =	vld [tilespmem:s24+$0xFFFFFFE0]  }
0xf8: {  	v46 =	vld [tilespmem:s24+$0x20];
	v6 =	vmul.f32 v7, v6  }
0xf9: {  	v47 =	vld [tilespmem:s17+$0xFFFFFFD0];
	v14 =	vmul.f32 v15, v14  }
0xfa: {  	v49 =	vld [tilespmem:s8+$0xFFFFFFC0];
	v4 =	vmul.f32 v5, v4;
	v48 =	vmul.f32 v8, v6  }
0xfb: {  	s25 =	simm.s32 $0x1F5C0;
	v51 =	vld [tilespmem:s24+$0xFFFFFFD0];
	v50 =	vmul.f32 v11, v10;
	v52 =	vmul.f32 v16, v14  }
0xfc: {  	s22 =	simm.s32 $0x1E5C0;
	v53 =	vld [tilespmem:s24+$0xFFFFFFC0];
	v2 =	vmul.f32 v3, v2;
	v3 =	vmul.f32 v9, v4;
	[tilespmem:s25+$0x0] =	vst v48  }
0xfd: {  	v54 =	vmul.f32 v13, v12;
	v8 =	vmul.f32 v18, v50;
	[tilespmem:s25+$0x30] =	vst v52;
	v55 =	vld [tilespmem:s22+$0x0]  }
0xfe: {  	v1 =	vmul.f32 v1, v47;
	v56 =	vmul.f32 v19, v2;
	[tilespmem:s25+$0xFFFFFFF0] =	vst v3;
	v57 =	vld [tilespmem:s22+$0x30]  }
0xff: {  	v2 =	vmul.f32 v49, v17;
	v4 =	vmul.f32 v46, v54;
	[tilespmem:s25+$0x10] =	vst v8;
	v58 =	vld [tilespmem:s22+$0xFFFFFFF0]  }
0x100: {  	v59 =	vmul.f32 v51, v1;
	[tilespmem:s25+$0xFFFFFFE0] =	vst v56;
	v60 =	vld [tilespmem:s22+$0x10]  }
0x101: {  	v1 =	vmul.f32 v53, v2;
	[tilespmem:s25+$0x20] =	vst v4;
	v61 =	vld [tilespmem:s22+$0xFFFFFFE0]  }
0x102: {  	[tilespmem:s25+$0xFFFFFFD0] =	vst v59;
	v62 =	vld [tilespmem:s22+$0x20]  }
0x103: {  	v63 =	vld [tilespmem:s22+$0xFFFFFFD0];
	[tilespmem:s25+$0xFFFFFFC0] =	vst v1  }
0x104: {  	v2 =	vld [tilespmem:s22+$0xFFFFFFC0]  }
0x105: {  	[tilespmem:v55+s12+$0x0] =	vst.idx.add.f32.msk $0xffff, v48  }
0x106: {  	[tilespmem:v57+s12+$0x0] =	vst.idx.add.f32.msk $0xffff, v52  }
0x107: {  	[tilespmem:v58+s12+$0x0] =	vst.idx.add.f32.msk $0xffff, v3  }
0x108: {  	[tilespmem:v60+s12+$0x0] =	vst.idx.add.f32.msk $0xffff, v8  }
0x109: {  	[tilespmem:v61+s12+$0x0] =	vst.idx.add.f32.msk $0xffff, v56  }
0x10a: {  	s20 =	simm.s32 $0x0;
	s18 =	sadd.s32 s7, s19;
	[tilespmem:v62+s12+$0x0] =	vst.idx.add.f32.msk $0xffff, v4  }
0x10b: {  	s24 =	simm.s32 $0x1F640;
	s25 =	simm.s32 $0x1E640;
	s22 =	simm.s32 $0x1D640;
	[tilespmem:v63+s12+$0x0] =	vst.idx.add.f32.msk $0xffff, v59  }
.LBB2_7:
0x10c: {  	s20 =	sadd.s32 $0x8, s20;
	[tilespmem:v2+s12+$0x0] =	vst.idx.add.f32.msk $0xffff, v1;
	s17 =	sadd.s32 $0x80, s17;
	s8 =	sadd.s32 $0x80, s8  }
0x10d: {  	v1 =	vld [tilespmem:s8+$0xFFFFFFD0];
	p0 =	slt.u32 s20, $0x78  }
0x10e: {  	v2 =	vld [tilespmem:s17+$0xFFFFFFE0]  }
0x10f: {  	v3 =	vld [tilespmem:s8+$0xFFFFFFE0]  }
0x110: {  	v4 =	vld [tilespmem:s17+$0xFFFFFFF0]  }
0x111: {  	v5 =	vld [tilespmem:s8+$0xFFFFFFF0]  }
0x112: {  	v6 =	vld [tilespmem:s17+$0x0]  }
0x113: {  	v7 =	vld [tilespmem:s8+$0x0]  }
0x114: {  	v8 =	vld [tilespmem:s22+$0x0]  }
0x115: {  	v9 =	vld [tilespmem:s22+$0xFFFFFFF0]  }
0x116: {  	v10 =	vld [tilespmem:s17+$0x10]  }
0x117: {  	v11 =	vld [tilespmem:s8+$0x10]  }
0x118: {  	v12 =	vld [tilespmem:s17+$0x20]  }
0x119: {  	v13 =	vld [tilespmem:s8+$0x20]  }
0x11a: {  	v14 =	vld [tilespmem:s17+$0x30]  }
0x11b: {  	v15 =	vld [tilespmem:s8+$0x30]  }
0x11c: {  	v10 =	vmul.f32 v11, v10;
	v11 =	vld [tilespmem:s22+$0x30]  }
0x11d: {  	v16 =	vld [tilespmem:s17+$0xFFFFFFC0]  }
0x11e: {  	v17 =	vld [tilespmem:s22+$0x10];
	v12 =	vmul.f32 v13, v12  }
0x11f: {  	v13 =	vld [tilespmem:s22+$0xFFFFFFE0]  }
0x120: {  	v6 =	vmul.f32 v7, v6;
	v7 =	vld [tilespmem:s22+$0x20];
	v14 =	vmul.f32 v15, v14  }
0x121: {  	v15 =	vld [tilespmem:s17+$0xFFFFFFD0]  }
0x122: {  	v4 =	vmul.f32 v5, v4;
	v5 =	vmul.f32 v8, v6;
	v18 =	vld [tilespmem:s8+$0xFFFFFFC0]  }
0x123: {  	v6 =	vld [tilespmem:s22+$0xFFFFFFD0];
	v8 =	vmul.f32 v17, v10;
	v10 =	vmul.f32 v11, v14  }
0x124: {  	v2 =	vmul.f32 v3, v2;
	v3 =	vmul.f32 v9, v4;
	v11 =	vld [tilespmem:s22+$0xFFFFFFC0];
	[tilespmem:s24+$0x0] =	vst v5  }
0x125: {  	v4 =	vld [tilespmem:s25+$0x0];
	[tilespmem:s24+$0x30] =	vst v10  }
0x126: {  	v9 =	vmul.f32 v13, v2;
	v1 =	vmul.f32 v1, v15;
	[tilespmem:s24+$0xFFFFFFF0] =	vst v3;
	v13 =	vld [tilespmem:s25+$0x30]  }
0x127: {  	v7 =	vmul.f32 v7, v12;
	v2 =	vmul.f32 v18, v16;
	v14 =	vld [tilespmem:s25+$0xFFFFFFF0];
	[tilespmem:s24+$0x10] =	vst v8  }
0x128: {  	v6 =	vmul.f32 v6, v1;
	[tilespmem:s24+$0xFFFFFFE0] =	vst v9;
	v12 =	vld [tilespmem:s25+$0x10]  }
0x129: {  	v1 =	vmul.f32 v11, v2;
	v11 =	vld [tilespmem:s25+$0xFFFFFFE0];
	[tilespmem:s24+$0x20] =	vst v7  }
0x12a: {  	[tilespmem:s24+$0xFFFFFFD0] =	vst v6;
	v15 =	vld [tilespmem:s25+$0x20]  }
0x12b: {  	[tilespmem:s24+$0xFFFFFFC0] =	vst v1;
	v16 =	vld [tilespmem:s25+$0xFFFFFFD0]  }
0x12c: {  	v2 =	vld [tilespmem:s25+$0xFFFFFFC0]  }
0x12d: {  	[tilespmem:v4+s12+$0x0] =	vst.idx.add.f32.msk $0xffff, v5  }
0x12e: {  	[tilespmem:v13+s12+$0x0] =	vst.idx.add.f32.msk $0xffff, v10  }
.Ltmp4:
0x12f: {  	[tilespmem:v14+s12+$0x0] =	vst.idx.add.f32.msk $0xffff, v3;
	(pc) =	sbr.rel @p0 .LBB2_7-.Ltmp4, $4  }
0x130: {  	[tilespmem:v12+s12+$0x0] =	vst.idx.add.f32.msk $0xffff, v8  }
0x131: {  	[tilespmem:v11+s12+$0x0] =	vst.idx.add.f32.msk $0xffff, v9  }
0x132: {  	[tilespmem:v15+s12+$0x0] =	vst.idx.add.f32.msk $0xffff, v7  }
0x133: {  	s22 =	sadd.s32 $0x80, s22;
	s24 =	sadd.s32 $0x80, s24;
	s25 =	sadd.s32 $0x80, s25;
	[tilespmem:v16+s12+$0x0] =	vst.idx.add.f32.msk $0xffff, v6  }
0x134: {  	_ = 	snop  }
.Ltmp5:
0x135: {  	_ = 	snop;
	(pc) =	sbr.rel @p1 .LBB2_10-.Ltmp5, $4  }
0x136: {  	_ = 	snop  }
0x137: {  	s8 =	sshrl.u32 s18, $0x3  }
0x138: {  	[tilespmem:v2+s12+$0x0] =	vst.idx.add.f32.msk $0xffff, v1;
	s8 =	sadd.s32 s13, s8  }
0x139: {  	[hbm4b:s8+s12] =	stream.linear.scatter [tilespmem:s1], [sflag:$0x4], $0x800, $0x200038;
	[tilespmem:$0x1FD80] =	vst v63  }
0x13a: {  	s7 =	sadd.s32 s7, s23  }
0x13b: {  	s8 =	rddreg [dreg:$0x0];
	s7 =	sshrl.u32 s7, $0x3  }
0x13c: {  	s22 =	rddreg [dreg:$0x1];
	s8 =	sadd.s32 s8, s7  }
0x13d: {  	[tilespmem:s30], [sflag:$0x2] =	stream.linear.gather [hbm4b:s8+s12], $0x800, $0x200038;
	[tilespmem:$0x1FD80] =	vst v63  }
0x13e: {  	s8 =	sadd.s32 s22, s7  }
0x13f: {  	[tilespmem:s31], [sflag:$0x2] =	stream.linear.gather [hbm4b:s8+s12], $0x800, $0x200038;
	[tilespmem:$0x1FD80] =	vst v63  }
.Ltmp6:
0x140: {  	s24 =	rddreg [dreg:$0x2];
	(pc) =	sbr.rel .LBB2_4-.Ltmp6, $4  }
0x141: {  	s25 =	rddreg [dreg:$0x3];
	s8 =	sadd.s32 s24, s7  }
0x142: {  	[tilespmem:s9], [sflag:$0x2] =	stream.linear.gather [hbm4b:s8+s12], $0x800, $0x200038;
	[tilespmem:$0x1FD80] =	vst v63  }
0x143: {  	s5 =	sadd.s32 $0x1, s5;
	s7 =	sadd.s32 s25, s7  }
0x144: {  	[tilespmem:s21], [sflag:$0x2] =	stream.linear.gather [hbm4b:s7+s12], $0x800, $0x200038;
	[tilespmem:$0x1FD80] =	vst v63  }
.LBB2_10:
0x145: {  	_ =	swait.ge [sflag:s29], $0x350  }
0x146: {  	[sflag:s29] =	ssyncset.done $0x0  }
0x147: {  	[sflag:s29] =	ssyncadd.s32 $0xFFFFFCB0  }
0x148: {  	_ =	swait.ge [sflag:s29], $0x350  }
0x149: {  	[sflag:s29] =	ssyncset.done $0x0  }
0x14a: {  	[sflag:s29] =	ssyncadd.s32 $0xFFFFFCB0  }
0x14b: {  	_ =	swait.ge [sflag:s29], $0x350  }
0x14c: {  	[sflag:s29] =	ssyncset.done $0x0  }
0x14d: {  	[sflag:s29] =	ssyncadd.s32 $0xFFFFFCB0  }
0x14e: {  	_ =	swait.ge [sflag:s29], $0x350  }
0x14f: {  	[sflag:s29] =	ssyncset.done $0x0  }
0x150: {  	s18 =	simm.s32 $0x3;
	[sflag:s29] =	ssyncadd.s32 $0xFFFFFCB0  }
0x151: {  	_ =	swait.ge [sflag:s18], $0x800  }
0x152: {  	[sflag:s18] =	ssyncset.done $0x0  }
0x153: {  	s5 =	simm.s32 $0x0;
	[sflag:s18] =	ssyncadd.s32 $0xFFFFF800  }
0x154: {  	v2 =	vld [tilespmem:s5+$0x1AD80]  }
0x155: {  	v3 =	vld [tilespmem:s5+$0x1BD80]  }
0x156: {  	v4 =	vld [tilespmem:s5+$0x1CD80]  }
0x157: {  	v1 =	vld [tilespmem:s5+$0x1DD80];
	_ =	sdelay $0x2  }
0x158: {  	s7 =	simm.s32 $0x10;
	v5 =	vmul.f32 v3, v2  }
0x159: {  	v2 =	vld [tilespmem:s7+$0x1DD80]  }
0x15a: {  	s8 =	simm.s32 $0x80;
	s20 =	simm.s32 $0x7;
	v3 =	vld [tilespmem:s7+$0x1AD80];
	v4 =	vmul.f32 v4, v5  }
.LBB2_11:
0x15b: {  	p0 =	sne.s32 s8, $0xD00;
	v5 =	vld [tilespmem:s7+$0x1BD80];
	s17 =	smov.u32 s8;
	s8 =	sadd.s32 $0x40, s8  }
0x15c: {  	v6 =	vld [tilespmem:s7+$0x1CD80];
	[tilespmem:s5+$0x1ED80] =	vst v4;
	s5 =	smov.u32 s7  }
0x15d: {  	[tilespmem:v1+s12+$0x0] =	vst.idx.add.f32.msk $0xffff, v4  }
.Ltmp7:
0x15e: {  	v1 =	vmov v2;
	(pc) =	sbr.rel @p0 .LBB2_11-.Ltmp7, $4  }
0x15f: {  	_ = 	snop  }
0x160: {  	s7 =	sshra.s32 s17, $0x2;
	v4 =	vmul.f32 v5, v3  }
0x161: {  	v2 =	vld [tilespmem:s7+$0x1DD80]  }
0x162: {  	v3 =	vld [tilespmem:s7+$0x1AD80];
	v4 =	vmul.f32 v6, v4  }
0x163: {  	v5 =	vld [tilespmem:s7+$0x1BD80];
	_ =	sdelay $0x1  }
0x164: {  	v6 =	vld [tilespmem:s7+$0x1CD80];
	_ =	sdelay $0x2  }
0x165: {  	v3 =	vmul.f32 v5, v3;
	_ =	sdelay $0x1  }
0x166: {  	[tilespmem:s5+$0x1ED80] =	vst v4;
	v3 =	vmul.f32 v6, v3  }
0x167: {  	[tilespmem:v1+s12+$0x0] =	vst.idx.add.f32.msk $0xffff, v4  }
0x168: {  	[tilespmem:s7+$0x1ED80] =	vst v3  }
0x169: {  	[tilespmem:v2+s12+$0x0] =	vst.idx.add.f32.msk $0xffff, v3  }
0x16a: {  	s5 =	sld [smem:$0x7F5];
	_ =	sdelay $0x1  }
0x16b: {  	s25 =	simm.s32 $0x4  }
0x16c: {  	[hbm4b:s5+s12] =	stream.linear.scatter [tilespmem:s6], [sflag:$0x3], $0x350, $0x200038;
	[tilespmem:$0x1FD80] =	vst v63  }
0x16d: {  	_ =	swait.ge [sflag:s25], $0x800  }
0x16e: {  	[sflag:s25] =	ssyncset.done $0x0  }
0x16f: {  	[sflag:s25] =	ssyncadd.s32 $0xFFFFF800  }
0x170: {  	_ =	swait.ge [sflag:s18], $0x350  }
0x171: {  	[sflag:s18] =	ssyncset.done $0x0  }
0x172: {  	[sflag:s18] =	ssyncadd.s32 $0xFFFFFCB0  }
0x173: {  	_ =	strace $0x90000049  }
0x174: {  	_ =	strace $0x8000004A  }
0x175: {  	s7 =	rddreg [dreg:$0xf]  }
0x176: {  	[spmem:s7] =	stream.linear.scatter [tilespmem:s12], [sflag:$0x7], $0xC400, $0x200038;
	[tilespmem:$0x1FD80] =	vst v63  }
0x177: {  	_ =	swait.ge [sflag:s20], $0xC400  }
0x178: {  	[sflag:s20] =	ssyncset.done $0x0  }
0x179: {  	[sflag:s20] =	ssyncadd.s32 $0xFFFF3C00  }
0x17a: {  	[bflag:$0x0] =	sbarrier.arrive $0xFFFF  }
0x17b: {  	_ =	strace $0x9000004A  }
0x17c: {  	s17 =	simm.s32 $0x1AD80;
	s8 =	rddreg [dreg:$0x10]  }
0x17d: {  	[tilespmem:s17], [sflag:$0x1] =	stream.linear.gather [hbm4b:s8+s12], $0x800, $0x38;
	[tilespmem:$0x1FD80] =	vst v63  }
0x17e: {  	s22 =	simm.s32 $0x1BD80;
	s18 =	rddreg [dreg:$0x11]  }
0x17f: {  	[tilespmem:s22], [sflag:$0x1] =	stream.linear.gather [hbm4b:s18+s12], $0x800, $0x38;
	[tilespmem:$0x1FD80] =	vst v63  }
0x180: {  	s25 =	simm.s32 $0x1CD80;
	s24 =	rddreg [dreg:$0x12]  }
0x181: {  	[tilespmem:s25], [sflag:$0x1] =	stream.linear.gather [hbm4b:s24+s12], $0x800, $0x38;
	[tilespmem:$0x1FD80] =	vst v63  }
0x182: {  	s8 =	rddreg [dreg:$0x13];
	s17 =	simm.s32 $0x1DD80  }
0x183: {  	[tilespmem:s17], [sflag:$0x1] =	stream.linear.gather [hbm4b:s8+s12], $0x800, $0x38;
	[tilespmem:$0x1FD80] =	vst v63  }
0x184: {  	s18 =	rddreg [dreg:$0x18]  }
0x185: {  	[tilespmem:s30], [sflag:$0x2] =	stream.linear.gather [hbm4b:s18+s12], $0x800, $0x38;
	[tilespmem:$0x1FD80] =	vst v63  }
0x186: {  	s22 =	rddreg [dreg:$0x19]  }
0x187: {  	[tilespmem:s31], [sflag:$0x2] =	stream.linear.gather [hbm4b:s22+s12], $0x800, $0x38;
	[tilespmem:$0x1FD80] =	vst v63  }
0x188: {  	s24 =	rddreg [dreg:$0x1a]  }
0x189: {  	[tilespmem:s9], [sflag:$0x2] =	stream.linear.gather [hbm4b:s24+s12], $0x800, $0x38;
	[tilespmem:$0x1FD80] =	vst v63  }
0x18a: {  	s5 =	simm.s32 $0x40;
	s25 =	rddreg [dreg:$0x1b]  }
0x18b: {  	[tilespmem:s21], [sflag:$0x2] =	stream.linear.gather [hbm4b:s25+s12], $0x800, $0x38;
	[tilespmem:$0x1FD80] =	vst v63  }
0x18c: {  	_ =	strace $0x8000004B;
	[tilespmem:s5+$0xFFFFFFC0] =	vst v0  }
0x18d: {  	[tilespmem:s5+$0x30] =	vst v0  }
0x18e: {  	[tilespmem:s5+$0x20] =	vst v0  }
0x18f: {  	[tilespmem:s5+$0x10] =	vst v0  }
0x190: {  	[tilespmem:s5+$0x0] =	vst v0  }
0x191: {  	[tilespmem:s5+$0xFFFFFFF0] =	vst v0  }
0x192: {  	s7 =	simm.s32 $0x0;
	[tilespmem:s5+$0xFFFFFFE0] =	vst v0  }
.LBB2_13:
0x193: {  	s7 =	sadd.s32 $0x8, s7;
	[tilespmem:s5+$0xFFFFFFD0] =	vst v0;
	s5 =	sadd.s32 $0x80, s5  }
0x194: {  	[tilespmem:s5+$0xFFFFFFC0] =	vst v0;
	p0 =	slt.u32 s7, $0xC38  }
0x195: {  	[tilespmem:s5+$0x30] =	vst v0  }
.Ltmp8:
0x196: {  	[tilespmem:s5+$0x20] =	vst v0;
	(pc) =	sbr.rel @p0 .LBB2_13-.Ltmp8, $4  }
0x197: {  	[tilespmem:s5+$0x10] =	vst v0  }
0x198: {  	[tilespmem:s5+$0x0] =	vst v0  }
0x199: {  	[tilespmem:s5+$0xFFFFFFF0] =	vst v0  }
0x19a: {  	[tilespmem:s5+$0xFFFFFFE0] =	vst v0  }
0x19b: {  	[tilespmem:s5+$0xFFFFFFD0] =	vst v0  }
0x19c: {  	s5 =	simm.s32 $0x18830;
	_ =	strace $0x9000004B  }
0x19d: {  	_ =	strace $0x8000004C;
	[tilespmem:s5+$0xFFFFFFD0] =	vst v0  }
0x19e: {  	[tilespmem:s5+$0x30] =	vst v0  }
0x19f: {  	[tilespmem:s5+$0x20] =	vst v0  }
0x1a0: {  	[tilespmem:s5+$0x10] =	vst v0  }
0x1a1: {  	[tilespmem:s5+$0x0] =	vst v0  }
0x1a2: {  	s7 =	simm.s32 $0x0;
	[tilespmem:s5+$0xFFFFFFF0] =	vst v0  }
.LBB2_15:
0x1a3: {  	s7 =	sadd.s32 $0x7, s7;
	[tilespmem:s5+$0xFFFFFFE0] =	vst v0;
	s5 =	sadd.s32 $0x70, s5  }
0x1a4: {  	[tilespmem:s5+$0xFFFFFFD0] =	vst v0;
	p0 =	slt.u32 s7, $0xBD  }
.Ltmp9:
0x1a5: {  	[tilespmem:s5+$0x30] =	vst v0;
	(pc) =	sbr.rel @p0 .LBB2_15-.Ltmp9, $4  }
0x1a6: {  	[tilespmem:s5+$0x20] =	vst v0  }
0x1a7: {  	[tilespmem:s5+$0x10] =	vst v0  }
0x1a8: {  	[tilespmem:s5+$0x0] =	vst v0  }
0x1a9: {  	[tilespmem:s5+$0xFFFFFFF0] =	vst v0  }
0x1aa: {  	[tilespmem:s5+$0xFFFFFFE0] =	vst v0  }
0x1ab: {  	s5 =	sld [smem:$0x7FC];
	_ =	sdelay $0x1  }
0x1ac: {  	s7 =	simm.s32 $0x19480;
	s25 =	sld [smem:$0x7FD]  }
0x1ad: {  	[tilespmem:s7], [sflag:$0x5] =	stream.linear.gather [spmem:s5], $0xC40, $0x200038;
	[tilespmem:$0x1FD80] =	vst v63  }
0x1ae: {  	s5 =	simm.s32 $0x0  }
0x1af: {  	[tilespmem:s2], [sflag:$0x6] =	stream.linear.gather [spmem:s25], $0xC40, $0x200038;
	[tilespmem:$0x1FD80] =	vst v63  }
.LBB2_17:
0x1b0: {  	_ =	swait.ge [sflag:s3], $0xC40  }
0x1b1: {  	[sflag:s3] =	ssyncset.done $0x0  }
0x1b2: {  	s7 =	simm.s32 $0x18830;
	[sflag:s3] =	ssyncadd.s32 $0xFFFFF3C0  }
0x1b3: {  	s8 =	simm.s32 $0x194B0;
	v2 =	vld [tilespmem:s7+$0x30]  }
0x1b4: {  	v3 =	vld [tilespmem:s8+$0x30]  }
0x1b5: {  	v1 =	vld [tilespmem:s8+$0xFFFFFFD0]  }
0x1b6: {  	v4 =	vld [tilespmem:s7+$0xFFFFFFE0]  }
0x1b7: {  	v5 =	vld [tilespmem:s8+$0xFFFFFFE0]  }
0x1b8: {  	v6 =	vld [tilespmem:s7+$0xFFFFFFF0]  }
0x1b9: {  	v7 =	vld [tilespmem:s8+$0xFFFFFFF0]  }
0x1ba: {  	v8 =	vld [tilespmem:s7+$0x0]  }
0x1bb: {  	v9 =	vld [tilespmem:s8+$0x0]  }
0x1bc: {  	v3 =	vadd.f32 v3, v2;
	v2 =	vld [tilespmem:s7+$0x10]  }
0x1bd: {  	v5 =	vadd.f32 v5, v4;
	v4 =	vld [tilespmem:s8+$0x10]  }
0x1be: {  	v7 =	vadd.f32 v7, v6;
	v6 =	vld [tilespmem:s8+$0x20];
	[tilespmem:s7+$0x30] =	vst v3  }
0x1bf: {  	v3 =	vld [tilespmem:s7+$0x20];
	[tilespmem:s7+$0xFFFFFFE0] =	vst v5  }
0x1c0: {  	s17 =	simm.s32 $0x0;
	s18 =	simm.s32 $0x188A0;
	v5 =	vld [tilespmem:s7+$0xFFFFFFD0];
	[tilespmem:s7+$0xFFFFFFF0] =	vst v7;
	v7 =	vadd.f32 v9, v8  }
.LBB2_18:
0x1c1: {  	v8 =	vld [tilespmem:s18+$0x30];
	s8 =	sadd.s32 $0x70, s8  }
0x1c2: {  	s17 =	sadd.s32 $0x7, s17;
	v9 =	vld [tilespmem:s8+$0x30];
	[tilespmem:s7+$0x0] =	vst v7;
	v2 =	vadd.f32 v4, v2  }
0x1c3: {  	p0 =	slt.u32 s17, $0xBD;
	v4 =	vld [tilespmem:s8+$0xFFFFFFD0]  }
0x1c4: {  	v7 =	vld [tilespmem:s18+$0xFFFFFFE0];
	[tilespmem:s7+$0x10] =	vst v2;
	v2 =	vadd.f32 v6, v3  }
0x1c5: {  	v3 =	vld [tilespmem:s8+$0xFFFFFFE0];
	v10 =	vadd.f32 v1, v5  }
0x1c6: {  	v5 =	vld [tilespmem:s18+$0xFFFFFFF0];
	[tilespmem:s7+$0x20] =	vst v2  }
0x1c7: {  	v6 =	vld [tilespmem:s8+$0xFFFFFFF0];
	v2 =	vadd.f32 v9, v8;
	[tilespmem:s7+$0xFFFFFFD0] =	vst v10;
	s7 =	smov.u32 s18  }
0x1c8: {  	v8 =	vld [tilespmem:s18+$0x0];
	v1 =	vmov v4  }
0x1c9: {  	v9 =	vld [tilespmem:s8+$0x0];
	[tilespmem:s18+$0x30] =	vst v2  }
.Ltmp10:
0x1ca: {  	v3 =	vadd.f32 v3, v7;
	v2 =	vld [tilespmem:s18+$0x10];
	(pc) =	sbr.rel @p0 .LBB2_18-.Ltmp10, $4  }
0x1cb: {  	v4 =	vld [tilespmem:s8+$0x10]  }
0x1cc: {  	[tilespmem:s18+$0xFFFFFFE0] =	vst v3;
	v7 =	vadd.f32 v6, v5;
	v3 =	vld [tilespmem:s18+$0x20]  }
0x1cd: {  	v6 =	vld [tilespmem:s8+$0x20]  }
0x1ce: {  	s18 =	sadd.s32 $0x70, s18;
	v5 =	vld [tilespmem:s7+$0xFFFFFFD0];
	[tilespmem:s7+$0xFFFFFFF0] =	vst v7;
	v7 =	vadd.f32 v9, v8  }
0x1cf: {  	p0 =	seq.s32 s5, $0x7  }
0x1d0: {  	s8 =	smul.u32 @!p0 $0x62000, s5  }
0x1d1: {  	v2 =	vadd.f32 v4, v2  }
0x1d2: {  	[tilespmem:s7+$0x0] =	vst v7;
	v3 =	vadd.f32 v6, v3;
	s8 =	sshra.s32 @!p0 s8, $0x2  }
0x1d3: {  	[tilespmem:s7+$0x10] =	vst v2;
	v1 =	vadd.f32 v1, v5;
	s8 =	sadd.s32 @!p0 s8, s10  }
0x1d4: {  	[tilespmem:s7+$0x20] =	vst v3;
	s8 =	sadd.s32 @!p0 s11, s8  }
0x1d5: {  	[tilespmem:s7+$0xFFFFFFD0] =	vst v1;
	s7 =	sadd.s32 @!p0 $0x18800, s8;
	s8 =	simm.s32 @!p0 $0x19480  }
0x1d6: {  	[tilespmem:s8], [sflag:$0x5] =	stream.linear.gather @!p0 [spmem:s7], $0xC40, $0x200038;
	[tilespmem:$0x1FD80] =	vst v63  }
0x1d7: {  	_ =	swait.ge [sflag:s4], $0xC40  }
0x1d8: {  	[sflag:s4] =	ssyncset.done $0x0  }
0x1d9: {  	s7 =	simm.s32 $0x18830;
	[sflag:s4] =	ssyncadd.s32 $0xFFFFF3C0  }
0x1da: {  	s8 =	simm.s32 $0x1A130;
	v2 =	vld [tilespmem:s7+$0x30]  }
0x1db: {  	v3 =	vld [tilespmem:s8+$0x30]  }
0x1dc: {  	v1 =	vld [tilespmem:s8+$0xFFFFFFD0]  }
0x1dd: {  	v4 =	vld [tilespmem:s7+$0xFFFFFFE0]  }
0x1de: {  	v5 =	vld [tilespmem:s8+$0xFFFFFFE0]  }
0x1df: {  	v6 =	vld [tilespmem:s7+$0xFFFFFFF0]  }
0x1e0: {  	v7 =	vld [tilespmem:s8+$0xFFFFFFF0]  }
0x1e1: {  	v8 =	vld [tilespmem:s7+$0x0]  }
0x1e2: {  	v9 =	vld [tilespmem:s8+$0x0]  }
0x1e3: {  	v3 =	vadd.f32 v3, v2;
	v2 =	vld [tilespmem:s7+$0x10]  }
0x1e4: {  	v5 =	vadd.f32 v5, v4;
	v4 =	vld [tilespmem:s8+$0x10]  }
0x1e5: {  	v7 =	vadd.f32 v7, v6;
	v6 =	vld [tilespmem:s8+$0x20];
	[tilespmem:s7+$0x30] =	vst v3  }
0x1e6: {  	v3 =	vld [tilespmem:s7+$0x20];
	[tilespmem:s7+$0xFFFFFFE0] =	vst v5  }
0x1e7: {  	s17 =	simm.s32 $0x0;
	s18 =	simm.s32 $0x188A0;
	v5 =	vld [tilespmem:s7+$0xFFFFFFD0];
	[tilespmem:s7+$0xFFFFFFF0] =	vst v7;
	v7 =	vadd.f32 v9, v8  }
.LBB2_20:
0x1e8: {  	v8 =	vld [tilespmem:s18+$0x30];
	s8 =	sadd.s32 $0x70, s8  }
0x1e9: {  	s17 =	sadd.s32 $0x7, s17;
	v9 =	vld [tilespmem:s8+$0x30];
	[tilespmem:s7+$0x0] =	vst v7;
	v2 =	vadd.f32 v4, v2  }
0x1ea: {  	p1 =	slt.u32 s17, $0xBD;
	v4 =	vld [tilespmem:s8+$0xFFFFFFD0]  }
0x1eb: {  	v7 =	vld [tilespmem:s18+$0xFFFFFFE0];
	[tilespmem:s7+$0x10] =	vst v2;
	v2 =	vadd.f32 v6, v3  }
0x1ec: {  	v3 =	vld [tilespmem:s8+$0xFFFFFFE0];
	v10 =	vadd.f32 v1, v5  }
0x1ed: {  	v5 =	vld [tilespmem:s18+$0xFFFFFFF0];
	[tilespmem:s7+$0x20] =	vst v2  }
0x1ee: {  	v6 =	vld [tilespmem:s8+$0xFFFFFFF0];
	v2 =	vadd.f32 v9, v8;
	[tilespmem:s7+$0xFFFFFFD0] =	vst v10;
	s7 =	smov.u32 s18  }
0x1ef: {  	v8 =	vld [tilespmem:s18+$0x0];
	v1 =	vmov v4  }
0x1f0: {  	v9 =	vld [tilespmem:s8+$0x0];
	[tilespmem:s18+$0x30] =	vst v2  }
.Ltmp11:
0x1f1: {  	v3 =	vadd.f32 v3, v7;
	v2 =	vld [tilespmem:s18+$0x10];
	(pc) =	sbr.rel @p1 .LBB2_20-.Ltmp11, $4  }
0x1f2: {  	v4 =	vld [tilespmem:s8+$0x10]  }
0x1f3: {  	[tilespmem:s18+$0xFFFFFFE0] =	vst v3;
	v7 =	vadd.f32 v6, v5;
	v3 =	vld [tilespmem:s18+$0x20]  }
0x1f4: {  	v6 =	vld [tilespmem:s8+$0x20]  }
0x1f5: {  	s18 =	sadd.s32 $0x70, s18;
	v5 =	vld [tilespmem:s7+$0xFFFFFFD0];
	[tilespmem:s7+$0xFFFFFFF0] =	vst v7;
	v7 =	vadd.f32 v9, v8  }
0x1f6: {  	_ =	sdelay $0x1  }
.Ltmp12:
0x1f7: {  	v2 =	vadd.f32 v4, v2;
	(pc) =	sbr.rel @p0 .LBB2_23-.Ltmp12, $4  }
0x1f8: {  	[tilespmem:s7+$0x0] =	vst v7;
	v3 =	vadd.f32 v6, v3  }
0x1f9: {  	[tilespmem:s7+$0x10] =	vst v2;
	v1 =	vadd.f32 v1, v5  }
0x1fa: {  	[tilespmem:s7+$0x20] =	vst v3  }
0x1fb: {  	[tilespmem:s7+$0xFFFFFFD0] =	vst v1  }
0x1fc: {  	s7 =	smul.u32 $0x62000, s5;
	_ =	sdelay $0x1  }
.Ltmp13:
0x1fd: {  	s7 =	sshra.s32 s7, $0x2;
	(pc) =	sbr.rel .LBB2_17-.Ltmp13, $4  }
0x1fe: {  	s7 =	sadd.s32 s7, s10  }
0x1ff: {  	s7 =	sadd.s32 s11, s7  }
0x200: {  	s5 =	sadd.s32 $0x1, s5;
	s7 =	sadd.s32 $0x24C00, s7  }
0x201: {  	[tilespmem:s2], [sflag:$0x6] =	stream.linear.gather [spmem:s7], $0xC40, $0x200038;
	[tilespmem:$0x1FD80] =	vst v63  }
.LBB2_23:
0x202: {  	s7 =	sld [smem:$0x7F9];
	_ =	sdelay $0x1  }
0x203: {  	s5 =	simm.s32 $0x0;
	s8 =	simm.s32 $0x18800  }
0x204: {  	[hbm4b:s7+s5] =	stream.linear.scatter [tilespmem:s8], [sflag:$0x7], $0xC40, $0x200038;
	[tilespmem:$0x1FD80] =	vst v63  }
0x205: {  	_ =	swait.ge [sflag:s20], $0xC40  }
0x206: {  	[sflag:s20] =	ssyncset.done $0x0  }
0x207: {  	[sflag:s20] =	ssyncadd.s32 $0xFFFFF3C0  }
0x208: {  	[bflag:$0x0] =	sbarrier.arrive $0xFFFF  }
0x209: {  	_ =	strace $0x9000004C  }
0x20a: {  	_ =	strace $0x8000004D  }
.LBB2_24:
0x20b: {  	_ =	swait.ge [sflag:s29], $0x800  }
0x20c: {  	[sflag:s29] =	ssyncset.done $0x0  }
0x20d: {  	[sflag:s29] =	ssyncadd.s32 $0xFFFFF800  }
0x20e: {  	_ =	swait.ge [sflag:s29], $0x800  }
0x20f: {  	[sflag:s29] =	ssyncset.done $0x0  }
0x210: {  	[sflag:s29] =	ssyncadd.s32 $0xFFFFF800  }
0x211: {  	_ =	swait.ge [sflag:s29], $0x800  }
0x212: {  	[sflag:s29] =	ssyncset.done $0x0  }
0x213: {  	[sflag:s29] =	ssyncadd.s32 $0xFFFFF800  }
0x214: {  	_ =	swait.ge [sflag:s29], $0x800  }
0x215: {  	p0 =	seq.s32 s5, $0x0;
	[sflag:s29] =	ssyncset.done $0x0  }
0x216: {  	s7 =	simm.s32 @!p0 $0x3;
	[sflag:s29] =	ssyncadd.s32 $0xFFFFF800  }
0x217: {  	_ =	swait.ge @!p0 [sflag:s7], $0x800  }
0x218: {  	[sflag:s7] =	ssyncset.done @!p0 $0x0  }
0x219: {  	s8 =	simm.s32 $0x1BDC0;
	[sflag:s7] =	ssyncadd.s32 @!p0 $0xFFFFF800  }
0x21a: {  	s17 =	simm.s32 $0x1ADC0;
	v1 =	vld [tilespmem:s8+$0xFFFFFFD0]  }
0x21b: {  	v2 =	vld [tilespmem:s17+$0xFFFFFFE0]  }
0x21c: {  	v3 =	vld [tilespmem:s8+$0xFFFFFFE0]  }
0x21d: {  	v4 =	vld [tilespmem:s17+$0xFFFFFFF0]  }
0x21e: {  	v5 =	vld [tilespmem:s8+$0xFFFFFFF0]  }
0x21f: {  	v6 =	vld [tilespmem:s17+$0x0]  }
0x220: {  	s25 =	simm.s32 $0x1CDC0;
	v7 =	vld [tilespmem:s8+$0x0]  }
0x221: {  	v8 =	vld [tilespmem:s25+$0x0]  }
0x222: {  	v9 =	vld [tilespmem:s25+$0xFFFFFFF0]  }
0x223: {  	v10 =	vld [tilespmem:s17+$0x10]  }
0x224: {  	v11 =	vld [tilespmem:s8+$0x10]  }
0x225: {  	v12 =	vld [tilespmem:s17+$0x20]  }
0x226: {  	v13 =	vld [tilespmem:s8+$0x20]  }
0x227: {  	v14 =	vld [tilespmem:s17+$0x30]  }
0x228: {  	v15 =	vld [tilespmem:s8+$0x30]  }
0x229: {  	v16 =	vld [tilespmem:s25+$0x30]  }
0x22a: {  	v17 =	vld [tilespmem:s17+$0xFFFFFFC0]  }
0x22b: {  	v18 =	vld [tilespmem:s25+$0x10]  }
0x22c: {  	v19 =	vld [tilespmem:s25+$0xFFFFFFE0]  }
0x22d: {  	v46 =	vld [tilespmem:s25+$0x20];
	v6 =	vmul.f32 v7, v6  }
0x22e: {  	v47 =	vld [tilespmem:s17+$0xFFFFFFD0];
	v14 =	vmul.f32 v15, v14  }
0x22f: {  	v49 =	vld [tilespmem:s8+$0xFFFFFFC0];
	v4 =	vmul.f32 v5, v4;
	v48 =	vmul.f32 v8, v6  }
0x230: {  	s18 =	simm.s32 $0x1EDC0;
	v51 =	vld [tilespmem:s25+$0xFFFFFFD0];
	v50 =	vmul.f32 v11, v10;
	v52 =	vmul.f32 v16, v14  }
0x231: {  	s20 =	simm.s32 $0x1DDC0;
	v53 =	vld [tilespmem:s25+$0xFFFFFFC0];
	v2 =	vmul.f32 v3, v2;
	v3 =	vmul.f32 v9, v4;
	[tilespmem:s18+$0x0] =	vst v48  }
0x232: {  	v54 =	vmul.f32 v13, v12;
	v8 =	vmul.f32 v18, v50;
	[tilespmem:s18+$0x30] =	vst v52;
	v55 =	vld [tilespmem:s20+$0x0]  }
0x233: {  	v1 =	vmul.f32 v1, v47;
	v56 =	vmul.f32 v19, v2;
	[tilespmem:s18+$0xFFFFFFF0] =	vst v3;
	v57 =	vld [tilespmem:s20+$0x30]  }
0x234: {  	v2 =	vmul.f32 v49, v17;
	v4 =	vmul.f32 v46, v54;
	[tilespmem:s18+$0x10] =	vst v8;
	v58 =	vld [tilespmem:s20+$0xFFFFFFF0]  }
0x235: {  	v59 =	vmul.f32 v51, v1;
	[tilespmem:s18+$0xFFFFFFE0] =	vst v56;
	v60 =	vld [tilespmem:s20+$0x10]  }
0x236: {  	v1 =	vmul.f32 v53, v2;
	[tilespmem:s18+$0x20] =	vst v4;
	v61 =	vld [tilespmem:s20+$0xFFFFFFE0]  }
0x237: {  	[tilespmem:s18+$0xFFFFFFD0] =	vst v59;
	v62 =	vld [tilespmem:s20+$0x20]  }
0x238: {  	v63 =	vld [tilespmem:s20+$0xFFFFFFD0];
	[tilespmem:s18+$0xFFFFFFC0] =	vst v1  }
0x239: {  	v2 =	vld [tilespmem:s20+$0xFFFFFFC0]  }
0x23a: {  	[tilespmem:v55+s12+$0x0] =	vst.idx.add.f32.msk $0xffff, v48  }
0x23b: {  	[tilespmem:v57+s12+$0x0] =	vst.idx.add.f32.msk $0xffff, v52  }
0x23c: {  	[tilespmem:v58+s12+$0x0] =	vst.idx.add.f32.msk $0xffff, v3  }
0x23d: {  	[tilespmem:v60+s12+$0x0] =	vst.idx.add.f32.msk $0xffff, v8  }
0x23e: {  	[tilespmem:v61+s12+$0x0] =	vst.idx.add.f32.msk $0xffff, v56  }
0x23f: {  	s22 =	simm.s32 $0x1CE40;
	s24 =	simm.s32 $0x1EE40;
	s7 =	sshll.u32 s5, $0xC;
	[tilespmem:v62+s12+$0x0] =	vst.idx.add.f32.msk $0xffff, v4  }
0x240: {  	s25 =	simm.s32 $0x1DE40;
	s18 =	sadd.s32 s14, s7;
	s20 =	simm.s32 $0x0;
	[tilespmem:v63+s12+$0x0] =	vst.idx.add.f32.msk $0xffff, v59  }
.LBB2_25:
0x241: {  	s20 =	sadd.s32 $0x8, s20;
	[tilespmem:v2+s12+$0x0] =	vst.idx.add.f32.msk $0xffff, v1;
	s17 =	sadd.s32 $0x80, s17;
	s8 =	sadd.s32 $0x80, s8  }
0x242: {  	v1 =	vld [tilespmem:s8+$0xFFFFFFD0];
	p1 =	slt.u32 s20, $0x78  }
0x243: {  	v2 =	vld [tilespmem:s17+$0xFFFFFFE0]  }
0x244: {  	v3 =	vld [tilespmem:s8+$0xFFFFFFE0]  }
0x245: {  	v4 =	vld [tilespmem:s17+$0xFFFFFFF0]  }
0x246: {  	v5 =	vld [tilespmem:s8+$0xFFFFFFF0]  }
0x247: {  	v6 =	vld [tilespmem:s17+$0x0]  }
0x248: {  	v7 =	vld [tilespmem:s8+$0x0]  }
0x249: {  	v8 =	vld [tilespmem:s22+$0x0]  }
0x24a: {  	v9 =	vld [tilespmem:s22+$0xFFFFFFF0]  }
0x24b: {  	v10 =	vld [tilespmem:s17+$0x10]  }
0x24c: {  	v11 =	vld [tilespmem:s8+$0x10]  }
0x24d: {  	v12 =	vld [tilespmem:s17+$0x20]  }
0x24e: {  	v13 =	vld [tilespmem:s8+$0x20]  }
0x24f: {  	v14 =	vld [tilespmem:s17+$0x30]  }
0x250: {  	v15 =	vld [tilespmem:s8+$0x30]  }
0x251: {  	v10 =	vmul.f32 v11, v10;
	v11 =	vld [tilespmem:s22+$0x30]  }
0x252: {  	v16 =	vld [tilespmem:s17+$0xFFFFFFC0]  }
0x253: {  	v17 =	vld [tilespmem:s22+$0x10];
	v12 =	vmul.f32 v13, v12  }
0x254: {  	v13 =	vld [tilespmem:s22+$0xFFFFFFE0]  }
0x255: {  	v6 =	vmul.f32 v7, v6;
	v7 =	vld [tilespmem:s22+$0x20];
	v14 =	vmul.f32 v15, v14  }
0x256: {  	v15 =	vld [tilespmem:s17+$0xFFFFFFD0]  }
0x257: {  	v4 =	vmul.f32 v5, v4;
	v5 =	vmul.f32 v8, v6;
	v18 =	vld [tilespmem:s8+$0xFFFFFFC0]  }
0x258: {  	v6 =	vld [tilespmem:s22+$0xFFFFFFD0];
	v8 =	vmul.f32 v17, v10;
	v10 =	vmul.f32 v11, v14  }
0x259: {  	v2 =	vmul.f32 v3, v2;
	v3 =	vmul.f32 v9, v4;
	v11 =	vld [tilespmem:s22+$0xFFFFFFC0];
	[tilespmem:s24+$0x0] =	vst v5  }
0x25a: {  	v4 =	vld [tilespmem:s25+$0x0];
	[tilespmem:s24+$0x30] =	vst v10  }
0x25b: {  	v9 =	vmul.f32 v13, v2;
	v1 =	vmul.f32 v1, v15;
	[tilespmem:s24+$0xFFFFFFF0] =	vst v3;
	v13 =	vld [tilespmem:s25+$0x30]  }
0x25c: {  	v7 =	vmul.f32 v7, v12;
	v2 =	vmul.f32 v18, v16;
	v14 =	vld [tilespmem:s25+$0xFFFFFFF0];
	[tilespmem:s24+$0x10] =	vst v8  }
0x25d: {  	v6 =	vmul.f32 v6, v1;
	[tilespmem:s24+$0xFFFFFFE0] =	vst v9;
	v12 =	vld [tilespmem:s25+$0x10]  }
0x25e: {  	v1 =	vmul.f32 v11, v2;
	v11 =	vld [tilespmem:s25+$0xFFFFFFE0];
	[tilespmem:s24+$0x20] =	vst v7  }
0x25f: {  	[tilespmem:s24+$0xFFFFFFD0] =	vst v6;
	v15 =	vld [tilespmem:s25+$0x20]  }
0x260: {  	[tilespmem:s24+$0xFFFFFFC0] =	vst v1;
	v16 =	vld [tilespmem:s25+$0xFFFFFFD0]  }
0x261: {  	v2 =	vld [tilespmem:s25+$0xFFFFFFC0]  }
0x262: {  	[tilespmem:v4+s12+$0x0] =	vst.idx.add.f32.msk $0xffff, v5  }
0x263: {  	[tilespmem:v13+s12+$0x0] =	vst.idx.add.f32.msk $0xffff, v10  }
.Ltmp14:
0x264: {  	[tilespmem:v14+s12+$0x0] =	vst.idx.add.f32.msk $0xffff, v3;
	(pc) =	sbr.rel @p1 .LBB2_25-.Ltmp14, $4  }
0x265: {  	[tilespmem:v12+s12+$0x0] =	vst.idx.add.f32.msk $0xffff, v8  }
0x266: {  	[tilespmem:v11+s12+$0x0] =	vst.idx.add.f32.msk $0xffff, v9  }
0x267: {  	[tilespmem:v15+s12+$0x0] =	vst.idx.add.f32.msk $0xffff, v7  }
0x268: {  	s22 =	sadd.s32 $0x80, s22;
	s24 =	sadd.s32 $0x80, s24;
	s25 =	sadd.s32 $0x80, s25;
	[tilespmem:v16+s12+$0x0] =	vst.idx.add.f32.msk $0xffff, v6  }
0x269: {  	_ =	sdelay $0x3  }
0x26a: {  	s8 =	sshrl.u32 s18, $0x3;
	[tilespmem:v2+s12+$0x0] =	vst.idx.add.f32.msk $0xffff, v1  }
0x26b: {  	p1 =	seq.s32 s5, $0xB;
	s8 =	sadd.s32 s15, s8;
	s18 =	sld [smem:$0x7F6]  }
0x26c: {  	[hbm4b:s8+s12] =	stream.linear.scatter [tilespmem:s6], [sflag:$0x3], $0x800, $0x200038;
	[tilespmem:$0x1FD80] =	vst v63  }
0x26d: {  	s17 =	simm.s32 @p1 $0x1AD80;
	s8 =	simm.s32 @p1 $0x0  }
0x26e: {  	[tilespmem:s17], [sflag:$0x1] =	stream.linear.gather @p1 [hbm4b:s18+s8], $0x350, $0x200038;
	[tilespmem:$0x1FD80] =	vst v63  }
0x26f: {  	s18 =	sld [smem:$0x7F7];
	_ =	sdelay $0x1  }
0x270: {  	s17 =	simm.s32 @p1 $0x1BD80  }
0x271: {  	[tilespmem:s17], [sflag:$0x1] =	stream.linear.gather @p1 [hbm4b:s18+s8], $0x350, $0x200038;
	[tilespmem:$0x1FD80] =	vst v63  }
0x272: {  	s17 =	simm.s32 @p1 $0x1CD80  }
0x273: {  	[tilespmem:s17], [sflag:$0x1] =	stream.linear.gather @p1 [hbm4b:s26+s8], $0x350, $0x200038;
	[tilespmem:$0x1FD80] =	vst v63  }
0x274: {  	s17 =	simm.s32 @p1 $0x1DD80  }
0x275: {  	[tilespmem:s17], [sflag:$0x1] =	stream.linear.gather @p1 [hbm4b:s28+s8], $0x350, $0x200038;
	[tilespmem:$0x1FD80] =	vst v63  }
0x276: {  	s8 =	sadd.s32 @!p1 s7, s16  }
0x277: {  	s17 =	rddreg [dreg:$0x4];
	s8 =	sshrl.u32 @!p1 s8, $0x3  }
0x278: {  	s20 =	simm.s32 @!p1 $0x1AD80;
	s18 =	simm.s32 @!p1 $0x0;
	s17 =	sadd.s32 @!p1 s17, s8  }
0x279: {  	[tilespmem:s20], [sflag:$0x1] =	stream.linear.gather @!p1 [hbm4b:s17+s18], $0x800, $0x200038;
	[tilespmem:$0x1FD80] =	vst v63  }
0x27a: {  	s17 =	rddreg [dreg:$0x5]  }
0x27b: {  	s20 =	simm.s32 @!p1 $0x1BD80;
	s17 =	sadd.s32 @!p1 s17, s8  }
0x27c: {  	[tilespmem:s20], [sflag:$0x1] =	stream.linear.gather @!p1 [hbm4b:s17+s18], $0x800, $0x200038;
	[tilespmem:$0x1FD80] =	vst v63  }
0x27d: {  	s17 =	rddreg [dreg:$0x6]  }
0x27e: {  	s20 =	simm.s32 @!p1 $0x1CD80;
	s17 =	sadd.s32 @!p1 s17, s8  }
0x27f: {  	[tilespmem:s20], [sflag:$0x1] =	stream.linear.gather @!p1 [hbm4b:s17+s18], $0x800, $0x200038;
	[tilespmem:$0x1FD80] =	vst v63  }
0x280: {  	s17 =	rddreg [dreg:$0x7]  }
0x281: {  	s8 =	sadd.s32 @!p1 s17, s8;
	s17 =	simm.s32 @!p1 $0x1DD80  }
0x282: {  	[tilespmem:s17], [sflag:$0x1] =	stream.linear.gather @!p1 [hbm4b:s8+s18], $0x800, $0x200038;
	[tilespmem:$0x1FD80] =	vst v63  }
0x283: {  	_ =	swait.ge [sflag:s0], $0x800  }
0x284: {  	[sflag:s0] =	ssyncset.done $0x0  }
0x285: {  	[sflag:s0] =	ssyncadd.s32 $0xFFFFF800  }
0x286: {  	_ =	swait.ge [sflag:s0], $0x800  }
0x287: {  	[sflag:s0] =	ssyncset.done $0x0  }
0x288: {  	[sflag:s0] =	ssyncadd.s32 $0xFFFFF800  }
0x289: {  	_ =	swait.ge [sflag:s0], $0x800  }
0x28a: {  	[sflag:s0] =	ssyncset.done $0x0  }
0x28b: {  	[sflag:s0] =	ssyncadd.s32 $0xFFFFF800  }
0x28c: {  	_ =	swait.ge [sflag:s0], $0x800  }
0x28d: {  	[sflag:s0] =	ssyncset.done $0x0  }
0x28e: {  	s8 =	simm.s32 @!p0 $0x4;
	[sflag:s0] =	ssyncadd.s32 $0xFFFFF800  }
0x28f: {  	_ =	swait.ge @!p0 [sflag:s8], $0x800  }
0x290: {  	[sflag:s8] =	ssyncset.done @!p0 $0x0  }
0x291: {  	[sflag:s8] =	ssyncadd.s32 @!p0 $0xFFFFF800;
	s8 =	simm.s32 $0x1C5C0  }
0x292: {  	s17 =	simm.s32 $0x1B5C0;
	v1 =	vld [tilespmem:s8+$0xFFFFFFD0]  }
0x293: {  	v2 =	vld [tilespmem:s17+$0xFFFFFFE0]  }
0x294: {  	v3 =	vld [tilespmem:s8+$0xFFFFFFE0]  }
0x295: {  	v4 =	vld [tilespmem:s17+$0xFFFFFFF0]  }
0x296: {  	v5 =	vld [tilespmem:s8+$0xFFFFFFF0]  }
0x297: {  	v6 =	vld [tilespmem:s17+$0x0]  }
0x298: {  	s24 =	simm.s32 $0x1D5C0;
	v7 =	vld [tilespmem:s8+$0x0]  }
0x299: {  	v8 =	vld [tilespmem:s24+$0x0]  }
0x29a: {  	v9 =	vld [tilespmem:s24+$0xFFFFFFF0]  }
0x29b: {  	v10 =	vld [tilespmem:s17+$0x10]  }
0x29c: {  	v11 =	vld [tilespmem:s8+$0x10]  }
0x29d: {  	v12 =	vld [tilespmem:s17+$0x20]  }
0x29e: {  	v13 =	vld [tilespmem:s8+$0x20]  }
0x29f: {  	v14 =	vld [tilespmem:s17+$0x30]  }
0x2a0: {  	v15 =	vld [tilespmem:s8+$0x30]  }
0x2a1: {  	v16 =	vld [tilespmem:s24+$0x30]  }
0x2a2: {  	v17 =	vld [tilespmem:s17+$0xFFFFFFC0]  }
0x2a3: {  	v18 =	vld [tilespmem:s24+$0x10]  }
0x2a4: {  	v19 =	vld [tilespmem:s24+$0xFFFFFFE0]  }
0x2a5: {  	v46 =	vld [tilespmem:s24+$0x20];
	v6 =	vmul.f32 v7, v6  }
0x2a6: {  	v47 =	vld [tilespmem:s17+$0xFFFFFFD0];
	v14 =	vmul.f32 v15, v14  }
0x2a7: {  	v49 =	vld [tilespmem:s8+$0xFFFFFFC0];
	v4 =	vmul.f32 v5, v4;
	v48 =	vmul.f32 v8, v6  }
0x2a8: {  	s25 =	simm.s32 $0x1F5C0;
	v51 =	vld [tilespmem:s24+$0xFFFFFFD0];
	v50 =	vmul.f32 v11, v10;
	v52 =	vmul.f32 v16, v14  }
0x2a9: {  	s22 =	simm.s32 $0x1E5C0;
	v53 =	vld [tilespmem:s24+$0xFFFFFFC0];
	v2 =	vmul.f32 v3, v2;
	v3 =	vmul.f32 v9, v4;
	[tilespmem:s25+$0x0] =	vst v48  }
0x2aa: {  	v54 =	vmul.f32 v13, v12;
	v8 =	vmul.f32 v18, v50;
	[tilespmem:s25+$0x30] =	vst v52;
	v55 =	vld [tilespmem:s22+$0x0]  }
0x2ab: {  	v1 =	vmul.f32 v1, v47;
	v56 =	vmul.f32 v19, v2;
	[tilespmem:s25+$0xFFFFFFF0] =	vst v3;
	v57 =	vld [tilespmem:s22+$0x30]  }
0x2ac: {  	v2 =	vmul.f32 v49, v17;
	v4 =	vmul.f32 v46, v54;
	[tilespmem:s25+$0x10] =	vst v8;
	v58 =	vld [tilespmem:s22+$0xFFFFFFF0]  }
0x2ad: {  	v59 =	vmul.f32 v51, v1;
	[tilespmem:s25+$0xFFFFFFE0] =	vst v56;
	v60 =	vld [tilespmem:s22+$0x10]  }
0x2ae: {  	v1 =	vmul.f32 v53, v2;
	[tilespmem:s25+$0x20] =	vst v4;
	v61 =	vld [tilespmem:s22+$0xFFFFFFE0]  }
0x2af: {  	[tilespmem:s25+$0xFFFFFFD0] =	vst v59;
	v62 =	vld [tilespmem:s22+$0x20]  }
0x2b0: {  	v63 =	vld [tilespmem:s22+$0xFFFFFFD0];
	[tilespmem:s25+$0xFFFFFFC0] =	vst v1  }
0x2b1: {  	v2 =	vld [tilespmem:s22+$0xFFFFFFC0]  }
0x2b2: {  	[tilespmem:v55+s12+$0x0] =	vst.idx.add.f32.msk $0xffff, v48  }
0x2b3: {  	[tilespmem:v57+s12+$0x0] =	vst.idx.add.f32.msk $0xffff, v52  }
0x2b4: {  	[tilespmem:v58+s12+$0x0] =	vst.idx.add.f32.msk $0xffff, v3  }
0x2b5: {  	[tilespmem:v60+s12+$0x0] =	vst.idx.add.f32.msk $0xffff, v8  }
0x2b6: {  	[tilespmem:v61+s12+$0x0] =	vst.idx.add.f32.msk $0xffff, v56  }
0x2b7: {  	s20 =	simm.s32 $0x0;
	s18 =	sadd.s32 s7, s19;
	[tilespmem:v62+s12+$0x0] =	vst.idx.add.f32.msk $0xffff, v4  }
0x2b8: {  	s24 =	simm.s32 $0x1F640;
	s25 =	simm.s32 $0x1E640;
	s22 =	simm.s32 $0x1D640;
	[tilespmem:v63+s12+$0x0] =	vst.idx.add.f32.msk $0xffff, v59  }
.LBB2_27:
0x2b9: {  	s20 =	sadd.s32 $0x8, s20;
	[tilespmem:v2+s12+$0x0] =	vst.idx.add.f32.msk $0xffff, v1;
	s17 =	sadd.s32 $0x80, s17;
	s8 =	sadd.s32 $0x80, s8  }
0x2ba: {  	v1 =	vld [tilespmem:s8+$0xFFFFFFD0];
	p0 =	slt.u32 s20, $0x78  }
0x2bb: {  	v2 =	vld [tilespmem:s17+$0xFFFFFFE0]  }
0x2bc: {  	v3 =	vld [tilespmem:s8+$0xFFFFFFE0]  }
0x2bd: {  	v4 =	vld [tilespmem:s17+$0xFFFFFFF0]  }
0x2be: {  	v5 =	vld [tilespmem:s8+$0xFFFFFFF0]  }
0x2bf: {  	v6 =	vld [tilespmem:s17+$0x0]  }
0x2c0: {  	v7 =	vld [tilespmem:s8+$0x0]  }
0x2c1: {  	v8 =	vld [tilespmem:s22+$0x0]  }
0x2c2: {  	v9 =	vld [tilespmem:s22+$0xFFFFFFF0]  }
0x2c3: {  	v10 =	vld [tilespmem:s17+$0x10]  }
0x2c4: {  	v11 =	vld [tilespmem:s8+$0x10]  }
0x2c5: {  	v12 =	vld [tilespmem:s17+$0x20]  }
0x2c6: {  	v13 =	vld [tilespmem:s8+$0x20]  }
0x2c7: {  	v14 =	vld [tilespmem:s17+$0x30]  }
0x2c8: {  	v15 =	vld [tilespmem:s8+$0x30]  }
0x2c9: {  	v10 =	vmul.f32 v11, v10;
	v11 =	vld [tilespmem:s22+$0x30]  }
0x2ca: {  	v16 =	vld [tilespmem:s17+$0xFFFFFFC0]  }
0x2cb: {  	v17 =	vld [tilespmem:s22+$0x10];
	v12 =	vmul.f32 v13, v12  }
0x2cc: {  	v13 =	vld [tilespmem:s22+$0xFFFFFFE0]  }
0x2cd: {  	v6 =	vmul.f32 v7, v6;
	v7 =	vld [tilespmem:s22+$0x20];
	v14 =	vmul.f32 v15, v14  }
0x2ce: {  	v15 =	vld [tilespmem:s17+$0xFFFFFFD0]  }
0x2cf: {  	v4 =	vmul.f32 v5, v4;
	v5 =	vmul.f32 v8, v6;
	v18 =	vld [tilespmem:s8+$0xFFFFFFC0]  }
0x2d0: {  	v6 =	vld [tilespmem:s22+$0xFFFFFFD0];
	v8 =	vmul.f32 v17, v10;
	v10 =	vmul.f32 v11, v14  }
0x2d1: {  	v2 =	vmul.f32 v3, v2;
	v3 =	vmul.f32 v9, v4;
	v11 =	vld [tilespmem:s22+$0xFFFFFFC0];
	[tilespmem:s24+$0x0] =	vst v5  }
0x2d2: {  	v4 =	vld [tilespmem:s25+$0x0];
	[tilespmem:s24+$0x30] =	vst v10  }
0x2d3: {  	v9 =	vmul.f32 v13, v2;
	v1 =	vmul.f32 v1, v15;
	[tilespmem:s24+$0xFFFFFFF0] =	vst v3;
	v13 =	vld [tilespmem:s25+$0x30]  }
0x2d4: {  	v7 =	vmul.f32 v7, v12;
	v2 =	vmul.f32 v18, v16;
	v14 =	vld [tilespmem:s25+$0xFFFFFFF0];
	[tilespmem:s24+$0x10] =	vst v8  }
0x2d5: {  	v6 =	vmul.f32 v6, v1;
	[tilespmem:s24+$0xFFFFFFE0] =	vst v9;
	v12 =	vld [tilespmem:s25+$0x10]  }
0x2d6: {  	v1 =	vmul.f32 v11, v2;
	v11 =	vld [tilespmem:s25+$0xFFFFFFE0];
	[tilespmem:s24+$0x20] =	vst v7  }
0x2d7: {  	[tilespmem:s24+$0xFFFFFFD0] =	vst v6;
	v15 =	vld [tilespmem:s25+$0x20]  }
0x2d8: {  	[tilespmem:s24+$0xFFFFFFC0] =	vst v1;
	v16 =	vld [tilespmem:s25+$0xFFFFFFD0]  }
0x2d9: {  	v2 =	vld [tilespmem:s25+$0xFFFFFFC0]  }
0x2da: {  	[tilespmem:v4+s12+$0x0] =	vst.idx.add.f32.msk $0xffff, v5  }
0x2db: {  	[tilespmem:v13+s12+$0x0] =	vst.idx.add.f32.msk $0xffff, v10  }
.Ltmp15:
0x2dc: {  	[tilespmem:v14+s12+$0x0] =	vst.idx.add.f32.msk $0xffff, v3;
	(pc) =	sbr.rel @p0 .LBB2_27-.Ltmp15, $4  }
0x2dd: {  	[tilespmem:v12+s12+$0x0] =	vst.idx.add.f32.msk $0xffff, v8  }
0x2de: {  	[tilespmem:v11+s12+$0x0] =	vst.idx.add.f32.msk $0xffff, v9  }
0x2df: {  	[tilespmem:v15+s12+$0x0] =	vst.idx.add.f32.msk $0xffff, v7  }
0x2e0: {  	s22 =	sadd.s32 $0x80, s22;
	s24 =	sadd.s32 $0x80, s24;
	s25 =	sadd.s32 $0x80, s25;
	[tilespmem:v16+s12+$0x0] =	vst.idx.add.f32.msk $0xffff, v6  }
0x2e1: {  	_ = 	snop  }
.Ltmp16:
0x2e2: {  	_ = 	snop;
	(pc) =	sbr.rel @p1 .LBB2_30-.Ltmp16, $4  }
0x2e3: {  	_ = 	snop  }
0x2e4: {  	s8 =	sshrl.u32 s18, $0x3  }
0x2e5: {  	[tilespmem:v2+s12+$0x0] =	vst.idx.add.f32.msk $0xffff, v1;
	s8 =	sadd.s32 s15, s8  }
0x2e6: {  	[hbm4b:s8+s12] =	stream.linear.scatter [tilespmem:s1], [sflag:$0x4], $0x800, $0x200038;
	[tilespmem:$0x1FD80] =	vst v63  }
0x2e7: {  	s7 =	sadd.s32 s7, s23  }
0x2e8: {  	s8 =	rddreg [dreg:$0x4];
	s7 =	sshrl.u32 s7, $0x3  }
0x2e9: {  	s22 =	rddreg [dreg:$0x5];
	s8 =	sadd.s32 s8, s7  }
0x2ea: {  	[tilespmem:s30], [sflag:$0x2] =	stream.linear.gather [hbm4b:s8+s12], $0x800, $0x200038;
	[tilespmem:$0x1FD80] =	vst v63  }
0x2eb: {  	s8 =	sadd.s32 s22, s7  }
0x2ec: {  	[tilespmem:s31], [sflag:$0x2] =	stream.linear.gather [hbm4b:s8+s12], $0x800, $0x200038;
	[tilespmem:$0x1FD80] =	vst v63  }
.Ltmp17:
0x2ed: {  	s24 =	rddreg [dreg:$0x6];
	(pc) =	sbr.rel .LBB2_24-.Ltmp17, $4  }
0x2ee: {  	s25 =	rddreg [dreg:$0x7];
	s8 =	sadd.s32 s24, s7  }
0x2ef: {  	[tilespmem:s9], [sflag:$0x2] =	stream.linear.gather [hbm4b:s8+s12], $0x800, $0x200038;
	[tilespmem:$0x1FD80] =	vst v63  }
0x2f0: {  	s5 =	sadd.s32 $0x1, s5;
	s7 =	sadd.s32 s25, s7  }
0x2f1: {  	[tilespmem:s21], [sflag:$0x2] =	stream.linear.gather [hbm4b:s7+s12], $0x800, $0x200038;
	[tilespmem:$0x1FD80] =	vst v63  }
.LBB2_30:
0x2f2: {  	_ =	swait.ge [sflag:s29], $0x350  }
0x2f3: {  	[sflag:s29] =	ssyncset.done $0x0  }
0x2f4: {  	[sflag:s29] =	ssyncadd.s32 $0xFFFFFCB0  }
0x2f5: {  	_ =	swait.ge [sflag:s29], $0x350  }
0x2f6: {  	[sflag:s29] =	ssyncset.done $0x0  }
0x2f7: {  	[sflag:s29] =	ssyncadd.s32 $0xFFFFFCB0  }
0x2f8: {  	_ =	swait.ge [sflag:s29], $0x350  }
0x2f9: {  	[sflag:s29] =	ssyncset.done $0x0  }
0x2fa: {  	[sflag:s29] =	ssyncadd.s32 $0xFFFFFCB0  }
0x2fb: {  	_ =	swait.ge [sflag:s29], $0x350  }
0x2fc: {  	[sflag:s29] =	ssyncset.done $0x0  }
0x2fd: {  	s18 =	simm.s32 $0x3;
	[sflag:s29] =	ssyncadd.s32 $0xFFFFFCB0  }
0x2fe: {  	_ =	swait.ge [sflag:s18], $0x800  }
0x2ff: {  	[sflag:s18] =	ssyncset.done $0x0  }
0x300: {  	s5 =	simm.s32 $0x0;
	[sflag:s18] =	ssyncadd.s32 $0xFFFFF800  }
0x301: {  	v2 =	vld [tilespmem:s5+$0x1AD80]  }
0x302: {  	v3 =	vld [tilespmem:s5+$0x1BD80]  }
0x303: {  	v4 =	vld [tilespmem:s5+$0x1CD80]  }
0x304: {  	v1 =	vld [tilespmem:s5+$0x1DD80];
	_ =	sdelay $0x2  }
0x305: {  	s7 =	simm.s32 $0x10;
	v5 =	vmul.f32 v3, v2  }
0x306: {  	v2 =	vld [tilespmem:s7+$0x1DD80]  }
0x307: {  	s8 =	simm.s32 $0x80;
	v3 =	vld [tilespmem:s7+$0x1AD80];
	v4 =	vmul.f32 v4, v5  }
.LBB2_31:
0x308: {  	p0 =	sne.s32 s8, $0xD00;
	v5 =	vld [tilespmem:s7+$0x1BD80];
	s17 =	smov.u32 s8;
	s8 =	sadd.s32 $0x40, s8  }
0x309: {  	v6 =	vld [tilespmem:s7+$0x1CD80];
	[tilespmem:s5+$0x1ED80] =	vst v4;
	s5 =	smov.u32 s7  }
0x30a: {  	[tilespmem:v1+s12+$0x0] =	vst.idx.add.f32.msk $0xffff, v4  }
.Ltmp18:
0x30b: {  	v1 =	vmov v2;
	(pc) =	sbr.rel @p0 .LBB2_31-.Ltmp18, $4  }
0x30c: {  	_ = 	snop  }
0x30d: {  	s7 =	sshra.s32 s17, $0x2;
	v4 =	vmul.f32 v5, v3  }
0x30e: {  	v2 =	vld [tilespmem:s7+$0x1DD80]  }
0x30f: {  	v3 =	vld [tilespmem:s7+$0x1AD80];
	v4 =	vmul.f32 v6, v4  }
0x310: {  	v5 =	vld [tilespmem:s7+$0x1BD80];
	_ =	sdelay $0x1  }
0x311: {  	v6 =	vld [tilespmem:s7+$0x1CD80];
	_ =	sdelay $0x2  }
0x312: {  	v3 =	vmul.f32 v5, v3;
	_ =	sdelay $0x1  }
0x313: {  	[tilespmem:s5+$0x1ED80] =	vst v4;
	v3 =	vmul.f32 v6, v3  }
0x314: {  	[tilespmem:v1+s12+$0x0] =	vst.idx.add.f32.msk $0xffff, v4  }
0x315: {  	[tilespmem:s7+$0x1ED80] =	vst v3  }
0x316: {  	[tilespmem:v2+s12+$0x0] =	vst.idx.add.f32.msk $0xffff, v3  }
0x317: {  	s5 =	sld [smem:$0x7F8];
	_ =	sdelay $0x1  }
0x318: {  	s24 =	simm.s32 $0x4  }
0x319: {  	[hbm4b:s5+s12] =	stream.linear.scatter [tilespmem:s6], [sflag:$0x3], $0x350, $0x200038;
	[tilespmem:$0x1FD80] =	vst v63  }
0x31a: {  	_ =	swait.ge [sflag:s24], $0x800  }
0x31b: {  	[sflag:s24] =	ssyncset.done $0x0  }
0x31c: {  	[sflag:s24] =	ssyncadd.s32 $0xFFFFF800  }
0x31d: {  	_ =	swait.ge [sflag:s18], $0x350  }
0x31e: {  	[sflag:s18] =	ssyncset.done $0x0  }
0x31f: {  	[sflag:s18] =	ssyncadd.s32 $0xFFFFFCB0  }
0x320: {  	_ =	strace $0x9000004D  }
0x321: {  	_ =	strace $0x8000004E  }
0x322: {  	s20 =	simm.s32 $0x7;
	s25 =	rddreg [dreg:$0xf]  }
0x323: {  	[spmem:s25] =	stream.linear.scatter [tilespmem:s12], [sflag:$0x7], $0xC400, $0x200038;
	[tilespmem:$0x1FD80] =	vst v63  }
0x324: {  	_ =	swait.ge [sflag:s20], $0xC400  }
0x325: {  	[sflag:s20] =	ssyncset.done $0x0  }
0x326: {  	[sflag:s20] =	ssyncadd.s32 $0xFFFF3C00  }
0x327: {  	[bflag:$0x0] =	sbarrier.arrive $0xFFFF  }
0x328: {  	s5 =	simm.s32 $0x18830;
	_ =	strace $0x9000004E  }
0x329: {  	_ =	strace $0x8000004F;
	[tilespmem:s5+$0xFFFFFFD0] =	vst v0  }
0x32a: {  	[tilespmem:s5+$0x30] =	vst v0  }
0x32b: {  	[tilespmem:s5+$0x20] =	vst v0  }
0x32c: {  	[tilespmem:s5+$0x10] =	vst v0  }
0x32d: {  	[tilespmem:s5+$0x0] =	vst v0  }
0x32e: {  	s7 =	simm.s32 $0x0;
	[tilespmem:s5+$0xFFFFFFF0] =	vst v0  }
.LBB2_33:
0x32f: {  	s7 =	sadd.s32 $0x7, s7;
	[tilespmem:s5+$0xFFFFFFE0] =	vst v0;
	s5 =	sadd.s32 $0x70, s5  }
0x330: {  	[tilespmem:s5+$0xFFFFFFD0] =	vst v0;
	p0 =	slt.u32 s7, $0xBD  }
.Ltmp19:
0x331: {  	[tilespmem:s5+$0x30] =	vst v0;
	(pc) =	sbr.rel @p0 .LBB2_33-.Ltmp19, $4  }
0x332: {  	[tilespmem:s5+$0x20] =	vst v0  }
0x333: {  	[tilespmem:s5+$0x10] =	vst v0  }
0x334: {  	[tilespmem:s5+$0x0] =	vst v0  }
0x335: {  	[tilespmem:s5+$0xFFFFFFF0] =	vst v0  }
0x336: {  	[tilespmem:s5+$0xFFFFFFE0] =	vst v0  }
0x337: {  	s5 =	sld [smem:$0x7FC];
	_ =	sdelay $0x1  }
0x338: {  	s7 =	simm.s32 $0x19480;
	s25 =	sld [smem:$0x7FD]  }
0x339: {  	[tilespmem:s7], [sflag:$0x5] =	stream.linear.gather [spmem:s5], $0xC40, $0x200038;
	[tilespmem:$0x1FD80] =	vst v63  }
0x33a: {  	s5 =	simm.s32 $0x0  }
0x33b: {  	[tilespmem:s2], [sflag:$0x6] =	stream.linear.gather [spmem:s25], $0xC40, $0x200038;
	[tilespmem:$0x1FD80] =	vst v63  }
.LBB2_35:
0x33c: {  	_ =	swait.ge [sflag:s3], $0xC40  }
0x33d: {  	[sflag:s3] =	ssyncset.done $0x0  }
0x33e: {  	s7 =	simm.s32 $0x18830;
	[sflag:s3] =	ssyncadd.s32 $0xFFFFF3C0  }
0x33f: {  	s8 =	simm.s32 $0x194B0;
	v2 =	vld [tilespmem:s7+$0x30]  }
0x340: {  	v3 =	vld [tilespmem:s8+$0x30]  }
0x341: {  	v1 =	vld [tilespmem:s8+$0xFFFFFFD0]  }
0x342: {  	v4 =	vld [tilespmem:s7+$0xFFFFFFE0]  }
0x343: {  	v5 =	vld [tilespmem:s8+$0xFFFFFFE0]  }
0x344: {  	v6 =	vld [tilespmem:s7+$0xFFFFFFF0]  }
0x345: {  	v7 =	vld [tilespmem:s8+$0xFFFFFFF0]  }
0x346: {  	v8 =	vld [tilespmem:s7+$0x0]  }
0x347: {  	v9 =	vld [tilespmem:s8+$0x0]  }
0x348: {  	v3 =	vadd.f32 v3, v2;
	v2 =	vld [tilespmem:s7+$0x10]  }
0x349: {  	v5 =	vadd.f32 v5, v4;
	v4 =	vld [tilespmem:s8+$0x10]  }
0x34a: {  	v7 =	vadd.f32 v7, v6;
	v6 =	vld [tilespmem:s8+$0x20];
	[tilespmem:s7+$0x30] =	vst v3  }
0x34b: {  	v3 =	vld [tilespmem:s7+$0x20];
	[tilespmem:s7+$0xFFFFFFE0] =	vst v5  }
0x34c: {  	s17 =	simm.s32 $0x0;
	s18 =	simm.s32 $0x188A0;
	v5 =	vld [tilespmem:s7+$0xFFFFFFD0];
	[tilespmem:s7+$0xFFFFFFF0] =	vst v7;
	v7 =	vadd.f32 v9, v8  }
.LBB2_36:
0x34d: {  	v8 =	vld [tilespmem:s18+$0x30];
	s8 =	sadd.s32 $0x70, s8  }
0x34e: {  	s17 =	sadd.s32 $0x7, s17;
	v9 =	vld [tilespmem:s8+$0x30];
	[tilespmem:s7+$0x0] =	vst v7;
	v2 =	vadd.f32 v4, v2  }
0x34f: {  	p0 =	slt.u32 s17, $0xBD;
	v4 =	vld [tilespmem:s8+$0xFFFFFFD0]  }
0x350: {  	v7 =	vld [tilespmem:s18+$0xFFFFFFE0];
	[tilespmem:s7+$0x10] =	vst v2;
	v2 =	vadd.f32 v6, v3  }
0x351: {  	v3 =	vld [tilespmem:s8+$0xFFFFFFE0];
	v10 =	vadd.f32 v1, v5  }
0x352: {  	v5 =	vld [tilespmem:s18+$0xFFFFFFF0];
	[tilespmem:s7+$0x20] =	vst v2  }
0x353: {  	v6 =	vld [tilespmem:s8+$0xFFFFFFF0];
	v2 =	vadd.f32 v9, v8;
	[tilespmem:s7+$0xFFFFFFD0] =	vst v10;
	s7 =	smov.u32 s18  }
0x354: {  	v8 =	vld [tilespmem:s18+$0x0];
	v1 =	vmov v4  }
0x355: {  	v9 =	vld [tilespmem:s8+$0x0];
	[tilespmem:s18+$0x30] =	vst v2  }
.Ltmp20:
0x356: {  	v3 =	vadd.f32 v3, v7;
	v2 =	vld [tilespmem:s18+$0x10];
	(pc) =	sbr.rel @p0 .LBB2_36-.Ltmp20, $4  }
0x357: {  	v4 =	vld [tilespmem:s8+$0x10]  }
0x358: {  	[tilespmem:s18+$0xFFFFFFE0] =	vst v3;
	v7 =	vadd.f32 v6, v5;
	v3 =	vld [tilespmem:s18+$0x20]  }
0x359: {  	v6 =	vld [tilespmem:s8+$0x20]  }
0x35a: {  	s18 =	sadd.s32 $0x70, s18;
	v5 =	vld [tilespmem:s7+$0xFFFFFFD0];
	[tilespmem:s7+$0xFFFFFFF0] =	vst v7;
	v7 =	vadd.f32 v9, v8  }
0x35b: {  	p0 =	seq.s32 s5, $0x7  }
0x35c: {  	s8 =	smul.u32 @!p0 $0x62000, s5  }
0x35d: {  	v2 =	vadd.f32 v4, v2  }
0x35e: {  	[tilespmem:s7+$0x0] =	vst v7;
	v3 =	vadd.f32 v6, v3;
	s8 =	sshra.s32 @!p0 s8, $0x2  }
0x35f: {  	[tilespmem:s7+$0x10] =	vst v2;
	v1 =	vadd.f32 v1, v5;
	s8 =	sadd.s32 @!p0 s8, s10  }
0x360: {  	[tilespmem:s7+$0x20] =	vst v3;
	s8 =	sadd.s32 @!p0 s11, s8  }
0x361: {  	[tilespmem:s7+$0xFFFFFFD0] =	vst v1;
	s7 =	sadd.s32 @!p0 $0x18800, s8;
	s8 =	simm.s32 @!p0 $0x19480  }
0x362: {  	[tilespmem:s8], [sflag:$0x5] =	stream.linear.gather @!p0 [spmem:s7], $0xC40, $0x200038;
	[tilespmem:$0x1FD80] =	vst v63  }
0x363: {  	_ =	swait.ge [sflag:s4], $0xC40  }
0x364: {  	[sflag:s4] =	ssyncset.done $0x0  }
0x365: {  	s7 =	simm.s32 $0x18830;
	[sflag:s4] =	ssyncadd.s32 $0xFFFFF3C0  }
0x366: {  	s8 =	simm.s32 $0x1A130;
	v2 =	vld [tilespmem:s7+$0x30]  }
0x367: {  	v3 =	vld [tilespmem:s8+$0x30]  }
0x368: {  	v1 =	vld [tilespmem:s8+$0xFFFFFFD0]  }
0x369: {  	v4 =	vld [tilespmem:s7+$0xFFFFFFE0]  }
0x36a: {  	v5 =	vld [tilespmem:s8+$0xFFFFFFE0]  }
0x36b: {  	v6 =	vld [tilespmem:s7+$0xFFFFFFF0]  }
0x36c: {  	v7 =	vld [tilespmem:s8+$0xFFFFFFF0]  }
0x36d: {  	v8 =	vld [tilespmem:s7+$0x0]  }
0x36e: {  	v9 =	vld [tilespmem:s8+$0x0]  }
0x36f: {  	v3 =	vadd.f32 v3, v2;
	v2 =	vld [tilespmem:s7+$0x10]  }
0x370: {  	v5 =	vadd.f32 v5, v4;
	v4 =	vld [tilespmem:s8+$0x10]  }
0x371: {  	v7 =	vadd.f32 v7, v6;
	v6 =	vld [tilespmem:s8+$0x20];
	[tilespmem:s7+$0x30] =	vst v3  }
0x372: {  	v3 =	vld [tilespmem:s7+$0x20];
	[tilespmem:s7+$0xFFFFFFE0] =	vst v5  }
0x373: {  	s17 =	simm.s32 $0x0;
	s18 =	simm.s32 $0x188A0;
	v5 =	vld [tilespmem:s7+$0xFFFFFFD0];
	[tilespmem:s7+$0xFFFFFFF0] =	vst v7;
	v7 =	vadd.f32 v9, v8  }
.LBB2_38:
0x374: {  	v8 =	vld [tilespmem:s18+$0x30];
	s8 =	sadd.s32 $0x70, s8  }
0x375: {  	s17 =	sadd.s32 $0x7, s17;
	v9 =	vld [tilespmem:s8+$0x30];
	[tilespmem:s7+$0x0] =	vst v7;
	v2 =	vadd.f32 v4, v2  }
0x376: {  	p1 =	slt.u32 s17, $0xBD;
	v4 =	vld [tilespmem:s8+$0xFFFFFFD0]  }
0x377: {  	v7 =	vld [tilespmem:s18+$0xFFFFFFE0];
	[tilespmem:s7+$0x10] =	vst v2;
	v2 =	vadd.f32 v6, v3  }
0x378: {  	v3 =	vld [tilespmem:s8+$0xFFFFFFE0];
	v10 =	vadd.f32 v1, v5  }
0x379: {  	v5 =	vld [tilespmem:s18+$0xFFFFFFF0];
	[tilespmem:s7+$0x20] =	vst v2  }
0x37a: {  	v6 =	vld [tilespmem:s8+$0xFFFFFFF0];
	v2 =	vadd.f32 v9, v8;
	[tilespmem:s7+$0xFFFFFFD0] =	vst v10;
	s7 =	smov.u32 s18  }
0x37b: {  	v8 =	vld [tilespmem:s18+$0x0];
	v1 =	vmov v4  }
0x37c: {  	v9 =	vld [tilespmem:s8+$0x0];
	[tilespmem:s18+$0x30] =	vst v2  }
.Ltmp21:
0x37d: {  	v3 =	vadd.f32 v3, v7;
	v2 =	vld [tilespmem:s18+$0x10];
	(pc) =	sbr.rel @p1 .LBB2_38-.Ltmp21, $4  }
0x37e: {  	v4 =	vld [tilespmem:s8+$0x10]  }
0x37f: {  	[tilespmem:s18+$0xFFFFFFE0] =	vst v3;
	v7 =	vadd.f32 v6, v5;
	v3 =	vld [tilespmem:s18+$0x20]  }
0x380: {  	v6 =	vld [tilespmem:s8+$0x20]  }
0x381: {  	s18 =	sadd.s32 $0x70, s18;
	v5 =	vld [tilespmem:s7+$0xFFFFFFD0];
	[tilespmem:s7+$0xFFFFFFF0] =	vst v7;
	v7 =	vadd.f32 v9, v8  }
0x382: {  	_ =	sdelay $0x1  }
.Ltmp22:
0x383: {  	v2 =	vadd.f32 v4, v2;
	(pc) =	sbr.rel @p0 .LBB2_41-.Ltmp22, $4  }
0x384: {  	[tilespmem:s7+$0x0] =	vst v7;
	v3 =	vadd.f32 v6, v3  }
0x385: {  	[tilespmem:s7+$0x10] =	vst v2;
	v1 =	vadd.f32 v1, v5  }
0x386: {  	[tilespmem:s7+$0x20] =	vst v3  }
0x387: {  	[tilespmem:s7+$0xFFFFFFD0] =	vst v1  }
0x388: {  	s7 =	smul.u32 $0x62000, s5;
	_ =	sdelay $0x1  }
.Ltmp23:
0x389: {  	s7 =	sshra.s32 s7, $0x2;
	(pc) =	sbr.rel .LBB2_35-.Ltmp23, $4  }
0x38a: {  	s7 =	sadd.s32 s7, s10  }
0x38b: {  	s7 =	sadd.s32 s11, s7  }
0x38c: {  	s5 =	sadd.s32 $0x1, s5;
	s7 =	sadd.s32 $0x24C00, s7  }
0x38d: {  	[tilespmem:s2], [sflag:$0x6] =	stream.linear.gather [spmem:s7], $0xC40, $0x200038;
	[tilespmem:$0x1FD80] =	vst v63  }
.LBB2_42:
0x38e: {  	_ =	sfence.sel $0x180000  }
0x38f: {  	[bflag:$0x0] =	sbarrier.arrive $0xFFFF  }
0x390: {  	_ =	strace $0x90000047  }
0x391: {  	s0 =	stileid.u32;
	[bflag:$0x2] =	sbarrier.arrive $0xFFFF  }
0x392: {  	p0 =	sne.s32 s0, $0x0;
	s0 =	rddreg [dreg:$0xa]  }
0x393: {  	s0 =	sadd.s32 @!p0 $0x100000, s0  }
0x394: {  	[sflag:s0] =	ssyncadd.tile.s32 @!p0 $0x1;
	_ =	shalt  }
.Lfunc_end2:
_tile_overlayer_lowered:
.L_overlay_start_2:
0x395: {  	(tag) =	ssettag $0x2  }
0x396: {  	s0 =	rddreg [dreg:$0x0];
	s2 =	stileid.u32  }
0x397: {  	s1 =	rddreg [dreg:$0x1];
	p0 =	sne.s32 s2, $0x0  }
0x398: {  	s3 =	rddreg [dreg:$0x2];
	[bflag:$0x3] =	sbarrier.arrive $0xFFFF;
	s2 =	simm.s32 @!p0 $0x1C07  }
0x399: {  	[timem:s3], [sflag:s2] =	dma.local @!p0 [hbm:s0], s1  }
0x39a: {  	s0 =	simm.s32 @!p0 $0x7  }
0x39b: {  	_ =	swait.ge @!p0 [sflag:s0], s1  }
0x39c: {  	s1 =	ssub.s32 @!p0 $0x0, s1;
	[sflag:s0] =	ssyncset.done @!p0 $0x0  }
0x39d: {  	[sflag:s0] =	ssyncadd.s32 @!p0 s1  }
0x39e: {  	[bflag:$0x3] =	sbarrier.arrive $0xFFFF  }
0x39f: {  	_ =	shalt  }

// kernel: kernel.7.cloned.1.call-start
scs
__scs_entry_jumppad:
0x0: {  	(pc) =	sbr.rel $0x88, $3  }
0x1: {  	(tag) =	ssettag $0x0;
	lr =	simm.s32 $0x1  }
0x2: {  	[smem:$0x3F97] =	sst lr;
	_ =	strace $0xD0000000  }
0x3: {  	_ = 	snop  }
0x4: {  	_ = 	snop  }
0x5: {  	_ = 	snop  }
0x6: {  	_ = 	snop  }
0x7: {  	_ = 	snop  }
__scs_overlays_trampoline_lowered:
0x8: {  	[smem:$0x3FA6] =	sst s0  }
0x9: {  	[smem:$0x3FA7] =	sst s1  }
0xa: {  	[smem:$0x3FA8] =	sst s2  }
0xb: {  	[smem:$0x3FA9] =	sst s3  }
0xc: {  	[smem:$0x3FAA] =	sst s4  }
0xd: {  	[smem:$0x3FAB] =	sst s5  }
0xe: {  	[smem:$0x3FAC] =	sst s6  }
0xf: {  	[smem:$0x3FAD] =	sst s7  }
0x10: {  	[smem:$0x3FAE] =	sst s8  }
0x11: {  	[smem:$0x3FAF] =	sst s9;
	s0 =	simm.s32 @!p0 $0x0  }
0x12: {  	s1 =	sld [smem:$0x3F95];
	s0 =	simm.s32 @p0 $0x1  }
0x13: {  	[smem:$0x3FB0] =	sst s0;
	s0 =	simm.s32 @!p1 $0x0  }
0x14: {  	s2 =	sld [smem:$0x3F94];
	s0 =	simm.s32 @p1 $0x1  }
0x15: {  	[smem:$0x3FB1] =	sst s0;
	s0 =	simm.s32 @!p2 $0x0  }
0x16: {  	s3 =	sld [smem:$0x3FDB];
	s0 =	simm.s32 @p2 $0x1  }
0x17: {  	s4 =	simm.s32 $0x1BF5;
	[smem:$0x3FB3] =	sst s0  }
0x18: {  	s0 =	sld [smem:$0x3F96];
	_ =	swait.ge [sflag:s4], $0x0  }
0x19: {  	s7 =	sld [smem:$0x3F97]  }
0x1a: {  	s8 =	sadd.s32 $0xFFFFE003, lr  }
0x1b: {  	s9 =	sadd.s32 $0xFFFFFEF7, lr;
	s5 =	simm.s32 $0xFFFFFFFF;
	p2 =	slt.u32 s8, $0xFFFFF086  }
0x1c: {  	p1 =	slt.u32 s9, $0xF7A;
	s5 =	simm.s32 @!p2 $0x0  }
0x1d: {  	s5 =	simm.s32 @p1 $0x1;
	p0 =	seq.s32 s7, s2  }
0x1e: {  	s7 =	smul.u32 @!p0 $0xF7A, s2;
	p2 =	seq.s32 @!p0 s5, $0x0  }
0x1f: {  	s9 =	smul.u32 $0xF7A, s1;
	s8 =	simm.s32 @!p0 $0x1BF5;
	p2 =	por !p2, p0  }
0x20: {  	[sflag:s8] =	ssyncset.s32 @!p0 $0xFFFFF086;
	s6 =	sadd.s32 @!p0 s3, s7;
	s7 =	simm.s32 @!p0 $0x108  }
0x21: {  	s3 =	sadd.s32 s3, s9;
	s6 =	sadd.s32 @!p0 $0x88, s6;
	s7 =	simm.s32 @p2 $0x1082  }
0x22: {  	[simem:s7], [sflag:s8] =	dma.local @!p0 [hbm:s6], $0xF7A  }
0x23: {  	s9 =	sor.u32 $0xD0000000, s2;
	s6 =	simm.s32 $0x108;
	_ =	swait.ge @!p0 [sflag:s8], $0x0  }
0x24: {  	s3 =	sadd.s32 $0x88, s3;
	s6 =	simm.s32 @!p1 $0x1082;
	[sflag:s4] =	ssyncset.s32 $0xFFFFF086  }
0x25: {  	[simem:s6], [sflag:s4] =	dma.local [hbm:s3], $0xF7A  }
0x26: {  	[smem:$0x3F97] =	sst s1;
	(tag) =	ssettag s2;
	_ =	strace s9  }
0x27: {  	s1 =	sld [smem:$0x3FA7]  }
0x28: {  	s2 =	sld [smem:$0x3FA8]  }
0x29: {  	s4 =	sld [smem:$0x3FAA]  }
0x2a: {  	p0 =	seq.s32 s5, $0x0;
	s5 =	sld [smem:$0x3FAB]  }
0x2b: {  	s6 =	sld [smem:$0x3FAC]  }
0x2c: {  	s7 =	sld [smem:$0x3FAD]  }
0x2d: {  	s3 =	simm.s32 $0x108;
	s8 =	sld [smem:$0x3FAE]  }
0x2e: {  	s3 =	simm.s32 @!p0 $0x1082;
	s9 =	sld [smem:$0x3FAF]  }
0x2f: {  	lr =	sadd.s32 s0, s3;
	s0 =	sld [smem:$0x3FA6]  }
0x30: {  	s3 =	sld [smem:$0x3FA9]  }
0x31: {  	[smem:$0x3FB2] =	sst s10  }
0x32: {  	s10 =	sld [smem:$0x3FB0];
	_ =	sdelay $0x3  }
0x33: {  	p0 =	seq.s32 s10, $0x1;
	s10 =	sld [smem:$0x3FB2];
	_ =	sdelay $0x3  }
0x34: {  	[smem:$0x3FB2] =	sst s10  }
0x35: {  	s10 =	sld [smem:$0x3FB1];
	_ =	sdelay $0x3  }
0x36: {  	p1 =	seq.s32 s10, $0x1;
	s10 =	sld [smem:$0x3FB2];
	_ =	sdelay $0x3  }
0x37: {  	[smem:$0x3FB2] =	sst s10  }
0x38: {  	s10 =	sld [smem:$0x3FB3]  }
0x39: {  	_ = 	snop;
	(pc) =	sbr.ind lr, $3  }
0x3a: {  	_ = 	snop  }
0x3b: {  	_ = 	snop  }
0x3c: {  	p2 =	seq.s32 s10, $0x1;
	s10 =	sld [smem:$0x3FB2]  }
0x3d: {  	_ =	shalt  }
0x3e: {  	_ =	shalt  }
0x3f: {  	_ =	shalt  }
0x40: {  	_ =	shalt  }
0x41: {  	_ =	shalt  }
0x42: {  	_ =	shalt  }
0x43: {  	_ =	shalt  }
0x44: {  	_ =	shalt  }
0x45: {  	_ =	shalt  }
0x46: {  	_ =	shalt  }
0x47: {  	_ =	shalt  }
0x48: {  	_ =	shalt  }
0x49: {  	_ =	shalt  }
0x4a: {  	_ =	shalt  }
0x4b: {  	_ =	shalt  }
0x4c: {  	_ =	shalt  }
0x4d: {  	_ =	shalt  }
0x4e: {  	_ =	shalt  }
0x4f: {  	_ =	shalt  }
0x50: {  	_ =	shalt  }
0x51: {  	_ =	shalt  }
0x52: {  	_ =	shalt  }
0x53: {  	_ =	shalt  }
0x54: {  	_ =	shalt  }
0x55: {  	_ =	shalt  }
0x56: {  	_ =	shalt  }
0x57: {  	_ =	shalt  }
0x58: {  	_ =	shalt  }
0x59: {  	_ =	shalt  }
0x5a: {  	_ =	shalt  }
0x5b: {  	_ =	shalt  }
0x5c: {  	_ =	shalt  }
0x5d: {  	_ =	shalt  }
0x5e: {  	_ =	shalt  }
0x5f: {  	_ =	shalt  }
0x60: {  	_ =	shalt  }
0x61: {  	_ =	shalt  }
0x62: {  	_ =	shalt  }
0x63: {  	_ =	shalt  }
0x64: {  	_ =	shalt  }
0x65: {  	_ =	shalt  }
0x66: {  	_ =	shalt  }
0x67: {  	_ =	shalt  }
0x68: {  	_ =	shalt  }
0x69: {  	_ =	shalt  }
0x6a: {  	_ =	shalt  }
0x6b: {  	_ =	shalt  }
0x6c: {  	_ =	shalt  }
0x6d: {  	_ =	shalt  }
0x6e: {  	_ =	shalt  }
0x6f: {  	_ =	shalt  }
0x70: {  	_ =	shalt  }
0x71: {  	_ =	shalt  }
0x72: {  	_ =	shalt  }
0x73: {  	_ =	shalt  }
0x74: {  	_ =	shalt  }
0x75: {  	_ =	shalt  }
0x76: {  	_ =	shalt  }
0x77: {  	_ =	shalt  }
0x78: {  	_ =	shalt  }
0x79: {  	_ =	shalt  }
0x7a: {  	_ =	shalt  }
0x7b: {  	_ =	shalt  }
0x7c: {  	_ =	shalt  }
0x7d: {  	_ =	shalt  }
0x7e: {  	_ =	shalt  }
0x7f: {  	_ =	shalt  }
0x80: {  	_ =	shalt  }
0x81: {  	_ =	shalt  }
0x82: {  	_ =	shalt  }
0x83: {  	_ =	shalt  }
0x84: {  	_ =	shalt  }
0x85: {  	_ =	shalt  }
0x86: {  	_ =	shalt  }
0x87: {  	_ =	shalt  }
.Lfunc_end0:
.L_simem_size_0:
called_computation.1_lowered:
.L_overlay_start_0:
0x88: {  	s2 =	sld [smem:$0x3FD9]  }
0x89: {  	s3 =	sld [smem:$0x3FFE];
	_ =	sdelay $0x1  }
0x8a: {  	s1 =	srdreg.scid  }
0x8b: {  	s0 =	sand.u32 $0x1, s1  }
0x8c: {  	s14 =	sshll.u32 s0, $0xA;
	s2 =	sadd.s32 s3, s2  }
0x8d: {  	s2 =	sadd.s32 s2, s14  }
0x8e: {  	[smem:$0x3FBE] =	sst s2  }
0x8f: {  	_ = 	snop  }
0x90: {  	s2 =	sld [smem:$0x3FC3]  }
0x91: {  	s15 =	sld [smem:$0x3FD0]  }
0x92: {  	s4 =	sld [smem:$0x3FC2]  }
0x93: {  	s5 =	sld [smem:$0x3FC1]  }
0x94: {  	s7 =	simm.s32 $0xA;
	s8 =	simm.s32 $0x10;
	s6 =	sld [smem:$0x3FC0]  }
0x95: {  	[smem:s8], [sflag:s7] =	dma.local [hbm:s15], $0x1  }
0x96: {  	_ =	swait.eq [sflag:s7], $0x1  }
0x97: {  	[sflag:s7] =	ssyncset.done $0x0  }
0x98: {  	s16 =	sld [smem:$0x10];
	[sflag:s7] =	ssyncadd.s32 $0xFFFFFFFF  }
0x99: {  	s17 =	sld [smem:$0x11];
	(tm) =	ssettm $0x1  }
0x9a: {  	s18 =	sld [smem:$0x3FFB];
	_ =	sdelay $0x3  }
0x9b: {  	_ =	strace s18  }
0x9c: {  	s8 =	sld [smem:$0x3FFC];
	_ =	sdelay $0x3  }
0x9d: {  	_ =	strace s8  }
0x9e: {  	s8 =	sld [smem:$0x3FFD];
	_ =	sdelay $0x3  }
0x9f: {  	_ =	strace s8  }
0xa0: {  	_ =	strace $0x8FFFFFFF  }
0xa1: {  	s19 =	sld [smem:$0x3FDB];
	_ =	sdelay $0x1  }
0xa2: {  	s9 =	simm.s32 $_scs_section_size  }
0xa3: {  	s10 =	simm.s32 $_size__tile_overlayer_lowered;
	s11 =	simm.s32 $_tile_overlayer_lowered  }
0xa4: {  	s22 =	simm.s32 $0x1BFF;
	s21 =	sshll.u32 s11, $0x1;
	s8 =	sadd.s32 s9, s19  }
0xa5: {  	s12 =	simm.s32 $0x0;
	s20 =	sshll.u32 s10, $0x1;
	s10 =	sadd.s32 s21, s8  }
0xa6: {  	[timem:s12], [sflag:s22] =	dma.local [hbm:s10], s20  }
0xa7: {  	_ =	swait.ge [sflag:s22], s20  }
0xa8: {  	s9 =	ssub.s32 $0x0, s20;
	[sflag:s22] =	ssyncset.done $0x0  }
0xa9: {  	[sflag:s22] =	ssyncadd.s32 s9;
	_ =	sdelay $0x1  }
0xaa: {  	s23 =	simm.s32 $0x1B8B  }
0xab: {  	_ =	swait.ge [sflag:s23], $0x1  }
0xac: {  	[sflag:s23] =	ssyncset.done $0x0  }
0xad: {  	s25 =	simm.s32 $0x1B8E;
	s24 =	sld [smem:$0x3FFE];
	[sflag:s23] =	ssyncadd.s32 $0xFFFFFFFF  }
0xae: {  	s26 =	simm.s32 $execute0_lowered;
	[smem:$0x3FD2] =	sst s25  }
0xaf: {  	s10 =	sshll.u32 s26, $0x1;
	_ =	strace $0x80000051;
	[dreg:$0x1] =	wrdreg $0xFFFFFFFF  }
0xb0: {  	s28 =	simm.s32 $_size_execute0_lowered;
	s8 =	sadd.s32 s8, s10;
	[dreg:$0x0] =	wrdreg $0x0  }
0xb1: {  	s10 =	sshll.u32 s28, $0x1;
	[dreg:$0x2] =	wrdreg s8  }
0xb2: {  	[dreg:$0x3] =	wrdreg s10  }
0xb3: {  	[dreg:$0x4] =	wrdreg $0xC0  }
0xb4: {  	_ =	task [dreg:s12], $0x5FFFF  }
0xb5: {  	[dreg:$0x1] =	wrdreg $0xFFFFFFFF  }
0xb6: {  	[dreg:$0x0] =	wrdreg $0x60  }
0xb7: {  	[dreg:$0x2] =	wrdreg s2  }
0xb8: {  	[dreg:$0x3] =	wrdreg s4  }
0xb9: {  	[dreg:$0x4] =	wrdreg s24  }
0xba: {  	[dreg:$0x5] =	wrdreg s5  }
0xbb: {  	[dreg:$0x6] =	wrdreg s6  }
0xbc: {  	[dreg:$0x7] =	wrdreg s16  }
0xbd: {  	[dreg:$0x8] =	wrdreg s17  }
0xbe: {  	[dreg:$0x9] =	wrdreg $0x0  }
0xbf: {  	[dreg:$0xa] =	wrdreg $0x9  }
0xc0: {  	_ =	task.clear_ibuf [dreg:s12], $0xBFFFF;
	_ =	strace $0x90000051  }
0xc1: {  	s29 =	simm.s32 $0x9;
	_ =	strace $0x80000061  }
0xc2: {  	_ =	swait.ge [sflag:s29], $0x1  }
0xc3: {  	[sflag:s29] =	ssyncadd.s32 $0xFFFFFFFF  }
0xc4: {  	_ =	strace $0x90000061  }
0xc5: {  	_ =	sfence  }
0xc6: {  	s30 =	sld [smem:$0x0];
	_ =	sdelay $0x2  }
0xc7: {  	s31 =	sshll.u32 s1, $0xD;
	s1 =	sshrl.u32 s1, $0x2  }
0xc8: {  	s3 =	sand.u32 $0x4000, s31;
	s1 =	sadd.s32 s1, s30  }
0xc9: {  	s0 =	sor.u32 s3, s0;
	s1 =	sshll.u32 s1, $0x11  }
0xca: {  	s0 =	sor.u32 s1, s0  }
0xcb: {  	s0 =	sadd.s32 $0x8F2B, s0  }
0xcc: {  	[sflag:s0] =	ssyncadd.remote.s32 $0x1  }
0xcd: {  	_ =	sfence.sel $0xFFFF  }
0xce: {  	[dreg:$0x0] =	wrdreg $0xFFFFFFFF;
	(pc) =	sbr.abs _section_cstart, $3  }
0xcf: {  	[dreg:$0x1] =	wrdreg $0xFFFFFFFF  }
0xd0: {  	_ =	task.clear_ibuf [dreg:s12], $0x2FFFF;
	_ =	strace $0x9FFFFFFF  }
0xd1: {  	(tm) =	ssettm $0x7FFFFFFF  }
tec
execute0_lowered:
.L_overlay_start_1:
0x0: {  	(tag) =	ssettag $0x1  }
0x1: {  	s5 =	rddreg [dreg:$0x0]  }
0x2: {  	s7 =	rddreg [dreg:$0x1]  }
0x3: {  	s0 =	rddreg [dreg:$0x2]  }
0x4: {  	s16 =	rddreg [dreg:$0x3]  }
0x5: {  	s17 =	rddreg [dreg:$0x4]  }
0x6: {  	s18 =	rddreg [dreg:$0x5]  }
0x7: {  	s19 =	rddreg [dreg:$0x6]  }
0x8: {  	s21 =	rddreg [dreg:$0x7]  }
0x9: {  	s1 =	srdreg.scid;
	s15 =	stileid.u32;
	s9 =	simm.s32 $0x0  }
0xa: {  	s30 =	simm.s32 $0xDCC0;
	s28 =	simm.s32 $0x165C0;
	s1 =	sand.u32 $0x1, s1  }
0xb: {  	s2 =	sshll.u32 s15, $0x1;
	[smem:$0x7FF] =	sst s9;
	s10 =	sadd.s32 $0xE00, s0  }
0xc: {  	s3 =	sadd.s32 $0x62A00, s0;
	s6 =	smul.u32 $0xC40, s15;
	s12 =	sadd.s32 $0x31C00, s0  }
0xd: {  	s0 =	sadd.s32 $0x65C00, s0;
	s15 =	smul.u32 $0x3E80, s15;
	s2 =	sor.u32 s1, s2  }
0xe: {  	_ =	strace $0x80000052;
	s4 =	ssub.s32 $0x2, s1;
	s1 =	smul.u32 $0x1F40, s1  }
0xf: {  	s11 =	smul.u32 $0xC350, s2;
	s8 =	sshrl.u32 s4, $0x1;
	s13 =	sshrl.u32 s6, $0x3  }
0x10: {  	s22 =	smul.u32 $0x7D0, s2;
	p0 =	sgt.u32 s2, $0x18;
	s26 =	sadd.s32 s6, s21  }
0x11: {  	s4 =	ssub.s32 s4, s8;
	s20 =	sadd.s32 s3, s13;
	[dreg:$0x10] =	wrdreg s26  }
0x12: {  	s31 =	sadd.s32 $0x1880, s13;
	s13 =	sadd.s32 s0, s13;
	[dreg:$0xa] =	wrdreg s20  }
0x13: {  	s8 =	sshrl.u32 s11, $0x3;
	s3 =	sadd.s32 s3, s31;
	[dreg:$0xc] =	wrdreg s13  }
0x14: {  	s0 =	sadd.s32 s0, s31;
	s20 =	sadd.s32 $0x1000, s11;
	[dreg:$0xb] =	wrdreg s3  }
0x15: {  	s25 =	sshrl.u32 s22, $0x3;
	s14 =	sadd.s32 s5, s8;
	[dreg:$0xd] =	wrdreg s0  }
0x16: {  	s23 =	sadd.s32 s7, s8;
	s0 =	sadd.s32 s1, s15;
	[dreg:$0x9] =	wrdreg s14  }
0x17: {  	s24 =	sadd.s32 s10, s8;
	s1 =	sadd.s32 $0x30D40, s25;
	[dreg:$0xe] =	wrdreg s23  }
0x18: {  	s29 =	sshrl.u32 s20, $0x3;
	s13 =	sadd.s32 s16, s8;
	[dreg:$0xf] =	wrdreg s24  }
0x19: {  	s31 =	sadd.s32 $0x1800, s8;
	s15 =	sadd.s32 s12, s8;
	[dreg:$0x11] =	wrdreg s13  }
0x1a: {  	s14 =	sadd.s32 s17, s8;
	[dreg:$0x13] =	wrdreg s15;
	s21 =	sadd.s32 s5, s29  }
0x1b: {  	s22 =	sadd.s32 s7, s29;
	s23 =	sadd.s32 s10, s29;
	[dreg:$0x12] =	wrdreg s14  }
0x1c: {  	s24 =	sadd.s32 s16, s29;
	s25 =	sadd.s32 s17, s29;
	[dreg:$0x14] =	wrdreg s21  }
0x1d: {  	s2 =	sadd.s32 s12, s29;
	s0 =	sadd.s32 $0x80, s0;
	[dreg:$0x15] =	wrdreg s22  }
0x1e: {  	s6 =	sadd.s32 s7, s31;
	s8 =	sadd.s32 s10, s31;
	[dreg:$0x16] =	wrdreg s23  }
0x1f: {  	s26 =	sadd.s32 s18, s31;
	s15 =	sadd.s32 s17, s31;
	[dreg:$0x17] =	wrdreg s24  }
0x20: {  	s3 =	sadd.s32 s19, s31;
	s29 =	sadd.s32 s18, s1;
	[dreg:$0x18] =	wrdreg s25  }
0x21: {  	s7 =	smov.u32 s19;
	s1 =	sadd.s32 s19, s1;
	[dreg:$0x19] =	wrdreg s2  }
0x22: {  	s13 =	simm.s32 $0xC40;
	s17 =	simm.s32 $0x3;
	[dreg:$0x1a] =	wrdreg s26  }
0x23: {  	s2 =	sadd.s32 s5, s31;
	s14 =	sadd.s32 s16, s31;
	[dreg:$0x1b] =	wrdreg s3  }
0x24: {  	s16 =	sadd.s32 s12, s31;
	s0 =	sshrl.u32 s0, $0x2;
	[dreg:$0x1c] =	wrdreg s29  }
.Ltmp0:
0x25: {  	s5 =	smov.u32 s18;
	[dreg:$0x1d] =	wrdreg s1;
	(pc) =	sbr.rel .LBB2_1-.Ltmp0, $4  }
0x26: {  	s31 =	smax.u32 s4, $0x1;
	s22 =	sadd.s32 $0x2000, s11;
	s23 =	sadd.s32 $0x3000, s11  }
0x27: {  	s24 =	simm.s32 $0x105C0;
	s25 =	simm.s32 $0x125C0;
	s26 =	simm.s32 $0x145C0  }
0x28: {  	s18 =	simm.s32 $0x155C0;
	[dreg:$0x1e] =	wrdreg s31;
	s0 =	sadd.s32 $0xC40, s0  }
0x29: {  	v0 =	vimm.f32 $1.000000000e+00;
	s21 =	simm.s32 $0x4;
	s1 =	simm.s32 $0x0;
	[dreg:$0x1f] =	wrdreg s0  }
.LBB2_43:
0x2a: {  	s1 =	sadd.s32 $0x1, s1;
	s0 =	rddreg [dreg:$0x1e]  }
0x2b: {  	p1 =	sne.s32 s1, s0  }
.Ltmp1:
0x2c: {  	_ = 	snop;
	(pc) =	sbr.rel @!p1 .LBB2_44-.Ltmp1, $2  }
0x2d: {  	_ =	sdelay $0x2  }
0x2e: {  	_ =	strace $0x90000060  }
.LBB2_1:
0x2f: {  	[smem:$0x7FD] =	sst s1  }
0x30: {  	s0 =	rddreg [dreg:$0x9];
	s19 =	simm.s32 $0xF5C0  }
0x31: {  	[tilespmem:s19], [sflag:$0x3] =	stream.linear.gather [hbm4b:s0+s9], $0x1000, $0x38;
	[tilespmem:$0x175C0] =	vst v63  }
0x32: {  	s29 =	rddreg [dreg:$0xe];
	s31 =	simm.s32 $0x115C0  }
0x33: {  	[tilespmem:s31], [sflag:$0x3] =	stream.linear.gather [hbm4b:s29+s9], $0x1000, $0x38;
	[tilespmem:$0x175C0] =	vst v63  }
0x34: {  	s3 =	rddreg [dreg:$0xf];
	s4 =	simm.s32 $0x135C0  }
0x35: {  	[tilespmem:s4], [sflag:$0x3] =	stream.linear.gather [hbm4b:s3+s9], $0x1000, $0x38;
	[tilespmem:$0x175C0] =	vst v63  }
0x36: {  	s19 =	rddreg [dreg:$0x14]  }
0x37: {  	[tilespmem:s24], [sflag:$0x4] =	stream.linear.gather [hbm4b:s19+s9], $0x1000, $0x38;
	[tilespmem:$0x175C0] =	vst v63  }
0x38: {  	s29 =	rddreg [dreg:$0x15]  }
0x39: {  	[tilespmem:s25], [sflag:$0x4] =	stream.linear.gather [hbm4b:s29+s9], $0x1000, $0x38;
	[tilespmem:$0x175C0] =	vst v63  }
0x3a: {  	s0 =	simm.s32 $0xD070;
	s31 =	rddreg [dreg:$0x16]  }
0x3b: {  	[tilespmem:s26], [sflag:$0x4] =	stream.linear.gather [hbm4b:s31+s9], $0x1000, $0x38;
	[tilespmem:$0x175C0] =	vst v63  }
0x3c: {  	_ =	strace $0x80000053;
	[tilespmem:s0+$0xFFFFFFD0] =	vst v0  }
0x3d: {  	[tilespmem:s0+$0x30] =	vst v0  }
0x3e: {  	[tilespmem:s0+$0x20] =	vst v0  }
0x3f: {  	[tilespmem:s0+$0x10] =	vst v0  }
0x40: {  	[tilespmem:s0+$0x0] =	vst v0  }
0x41: {  	s1 =	simm.s32 $0x0;
	[tilespmem:s0+$0xFFFFFFF0] =	vst v0  }
.LBB2_2:
0x42: {  	s1 =	sadd.s32 $0x7, s1;
	[tilespmem:s0+$0xFFFFFFE0] =	vst v0;
	s0 =	sadd.s32 $0x70, s0  }
0x43: {  	[tilespmem:s0+$0xFFFFFFD0] =	vst v0;
	p1 =	slt.u32 s1, $0xBD  }
.Ltmp2:
0x44: {  	[tilespmem:s0+$0x30] =	vst v0;
	(pc) =	sbr.rel @p1 .LBB2_2-.Ltmp2, $4  }
0x45: {  	[tilespmem:s0+$0x20] =	vst v0  }
0x46: {  	[tilespmem:s0+$0x10] =	vst v0  }
0x47: {  	[tilespmem:s0+$0x0] =	vst v0  }
0x48: {  	[tilespmem:s0+$0xFFFFFFF0] =	vst v0  }
0x49: {  	[tilespmem:s0+$0xFFFFFFE0] =	vst v0  }
0x4a: {  	_ =	strace $0x90000053  }
0x4b: {  	s19 =	rddreg [dreg:$0xa]  }
0x4c: {  	[tilespmem:s30], [sflag:$0x1] =	stream.linear.gather [hbm4b:s19+s9], $0xC40, $0x38;
	[tilespmem:$0x175C0] =	vst v63  }
0x4d: {  	s1 =	simm.s32 $0xE940;
	s29 =	rddreg [dreg:$0xb]  }
0x4e: {  	[tilespmem:s1], [sflag:$0x2] =	stream.linear.gather [hbm4b:s29+s9], $0xC40, $0x38;
	[tilespmem:$0x175C0] =	vst v63  }
0x4f: {  	s31 =	simm.s32 $0x1;
	_ =	strace $0x80000054  }
0x50: {  	_ =	swait.ge [sflag:s31], $0xC40  }
0x51: {  	[sflag:s31] =	ssyncset.done $0x0  }
0x52: {  	s0 =	simm.s32 $0xD070;
	[sflag:s31] =	ssyncadd.s32 $0xFFFFF3C0  }
0x53: {  	s1 =	simm.s32 $0xDCF0;
	v2 =	vld [tilespmem:s0+$0x30]  }
0x54: {  	v3 =	vld [tilespmem:s1+$0x30]  }
0x55: {  	v1 =	vld [tilespmem:s1+$0xFFFFFFD0]  }
0x56: {  	v4 =	vld [tilespmem:s0+$0xFFFFFFE0]  }
0x57: {  	v5 =	vld [tilespmem:s1+$0xFFFFFFE0]  }
0x58: {  	v6 =	vld [tilespmem:s0+$0xFFFFFFF0]  }
0x59: {  	v7 =	vld [tilespmem:s1+$0xFFFFFFF0]  }
0x5a: {  	v8 =	vld [tilespmem:s0+$0x0]  }
0x5b: {  	v9 =	vld [tilespmem:s1+$0x0]  }
0x5c: {  	v3 =	vadd.f32 v3, v2;
	v2 =	vld [tilespmem:s0+$0x10]  }
0x5d: {  	v5 =	vadd.f32 v5, v4;
	v4 =	vld [tilespmem:s1+$0x10]  }
0x5e: {  	v7 =	vadd.f32 v7, v6;
	v6 =	vld [tilespmem:s1+$0x20];
	[tilespmem:s0+$0x30] =	vst v3  }
0x5f: {  	v3 =	vld [tilespmem:s0+$0x20];
	[tilespmem:s0+$0xFFFFFFE0] =	vst v5  }
0x60: {  	s3 =	simm.s32 $0x0;
	s4 =	simm.s32 $0xD0E0;
	v5 =	vld [tilespmem:s0+$0xFFFFFFD0];
	[tilespmem:s0+$0xFFFFFFF0] =	vst v7;
	v7 =	vadd.f32 v9, v8  }
.LBB2_4:
0x61: {  	v8 =	vld [tilespmem:s4+$0x30];
	s1 =	sadd.s32 $0x70, s1  }
0x62: {  	s3 =	sadd.s32 $0x7, s3;
	v9 =	vld [tilespmem:s1+$0x30];
	[tilespmem:s0+$0x0] =	vst v7;
	v2 =	vadd.f32 v4, v2  }
0x63: {  	p1 =	slt.u32 s3, $0xBD;
	v4 =	vld [tilespmem:s1+$0xFFFFFFD0]  }
0x64: {  	v7 =	vld [tilespmem:s4+$0xFFFFFFE0];
	[tilespmem:s0+$0x10] =	vst v2;
	v2 =	vadd.f32 v6, v3  }
0x65: {  	v3 =	vld [tilespmem:s1+$0xFFFFFFE0];
	v10 =	vadd.f32 v1, v5  }
0x66: {  	v5 =	vld [tilespmem:s4+$0xFFFFFFF0];
	[tilespmem:s0+$0x20] =	vst v2  }
0x67: {  	v6 =	vld [tilespmem:s1+$0xFFFFFFF0];
	v2 =	vadd.f32 v9, v8;
	[tilespmem:s0+$0xFFFFFFD0] =	vst v10;
	s0 =	smov.u32 s4  }
0x68: {  	v8 =	vld [tilespmem:s4+$0x0];
	v1 =	vmov v4  }
0x69: {  	v9 =	vld [tilespmem:s1+$0x0];
	[tilespmem:s4+$0x30] =	vst v2  }
.Ltmp3:
0x6a: {  	v3 =	vadd.f32 v3, v7;
	v2 =	vld [tilespmem:s4+$0x10];
	(pc) =	sbr.rel @p1 .LBB2_4-.Ltmp3, $4  }
0x6b: {  	v4 =	vld [tilespmem:s1+$0x10]  }
0x6c: {  	[tilespmem:s4+$0xFFFFFFE0] =	vst v3;
	v7 =	vadd.f32 v6, v5;
	v3 =	vld [tilespmem:s4+$0x20]  }
0x6d: {  	v6 =	vld [tilespmem:s1+$0x20]  }
0x6e: {  	s4 =	sadd.s32 $0x70, s4;
	v5 =	vld [tilespmem:s0+$0xFFFFFFD0];
	[tilespmem:s0+$0xFFFFFFF0] =	vst v7;
	v7 =	vadd.f32 v9, v8  }
0x6f: {  	_ =	sdelay $0x1  }
0x70: {  	v2 =	vadd.f32 v4, v2  }
0x71: {  	[tilespmem:s0+$0x0] =	vst v7;
	v3 =	vadd.f32 v6, v3  }
0x72: {  	[tilespmem:s0+$0x10] =	vst v2;
	v1 =	vadd.f32 v1, v5  }
0x73: {  	[tilespmem:s0+$0x20] =	vst v3  }
0x74: {  	s31 =	simm.s32 $0x2;
	[tilespmem:s0+$0xFFFFFFD0] =	vst v1  }
0x75: {  	_ =	swait.ge [sflag:s31], $0xC40  }
0x76: {  	[sflag:s31] =	ssyncset.done $0x0  }
0x77: {  	s0 =	simm.s32 $0xD070;
	[sflag:s31] =	ssyncadd.s32 $0xFFFFF3C0  }
0x78: {  	s1 =	simm.s32 $0xE970;
	v2 =	vld [tilespmem:s0+$0x30]  }
0x79: {  	v3 =	vld [tilespmem:s1+$0x30]  }
0x7a: {  	v1 =	vld [tilespmem:s1+$0xFFFFFFD0]  }
0x7b: {  	v4 =	vld [tilespmem:s0+$0xFFFFFFE0]  }
0x7c: {  	v5 =	vld [tilespmem:s1+$0xFFFFFFE0]  }
0x7d: {  	v6 =	vld [tilespmem:s0+$0xFFFFFFF0]  }
0x7e: {  	v7 =	vld [tilespmem:s1+$0xFFFFFFF0]  }
0x7f: {  	v8 =	vld [tilespmem:s0+$0x0]  }
0x80: {  	v9 =	vld [tilespmem:s1+$0x0]  }
0x81: {  	v3 =	vadd.f32 v3, v2;
	v2 =	vld [tilespmem:s0+$0x10]  }
0x82: {  	v5 =	vadd.f32 v5, v4;
	v4 =	vld [tilespmem:s1+$0x10]  }
0x83: {  	v7 =	vadd.f32 v7, v6;
	v6 =	vld [tilespmem:s1+$0x20];
	[tilespmem:s0+$0x30] =	vst v3  }
0x84: {  	v3 =	vld [tilespmem:s0+$0x20];
	[tilespmem:s0+$0xFFFFFFE0] =	vst v5  }
0x85: {  	s3 =	simm.s32 $0x0;
	s4 =	simm.s32 $0xD0E0;
	v5 =	vld [tilespmem:s0+$0xFFFFFFD0];
	[tilespmem:s0+$0xFFFFFFF0] =	vst v7;
	v7 =	vadd.f32 v9, v8  }
.LBB2_6:
0x86: {  	v8 =	vld [tilespmem:s4+$0x30];
	s1 =	sadd.s32 $0x70, s1  }
0x87: {  	s3 =	sadd.s32 $0x7, s3;
	v9 =	vld [tilespmem:s1+$0x30];
	[tilespmem:s0+$0x0] =	vst v7;
	v2 =	vadd.f32 v4, v2  }
0x88: {  	p1 =	slt.u32 s3, $0xBD;
	v4 =	vld [tilespmem:s1+$0xFFFFFFD0]  }
0x89: {  	v7 =	vld [tilespmem:s4+$0xFFFFFFE0];
	[tilespmem:s0+$0x10] =	vst v2;
	v2 =	vadd.f32 v6, v3  }
0x8a: {  	v3 =	vld [tilespmem:s1+$0xFFFFFFE0];
	v10 =	vadd.f32 v1, v5  }
0x8b: {  	v5 =	vld [tilespmem:s4+$0xFFFFFFF0];
	[tilespmem:s0+$0x20] =	vst v2  }
0x8c: {  	v6 =	vld [tilespmem:s1+$0xFFFFFFF0];
	v2 =	vadd.f32 v9, v8;
	[tilespmem:s0+$0xFFFFFFD0] =	vst v10;
	s0 =	smov.u32 s4  }
0x8d: {  	v8 =	vld [tilespmem:s4+$0x0];
	v1 =	vmov v4  }
0x8e: {  	v9 =	vld [tilespmem:s1+$0x0];
	[tilespmem:s4+$0x30] =	vst v2  }
.Ltmp4:
0x8f: {  	v3 =	vadd.f32 v3, v7;
	v2 =	vld [tilespmem:s4+$0x10];
	(pc) =	sbr.rel @p1 .LBB2_6-.Ltmp4, $4  }
0x90: {  	v4 =	vld [tilespmem:s1+$0x10]  }
0x91: {  	[tilespmem:s4+$0xFFFFFFE0] =	vst v3;
	v7 =	vadd.f32 v6, v5;
	v3 =	vld [tilespmem:s4+$0x20]  }
0x92: {  	v6 =	vld [tilespmem:s1+$0x20]  }
0x93: {  	s4 =	sadd.s32 $0x70, s4;
	v5 =	vld [tilespmem:s0+$0xFFFFFFD0];
	[tilespmem:s0+$0xFFFFFFF0] =	vst v7;
	v7 =	vadd.f32 v9, v8  }
0x94: {  	_ =	sdelay $0x1  }
0x95: {  	v2 =	vadd.f32 v4, v2  }
0x96: {  	[tilespmem:s0+$0x0] =	vst v7;
	v3 =	vadd.f32 v6, v3  }
0x97: {  	[tilespmem:s0+$0x10] =	vst v2;
	v1 =	vadd.f32 v1, v5  }
0x98: {  	[tilespmem:s0+$0x20] =	vst v3  }
0x99: {  	[tilespmem:s0+$0xFFFFFFD0] =	vst v1  }
0x9a: {  	_ =	strace $0x90000054  }
0x9b: {  	s19 =	simm.s32 $0xD060;
	_ =	strace $0x80000055  }
0x9c: {  	v14 =	vld [tilespmem:s19+$0xFFFFFFF0];
	_ =	sdelay $0x4  }
0x9d: {  	v1 =	vshra.s32 v14, $0x1;
	v2 =	vmul.f32 $5.000000000e-01, v14  }
0x9e: {  	v4 =	vsub.s32 $0x5F3759DF, v1  }
0x9f: {  	v1 =	vmul.f32 v4, v2;
	_ =	sdelay $0x1  }
0xa0: {  	v5 =	vmul.f32 v4, v1  }
0xa1: {  	v1 =	vld [tilespmem:s19+$0xFFFFFFE0]  }
0xa2: {  	v3 =	vld [tilespmem:s19+$0x10];
	v5 =	vsub.f32 $1.500000000e+00, v5;
	_ =	sdelay $0x1  }
0xa3: {  	v4 =	vmul.f32 v4, v5;
	_ =	sdelay $0x1  }
0xa4: {  	v6 =	vshra.s32 v1, $0x1;
	v5 =	vmul.f32 $5.000000000e-01, v1;
	v7 =	vmul.f32 v4, v2  }
0xa5: {  	v8 =	vshra.s32 v3, $0x1;
	v15 =	vmul.f32 $5.000000000e-01, v3;
	v9 =	vsub.s32 $0x5F3759DF, v6  }
0xa6: {  	v8 =	vsub.s32 $0x5F3759DF, v8;
	v6 =	vmul.f32 v9, v5;
	v10 =	vmul.f32 v7, v4  }
0xa7: {  	v11 =	vmul.f32 v8, v15;
	v7 =	vld [tilespmem:s19+$0x0]  }
0xa8: {  	s31 =	simm.s32 $0xD0A0;
	v12 =	vmul.f32 v9, v6;
	v10 =	vsub.f32 $1.500000000e+00, v10  }
0xa9: {  	v11 =	vmul.f32 v8, v11;
	v6 =	vld [tilespmem:s31+$0xFFFFFFF0]  }
0xaa: {  	v12 =	vsub.f32 $1.500000000e+00, v12;
	v10 =	vmul.f32 v10, v4  }
0xab: {  	v4 =	vsub.f32 $1.500000000e+00, v11  }
0xac: {  	v13 =	vshra.s32 v7, $0x1;
	v11 =	vmul.f32 v9, v12;
	v12 =	vmul.f32 v10, v2  }
0xad: {  	v9 =	vmul.f32 $5.000000000e-01, v7;
	v16 =	vmul.f32 v8, v4;
	v4 =	vld [tilespmem:s31+$0x10];
	v17 =	vsub.s32 $0x5F3759DF, v13  }
0xae: {  	v2 =	vld [tilespmem:s31+$0xFFFFFFE0];
	v13 =	vmul.f32 $5.000000000e-01, v6;
	v8 =	vmul.f32 v12, v10;
	v12 =	vshra.s32 v6, $0x1  }
0xaf: {  	v19 =	vmul.f32 v17, v9;
	v18 =	vmul.f32 v16, v15;
	v20 =	vsub.s32 $0x5F3759DF, v12  }
0xb0: {  	v21 =	vmul.f32 v11, v5;
	v8 =	vsub.f32 $1.500000000e+00, v8;
	v12 =	vmul.f32 v20, v13  }
0xb1: {  	v19 =	vmul.f32 v17, v19;
	v18 =	vmul.f32 v18, v16  }
0xb2: {  	v22 =	vshra.s32 v4, $0x1;
	v23 =	vmul.f32 v8, v10;
	v8 =	vmul.f32 v20, v12  }
0xb3: {  	v24 =	vshra.s32 v2, $0x1;
	v10 =	vmul.f32 $5.000000000e-01, v4;
	v12 =	vmul.f32 $5.000000000e-01, v2  }
0xb4: {  	v22 =	vsub.s32 $0x5F3759DF, v22;
	v24 =	vsub.s32 $0x5F3759DF, v24;
	v25 =	vsub.f32 $1.500000000e+00, v8  }
0xb5: {  	v26 =	vmul.f32 v22, v10;
	v27 =	vmul.f32 v24, v12  }
0xb6: {  	v21 =	vmul.f32 v21, v11;
	v19 =	vsub.f32 $1.500000000e+00, v19;
	v25 =	vmul.f32 v20, v25  }
0xb7: {  	v20 =	vsub.f32 $1.500000000e+00, v18;
	v27 =	vmul.f32 v24, v27;
	v26 =	vmul.f32 v22, v26  }
0xb8: {  	vm0 =	vgt.f32 v14, $0.0e+00;
	v8 =	vld [tilespmem:s31+$0x0];
	v18 =	vmul.f32 v17, v19;
	v14 =	vmul.f32 v25, v13  }
0xb9: {  	v19 =	vsub.f32 $1.500000000e+00, v27;
	v26 =	vsub.f32 $1.500000000e+00, v26;
	v16 =	vmul.f32 v20, v16  }
0xba: {  	v29 =	vnsel vm0, $0x0, v23;
	v28 =	vmul.f32 v18, v9;
	v27 =	vmul.f32 v14, v25  }
0xbb: {  	v23 =	vsub.f32 $1.500000000e+00, v21;
	v20 =	vmul.f32 v24, v19;
	v14 =	vmul.f32 v22, v26  }
0xbc: {  	v22 =	vmul.f32 v28, v18;
	v26 =	vmul.f32 v16, v15;
	v19 =	vsub.f32 $1.500000000e+00, v27  }
0xbd: {  	s29 =	simm.s32 $0xDCE0;
	v17 =	vshra.s32 v8, $0x1;
	v15 =	vmul.f32 $5.000000000e-01, v8;
	v21 =	vmul.f32 v14, v10  }
0xbe: {  	s1 =	simm.s32 $0xD0E0;
	s0 =	simm.s32 $0x4;
	s19 =	simm.s32 $0xDCE0;
	[tilespmem:s29+$0xFFFFFFF0] =	vst v29;
	v24 =	vsub.f32 $1.500000000e+00, v22;
	v22 =	vmul.f32 v26, v16;
	v19 =	vmul.f32 v19, v25  }
.LBB2_8:
0xbf: {  	v25 =	vld [tilespmem:s1+$0xFFFFFFF0];
	s0 =	sadd.s32 $0x4, s0;
	v26 =	vmul.f32 v20, v12;
	v23 =	vmul.f32 v23, v11;
	vm0 =	vgt.f32 v7, $0.0e+00;
	s29 =	sadd.s32 $0x40, s29;
	v7 =	vmovc v8;
	v11 =	vmovc v20  }
0xc0: {  	v27 =	vsub.s32 $0x5F3759DF, v17;
	v20 =	vld [tilespmem:s1+$0x10];
	p1 =	slt.u32 s0, $0xC0;
	v13 =	vmul.f32 v19, v13;
	v24 =	vmul.f32 v24, v18  }
0xc1: {  	v17 =	vmul.f32 v27, v15;
	v18 =	vsub.f32 $1.500000000e+00, v22;
	v28 =	vld [tilespmem:s1+$0xFFFFFFE0];
	v26 =	vmul.f32 v26, v11  }
0xc2: {  	vm1 =	vgt.f32 v3, $0.0e+00;
	v3 =	vmovc v4;
	v22 =	vmul.f32 v23, v5;
	v5 =	vmovc v12;
	v8 =	vld [tilespmem:s1+$0x0];
	v13 =	vmul.f32 v13, v19  }
0xc3: {  	vm2 =	vgt.f32 v6, $0.0e+00;
	v29 =	vmul.f32 v21, v14;
	v12 =	vmul.f32 v27, v17  }
0xc4: {  	v16 =	vmul.f32 v18, v16;
	v17 =	vshra.s32 v25, $0x1;
	v21 =	vsub.f32 $1.500000000e+00, v13;
	v6 =	vmovc v25  }
0xc5: {  	v25 =	vsub.f32 $1.500000000e+00, v29;
	v13 =	vmul.f32 $5.000000000e-01, v6;
	v18 =	vshra.s32 v20, $0x1;
	v4 =	vmovc v20  }
0xc6: {  	v29 =	vsub.s32 $0x5F3759DF, v17;
	v20 =	vshra.s32 v28, $0x1;
	v19 =	vmul.f32 v21, v19  }
0xc7: {  	v30 =	vsub.s32 $0x5F3759DF, v18;
	v18 =	vmul.f32 v22, v23;
	v21 =	vmul.f32 v29, v13  }
0xc8: {  	v31 =	vmul.f32 v24, v9;
	v9 =	vmovc v15;
	v22 =	vmul.f32 $5.000000000e-01, v4;
	v17 =	vshra.s32 v8, $0x1  }
0xc9: {  	v32 =	vsub.f32 $1.500000000e+00, v18;
	v15 =	vmul.f32 v29, v21;
	v21 =	vsub.f32 $1.500000000e+00, v12  }
0xca: {  	v31 =	vmul.f32 v31, v24;
	v20 =	vsub.s32 $0x5F3759DF, v20;
	v12 =	vmul.f32 $5.000000000e-01, v28  }
0xcb: {  	v33 =	vmul.f32 v30, v22;
	v15 =	vsub.f32 $1.500000000e+00, v15;
	v18 =	vmul.f32 v27, v21  }
0xcc: {  	v16 =	vnsel vm1, $0x0, v16;
	v21 =	vmul.f32 v20, v12;
	v27 =	vsub.f32 $1.500000000e+00, v31  }
0xcd: {  	v29 =	vmul.f32 v29, v15;
	v15 =	vnsel vm2, $0x0, v19;
	v19 =	vmul.f32 v32, v23;
	[tilespmem:s19+$0x10] =	vst v16  }
0xce: {  	vm1 =	vgt.f32 v1, $0.0e+00;
	v1 =	vmovc v2;
	v16 =	vmul.f32 v20, v21;
	v21 =	vmul.f32 v30, v33;
	[tilespmem:s29+$0xFFFFFFF0] =	vst v15  }
0xcf: {  	v2 =	vmovc v28;
	v23 =	vmul.f32 v27, v24;
	v15 =	vmul.f32 v29, v13;
	v19 =	vnsel vm1, $0x0, v19  }
0xd0: {  	v24 =	vsub.f32 $1.500000000e+00, v16;
	v21 =	vsub.f32 $1.500000000e+00, v21;
	v16 =	vmul.f32 v25, v14;
	[tilespmem:s19+$0xFFFFFFE0] =	vst v19  }
.Ltmp5:
0xd1: {  	v25 =	vnsel vm0, $0x0, v23;
	v19 =	vmul.f32 v18, v9;
	v15 =	vmul.f32 v15, v29;
	(pc) =	sbr.rel @p1 .LBB2_8-.Ltmp5, $4  }
0xd2: {  	v23 =	vsub.f32 $1.500000000e+00, v26;
	v20 =	vmul.f32 v20, v24;
	v14 =	vmul.f32 v30, v21;
	[tilespmem:s19+$0x0] =	vst v25;
	s19 =	smov.u32 s29  }
0xd3: {  	v26 =	vmul.f32 v16, v10;
	v10 =	vmovc v22;
	v25 =	vmul.f32 v19, v18;
	v24 =	vsub.f32 $1.500000000e+00, v15  }
0xd4: {  	v15 =	vmul.f32 $5.000000000e-01, v8;
	v21 =	vmul.f32 v14, v10  }
0xd5: {  	s1 =	sadd.s32 $0x40, s1;
	v22 =	vmul.f32 v26, v16;
	v19 =	vmul.f32 v24, v29;
	v24 =	vsub.f32 $1.500000000e+00, v25  }
0xd6: {  	v17 =	vsub.s32 $0x5F3759DF, v17  }
0xd7: {  	v25 =	vmul.f32 v17, v15;
	_ =	sdelay $0x1  }
0xd8: {  	v25 =	vmul.f32 v17, v25;
	_ =	sdelay $0x1  }
0xd9: {  	v25 =	vsub.f32 $1.500000000e+00, v25  }
0xda: {  	v11 =	vmul.f32 v23, v11  }
0xdb: {  	v49 =	vmul.f32 v20, v12;
	v17 =	vmul.f32 v17, v25  }
0xdc: {  	vm0 =	vgt.f32 v7, $0.0e+00;
	v50 =	vmul.f32 v21, v14;
	vm1 =	vgt.f32 v3, $0.0e+00  }
0xdd: {  	vm2 =	vgt.f32 v6, $0.0e+00;
	v13 =	vmul.f32 v19, v13;
	v51 =	vmul.f32 v17, v15  }
0xde: {  	v18 =	vmul.f32 v24, v18;
	v22 =	vsub.f32 $1.500000000e+00, v22;
	v23 =	vmul.f32 v49, v20  }
0xdf: {  	v5 =	vmul.f32 v11, v5;
	v3 =	vsub.f32 $1.500000000e+00, v50;
	v52 =	vmul.f32 v51, v17  }
0xe0: {  	v13 =	vmul.f32 v13, v19;
	v16 =	vmul.f32 v22, v16;
	v53 =	vsub.f32 $1.500000000e+00, v23  }
0xe1: {  	v9 =	vmul.f32 v18, v9;
	v3 =	vmul.f32 v3, v14;
	v7 =	vsub.f32 $1.500000000e+00, v52  }
0xe2: {  	vm12 =	vgt.f32 v1, $0.0e+00;
	v5 =	vmul.f32 v5, v11;
	v54 =	vmul.f32 v53, v20  }
0xe3: {  	v13 =	vsub.f32 $1.500000000e+00, v13;
	v55 =	vmul.f32 v3, v10;
	v7 =	vmul.f32 v7, v17  }
0xe4: {  	v9 =	vmul.f32 v9, v18;
	v59 =	vnsel vm1, $0x0, v16;
	v57 =	vmul.f32 v54, v12  }
0xe5: {  	v5 =	vsub.f32 $1.500000000e+00, v5;
	v6 =	vmul.f32 v55, v3;
	v58 =	vmul.f32 v7, v15  }
0xe6: {  	v56 =	vmul.f32 v13, v19;
	v9 =	vsub.f32 $1.500000000e+00, v9;
	v12 =	vmul.f32 v57, v54  }
0xe7: {  	v5 =	vmul.f32 v5, v11;
	v6 =	vsub.f32 $1.500000000e+00, v6;
	v60 =	vmul.f32 v58, v7  }
0xe8: {  	s0 =	sadd.s32 $0x40, s29;
	[tilespmem:s19+$0x10] =	vst v59;
	v10 =	vnsel vm2, $0x0, v56;
	v1 =	vmul.f32 v9, v18;
	v61 =	vsub.f32 $1.500000000e+00, v12  }
0xe9: {  	[tilespmem:s0+$0xFFFFFFF0] =	vst v10;
	v5 =	vnsel vm12, $0x0, v5;
	v3 =	vmul.f32 v6, v3;
	v62 =	vsub.f32 $1.500000000e+00, v60  }
0xea: {  	vm13 =	vgt.f32 v4, $0.0e+00;
	[tilespmem:s19+$0xFFFFFFE0] =	vst v5;
	v1 =	vnsel vm0, $0x0, v1;
	v63 =	vmul.f32 v61, v54  }
0xeb: {  	vm14 =	vgt.f32 v2, $0.0e+00;
	[tilespmem:s19+$0x0] =	vst v1;
	v1 =	vnsel vm13, $0x0, v3;
	v2 =	vmul.f32 v62, v7  }
0xec: {  	vm15 =	vgt.f32 v8, $0.0e+00;
	[tilespmem:s0+$0x10] =	vst v1;
	v1 =	vnsel vm14, $0x0, v63  }
0xed: {  	[tilespmem:s0+$0xFFFFFFE0] =	vst v1;
	v1 =	vnsel vm15, $0x0, v2  }
0xee: {  	[tilespmem:s0+$0x0] =	vst v1  }
0xef: {  	s1 =	simm.s32 $0x7;
	s0 =	rddreg [dreg:$0x10]  }
0xf0: {  	[spmem:s0] =	stream.linear.scatter [tilespmem:s30], [sflag:$0x7], $0xC40, $0x200038;
	[tilespmem:$0x175C0] =	vst v63  }
0xf1: {  	_ =	swait.ge [sflag:s1], $0xC40  }
0xf2: {  	[sflag:s1] =	ssyncset.done $0x0  }
0xf3: {  	[sflag:s1] =	ssyncadd.s32 $0xFFFFF3C0  }
0xf4: {  	_ =	strace $0x90000055  }
0xf5: {  	_ =	strace $0x80000056  }
0xf6: {  	[bflag:$0x0] =	sbarrier.arrive $0xFFFF  }
0xf7: {  	_ =	strace $0x90000056  }
0xf8: {  	_ =	strace $0x80000057  }
0xf9: {  	s31 =	rddreg [dreg:$0x7]  }
0xfa: {  	[tilespmem:s13], [sflag:$0x7] =	stream.linear.gather [spmem:s31], $0xC400, $0x200038;
	[tilespmem:$0x175C0] =	vst v63  }
0xfb: {  	_ =	swait.ge [sflag:s1], $0xC400  }
0xfc: {  	[sflag:s1] =	ssyncset.done $0x0  }
0xfd: {  	[sflag:s1] =	ssyncadd.s32 $0xFFFF3C00  }
0xfe: {  	_ =	strace $0x90000057  }
0xff: {  	s19 =	simm.s32 $0x0;
	_ =	strace $0x80000058  }
.LBB2_10:
0x100: {  	_ =	swait.ge [sflag:s17], $0x1000  }
0x101: {  	[sflag:s17] =	ssyncset.done $0x0  }
0x102: {  	[sflag:s17] =	ssyncadd.s32 $0xFFFFF000  }
0x103: {  	_ =	swait.ge [sflag:s17], $0x1000  }
0x104: {  	[sflag:s17] =	ssyncset.done $0x0  }
0x105: {  	[sflag:s17] =	ssyncadd.s32 $0xFFFFF000  }
0x106: {  	_ =	swait.ge [sflag:s17], $0x1000  }
0x107: {  	p1 =	seq.s32 s19, $0x0;
	[sflag:s17] =	ssyncset.done $0x0  }
0x108: {  	s0 =	simm.s32 @!p1 $0x5;
	[sflag:s17] =	ssyncadd.s32 $0xFFFFF000  }
0x109: {  	_ =	swait.ge @!p1 [sflag:s0], $0x1000  }
0x10a: {  	[sflag:s0] =	ssyncset.done @!p1 $0x0  }
0x10b: {  	s4 =	simm.s32 $0xF600;
	[sflag:s0] =	ssyncadd.s32 @!p1 $0xFFFFF000  }
0x10c: {  	v1 =	vld [tilespmem:s4+$0x30]  }
0x10d: {  	s30 =	simm.s32 $0x11600;
	v2 =	vld [tilespmem:s4+$0xFFFFFFD0]  }
0x10e: {  	v3 =	vld [tilespmem:s30+$0x30]  }
0x10f: {  	v4 =	vld [tilespmem:s4+$0xFFFFFFE0]  }
0x110: {  	v5 =	vld [tilespmem:s4+$0xFFFFFFF0]  }
0x111: {  	v6 =	vld [tilespmem:s4+$0x0]  }
0x112: {  	v7 =	vld [tilespmem:s4+$0x10]  }
0x113: {  	s31 =	simm.s32 $0x13600;
	v8 =	vld [tilespmem:s4+$0x20]  }
0x114: {  	v9 =	vld [tilespmem:s31+$0x30]  }
0x115: {  	v10 =	vld [tilespmem:s4+$0xFFFFFFC0]  }
0x116: {  	v11 =	vld [tilespmem:s30+$0xFFFFFFC0]  }
0x117: {  	v12 =	vld [tilespmem:s30+$0xFFFFFFD0]  }
0x118: {  	v13 =	vld [tilespmem:s30+$0xFFFFFFE0]  }
0x119: {  	v14 =	vld [tilespmem:s30+$0xFFFFFFF0]  }
0x11a: {  	v15 =	vld [tilespmem:s30+$0x0]  }
0x11b: {  	v16 =	vld [tilespmem:s30+$0x10]  }
0x11c: {  	v17 =	vld [tilespmem:s30+$0x20]  }
0x11d: {  	v22 =	vld [tilespmem:s31+$0xFFFFFFF0]  }
0x11e: {  	v23 =	vld [tilespmem:s31+$0x0]  }
0x11f: {  	v24 =	vld [tilespmem:s31+$0x10]  }
0x120: {  	v25 =	vld [tilespmem:s31+$0x20]  }
0x121: {  	v1 =	vld.idx.msk [tilespmem:v1+s13+$0x0], $0xffff  }
0x122: {  	v3 =	vld.idx.msk [tilespmem:v3+s13+$0x0], $0xffff  }
0x123: {  	v10 =	vld.idx.msk [tilespmem:v10+s13+$0x0], $0xffff  }
0x124: {  	v2 =	vld.idx.msk [tilespmem:v2+s13+$0x0], $0xffff  }
0x125: {  	v4 =	vld.idx.msk [tilespmem:v4+s13+$0x0], $0xffff  }
0x126: {  	v18 =	vld.idx.msk [tilespmem:v5+s13+$0x0], $0xffff  }
0x127: {  	v19 =	vld.idx.msk [tilespmem:v6+s13+$0x0], $0xffff  }
0x128: {  	v20 =	vld.idx.msk [tilespmem:v7+s13+$0x0], $0xffff  }
0x129: {  	v5 =	vld [tilespmem:s31+$0xFFFFFFC0]  }
0x12a: {  	v6 =	vld [tilespmem:s31+$0xFFFFFFD0]  }
0x12b: {  	v7 =	vld [tilespmem:s31+$0xFFFFFFE0]  }
0x12c: {  	v21 =	vld.idx.msk [tilespmem:v8+s13+$0x0], $0xffff  }
0x12d: {  	v26 =	vld.idx.msk [tilespmem:v11+s13+$0x0], $0xffff  }
0x12e: {  	v11 =	vld.idx.msk [tilespmem:v12+s13+$0x0], $0xffff  }
0x12f: {  	v1 =	vmul.f32 v9, v1;
	v9 =	vld.idx.msk [tilespmem:v13+s13+$0x0], $0xffff;
	v13 =	vmul.f32 v5, v10  }
0x130: {  	v8 =	vmul.f32 v6, v2;
	v6 =	vld.idx.msk [tilespmem:v14+s13+$0x0], $0xffff;
	v5 =	vmul.f32 v7, v4  }
0x131: {  	v2 =	vmul.f32 v22, v18;
	v7 =	vld.idx.msk [tilespmem:v15+s13+$0x0], $0xffff;
	v12 =	vmul.f32 v1, v3  }
0x132: {  	s29 =	sshll.u32 s19, $0xD;
	s0 =	simm.s32 $0x15600;
	v10 =	vld.idx.msk [tilespmem:v16+s13+$0x0], $0xffff;
	v4 =	vmul.f32 v25, v21;
	v3 =	vmul.f32 v23, v19  }
0x133: {  	s3 =	simm.s32 $0x0;
	s1 =	sadd.s32 s11, s29;
	s4 =	simm.s32 $0xF680;
	v1 =	vmul.f32 v24, v20;
	v13 =	vmul.f32 v13, v26;
	[tilespmem:s0+$0x30] =	vst v12;
	v12 =	vld.idx.msk [tilespmem:v17+s13+$0x0], $0xffff  }
.LBB2_11:
0x134: {  	v14 =	vld [tilespmem:s4+$0x30];
	s3 =	sadd.s32 $0x8, s3;
	v8 =	vmul.f32 v8, v11  }
0x135: {  	v5 =	vmul.f32 v5, v9;
	s30 =	sadd.s32 $0x80, s30;
	v11 =	vld [tilespmem:s4+$0xFFFFFFD0];
	p2 =	slt.u32 s3, $0xF8;
	[tilespmem:s0+$0xFFFFFFC0] =	vst v13  }
0x136: {  	v2 =	vmul.f32 v2, v6;
	v9 =	vld [tilespmem:s30+$0x30];
	[tilespmem:s0+$0xFFFFFFD0] =	vst v8  }
0x137: {  	v3 =	vmul.f32 v3, v7;
	v6 =	vld [tilespmem:s4+$0xFFFFFFE0];
	[tilespmem:s0+$0xFFFFFFE0] =	vst v5  }
0x138: {  	v1 =	vmul.f32 v1, v10;
	v5 =	vld [tilespmem:s4+$0xFFFFFFF0];
	[tilespmem:s0+$0xFFFFFFF0] =	vst v2  }
0x139: {  	v2 =	vld [tilespmem:s4+$0x0];
	[tilespmem:s0+$0x0] =	vst v3;
	v3 =	vmul.f32 v4, v12  }
0x13a: {  	v4 =	vld [tilespmem:s4+$0x10];
	[tilespmem:s0+$0x10] =	vst v1  }
0x13b: {  	v1 =	vld [tilespmem:s4+$0x20];
	[tilespmem:s0+$0x20] =	vst v3  }
0x13c: {  	s31 =	sadd.s32 $0x80, s31;
	v3 =	vld.idx.msk [tilespmem:v14+s13+$0x0], $0xffff  }
0x13d: {  	v7 =	vld [tilespmem:s31+$0x30]  }
0x13e: {  	v8 =	vld.idx.msk [tilespmem:v9+s13+$0x0], $0xffff  }
0x13f: {  	v9 =	vld [tilespmem:s4+$0xFFFFFFC0]  }
0x140: {  	v10 =	vld [tilespmem:s30+$0xFFFFFFC0]  }
0x141: {  	v12 =	vld [tilespmem:s30+$0xFFFFFFD0]  }
0x142: {  	v13 =	vld [tilespmem:s30+$0xFFFFFFE0];
	v3 =	vmul.f32 v7, v3  }
0x143: {  	v7 =	vld [tilespmem:s30+$0xFFFFFFF0]  }
0x144: {  	v14 =	vld [tilespmem:s30+$0x0];
	v3 =	vmul.f32 v3, v8  }
0x145: {  	s0 =	sadd.s32 $0x80, s0;
	v15 =	vld [tilespmem:s30+$0x10]  }
0x146: {  	v16 =	vld [tilespmem:s30+$0x20];
	[tilespmem:s0+$0x30] =	vst v3  }
0x147: {  	v3 =	vld.idx.msk [tilespmem:v9+s13+$0x0], $0xffff  }
0x148: {  	v8 =	vld.idx.msk [tilespmem:v11+s13+$0x0], $0xffff  }
0x149: {  	v6 =	vld.idx.msk [tilespmem:v6+s13+$0x0], $0xffff  }
0x14a: {  	v9 =	vld.idx.msk [tilespmem:v5+s13+$0x0], $0xffff  }
0x14b: {  	v17 =	vld.idx.msk [tilespmem:v2+s13+$0x0], $0xffff  }
0x14c: {  	v4 =	vld.idx.msk [tilespmem:v4+s13+$0x0], $0xffff  }
0x14d: {  	v18 =	vld.idx.msk [tilespmem:v1+s13+$0x0], $0xffff  }
0x14e: {  	v1 =	vld [tilespmem:s31+$0xFFFFFFC0]  }
0x14f: {  	v2 =	vld [tilespmem:s31+$0xFFFFFFD0]  }
0x150: {  	v5 =	vld [tilespmem:s31+$0xFFFFFFE0]  }
0x151: {  	v19 =	vld [tilespmem:s31+$0xFFFFFFF0]  }
0x152: {  	v20 =	vld [tilespmem:s31+$0x0]  }
0x153: {  	v21 =	vmul.f32 v1, v3;
	v1 =	vld [tilespmem:s31+$0x10]  }
0x154: {  	v8 =	vmul.f32 v2, v8;
	v22 =	vld [tilespmem:s31+$0x20]  }
0x155: {  	v23 =	vld.idx.msk [tilespmem:v10+s13+$0x0], $0xffff;
	v5 =	vmul.f32 v5, v6  }
0x156: {  	v11 =	vld.idx.msk [tilespmem:v12+s13+$0x0], $0xffff;
	v2 =	vmul.f32 v19, v9  }
.Ltmp6:
0x157: {  	v9 =	vld.idx.msk [tilespmem:v13+s13+$0x0], $0xffff;
	v3 =	vmul.f32 v20, v17;
	(pc) =	sbr.rel @p2 .LBB2_11-.Ltmp6, $4  }
0x158: {  	v6 =	vld.idx.msk [tilespmem:v7+s13+$0x0], $0xffff;
	v1 =	vmul.f32 v1, v4  }
0x159: {  	v7 =	vld.idx.msk [tilespmem:v14+s13+$0x0], $0xffff;
	v4 =	vmul.f32 v22, v18  }
0x15a: {  	v10 =	vld.idx.msk [tilespmem:v15+s13+$0x0], $0xffff  }
0x15b: {  	s4 =	sadd.s32 $0x80, s4;
	v13 =	vmul.f32 v21, v23;
	v12 =	vld.idx.msk [tilespmem:v16+s13+$0x0], $0xffff  }
0x15c: {  	v8 =	vmul.f32 v8, v11  }
0x15d: {  	v5 =	vmul.f32 v5, v9;
	[tilespmem:s0+$0xFFFFFFC0] =	vst v13  }
0x15e: {  	v2 =	vmul.f32 v2, v6;
	[tilespmem:s0+$0xFFFFFFD0] =	vst v8  }
0x15f: {  	[tilespmem:s0+$0xFFFFFFE0] =	vst v5;
	v3 =	vmul.f32 v3, v7  }
0x160: {  	[tilespmem:s0+$0xFFFFFFF0] =	vst v2;
	v1 =	vmul.f32 v1, v10  }
0x161: {  	[tilespmem:s0+$0x0] =	vst v3;
	v2 =	vmul.f32 v4, v12  }
0x162: {  	s1 =	sshrl.u32 s1, $0x3;
	[tilespmem:s0+$0x10] =	vst v1  }
0x163: {  	p2 =	seq.s32 s19, $0x5;
	s3 =	sadd.s32 s5, s1;
	[tilespmem:s0+$0x20] =	vst v2  }
0x164: {  	[hbm4b:s3+s9] =	stream.linear.scatter [tilespmem:s18], [sflag:$0x5], $0x1000, $0x200038;
	[tilespmem:$0x175C0] =	vst v63  }
0x165: {  	s1 =	simm.s32 @p2 $0xF5C0;
	s0 =	simm.s32 @p2 $0x0  }
0x166: {  	[tilespmem:s1], [sflag:$0x3] =	stream.linear.gather @p2 [hbm4b:s2+s0], $0x350, $0x200038;
	[tilespmem:$0x175C0] =	vst v63  }
0x167: {  	s1 =	simm.s32 @p2 $0x115C0  }
0x168: {  	[tilespmem:s1], [sflag:$0x3] =	stream.linear.gather @p2 [hbm4b:s6+s0], $0x350, $0x200038;
	[tilespmem:$0x175C0] =	vst v63  }
0x169: {  	s1 =	simm.s32 @p2 $0x135C0  }
0x16a: {  	[tilespmem:s1], [sflag:$0x3] =	stream.linear.gather @p2 [hbm4b:s8+s0], $0x350, $0x200038;
	[tilespmem:$0x175C0] =	vst v63  }
0x16b: {  	s0 =	sadd.s32 @!p2 s29, s22  }
0x16c: {  	s1 =	rddreg [dreg:$0x0];
	s0 =	sshrl.u32 @!p2 s0, $0x3  }
0x16d: {  	s4 =	simm.s32 @!p2 $0xF5C0;
	s3 =	simm.s32 @!p2 $0x0;
	s1 =	sadd.s32 @!p2 s1, s0  }
0x16e: {  	[tilespmem:s4], [sflag:$0x3] =	stream.linear.gather @!p2 [hbm4b:s1+s3], $0x1000, $0x200038;
	[tilespmem:$0x175C0] =	vst v63  }
0x16f: {  	s1 =	rddreg [dreg:$0x1]  }
0x170: {  	s4 =	simm.s32 @!p2 $0x115C0;
	s1 =	sadd.s32 @!p2 s1, s0  }
0x171: {  	[tilespmem:s4], [sflag:$0x3] =	stream.linear.gather @!p2 [hbm4b:s1+s3], $0x1000, $0x200038;
	[tilespmem:$0x175C0] =	vst v63  }
0x172: {  	s0 =	sadd.s32 @!p2 s10, s0;
	s1 =	simm.s32 @!p2 $0x135C0  }
0x173: {  	[tilespmem:s1], [sflag:$0x3] =	stream.linear.gather @!p2 [hbm4b:s0+s3], $0x1000, $0x200038;
	[tilespmem:$0x175C0] =	vst v63  }
0x174: {  	_ =	swait.ge [sflag:s21], $0x1000  }
0x175: {  	[sflag:s21] =	ssyncset.done $0x0  }
0x176: {  	[sflag:s21] =	ssyncadd.s32 $0xFFFFF000  }
0x177: {  	_ =	swait.ge [sflag:s21], $0x1000  }
0x178: {  	[sflag:s21] =	ssyncset.done $0x0  }
0x179: {  	[sflag:s21] =	ssyncadd.s32 $0xFFFFF000  }
0x17a: {  	_ =	swait.ge [sflag:s21], $0x1000  }
0x17b: {  	[sflag:s21] =	ssyncset.done $0x0  }
0x17c: {  	s0 =	simm.s32 @!p1 $0x6;
	[sflag:s21] =	ssyncadd.s32 $0xFFFFF000  }
0x17d: {  	_ =	swait.ge @!p1 [sflag:s0], $0x1000  }
0x17e: {  	[sflag:s0] =	ssyncset.done @!p1 $0x0  }
0x17f: {  	s4 =	simm.s32 $0x10600;
	[sflag:s0] =	ssyncadd.s32 @!p1 $0xFFFFF000  }
0x180: {  	v1 =	vld [tilespmem:s4+$0x30]  }
0x181: {  	s30 =	simm.s32 $0x12600;
	v2 =	vld [tilespmem:s4+$0xFFFFFFD0]  }
0x182: {  	v3 =	vld [tilespmem:s30+$0x30]  }
0x183: {  	v4 =	vld [tilespmem:s4+$0xFFFFFFE0]  }
0x184: {  	v5 =	vld [tilespmem:s4+$0xFFFFFFF0]  }
0x185: {  	v6 =	vld [tilespmem:s4+$0x0]  }
0x186: {  	v7 =	vld [tilespmem:s4+$0x10]  }
0x187: {  	s31 =	simm.s32 $0x14600;
	v8 =	vld [tilespmem:s4+$0x20]  }
0x188: {  	v9 =	vld [tilespmem:s31+$0x30]  }
0x189: {  	v10 =	vld [tilespmem:s4+$0xFFFFFFC0]  }
0x18a: {  	v11 =	vld [tilespmem:s30+$0xFFFFFFC0]  }
0x18b: {  	v12 =	vld [tilespmem:s30+$0xFFFFFFD0]  }
0x18c: {  	v13 =	vld [tilespmem:s30+$0xFFFFFFE0]  }
0x18d: {  	v14 =	vld [tilespmem:s30+$0xFFFFFFF0]  }
0x18e: {  	v15 =	vld [tilespmem:s30+$0x0]  }
0x18f: {  	v16 =	vld [tilespmem:s30+$0x10]  }
0x190: {  	v17 =	vld [tilespmem:s30+$0x20]  }
0x191: {  	v22 =	vld [tilespmem:s31+$0xFFFFFFF0]  }
0x192: {  	v23 =	vld [tilespmem:s31+$0x0]  }
0x193: {  	v24 =	vld [tilespmem:s31+$0x10]  }
0x194: {  	v25 =	vld [tilespmem:s31+$0x20]  }
0x195: {  	v1 =	vld.idx.msk [tilespmem:v1+s13+$0x0], $0xffff  }
0x196: {  	v3 =	vld.idx.msk [tilespmem:v3+s13+$0x0], $0xffff  }
0x197: {  	v10 =	vld.idx.msk [tilespmem:v10+s13+$0x0], $0xffff  }
0x198: {  	v2 =	vld.idx.msk [tilespmem:v2+s13+$0x0], $0xffff  }
0x199: {  	v4 =	vld.idx.msk [tilespmem:v4+s13+$0x0], $0xffff  }
0x19a: {  	v18 =	vld.idx.msk [tilespmem:v5+s13+$0x0], $0xffff  }
0x19b: {  	v19 =	vld.idx.msk [tilespmem:v6+s13+$0x0], $0xffff  }
0x19c: {  	v20 =	vld.idx.msk [tilespmem:v7+s13+$0x0], $0xffff  }
0x19d: {  	v5 =	vld [tilespmem:s31+$0xFFFFFFC0]  }
0x19e: {  	v6 =	vld [tilespmem:s31+$0xFFFFFFD0]  }
0x19f: {  	v7 =	vld [tilespmem:s31+$0xFFFFFFE0]  }
0x1a0: {  	v21 =	vld.idx.msk [tilespmem:v8+s13+$0x0], $0xffff  }
0x1a1: {  	v26 =	vld.idx.msk [tilespmem:v11+s13+$0x0], $0xffff  }
0x1a2: {  	v11 =	vld.idx.msk [tilespmem:v12+s13+$0x0], $0xffff  }
0x1a3: {  	v1 =	vmul.f32 v9, v1;
	v9 =	vld.idx.msk [tilespmem:v13+s13+$0x0], $0xffff;
	v13 =	vmul.f32 v5, v10  }
0x1a4: {  	v8 =	vmul.f32 v6, v2;
	v6 =	vld.idx.msk [tilespmem:v14+s13+$0x0], $0xffff;
	v5 =	vmul.f32 v7, v4  }
0x1a5: {  	v2 =	vmul.f32 v22, v18;
	v7 =	vld.idx.msk [tilespmem:v15+s13+$0x0], $0xffff;
	v12 =	vmul.f32 v1, v3  }
0x1a6: {  	s0 =	simm.s32 $0x16600;
	v10 =	vld.idx.msk [tilespmem:v16+s13+$0x0], $0xffff;
	v4 =	vmul.f32 v25, v21;
	v3 =	vmul.f32 v23, v19  }
0x1a7: {  	s1 =	sadd.s32 s29, s20;
	s3 =	simm.s32 $0x0;
	s4 =	simm.s32 $0x10680;
	v1 =	vmul.f32 v24, v20;
	v13 =	vmul.f32 v13, v26;
	[tilespmem:s0+$0x30] =	vst v12;
	v12 =	vld.idx.msk [tilespmem:v17+s13+$0x0], $0xffff  }
.LBB2_13:
0x1a8: {  	v14 =	vld [tilespmem:s4+$0x30];
	s3 =	sadd.s32 $0x8, s3;
	v8 =	vmul.f32 v8, v11  }
0x1a9: {  	v5 =	vmul.f32 v5, v9;
	s30 =	sadd.s32 $0x80, s30;
	v11 =	vld [tilespmem:s4+$0xFFFFFFD0];
	p1 =	slt.u32 s3, $0xF8;
	[tilespmem:s0+$0xFFFFFFC0] =	vst v13  }
0x1aa: {  	v2 =	vmul.f32 v2, v6;
	v9 =	vld [tilespmem:s30+$0x30];
	[tilespmem:s0+$0xFFFFFFD0] =	vst v8  }
0x1ab: {  	v3 =	vmul.f32 v3, v7;
	v6 =	vld [tilespmem:s4+$0xFFFFFFE0];
	[tilespmem:s0+$0xFFFFFFE0] =	vst v5  }
0x1ac: {  	v1 =	vmul.f32 v1, v10;
	v5 =	vld [tilespmem:s4+$0xFFFFFFF0];
	[tilespmem:s0+$0xFFFFFFF0] =	vst v2  }
0x1ad: {  	v2 =	vld [tilespmem:s4+$0x0];
	[tilespmem:s0+$0x0] =	vst v3;
	v3 =	vmul.f32 v4, v12  }
0x1ae: {  	v4 =	vld [tilespmem:s4+$0x10];
	[tilespmem:s0+$0x10] =	vst v1  }
0x1af: {  	v1 =	vld [tilespmem:s4+$0x20];
	[tilespmem:s0+$0x20] =	vst v3  }
0x1b0: {  	s31 =	sadd.s32 $0x80, s31;
	v3 =	vld.idx.msk [tilespmem:v14+s13+$0x0], $0xffff  }
0x1b1: {  	v7 =	vld [tilespmem:s31+$0x30]  }
0x1b2: {  	v8 =	vld.idx.msk [tilespmem:v9+s13+$0x0], $0xffff  }
0x1b3: {  	v9 =	vld [tilespmem:s4+$0xFFFFFFC0]  }
0x1b4: {  	v10 =	vld [tilespmem:s30+$0xFFFFFFC0]  }
0x1b5: {  	v12 =	vld [tilespmem:s30+$0xFFFFFFD0]  }
0x1b6: {  	v13 =	vld [tilespmem:s30+$0xFFFFFFE0];
	v3 =	vmul.f32 v7, v3  }
0x1b7: {  	v7 =	vld [tilespmem:s30+$0xFFFFFFF0]  }
0x1b8: {  	v14 =	vld [tilespmem:s30+$0x0];
	v3 =	vmul.f32 v3, v8  }
0x1b9: {  	s0 =	sadd.s32 $0x80, s0;
	v15 =	vld [tilespmem:s30+$0x10]  }
0x1ba: {  	v16 =	vld [tilespmem:s30+$0x20];
	[tilespmem:s0+$0x30] =	vst v3  }
0x1bb: {  	v3 =	vld.idx.msk [tilespmem:v9+s13+$0x0], $0xffff  }
0x1bc: {  	v8 =	vld.idx.msk [tilespmem:v11+s13+$0x0], $0xffff  }
0x1bd: {  	v6 =	vld.idx.msk [tilespmem:v6+s13+$0x0], $0xffff  }
0x1be: {  	v9 =	vld.idx.msk [tilespmem:v5+s13+$0x0], $0xffff  }
0x1bf: {  	v17 =	vld.idx.msk [tilespmem:v2+s13+$0x0], $0xffff  }
0x1c0: {  	v4 =	vld.idx.msk [tilespmem:v4+s13+$0x0], $0xffff  }
0x1c1: {  	v18 =	vld.idx.msk [tilespmem:v1+s13+$0x0], $0xffff  }
0x1c2: {  	v1 =	vld [tilespmem:s31+$0xFFFFFFC0]  }
0x1c3: {  	v2 =	vld [tilespmem:s31+$0xFFFFFFD0]  }
0x1c4: {  	v5 =	vld [tilespmem:s31+$0xFFFFFFE0]  }
0x1c5: {  	v19 =	vld [tilespmem:s31+$0xFFFFFFF0]  }
0x1c6: {  	v20 =	vld [tilespmem:s31+$0x0]  }
0x1c7: {  	v21 =	vmul.f32 v1, v3;
	v1 =	vld [tilespmem:s31+$0x10]  }
0x1c8: {  	v8 =	vmul.f32 v2, v8;
	v22 =	vld [tilespmem:s31+$0x20]  }
0x1c9: {  	v23 =	vld.idx.msk [tilespmem:v10+s13+$0x0], $0xffff;
	v5 =	vmul.f32 v5, v6  }
0x1ca: {  	v11 =	vld.idx.msk [tilespmem:v12+s13+$0x0], $0xffff;
	v2 =	vmul.f32 v19, v9  }
.Ltmp7:
0x1cb: {  	v9 =	vld.idx.msk [tilespmem:v13+s13+$0x0], $0xffff;
	v3 =	vmul.f32 v20, v17;
	(pc) =	sbr.rel @p1 .LBB2_13-.Ltmp7, $4  }
0x1cc: {  	v6 =	vld.idx.msk [tilespmem:v7+s13+$0x0], $0xffff;
	v1 =	vmul.f32 v1, v4  }
0x1cd: {  	v7 =	vld.idx.msk [tilespmem:v14+s13+$0x0], $0xffff;
	v4 =	vmul.f32 v22, v18  }
0x1ce: {  	v10 =	vld.idx.msk [tilespmem:v15+s13+$0x0], $0xffff  }
0x1cf: {  	s4 =	sadd.s32 $0x80, s4;
	v13 =	vmul.f32 v21, v23;
	v12 =	vld.idx.msk [tilespmem:v16+s13+$0x0], $0xffff  }
0x1d0: {  	v8 =	vmul.f32 v8, v11  }
0x1d1: {  	v5 =	vmul.f32 v5, v9;
	[tilespmem:s0+$0xFFFFFFC0] =	vst v13  }
0x1d2: {  	v2 =	vmul.f32 v2, v6;
	[tilespmem:s0+$0xFFFFFFD0] =	vst v8  }
0x1d3: {  	[tilespmem:s0+$0xFFFFFFE0] =	vst v5;
	v3 =	vmul.f32 v3, v7  }
.Ltmp8:
0x1d4: {  	[tilespmem:s0+$0xFFFFFFF0] =	vst v2;
	v1 =	vmul.f32 v1, v10;
	(pc) =	sbr.rel @p2 .LBB2_16-.Ltmp8, $4  }
0x1d5: {  	[tilespmem:s0+$0x0] =	vst v3;
	v2 =	vmul.f32 v4, v12  }
0x1d6: {  	s1 =	sshrl.u32 s1, $0x3;
	[tilespmem:s0+$0x10] =	vst v1  }
0x1d7: {  	s31 =	sadd.s32 s5, s1;
	[tilespmem:s0+$0x20] =	vst v2  }
0x1d8: {  	[hbm4b:s31+s9] =	stream.linear.scatter [tilespmem:s28], [sflag:$0x6], $0x1000, $0x200038;
	[tilespmem:$0x175C0] =	vst v63  }
0x1d9: {  	s0 =	sadd.s32 s29, s23  }
0x1da: {  	s1 =	rddreg [dreg:$0x0];
	s0 =	sshrl.u32 s0, $0x3  }
0x1db: {  	s1 =	sadd.s32 s1, s0  }
0x1dc: {  	[tilespmem:s24], [sflag:$0x4] =	stream.linear.gather [hbm4b:s1+s9], $0x1000, $0x200038;
	[tilespmem:$0x175C0] =	vst v63  }
.Ltmp9:
0x1dd: {  	s31 =	rddreg [dreg:$0x1];
	(pc) =	sbr.rel .LBB2_10-.Ltmp9, $4  }
0x1de: {  	s1 =	sadd.s32 s31, s0  }
0x1df: {  	[tilespmem:s25], [sflag:$0x4] =	stream.linear.gather [hbm4b:s1+s9], $0x1000, $0x200038;
	[tilespmem:$0x175C0] =	vst v63  }
0x1e0: {  	s19 =	sadd.s32 $0x1, s19;
	s0 =	sadd.s32 s10, s0  }
0x1e1: {  	[tilespmem:s26], [sflag:$0x4] =	stream.linear.gather [hbm4b:s0+s9], $0x1000, $0x200038;
	[tilespmem:$0x175C0] =	vst v63  }
.LBB2_16:
0x1e2: {  	_ =	swait.ge [sflag:s17], $0x350  }
0x1e3: {  	[sflag:s17] =	ssyncset.done $0x0  }
0x1e4: {  	[sflag:s17] =	ssyncadd.s32 $0xFFFFFCB0  }
0x1e5: {  	_ =	swait.ge [sflag:s17], $0x350  }
0x1e6: {  	[sflag:s17] =	ssyncset.done $0x0  }
0x1e7: {  	[sflag:s17] =	ssyncadd.s32 $0xFFFFFCB0  }
0x1e8: {  	_ =	swait.ge [sflag:s17], $0x350  }
0x1e9: {  	[sflag:s17] =	ssyncset.done $0x0  }
0x1ea: {  	s19 =	simm.s32 $0x5;
	[sflag:s17] =	ssyncadd.s32 $0xFFFFFCB0  }
0x1eb: {  	_ =	swait.ge [sflag:s19], $0x1000  }
0x1ec: {  	[sflag:s19] =	ssyncset.done $0x0  }
0x1ed: {  	s0 =	simm.s32 $0x0;
	[sflag:s19] =	ssyncadd.s32 $0xFFFFF000  }
0x1ee: {  	v1 =	vld [tilespmem:s0+$0xF5C0]  }
0x1ef: {  	v2 =	vld [tilespmem:s0+$0x115C0];
	_ =	sdelay $0x4  }
0x1f0: {  	s1 =	simm.s32 $0x10;
	v3 =	vld [tilespmem:s0+$0x135C0]  }
0x1f1: {  	v4 =	vld [tilespmem:s1+$0xF5C0]  }
0x1f2: {  	v5 =	vld.idx.msk [tilespmem:v1+s13+$0x0], $0xffff  }
0x1f3: {  	v6 =	vld.idx.msk [tilespmem:v2+s13+$0x0], $0xffff  }
0x1f4: {  	v1 =	vld [tilespmem:s1+$0x115C0];
	_ =	sdelay $0x2  }
0x1f5: {  	v3 =	vmul.f32 v3, v5;
	_ =	sdelay $0x1  }
0x1f6: {  	v2 =	vld [tilespmem:s1+$0x135C0];
	v3 =	vmul.f32 v3, v6  }
0x1f7: {  	s3 =	simm.s32 $0x20;
	s4 =	simm.s32 $0xC0;
	v4 =	vld.idx.msk [tilespmem:v4+s13+$0x0], $0xffff  }
.LBB2_17:
0x1f8: {  	p1 =	sne.s32 s4, $0xD00;
	v5 =	vld [tilespmem:s3+$0xF5C0];
	[tilespmem:s0+$0x155C0] =	vst v3;
	s0 =	smov.u32 s1;
	s1 =	smov.u32 s3  }
0x1f9: {  	v3 =	vld.idx.msk [tilespmem:v1+s13+$0x0], $0xffff  }
0x1fa: {  	v1 =	vld [tilespmem:s1+$0x115C0];
	_ =	sdelay $0x1  }
.Ltmp10:
0x1fb: {  	(pc) =	sbr.rel @p1 .LBB2_17-.Ltmp10, $3  }
0x1fc: {  	v4 =	vmul.f32 v2, v4;
	_ =	sdelay $0x1  }
0x1fd: {  	v3 =	vmul.f32 v4, v3;
	v2 =	vld [tilespmem:s1+$0x135C0]  }
0x1fe: {  	s3 =	sshra.s32 s4, $0x2;
	s4 =	sadd.s32 $0x40, s4;
	v4 =	vld.idx.msk [tilespmem:v5+s13+$0x0], $0xffff  }
0x1ff: {  	v5 =	vld [tilespmem:s3+$0xF5C0];
	_ =	sdelay $0x1  }
0x200: {  	v6 =	vld [tilespmem:s3+$0x115C0];
	_ =	sdelay $0x4  }
0x201: {  	v7 =	vld [tilespmem:s3+$0x135C0]  }
0x202: {  	v5 =	vld.idx.msk [tilespmem:v5+s13+$0x0], $0xffff  }
0x203: {  	v1 =	vld.idx.msk [tilespmem:v1+s13+$0x0], $0xffff  }
0x204: {  	v6 =	vld.idx.msk [tilespmem:v6+s13+$0x0], $0xffff;
	_ =	sdelay $0x1  }
0x205: {  	v2 =	vmul.f32 v2, v4  }
0x206: {  	v63 =	vmul.f32 v7, v5  }
0x207: {  	v1 =	vmul.f32 v2, v1  }
0x208: {  	[tilespmem:s0+$0x155C0] =	vst v3;
	v2 =	vmul.f32 v63, v6  }
0x209: {  	[tilespmem:s1+$0x155C0] =	vst v1  }
0x20a: {  	[tilespmem:s3+$0x155C0] =	vst v2  }
0x20b: {  	s31 =	simm.s32 $0x6;
	s0 =	rddreg [dreg:$0x1a]  }
0x20c: {  	[hbm4b:s0+s9] =	stream.linear.scatter [tilespmem:s18], [sflag:$0x5], $0x350, $0x200038;
	[tilespmem:$0x175C0] =	vst v63  }
0x20d: {  	_ =	swait.ge [sflag:s31], $0x1000  }
0x20e: {  	[sflag:s31] =	ssyncset.done $0x0  }
0x20f: {  	[sflag:s31] =	ssyncadd.s32 $0xFFFFF000  }
.Ltmp11:
0x210: {  	_ =	swait.ge [sflag:s19], $0x350;
	(pc) =	sbr.rel @p0 .LBB2_22-.Ltmp11, $4  }
0x211: {  	[sflag:s19] =	ssyncset.done $0x0  }
0x212: {  	[sflag:s19] =	ssyncadd.s32 $0xFFFFFCB0  }
0x213: {  	_ =	strace $0x90000058  }
0x214: {  	s30 =	simm.s32 $0xDCC0;
	_ =	strace $0x80000059  }
0x215: {  	s0 =	rddreg [dreg:$0x1f]  }
0x216: {  	v2 =	vld [tilespmem:s0+$0x20]  }
0x217: {  	v4 =	vld [tilespmem:s0+$0x10]  }
0x218: {  	v5 =	vld [tilespmem:s0+$0x0]  }
0x219: {  	v6 =	vld [tilespmem:s0+$0xFFFFFFE0]  }
0x21a: {  	v7 =	vld [tilespmem:s0+$0xFFFFFFF0];
	s1 =	sadd.s32 $0x50, s0  }
0x21b: {  	v1 =	vld [tilespmem:s1+$0xFFFFFFE0];
	v8 =	vmul.f32 v2, v2  }
0x21c: {  	s0 =	simm.s32 $0x155E0;
	v3 =	vld [tilespmem:s1+$0x20];
	v9 =	vmul.f32 v4, v4  }
0x21d: {  	v2 =	vld [tilespmem:s1+$0x10];
	v10 =	vmul.f32 v5, v5;
	[tilespmem:s0+$0x20] =	vst v8  }
0x21e: {  	v4 =	vld [tilespmem:s1+$0x0];
	[tilespmem:s0+$0x10] =	vst v9  }
0x21f: {  	s3 =	simm.s32 $0x5;
	s4 =	simm.s32 $0x155E0;
	v6 =	vmul.f32 v6, v6;
	v7 =	vmul.f32 v7, v7;
	v5 =	vld [tilespmem:s1+$0xFFFFFFF0];
	[tilespmem:s0+$0x0] =	vst v10  }
.LBB2_20:
0x220: {  	s3 =	sadd.s32 $0x5, s3  }
0x221: {  	s1 =	sadd.s32 $0x50, s1;
	[tilespmem:s0+$0xFFFFFFF0] =	vst v7;
	s4 =	sadd.s32 $0x50, s4;
	v7 =	vmov v1;
	p1 =	slt.u32 s3, $0x78  }
.Ltmp12:
0x222: {  	v1 =	vld [tilespmem:s1+$0xFFFFFFE0];
	v8 =	vmul.f32 v3, v3;
	[tilespmem:s0+$0xFFFFFFE0] =	vst v6;
	s0 =	smov.u32 s4;
	(pc) =	sbr.rel @p1 .LBB2_20-.Ltmp12, $4  }
0x223: {  	v3 =	vld [tilespmem:s1+$0x20];
	v9 =	vmul.f32 v2, v2  }
0x224: {  	v2 =	vld [tilespmem:s1+$0x10];
	v10 =	vmul.f32 v4, v4;
	[tilespmem:s4+$0x20] =	vst v8  }
0x225: {  	v6 =	vmul.f32 v7, v7;
	v4 =	vld [tilespmem:s1+$0x0];
	v7 =	vmul.f32 v5, v5;
	[tilespmem:s4+$0x10] =	vst v9  }
0x226: {  	v5 =	vld [tilespmem:s1+$0xFFFFFFF0];
	[tilespmem:s4+$0x0] =	vst v10  }
0x227: {  	[tilespmem:s0+$0xFFFFFFF0] =	vst v7;
	v1 =	vmul.f32 v1, v1  }
0x228: {  	s1 =	sadd.s32 $0x50, s4;
	[tilespmem:s0+$0xFFFFFFE0] =	vst v6;
	v3 =	vmul.f32 v3, v3  }
0x229: {  	v2 =	vmul.f32 v2, v2;
	[tilespmem:s1+$0xFFFFFFE0] =	vst v1  }
0x22a: {  	v4 =	vmul.f32 v4, v4;
	[tilespmem:s1+$0x20] =	vst v3  }
0x22b: {  	v3 =	vmul.f32 v5, v5;
	[tilespmem:s1+$0x10] =	vst v2  }
0x22c: {  	[tilespmem:s1+$0x0] =	vst v4  }
0x22d: {  	[tilespmem:s1+$0xFFFFFFF0] =	vst v3  }
0x22e: {  	s31 =	simm.s32 $0x7;
	s0 =	rddreg [dreg:$0x1c]  }
0x22f: {  	[hbm4b:s0+s9] =	stream.linear.scatter [tilespmem:s18], [sflag:$0x7], $0x7D0, $0x200038;
	[tilespmem:$0x175C0] =	vst v63  }
0x230: {  	_ =	swait.ge [sflag:s31], $0x7D0  }
0x231: {  	[sflag:s31] =	ssyncset.done $0x0  }
0x232: {  	[sflag:s31] =	ssyncadd.s32 $0xFFFFF830  }
.LBB2_22:
0x233: {  	_ =	strace $0x90000059  }
0x234: {  	[bflag:$0x0] =	sbarrier.arrive $0xFFFF  }
0x235: {  	s1 =	simm.s32 $0xF5C0;
	s0 =	rddreg [dreg:$0x11]  }
0x236: {  	[tilespmem:s1], [sflag:$0x3] =	stream.linear.gather [hbm4b:s0+s9], $0x1000, $0x38;
	[tilespmem:$0x175C0] =	vst v63  }
0x237: {  	s31 =	simm.s32 $0x115C0;
	s29 =	rddreg [dreg:$0x12]  }
0x238: {  	[tilespmem:s31], [sflag:$0x3] =	stream.linear.gather [hbm4b:s29+s9], $0x1000, $0x38;
	[tilespmem:$0x175C0] =	vst v63  }
0x239: {  	s4 =	simm.s32 $0x135C0;
	s3 =	rddreg [dreg:$0x13]  }
0x23a: {  	[tilespmem:s4], [sflag:$0x3] =	stream.linear.gather [hbm4b:s3+s9], $0x1000, $0x38;
	[tilespmem:$0x175C0] =	vst v63  }
0x23b: {  	s19 =	rddreg [dreg:$0x17]  }
0x23c: {  	[tilespmem:s24], [sflag:$0x4] =	stream.linear.gather [hbm4b:s19+s9], $0x1000, $0x38;
	[tilespmem:$0x175C0] =	vst v63  }
0x23d: {  	s29 =	rddreg [dreg:$0x18]  }
0x23e: {  	[tilespmem:s25], [sflag:$0x4] =	stream.linear.gather [hbm4b:s29+s9], $0x1000, $0x38;
	[tilespmem:$0x175C0] =	vst v63  }
0x23f: {  	s0 =	simm.s32 $0xD070;
	s31 =	rddreg [dreg:$0x19]  }
0x240: {  	[tilespmem:s26], [sflag:$0x4] =	stream.linear.gather [hbm4b:s31+s9], $0x1000, $0x38;
	[tilespmem:$0x175C0] =	vst v63  }
0x241: {  	_ =	strace $0x8000005A;
	[tilespmem:s0+$0xFFFFFFD0] =	vst v0  }
0x242: {  	[tilespmem:s0+$0x30] =	vst v0  }
0x243: {  	[tilespmem:s0+$0x20] =	vst v0  }
0x244: {  	[tilespmem:s0+$0x10] =	vst v0  }
0x245: {  	[tilespmem:s0+$0x0] =	vst v0  }
0x246: {  	s1 =	simm.s32 $0x0;
	[tilespmem:s0+$0xFFFFFFF0] =	vst v0  }
.LBB2_23:
0x247: {  	s1 =	sadd.s32 $0x7, s1;
	[tilespmem:s0+$0xFFFFFFE0] =	vst v0;
	s0 =	sadd.s32 $0x70, s0  }
0x248: {  	[tilespmem:s0+$0xFFFFFFD0] =	vst v0;
	p1 =	slt.u32 s1, $0xBD  }
.Ltmp13:
0x249: {  	[tilespmem:s0+$0x30] =	vst v0;
	(pc) =	sbr.rel @p1 .LBB2_23-.Ltmp13, $4  }
0x24a: {  	[tilespmem:s0+$0x20] =	vst v0  }
0x24b: {  	[tilespmem:s0+$0x10] =	vst v0  }
0x24c: {  	[tilespmem:s0+$0x0] =	vst v0  }
0x24d: {  	[tilespmem:s0+$0xFFFFFFF0] =	vst v0  }
0x24e: {  	[tilespmem:s0+$0xFFFFFFE0] =	vst v0  }
0x24f: {  	_ =	strace $0x9000005A  }
0x250: {  	s19 =	rddreg [dreg:$0xc]  }
0x251: {  	[tilespmem:s30], [sflag:$0x1] =	stream.linear.gather [hbm4b:s19+s9], $0xC40, $0x38;
	[tilespmem:$0x175C0] =	vst v63  }
0x252: {  	s1 =	simm.s32 $0xE940;
	s29 =	rddreg [dreg:$0xd]  }
0x253: {  	[tilespmem:s1], [sflag:$0x2] =	stream.linear.gather [hbm4b:s29+s9], $0xC40, $0x38;
	[tilespmem:$0x175C0] =	vst v63  }
0x254: {  	s31 =	simm.s32 $0x1;
	_ =	strace $0x8000005B  }
0x255: {  	_ =	swait.ge [sflag:s31], $0xC40  }
0x256: {  	[sflag:s31] =	ssyncset.done $0x0  }
0x257: {  	s0 =	simm.s32 $0xD070;
	[sflag:s31] =	ssyncadd.s32 $0xFFFFF3C0  }
0x258: {  	s1 =	simm.s32 $0xDCF0;
	v2 =	vld [tilespmem:s0+$0x30]  }
0x259: {  	v3 =	vld [tilespmem:s1+$0x30]  }
0x25a: {  	v1 =	vld [tilespmem:s1+$0xFFFFFFD0]  }
0x25b: {  	v4 =	vld [tilespmem:s0+$0xFFFFFFE0]  }
0x25c: {  	v5 =	vld [tilespmem:s1+$0xFFFFFFE0]  }
0x25d: {  	v6 =	vld [tilespmem:s0+$0xFFFFFFF0]  }
0x25e: {  	v7 =	vld [tilespmem:s1+$0xFFFFFFF0]  }
0x25f: {  	v8 =	vld [tilespmem:s0+$0x0]  }
0x260: {  	v9 =	vld [tilespmem:s1+$0x0]  }
0x261: {  	v3 =	vadd.f32 v3, v2;
	v2 =	vld [tilespmem:s0+$0x10]  }
0x262: {  	v5 =	vadd.f32 v5, v4;
	v4 =	vld [tilespmem:s1+$0x10]  }
0x263: {  	v7 =	vadd.f32 v7, v6;
	v6 =	vld [tilespmem:s1+$0x20];
	[tilespmem:s0+$0x30] =	vst v3  }
0x264: {  	v3 =	vld [tilespmem:s0+$0x20];
	[tilespmem:s0+$0xFFFFFFE0] =	vst v5  }
0x265: {  	s3 =	simm.s32 $0x0;
	s4 =	simm.s32 $0xD0E0;
	v5 =	vld [tilespmem:s0+$0xFFFFFFD0];
	[tilespmem:s0+$0xFFFFFFF0] =	vst v7;
	v7 =	vadd.f32 v9, v8  }
.LBB2_25:
0x266: {  	v8 =	vld [tilespmem:s4+$0x30];
	s1 =	sadd.s32 $0x70, s1  }
0x267: {  	s3 =	sadd.s32 $0x7, s3;
	v9 =	vld [tilespmem:s1+$0x30];
	[tilespmem:s0+$0x0] =	vst v7;
	v2 =	vadd.f32 v4, v2  }
0x268: {  	p1 =	slt.u32 s3, $0xBD;
	v4 =	vld [tilespmem:s1+$0xFFFFFFD0]  }
0x269: {  	v7 =	vld [tilespmem:s4+$0xFFFFFFE0];
	[tilespmem:s0+$0x10] =	vst v2;
	v2 =	vadd.f32 v6, v3  }
0x26a: {  	v3 =	vld [tilespmem:s1+$0xFFFFFFE0];
	v10 =	vadd.f32 v1, v5  }
0x26b: {  	v5 =	vld [tilespmem:s4+$0xFFFFFFF0];
	[tilespmem:s0+$0x20] =	vst v2  }
0x26c: {  	v6 =	vld [tilespmem:s1+$0xFFFFFFF0];
	v2 =	vadd.f32 v9, v8;
	[tilespmem:s0+$0xFFFFFFD0] =	vst v10;
	s0 =	smov.u32 s4  }
0x26d: {  	v8 =	vld [tilespmem:s4+$0x0];
	v1 =	vmov v4  }
0x26e: {  	v9 =	vld [tilespmem:s1+$0x0];
	[tilespmem:s4+$0x30] =	vst v2  }
.Ltmp14:
0x26f: {  	v3 =	vadd.f32 v3, v7;
	v2 =	vld [tilespmem:s4+$0x10];
	(pc) =	sbr.rel @p1 .LBB2_25-.Ltmp14, $4  }
0x270: {  	v4 =	vld [tilespmem:s1+$0x10]  }
0x271: {  	[tilespmem:s4+$0xFFFFFFE0] =	vst v3;
	v7 =	vadd.f32 v6, v5;
	v3 =	vld [tilespmem:s4+$0x20]  }
0x272: {  	v6 =	vld [tilespmem:s1+$0x20]  }
0x273: {  	s4 =	sadd.s32 $0x70, s4;
	v5 =	vld [tilespmem:s0+$0xFFFFFFD0];
	[tilespmem:s0+$0xFFFFFFF0] =	vst v7;
	v7 =	vadd.f32 v9, v8  }
0x274: {  	_ =	sdelay $0x1  }
0x275: {  	v2 =	vadd.f32 v4, v2  }
0x276: {  	[tilespmem:s0+$0x0] =	vst v7;
	v3 =	vadd.f32 v6, v3  }
0x277: {  	[tilespmem:s0+$0x10] =	vst v2;
	v1 =	vadd.f32 v1, v5  }
0x278: {  	[tilespmem:s0+$0x20] =	vst v3  }
0x279: {  	s31 =	simm.s32 $0x2;
	[tilespmem:s0+$0xFFFFFFD0] =	vst v1  }
0x27a: {  	_ =	swait.ge [sflag:s31], $0xC40  }
0x27b: {  	[sflag:s31] =	ssyncset.done $0x0  }
0x27c: {  	s0 =	simm.s32 $0xD070;
	[sflag:s31] =	ssyncadd.s32 $0xFFFFF3C0  }
0x27d: {  	s1 =	simm.s32 $0xE970;
	v2 =	vld [tilespmem:s0+$0x30]  }
0x27e: {  	v3 =	vld [tilespmem:s1+$0x30]  }
0x27f: {  	v1 =	vld [tilespmem:s1+$0xFFFFFFD0]  }
0x280: {  	v4 =	vld [tilespmem:s0+$0xFFFFFFE0]  }
0x281: {  	v5 =	vld [tilespmem:s1+$0xFFFFFFE0]  }
0x282: {  	v6 =	vld [tilespmem:s0+$0xFFFFFFF0]  }
0x283: {  	v7 =	vld [tilespmem:s1+$0xFFFFFFF0]  }
0x284: {  	v8 =	vld [tilespmem:s0+$0x0]  }
0x285: {  	v9 =	vld [tilespmem:s1+$0x0]  }
0x286: {  	v3 =	vadd.f32 v3, v2;
	v2 =	vld [tilespmem:s0+$0x10]  }
0x287: {  	v5 =	vadd.f32 v5, v4;
	v4 =	vld [tilespmem:s1+$0x10]  }
0x288: {  	v7 =	vadd.f32 v7, v6;
	v6 =	vld [tilespmem:s1+$0x20];
	[tilespmem:s0+$0x30] =	vst v3  }
0x289: {  	v3 =	vld [tilespmem:s0+$0x20];
	[tilespmem:s0+$0xFFFFFFE0] =	vst v5  }
0x28a: {  	s3 =	simm.s32 $0x0;
	s4 =	simm.s32 $0xD0E0;
	v5 =	vld [tilespmem:s0+$0xFFFFFFD0];
	[tilespmem:s0+$0xFFFFFFF0] =	vst v7;
	v7 =	vadd.f32 v9, v8  }
.LBB2_27:
0x28b: {  	v8 =	vld [tilespmem:s4+$0x30];
	s1 =	sadd.s32 $0x70, s1  }
0x28c: {  	s3 =	sadd.s32 $0x7, s3;
	v9 =	vld [tilespmem:s1+$0x30];
	[tilespmem:s0+$0x0] =	vst v7;
	v2 =	vadd.f32 v4, v2  }
0x28d: {  	p1 =	slt.u32 s3, $0xBD;
	v4 =	vld [tilespmem:s1+$0xFFFFFFD0]  }
0x28e: {  	v7 =	vld [tilespmem:s4+$0xFFFFFFE0];
	[tilespmem:s0+$0x10] =	vst v2;
	v2 =	vadd.f32 v6, v3  }
0x28f: {  	v3 =	vld [tilespmem:s1+$0xFFFFFFE0];
	v10 =	vadd.f32 v1, v5  }
0x290: {  	v5 =	vld [tilespmem:s4+$0xFFFFFFF0];
	[tilespmem:s0+$0x20] =	vst v2  }
0x291: {  	v6 =	vld [tilespmem:s1+$0xFFFFFFF0];
	v2 =	vadd.f32 v9, v8;
	[tilespmem:s0+$0xFFFFFFD0] =	vst v10;
	s0 =	smov.u32 s4  }
0x292: {  	v8 =	vld [tilespmem:s4+$0x0];
	v1 =	vmov v4  }
0x293: {  	v9 =	vld [tilespmem:s1+$0x0];
	[tilespmem:s4+$0x30] =	vst v2  }
.Ltmp15:
0x294: {  	v3 =	vadd.f32 v3, v7;
	v2 =	vld [tilespmem:s4+$0x10];
	(pc) =	sbr.rel @p1 .LBB2_27-.Ltmp15, $4  }
0x295: {  	v4 =	vld [tilespmem:s1+$0x10]  }
0x296: {  	[tilespmem:s4+$0xFFFFFFE0] =	vst v3;
	v7 =	vadd.f32 v6, v5;
	v3 =	vld [tilespmem:s4+$0x20]  }
0x297: {  	v6 =	vld [tilespmem:s1+$0x20]  }
0x298: {  	s4 =	sadd.s32 $0x70, s4;
	v5 =	vld [tilespmem:s0+$0xFFFFFFD0];
	[tilespmem:s0+$0xFFFFFFF0] =	vst v7;
	v7 =	vadd.f32 v9, v8  }
0x299: {  	_ =	sdelay $0x1  }
0x29a: {  	v2 =	vadd.f32 v4, v2  }
0x29b: {  	[tilespmem:s0+$0x0] =	vst v7;
	v3 =	vadd.f32 v6, v3  }
0x29c: {  	[tilespmem:s0+$0x10] =	vst v2;
	v1 =	vadd.f32 v1, v5  }
0x29d: {  	[tilespmem:s0+$0x20] =	vst v3  }
0x29e: {  	[tilespmem:s0+$0xFFFFFFD0] =	vst v1  }
0x29f: {  	_ =	strace $0x9000005B  }
0x2a0: {  	s19 =	simm.s32 $0xD060;
	_ =	strace $0x8000005C  }
0x2a1: {  	v14 =	vld [tilespmem:s19+$0xFFFFFFF0];
	_ =	sdelay $0x4  }
0x2a2: {  	v1 =	vshra.s32 v14, $0x1;
	v2 =	vmul.f32 $5.000000000e-01, v14  }
0x2a3: {  	v4 =	vsub.s32 $0x5F3759DF, v1  }
0x2a4: {  	v1 =	vmul.f32 v4, v2;
	_ =	sdelay $0x1  }
0x2a5: {  	v5 =	vmul.f32 v4, v1  }
0x2a6: {  	v1 =	vld [tilespmem:s19+$0xFFFFFFE0]  }
0x2a7: {  	v3 =	vld [tilespmem:s19+$0x10];
	v5 =	vsub.f32 $1.500000000e+00, v5;
	_ =	sdelay $0x1  }
0x2a8: {  	v4 =	vmul.f32 v4, v5;
	_ =	sdelay $0x1  }
0x2a9: {  	v6 =	vshra.s32 v1, $0x1;
	v5 =	vmul.f32 $5.000000000e-01, v1;
	v7 =	vmul.f32 v4, v2  }
0x2aa: {  	v8 =	vshra.s32 v3, $0x1;
	v15 =	vmul.f32 $5.000000000e-01, v3;
	v9 =	vsub.s32 $0x5F3759DF, v6  }
0x2ab: {  	v8 =	vsub.s32 $0x5F3759DF, v8;
	v6 =	vmul.f32 v9, v5;
	v10 =	vmul.f32 v7, v4  }
0x2ac: {  	v11 =	vmul.f32 v8, v15;
	v7 =	vld [tilespmem:s19+$0x0]  }
0x2ad: {  	s31 =	simm.s32 $0xD0A0;
	v12 =	vmul.f32 v9, v6;
	v10 =	vsub.f32 $1.500000000e+00, v10  }
0x2ae: {  	v11 =	vmul.f32 v8, v11;
	v6 =	vld [tilespmem:s31+$0xFFFFFFF0]  }
0x2af: {  	v12 =	vsub.f32 $1.500000000e+00, v12;
	v10 =	vmul.f32 v10, v4  }
0x2b0: {  	v4 =	vsub.f32 $1.500000000e+00, v11  }
0x2b1: {  	v13 =	vshra.s32 v7, $0x1;
	v11 =	vmul.f32 v9, v12;
	v12 =	vmul.f32 v10, v2  }
0x2b2: {  	v9 =	vmul.f32 $5.000000000e-01, v7;
	v16 =	vmul.f32 v8, v4;
	v4 =	vld [tilespmem:s31+$0x10];
	v17 =	vsub.s32 $0x5F3759DF, v13  }
0x2b3: {  	v2 =	vld [tilespmem:s31+$0xFFFFFFE0];
	v13 =	vmul.f32 $5.000000000e-01, v6;
	v8 =	vmul.f32 v12, v10;
	v12 =	vshra.s32 v6, $0x1  }
0x2b4: {  	v19 =	vmul.f32 v17, v9;
	v18 =	vmul.f32 v16, v15;
	v20 =	vsub.s32 $0x5F3759DF, v12  }
0x2b5: {  	v21 =	vmul.f32 v11, v5;
	v8 =	vsub.f32 $1.500000000e+00, v8;
	v12 =	vmul.f32 v20, v13  }
0x2b6: {  	v19 =	vmul.f32 v17, v19;
	v18 =	vmul.f32 v18, v16  }
0x2b7: {  	v22 =	vshra.s32 v4, $0x1;
	v23 =	vmul.f32 v8, v10;
	v8 =	vmul.f32 v20, v12  }
0x2b8: {  	v24 =	vshra.s32 v2, $0x1;
	v10 =	vmul.f32 $5.000000000e-01, v4;
	v12 =	vmul.f32 $5.000000000e-01, v2  }
0x2b9: {  	v22 =	vsub.s32 $0x5F3759DF, v22;
	v24 =	vsub.s32 $0x5F3759DF, v24;
	v25 =	vsub.f32 $1.500000000e+00, v8  }
0x2ba: {  	v26 =	vmul.f32 v22, v10;
	v27 =	vmul.f32 v24, v12  }
0x2bb: {  	v21 =	vmul.f32 v21, v11;
	v19 =	vsub.f32 $1.500000000e+00, v19;
	v25 =	vmul.f32 v20, v25  }
0x2bc: {  	v20 =	vsub.f32 $1.500000000e+00, v18;
	v27 =	vmul.f32 v24, v27;
	v26 =	vmul.f32 v22, v26  }
0x2bd: {  	vm0 =	vgt.f32 v14, $0.0e+00;
	v8 =	vld [tilespmem:s31+$0x0];
	v18 =	vmul.f32 v17, v19;
	v14 =	vmul.f32 v25, v13  }
0x2be: {  	v19 =	vsub.f32 $1.500000000e+00, v27;
	v26 =	vsub.f32 $1.500000000e+00, v26;
	v16 =	vmul.f32 v20, v16  }
0x2bf: {  	v29 =	vnsel vm0, $0x0, v23;
	v28 =	vmul.f32 v18, v9;
	v27 =	vmul.f32 v14, v25  }
0x2c0: {  	v23 =	vsub.f32 $1.500000000e+00, v21;
	v20 =	vmul.f32 v24, v19;
	v14 =	vmul.f32 v22, v26  }
0x2c1: {  	v22 =	vmul.f32 v28, v18;
	v26 =	vmul.f32 v16, v15;
	v19 =	vsub.f32 $1.500000000e+00, v27  }
0x2c2: {  	s29 =	simm.s32 $0xDCE0;
	v17 =	vshra.s32 v8, $0x1;
	v15 =	vmul.f32 $5.000000000e-01, v8;
	v21 =	vmul.f32 v14, v10  }
0x2c3: {  	s1 =	simm.s32 $0xD0E0;
	s0 =	simm.s32 $0x4;
	s19 =	simm.s32 $0xDCE0;
	[tilespmem:s29+$0xFFFFFFF0] =	vst v29;
	v24 =	vsub.f32 $1.500000000e+00, v22;
	v22 =	vmul.f32 v26, v16;
	v19 =	vmul.f32 v19, v25  }
.LBB2_29:
0x2c4: {  	v25 =	vld [tilespmem:s1+$0xFFFFFFF0];
	s0 =	sadd.s32 $0x4, s0;
	v26 =	vmul.f32 v20, v12;
	v23 =	vmul.f32 v23, v11;
	vm0 =	vgt.f32 v7, $0.0e+00;
	s29 =	sadd.s32 $0x40, s29;
	v7 =	vmovc v8;
	v11 =	vmovc v20  }
0x2c5: {  	v27 =	vsub.s32 $0x5F3759DF, v17;
	v20 =	vld [tilespmem:s1+$0x10];
	p1 =	slt.u32 s0, $0xC0;
	v13 =	vmul.f32 v19, v13;
	v24 =	vmul.f32 v24, v18  }
0x2c6: {  	v17 =	vmul.f32 v27, v15;
	v18 =	vsub.f32 $1.500000000e+00, v22;
	v28 =	vld [tilespmem:s1+$0xFFFFFFE0];
	v26 =	vmul.f32 v26, v11  }
0x2c7: {  	vm1 =	vgt.f32 v3, $0.0e+00;
	v3 =	vmovc v4;
	v22 =	vmul.f32 v23, v5;
	v5 =	vmovc v12;
	v8 =	vld [tilespmem:s1+$0x0];
	v13 =	vmul.f32 v13, v19  }
0x2c8: {  	vm2 =	vgt.f32 v6, $0.0e+00;
	v29 =	vmul.f32 v21, v14;
	v12 =	vmul.f32 v27, v17  }
0x2c9: {  	v16 =	vmul.f32 v18, v16;
	v17 =	vshra.s32 v25, $0x1;
	v21 =	vsub.f32 $1.500000000e+00, v13;
	v6 =	vmovc v25  }
0x2ca: {  	v25 =	vsub.f32 $1.500000000e+00, v29;
	v13 =	vmul.f32 $5.000000000e-01, v6;
	v18 =	vshra.s32 v20, $0x1;
	v4 =	vmovc v20  }
0x2cb: {  	v29 =	vsub.s32 $0x5F3759DF, v17;
	v20 =	vshra.s32 v28, $0x1;
	v19 =	vmul.f32 v21, v19  }
0x2cc: {  	v30 =	vsub.s32 $0x5F3759DF, v18;
	v18 =	vmul.f32 v22, v23;
	v21 =	vmul.f32 v29, v13  }
0x2cd: {  	v31 =	vmul.f32 v24, v9;
	v9 =	vmovc v15;
	v22 =	vmul.f32 $5.000000000e-01, v4;
	v17 =	vshra.s32 v8, $0x1  }
0x2ce: {  	v32 =	vsub.f32 $1.500000000e+00, v18;
	v15 =	vmul.f32 v29, v21;
	v21 =	vsub.f32 $1.500000000e+00, v12  }
0x2cf: {  	v31 =	vmul.f32 v31, v24;
	v20 =	vsub.s32 $0x5F3759DF, v20;
	v12 =	vmul.f32 $5.000000000e-01, v28  }
0x2d0: {  	v33 =	vmul.f32 v30, v22;
	v15 =	vsub.f32 $1.500000000e+00, v15;
	v18 =	vmul.f32 v27, v21  }
0x2d1: {  	v16 =	vnsel vm1, $0x0, v16;
	v21 =	vmul.f32 v20, v12;
	v27 =	vsub.f32 $1.500000000e+00, v31  }
0x2d2: {  	v29 =	vmul.f32 v29, v15;
	v15 =	vnsel vm2, $0x0, v19;
	v19 =	vmul.f32 v32, v23;
	[tilespmem:s19+$0x10] =	vst v16  }
0x2d3: {  	vm1 =	vgt.f32 v1, $0.0e+00;
	v1 =	vmovc v2;
	v16 =	vmul.f32 v20, v21;
	v21 =	vmul.f32 v30, v33;
	[tilespmem:s29+$0xFFFFFFF0] =	vst v15  }
0x2d4: {  	v2 =	vmovc v28;
	v23 =	vmul.f32 v27, v24;
	v15 =	vmul.f32 v29, v13;
	v19 =	vnsel vm1, $0x0, v19  }
0x2d5: {  	v24 =	vsub.f32 $1.500000000e+00, v16;
	v21 =	vsub.f32 $1.500000000e+00, v21;
	v16 =	vmul.f32 v25, v14;
	[tilespmem:s19+$0xFFFFFFE0] =	vst v19  }
.Ltmp16:
0x2d6: {  	v25 =	vnsel vm0, $0x0, v23;
	v19 =	vmul.f32 v18, v9;
	v15 =	vmul.f32 v15, v29;
	(pc) =	sbr.rel @p1 .LBB2_29-.Ltmp16, $4  }
0x2d7: {  	v23 =	vsub.f32 $1.500000000e+00, v26;
	v20 =	vmul.f32 v20, v24;
	v14 =	vmul.f32 v30, v21;
	[tilespmem:s19+$0x0] =	vst v25;
	s19 =	smov.u32 s29  }
0x2d8: {  	v26 =	vmul.f32 v16, v10;
	v10 =	vmovc v22;
	v25 =	vmul.f32 v19, v18;
	v24 =	vsub.f32 $1.500000000e+00, v15  }
0x2d9: {  	v15 =	vmul.f32 $5.000000000e-01, v8;
	v21 =	vmul.f32 v14, v10  }
0x2da: {  	s1 =	sadd.s32 $0x40, s1;
	v22 =	vmul.f32 v26, v16;
	v19 =	vmul.f32 v24, v29;
	v24 =	vsub.f32 $1.500000000e+00, v25  }
0x2db: {  	v17 =	vsub.s32 $0x5F3759DF, v17  }
0x2dc: {  	v25 =	vmul.f32 v17, v15;
	_ =	sdelay $0x1  }
0x2dd: {  	v25 =	vmul.f32 v17, v25;
	_ =	sdelay $0x1  }
0x2de: {  	v25 =	vsub.f32 $1.500000000e+00, v25  }
0x2df: {  	v11 =	vmul.f32 v23, v11  }
0x2e0: {  	v49 =	vmul.f32 v20, v12;
	v17 =	vmul.f32 v17, v25  }
0x2e1: {  	vm0 =	vgt.f32 v7, $0.0e+00;
	v50 =	vmul.f32 v21, v14;
	vm1 =	vgt.f32 v3, $0.0e+00  }
0x2e2: {  	vm2 =	vgt.f32 v6, $0.0e+00;
	v13 =	vmul.f32 v19, v13;
	v51 =	vmul.f32 v17, v15  }
0x2e3: {  	v18 =	vmul.f32 v24, v18;
	v22 =	vsub.f32 $1.500000000e+00, v22;
	v23 =	vmul.f32 v49, v20  }
0x2e4: {  	v5 =	vmul.f32 v11, v5;
	v3 =	vsub.f32 $1.500000000e+00, v50;
	v52 =	vmul.f32 v51, v17  }
0x2e5: {  	v13 =	vmul.f32 v13, v19;
	v16 =	vmul.f32 v22, v16;
	v53 =	vsub.f32 $1.500000000e+00, v23  }
0x2e6: {  	v9 =	vmul.f32 v18, v9;
	v3 =	vmul.f32 v3, v14;
	v7 =	vsub.f32 $1.500000000e+00, v52  }
0x2e7: {  	vm12 =	vgt.f32 v1, $0.0e+00;
	v5 =	vmul.f32 v5, v11;
	v54 =	vmul.f32 v53, v20  }
0x2e8: {  	v13 =	vsub.f32 $1.500000000e+00, v13;
	v55 =	vmul.f32 v3, v10;
	v7 =	vmul.f32 v7, v17  }
0x2e9: {  	v9 =	vmul.f32 v9, v18;
	v59 =	vnsel vm1, $0x0, v16;
	v57 =	vmul.f32 v54, v12  }
0x2ea: {  	v5 =	vsub.f32 $1.500000000e+00, v5;
	v6 =	vmul.f32 v55, v3;
	v58 =	vmul.f32 v7, v15  }
0x2eb: {  	v56 =	vmul.f32 v13, v19;
	v9 =	vsub.f32 $1.500000000e+00, v9;
	v12 =	vmul.f32 v57, v54  }
0x2ec: {  	v5 =	vmul.f32 v5, v11;
	v6 =	vsub.f32 $1.500000000e+00, v6;
	v60 =	vmul.f32 v58, v7  }
0x2ed: {  	s0 =	sadd.s32 $0x40, s29;
	[tilespmem:s19+$0x10] =	vst v59;
	v10 =	vnsel vm2, $0x0, v56;
	v1 =	vmul.f32 v9, v18;
	v61 =	vsub.f32 $1.500000000e+00, v12  }
0x2ee: {  	[tilespmem:s0+$0xFFFFFFF0] =	vst v10;
	v5 =	vnsel vm12, $0x0, v5;
	v3 =	vmul.f32 v6, v3;
	v62 =	vsub.f32 $1.500000000e+00, v60  }
0x2ef: {  	vm13 =	vgt.f32 v4, $0.0e+00;
	[tilespmem:s19+$0xFFFFFFE0] =	vst v5;
	v1 =	vnsel vm0, $0x0, v1;
	v63 =	vmul.f32 v61, v54  }
0x2f0: {  	vm14 =	vgt.f32 v2, $0.0e+00;
	[tilespmem:s19+$0x0] =	vst v1;
	v1 =	vnsel vm13, $0x0, v3;
	v2 =	vmul.f32 v62, v7  }
0x2f1: {  	vm15 =	vgt.f32 v8, $0.0e+00;
	[tilespmem:s0+$0x10] =	vst v1;
	v1 =	vnsel vm14, $0x0, v63  }
0x2f2: {  	[tilespmem:s0+$0xFFFFFFE0] =	vst v1;
	v1 =	vnsel vm15, $0x0, v2  }
0x2f3: {  	[tilespmem:s0+$0x0] =	vst v1  }
0x2f4: {  	s1 =	simm.s32 $0x7;
	s0 =	rddreg [dreg:$0x10]  }
0x2f5: {  	[spmem:s0] =	stream.linear.scatter [tilespmem:s30], [sflag:$0x7], $0xC40, $0x200038;
	[tilespmem:$0x175C0] =	vst v63  }
0x2f6: {  	_ =	swait.ge [sflag:s1], $0xC40  }
0x2f7: {  	[sflag:s1] =	ssyncset.done $0x0  }
0x2f8: {  	[sflag:s1] =	ssyncadd.s32 $0xFFFFF3C0  }
0x2f9: {  	_ =	strace $0x9000005C  }
0x2fa: {  	_ =	strace $0x8000005D  }
0x2fb: {  	[bflag:$0x0] =	sbarrier.arrive $0xFFFF  }
0x2fc: {  	_ =	strace $0x9000005D  }
0x2fd: {  	_ =	strace $0x8000005E  }
0x2fe: {  	s31 =	rddreg [dreg:$0x7]  }
0x2ff: {  	[tilespmem:s13], [sflag:$0x7] =	stream.linear.gather [spmem:s31], $0xC400, $0x200038;
	[tilespmem:$0x175C0] =	vst v63  }
0x300: {  	_ =	swait.ge [sflag:s1], $0xC400  }
0x301: {  	[sflag:s1] =	ssyncset.done $0x0  }
0x302: {  	[sflag:s1] =	ssyncadd.s32 $0xFFFF3C00  }
0x303: {  	_ =	strace $0x9000005E  }
0x304: {  	s19 =	simm.s32 $0x0;
	_ =	strace $0x8000005F  }
.LBB2_31:
0x305: {  	_ =	swait.ge [sflag:s17], $0x1000  }
0x306: {  	[sflag:s17] =	ssyncset.done $0x0  }
0x307: {  	[sflag:s17] =	ssyncadd.s32 $0xFFFFF000  }
0x308: {  	_ =	swait.ge [sflag:s17], $0x1000  }
0x309: {  	[sflag:s17] =	ssyncset.done $0x0  }
0x30a: {  	[sflag:s17] =	ssyncadd.s32 $0xFFFFF000  }
0x30b: {  	_ =	swait.ge [sflag:s17], $0x1000  }
0x30c: {  	p1 =	seq.s32 s19, $0x0;
	[sflag:s17] =	ssyncset.done $0x0  }
0x30d: {  	s0 =	simm.s32 @!p1 $0x5;
	[sflag:s17] =	ssyncadd.s32 $0xFFFFF000  }
0x30e: {  	_ =	swait.ge @!p1 [sflag:s0], $0x1000  }
0x30f: {  	[sflag:s0] =	ssyncset.done @!p1 $0x0  }
0x310: {  	s4 =	simm.s32 $0xF600;
	[sflag:s0] =	ssyncadd.s32 @!p1 $0xFFFFF000  }
0x311: {  	v1 =	vld [tilespmem:s4+$0x30]  }
0x312: {  	s30 =	simm.s32 $0x11600;
	v2 =	vld [tilespmem:s4+$0xFFFFFFD0]  }
0x313: {  	v3 =	vld [tilespmem:s30+$0x30]  }
0x314: {  	v4 =	vld [tilespmem:s4+$0xFFFFFFE0]  }
0x315: {  	v5 =	vld [tilespmem:s4+$0xFFFFFFF0]  }
0x316: {  	v6 =	vld [tilespmem:s4+$0x0]  }
0x317: {  	v7 =	vld [tilespmem:s4+$0x10]  }
0x318: {  	s31 =	simm.s32 $0x13600;
	v8 =	vld [tilespmem:s4+$0x20]  }
0x319: {  	v9 =	vld [tilespmem:s31+$0x30]  }
0x31a: {  	v10 =	vld [tilespmem:s4+$0xFFFFFFC0]  }
0x31b: {  	v11 =	vld [tilespmem:s30+$0xFFFFFFC0]  }
0x31c: {  	v12 =	vld [tilespmem:s30+$0xFFFFFFD0]  }
0x31d: {  	v13 =	vld [tilespmem:s30+$0xFFFFFFE0]  }
0x31e: {  	v14 =	vld [tilespmem:s30+$0xFFFFFFF0]  }
0x31f: {  	v15 =	vld [tilespmem:s30+$0x0]  }
0x320: {  	v16 =	vld [tilespmem:s30+$0x10]  }
0x321: {  	v17 =	vld [tilespmem:s30+$0x20]  }
0x322: {  	v22 =	vld [tilespmem:s31+$0xFFFFFFF0]  }
0x323: {  	v23 =	vld [tilespmem:s31+$0x0]  }
0x324: {  	v24 =	vld [tilespmem:s31+$0x10]  }
0x325: {  	v25 =	vld [tilespmem:s31+$0x20]  }
0x326: {  	v1 =	vld.idx.msk [tilespmem:v1+s13+$0x0], $0xffff  }
0x327: {  	v3 =	vld.idx.msk [tilespmem:v3+s13+$0x0], $0xffff  }
0x328: {  	v10 =	vld.idx.msk [tilespmem:v10+s13+$0x0], $0xffff  }
0x329: {  	v2 =	vld.idx.msk [tilespmem:v2+s13+$0x0], $0xffff  }
0x32a: {  	v4 =	vld.idx.msk [tilespmem:v4+s13+$0x0], $0xffff  }
0x32b: {  	v18 =	vld.idx.msk [tilespmem:v5+s13+$0x0], $0xffff  }
0x32c: {  	v19 =	vld.idx.msk [tilespmem:v6+s13+$0x0], $0xffff  }
0x32d: {  	v20 =	vld.idx.msk [tilespmem:v7+s13+$0x0], $0xffff  }
0x32e: {  	v5 =	vld [tilespmem:s31+$0xFFFFFFC0]  }
0x32f: {  	v6 =	vld [tilespmem:s31+$0xFFFFFFD0]  }
0x330: {  	v7 =	vld [tilespmem:s31+$0xFFFFFFE0]  }
0x331: {  	v21 =	vld.idx.msk [tilespmem:v8+s13+$0x0], $0xffff  }
0x332: {  	v26 =	vld.idx.msk [tilespmem:v11+s13+$0x0], $0xffff  }
0x333: {  	v11 =	vld.idx.msk [tilespmem:v12+s13+$0x0], $0xffff  }
0x334: {  	v1 =	vmul.f32 v9, v1;
	v9 =	vld.idx.msk [tilespmem:v13+s13+$0x0], $0xffff;
	v13 =	vmul.f32 v5, v10  }
0x335: {  	v8 =	vmul.f32 v6, v2;
	v6 =	vld.idx.msk [tilespmem:v14+s13+$0x0], $0xffff;
	v5 =	vmul.f32 v7, v4  }
0x336: {  	v2 =	vmul.f32 v22, v18;
	v7 =	vld.idx.msk [tilespmem:v15+s13+$0x0], $0xffff;
	v12 =	vmul.f32 v1, v3  }
0x337: {  	s29 =	sshll.u32 s19, $0xD;
	s0 =	simm.s32 $0x15600;
	v10 =	vld.idx.msk [tilespmem:v16+s13+$0x0], $0xffff;
	v4 =	vmul.f32 v25, v21;
	v3 =	vmul.f32 v23, v19  }
0x338: {  	s3 =	simm.s32 $0x0;
	s1 =	sadd.s32 s11, s29;
	s4 =	simm.s32 $0xF680;
	v1 =	vmul.f32 v24, v20;
	v13 =	vmul.f32 v13, v26;
	[tilespmem:s0+$0x30] =	vst v12;
	v12 =	vld.idx.msk [tilespmem:v17+s13+$0x0], $0xffff  }
.LBB2_32:
0x339: {  	v14 =	vld [tilespmem:s4+$0x30];
	s3 =	sadd.s32 $0x8, s3;
	v8 =	vmul.f32 v8, v11  }
0x33a: {  	v5 =	vmul.f32 v5, v9;
	s30 =	sadd.s32 $0x80, s30;
	v11 =	vld [tilespmem:s4+$0xFFFFFFD0];
	p2 =	slt.u32 s3, $0xF8;
	[tilespmem:s0+$0xFFFFFFC0] =	vst v13  }
0x33b: {  	v2 =	vmul.f32 v2, v6;
	v9 =	vld [tilespmem:s30+$0x30];
	[tilespmem:s0+$0xFFFFFFD0] =	vst v8  }
0x33c: {  	v3 =	vmul.f32 v3, v7;
	v6 =	vld [tilespmem:s4+$0xFFFFFFE0];
	[tilespmem:s0+$0xFFFFFFE0] =	vst v5  }
0x33d: {  	v1 =	vmul.f32 v1, v10;
	v5 =	vld [tilespmem:s4+$0xFFFFFFF0];
	[tilespmem:s0+$0xFFFFFFF0] =	vst v2  }
0x33e: {  	v2 =	vld [tilespmem:s4+$0x0];
	[tilespmem:s0+$0x0] =	vst v3;
	v3 =	vmul.f32 v4, v12  }
0x33f: {  	v4 =	vld [tilespmem:s4+$0x10];
	[tilespmem:s0+$0x10] =	vst v1  }
0x340: {  	v1 =	vld [tilespmem:s4+$0x20];
	[tilespmem:s0+$0x20] =	vst v3  }
0x341: {  	s31 =	sadd.s32 $0x80, s31;
	v3 =	vld.idx.msk [tilespmem:v14+s13+$0x0], $0xffff  }
0x342: {  	v7 =	vld [tilespmem:s31+$0x30]  }
0x343: {  	v8 =	vld.idx.msk [tilespmem:v9+s13+$0x0], $0xffff  }
0x344: {  	v9 =	vld [tilespmem:s4+$0xFFFFFFC0]  }
0x345: {  	v10 =	vld [tilespmem:s30+$0xFFFFFFC0]  }
0x346: {  	v12 =	vld [tilespmem:s30+$0xFFFFFFD0]  }
0x347: {  	v13 =	vld [tilespmem:s30+$0xFFFFFFE0];
	v3 =	vmul.f32 v7, v3  }
0x348: {  	v7 =	vld [tilespmem:s30+$0xFFFFFFF0]  }
0x349: {  	v14 =	vld [tilespmem:s30+$0x0];
	v3 =	vmul.f32 v3, v8  }
0x34a: {  	s0 =	sadd.s32 $0x80, s0;
	v15 =	vld [tilespmem:s30+$0x10]  }
0x34b: {  	v16 =	vld [tilespmem:s30+$0x20];
	[tilespmem:s0+$0x30] =	vst v3  }
0x34c: {  	v3 =	vld.idx.msk [tilespmem:v9+s13+$0x0], $0xffff  }
0x34d: {  	v8 =	vld.idx.msk [tilespmem:v11+s13+$0x0], $0xffff  }
0x34e: {  	v6 =	vld.idx.msk [tilespmem:v6+s13+$0x0], $0xffff  }
0x34f: {  	v9 =	vld.idx.msk [tilespmem:v5+s13+$0x0], $0xffff  }
0x350: {  	v17 =	vld.idx.msk [tilespmem:v2+s13+$0x0], $0xffff  }
0x351: {  	v4 =	vld.idx.msk [tilespmem:v4+s13+$0x0], $0xffff  }
0x352: {  	v18 =	vld.idx.msk [tilespmem:v1+s13+$0x0], $0xffff  }
0x353: {  	v1 =	vld [tilespmem:s31+$0xFFFFFFC0]  }
0x354: {  	v2 =	vld [tilespmem:s31+$0xFFFFFFD0]  }
0x355: {  	v5 =	vld [tilespmem:s31+$0xFFFFFFE0]  }
0x356: {  	v19 =	vld [tilespmem:s31+$0xFFFFFFF0]  }
0x357: {  	v20 =	vld [tilespmem:s31+$0x0]  }
0x358: {  	v21 =	vmul.f32 v1, v3;
	v1 =	vld [tilespmem:s31+$0x10]  }
0x359: {  	v8 =	vmul.f32 v2, v8;
	v22 =	vld [tilespmem:s31+$0x20]  }
0x35a: {  	v23 =	vld.idx.msk [tilespmem:v10+s13+$0x0], $0xffff;
	v5 =	vmul.f32 v5, v6  }
0x35b: {  	v11 =	vld.idx.msk [tilespmem:v12+s13+$0x0], $0xffff;
	v2 =	vmul.f32 v19, v9  }
.Ltmp17:
0x35c: {  	v9 =	vld.idx.msk [tilespmem:v13+s13+$0x0], $0xffff;
	v3 =	vmul.f32 v20, v17;
	(pc) =	sbr.rel @p2 .LBB2_32-.Ltmp17, $4  }
0x35d: {  	v6 =	vld.idx.msk [tilespmem:v7+s13+$0x0], $0xffff;
	v1 =	vmul.f32 v1, v4  }
0x35e: {  	v7 =	vld.idx.msk [tilespmem:v14+s13+$0x0], $0xffff;
	v4 =	vmul.f32 v22, v18  }
0x35f: {  	v10 =	vld.idx.msk [tilespmem:v15+s13+$0x0], $0xffff  }
0x360: {  	s4 =	sadd.s32 $0x80, s4;
	v13 =	vmul.f32 v21, v23;
	v12 =	vld.idx.msk [tilespmem:v16+s13+$0x0], $0xffff  }
0x361: {  	v8 =	vmul.f32 v8, v11  }
0x362: {  	v5 =	vmul.f32 v5, v9;
	[tilespmem:s0+$0xFFFFFFC0] =	vst v13  }
0x363: {  	v2 =	vmul.f32 v2, v6;
	[tilespmem:s0+$0xFFFFFFD0] =	vst v8  }
0x364: {  	[tilespmem:s0+$0xFFFFFFE0] =	vst v5;
	v3 =	vmul.f32 v3, v7  }
0x365: {  	[tilespmem:s0+$0xFFFFFFF0] =	vst v2;
	v1 =	vmul.f32 v1, v10  }
0x366: {  	[tilespmem:s0+$0x0] =	vst v3;
	v2 =	vmul.f32 v4, v12  }
0x367: {  	s1 =	sshrl.u32 s1, $0x3;
	[tilespmem:s0+$0x10] =	vst v1  }
0x368: {  	p2 =	seq.s32 s19, $0x5;
	s3 =	sadd.s32 s7, s1;
	[tilespmem:s0+$0x20] =	vst v2  }
0x369: {  	[hbm4b:s3+s9] =	stream.linear.scatter [tilespmem:s18], [sflag:$0x5], $0x1000, $0x200038;
	[tilespmem:$0x175C0] =	vst v63  }
0x36a: {  	s1 =	simm.s32 @p2 $0xF5C0;
	s0 =	simm.s32 @p2 $0x0  }
0x36b: {  	[tilespmem:s1], [sflag:$0x3] =	stream.linear.gather @p2 [hbm4b:s14+s0], $0x350, $0x200038;
	[tilespmem:$0x175C0] =	vst v63  }
0x36c: {  	s1 =	simm.s32 @p2 $0x115C0  }
0x36d: {  	[tilespmem:s1], [sflag:$0x3] =	stream.linear.gather @p2 [hbm4b:s15+s0], $0x350, $0x200038;
	[tilespmem:$0x175C0] =	vst v63  }
0x36e: {  	s1 =	simm.s32 @p2 $0x135C0  }
0x36f: {  	[tilespmem:s1], [sflag:$0x3] =	stream.linear.gather @p2 [hbm4b:s16+s0], $0x350, $0x200038;
	[tilespmem:$0x175C0] =	vst v63  }
0x370: {  	s0 =	sadd.s32 @!p2 s29, s22  }
0x371: {  	s1 =	rddreg [dreg:$0x3];
	s0 =	sshrl.u32 @!p2 s0, $0x3  }
0x372: {  	s4 =	simm.s32 @!p2 $0xF5C0;
	s3 =	simm.s32 @!p2 $0x0;
	s1 =	sadd.s32 @!p2 s1, s0  }
0x373: {  	[tilespmem:s4], [sflag:$0x3] =	stream.linear.gather @!p2 [hbm4b:s1+s3], $0x1000, $0x200038;
	[tilespmem:$0x175C0] =	vst v63  }
0x374: {  	s1 =	rddreg [dreg:$0x4]  }
0x375: {  	s4 =	simm.s32 @!p2 $0x115C0;
	s1 =	sadd.s32 @!p2 s1, s0  }
0x376: {  	[tilespmem:s4], [sflag:$0x3] =	stream.linear.gather @!p2 [hbm4b:s1+s3], $0x1000, $0x200038;
	[tilespmem:$0x175C0] =	vst v63  }
0x377: {  	s0 =	sadd.s32 @!p2 s12, s0;
	s1 =	simm.s32 @!p2 $0x135C0  }
0x378: {  	[tilespmem:s1], [sflag:$0x3] =	stream.linear.gather @!p2 [hbm4b:s0+s3], $0x1000, $0x200038;
	[tilespmem:$0x175C0] =	vst v63  }
0x379: {  	_ =	swait.ge [sflag:s21], $0x1000  }
0x37a: {  	[sflag:s21] =	ssyncset.done $0x0  }
0x37b: {  	[sflag:s21] =	ssyncadd.s32 $0xFFFFF000  }
0x37c: {  	_ =	swait.ge [sflag:s21], $0x1000  }
0x37d: {  	[sflag:s21] =	ssyncset.done $0x0  }
0x37e: {  	[sflag:s21] =	ssyncadd.s32 $0xFFFFF000  }
0x37f: {  	_ =	swait.ge [sflag:s21], $0x1000  }
0x380: {  	[sflag:s21] =	ssyncset.done $0x0  }
0x381: {  	s0 =	simm.s32 @!p1 $0x6;
	[sflag:s21] =	ssyncadd.s32 $0xFFFFF000  }
0x382: {  	_ =	swait.ge @!p1 [sflag:s0], $0x1000  }
0x383: {  	[sflag:s0] =	ssyncset.done @!p1 $0x0  }
0x384: {  	s4 =	simm.s32 $0x10600;
	[sflag:s0] =	ssyncadd.s32 @!p1 $0xFFFFF000  }
0x385: {  	v1 =	vld [tilespmem:s4+$0x30]  }
0x386: {  	s30 =	simm.s32 $0x12600;
	v2 =	vld [tilespmem:s4+$0xFFFFFFD0]  }
0x387: {  	v3 =	vld [tilespmem:s30+$0x30]  }
0x388: {  	v4 =	vld [tilespmem:s4+$0xFFFFFFE0]  }
0x389: {  	v5 =	vld [tilespmem:s4+$0xFFFFFFF0]  }
0x38a: {  	v6 =	vld [tilespmem:s4+$0x0]  }
0x38b: {  	v7 =	vld [tilespmem:s4+$0x10]  }
0x38c: {  	s31 =	simm.s32 $0x14600;
	v8 =	vld [tilespmem:s4+$0x20]  }
0x38d: {  	v9 =	vld [tilespmem:s31+$0x30]  }
0x38e: {  	v10 =	vld [tilespmem:s4+$0xFFFFFFC0]  }
0x38f: {  	v11 =	vld [tilespmem:s30+$0xFFFFFFC0]  }
0x390: {  	v12 =	vld [tilespmem:s30+$0xFFFFFFD0]  }
0x391: {  	v13 =	vld [tilespmem:s30+$0xFFFFFFE0]  }
0x392: {  	v14 =	vld [tilespmem:s30+$0xFFFFFFF0]  }
0x393: {  	v15 =	vld [tilespmem:s30+$0x0]  }
0x394: {  	v16 =	vld [tilespmem:s30+$0x10]  }
0x395: {  	v17 =	vld [tilespmem:s30+$0x20]  }
0x396: {  	v22 =	vld [tilespmem:s31+$0xFFFFFFF0]  }
0x397: {  	v23 =	vld [tilespmem:s31+$0x0]  }
0x398: {  	v24 =	vld [tilespmem:s31+$0x10]  }
0x399: {  	v25 =	vld [tilespmem:s31+$0x20]  }
0x39a: {  	v1 =	vld.idx.msk [tilespmem:v1+s13+$0x0], $0xffff  }
0x39b: {  	v3 =	vld.idx.msk [tilespmem:v3+s13+$0x0], $0xffff  }
0x39c: {  	v10 =	vld.idx.msk [tilespmem:v10+s13+$0x0], $0xffff  }
0x39d: {  	v2 =	vld.idx.msk [tilespmem:v2+s13+$0x0], $0xffff  }
0x39e: {  	v4 =	vld.idx.msk [tilespmem:v4+s13+$0x0], $0xffff  }
0x39f: {  	v18 =	vld.idx.msk [tilespmem:v5+s13+$0x0], $0xffff  }
0x3a0: {  	v19 =	vld.idx.msk [tilespmem:v6+s13+$0x0], $0xffff  }
0x3a1: {  	v20 =	vld.idx.msk [tilespmem:v7+s13+$0x0], $0xffff  }
0x3a2: {  	v5 =	vld [tilespmem:s31+$0xFFFFFFC0]  }
0x3a3: {  	v6 =	vld [tilespmem:s31+$0xFFFFFFD0]  }
0x3a4: {  	v7 =	vld [tilespmem:s31+$0xFFFFFFE0]  }
0x3a5: {  	v21 =	vld.idx.msk [tilespmem:v8+s13+$0x0], $0xffff  }
0x3a6: {  	v26 =	vld.idx.msk [tilespmem:v11+s13+$0x0], $0xffff  }
0x3a7: {  	v11 =	vld.idx.msk [tilespmem:v12+s13+$0x0], $0xffff  }
0x3a8: {  	v1 =	vmul.f32 v9, v1;
	v9 =	vld.idx.msk [tilespmem:v13+s13+$0x0], $0xffff;
	v13 =	vmul.f32 v5, v10  }
0x3a9: {  	v8 =	vmul.f32 v6, v2;
	v6 =	vld.idx.msk [tilespmem:v14+s13+$0x0], $0xffff;
	v5 =	vmul.f32 v7, v4  }
0x3aa: {  	v2 =	vmul.f32 v22, v18;
	v7 =	vld.idx.msk [tilespmem:v15+s13+$0x0], $0xffff;
	v12 =	vmul.f32 v1, v3  }
0x3ab: {  	s0 =	simm.s32 $0x16600;
	v10 =	vld.idx.msk [tilespmem:v16+s13+$0x0], $0xffff;
	v4 =	vmul.f32 v25, v21;
	v3 =	vmul.f32 v23, v19  }
0x3ac: {  	s1 =	sadd.s32 s29, s20;
	s3 =	simm.s32 $0x0;
	s4 =	simm.s32 $0x10680;
	v1 =	vmul.f32 v24, v20;
	v13 =	vmul.f32 v13, v26;
	[tilespmem:s0+$0x30] =	vst v12;
	v12 =	vld.idx.msk [tilespmem:v17+s13+$0x0], $0xffff  }
.LBB2_34:
0x3ad: {  	v14 =	vld [tilespmem:s4+$0x30];
	s3 =	sadd.s32 $0x8, s3;
	v8 =	vmul.f32 v8, v11  }
0x3ae: {  	v5 =	vmul.f32 v5, v9;
	s30 =	sadd.s32 $0x80, s30;
	v11 =	vld [tilespmem:s4+$0xFFFFFFD0];
	p1 =	slt.u32 s3, $0xF8;
	[tilespmem:s0+$0xFFFFFFC0] =	vst v13  }
0x3af: {  	v2 =	vmul.f32 v2, v6;
	v9 =	vld [tilespmem:s30+$0x30];
	[tilespmem:s0+$0xFFFFFFD0] =	vst v8  }
0x3b0: {  	v3 =	vmul.f32 v3, v7;
	v6 =	vld [tilespmem:s4+$0xFFFFFFE0];
	[tilespmem:s0+$0xFFFFFFE0] =	vst v5  }
0x3b1: {  	v1 =	vmul.f32 v1, v10;
	v5 =	vld [tilespmem:s4+$0xFFFFFFF0];
	[tilespmem:s0+$0xFFFFFFF0] =	vst v2  }
0x3b2: {  	v2 =	vld [tilespmem:s4+$0x0];
	[tilespmem:s0+$0x0] =	vst v3;
	v3 =	vmul.f32 v4, v12  }
0x3b3: {  	v4 =	vld [tilespmem:s4+$0x10];
	[tilespmem:s0+$0x10] =	vst v1  }
0x3b4: {  	v1 =	vld [tilespmem:s4+$0x20];
	[tilespmem:s0+$0x20] =	vst v3  }
0x3b5: {  	s31 =	sadd.s32 $0x80, s31;
	v3 =	vld.idx.msk [tilespmem:v14+s13+$0x0], $0xffff  }
0x3b6: {  	v7 =	vld [tilespmem:s31+$0x30]  }
0x3b7: {  	v8 =	vld.idx.msk [tilespmem:v9+s13+$0x0], $0xffff  }
0x3b8: {  	v9 =	vld [tilespmem:s4+$0xFFFFFFC0]  }
0x3b9: {  	v10 =	vld [tilespmem:s30+$0xFFFFFFC0]  }
0x3ba: {  	v12 =	vld [tilespmem:s30+$0xFFFFFFD0]  }
0x3bb: {  	v13 =	vld [tilespmem:s30+$0xFFFFFFE0];
	v3 =	vmul.f32 v7, v3  }
0x3bc: {  	v7 =	vld [tilespmem:s30+$0xFFFFFFF0]  }
0x3bd: {  	v14 =	vld [tilespmem:s30+$0x0];
	v3 =	vmul.f32 v3, v8  }
0x3be: {  	s0 =	sadd.s32 $0x80, s0;
	v15 =	vld [tilespmem:s30+$0x10]  }
0x3bf: {  	v16 =	vld [tilespmem:s30+$0x20];
	[tilespmem:s0+$0x30] =	vst v3  }
0x3c0: {  	v3 =	vld.idx.msk [tilespmem:v9+s13+$0x0], $0xffff  }
0x3c1: {  	v8 =	vld.idx.msk [tilespmem:v11+s13+$0x0], $0xffff  }
0x3c2: {  	v6 =	vld.idx.msk [tilespmem:v6+s13+$0x0], $0xffff  }
0x3c3: {  	v9 =	vld.idx.msk [tilespmem:v5+s13+$0x0], $0xffff  }
0x3c4: {  	v17 =	vld.idx.msk [tilespmem:v2+s13+$0x0], $0xffff  }
0x3c5: {  	v4 =	vld.idx.msk [tilespmem:v4+s13+$0x0], $0xffff  }
0x3c6: {  	v18 =	vld.idx.msk [tilespmem:v1+s13+$0x0], $0xffff  }
0x3c7: {  	v1 =	vld [tilespmem:s31+$0xFFFFFFC0]  }
0x3c8: {  	v2 =	vld [tilespmem:s31+$0xFFFFFFD0]  }
0x3c9: {  	v5 =	vld [tilespmem:s31+$0xFFFFFFE0]  }
0x3ca: {  	v19 =	vld [tilespmem:s31+$0xFFFFFFF0]  }
0x3cb: {  	v20 =	vld [tilespmem:s31+$0x0]  }
0x3cc: {  	v21 =	vmul.f32 v1, v3;
	v1 =	vld [tilespmem:s31+$0x10]  }
0x3cd: {  	v8 =	vmul.f32 v2, v8;
	v22 =	vld [tilespmem:s31+$0x20]  }
0x3ce: {  	v23 =	vld.idx.msk [tilespmem:v10+s13+$0x0], $0xffff;
	v5 =	vmul.f32 v5, v6  }
0x3cf: {  	v11 =	vld.idx.msk [tilespmem:v12+s13+$0x0], $0xffff;
	v2 =	vmul.f32 v19, v9  }
.Ltmp18:
0x3d0: {  	v9 =	vld.idx.msk [tilespmem:v13+s13+$0x0], $0xffff;
	v3 =	vmul.f32 v20, v17;
	(pc) =	sbr.rel @p1 .LBB2_34-.Ltmp18, $4  }
0x3d1: {  	v6 =	vld.idx.msk [tilespmem:v7+s13+$0x0], $0xffff;
	v1 =	vmul.f32 v1, v4  }
0x3d2: {  	v7 =	vld.idx.msk [tilespmem:v14+s13+$0x0], $0xffff;
	v4 =	vmul.f32 v22, v18  }
0x3d3: {  	v10 =	vld.idx.msk [tilespmem:v15+s13+$0x0], $0xffff  }
0x3d4: {  	s4 =	sadd.s32 $0x80, s4;
	v13 =	vmul.f32 v21, v23;
	v12 =	vld.idx.msk [tilespmem:v16+s13+$0x0], $0xffff  }
0x3d5: {  	v8 =	vmul.f32 v8, v11  }
0x3d6: {  	v5 =	vmul.f32 v5, v9;
	[tilespmem:s0+$0xFFFFFFC0] =	vst v13  }
0x3d7: {  	v2 =	vmul.f32 v2, v6;
	[tilespmem:s0+$0xFFFFFFD0] =	vst v8  }
0x3d8: {  	[tilespmem:s0+$0xFFFFFFE0] =	vst v5;
	v3 =	vmul.f32 v3, v7  }
.Ltmp19:
0x3d9: {  	[tilespmem:s0+$0xFFFFFFF0] =	vst v2;
	v1 =	vmul.f32 v1, v10;
	(pc) =	sbr.rel @p2 .LBB2_37-.Ltmp19, $4  }
0x3da: {  	[tilespmem:s0+$0x0] =	vst v3;
	v2 =	vmul.f32 v4, v12  }
0x3db: {  	s1 =	sshrl.u32 s1, $0x3;
	[tilespmem:s0+$0x10] =	vst v1  }
0x3dc: {  	s31 =	sadd.s32 s7, s1;
	[tilespmem:s0+$0x20] =	vst v2  }
0x3dd: {  	[hbm4b:s31+s9] =	stream.linear.scatter [tilespmem:s28], [sflag:$0x6], $0x1000, $0x200038;
	[tilespmem:$0x175C0] =	vst v63  }
0x3de: {  	s0 =	sadd.s32 s29, s23  }
0x3df: {  	s1 =	rddreg [dreg:$0x3];
	s0 =	sshrl.u32 s0, $0x3  }
0x3e0: {  	s1 =	sadd.s32 s1, s0  }
0x3e1: {  	[tilespmem:s24], [sflag:$0x4] =	stream.linear.gather [hbm4b:s1+s9], $0x1000, $0x200038;
	[tilespmem:$0x175C0] =	vst v63  }
.Ltmp20:
0x3e2: {  	s31 =	rddreg [dreg:$0x4];
	(pc) =	sbr.rel .LBB2_31-.Ltmp20, $4  }
0x3e3: {  	s1 =	sadd.s32 s31, s0  }
0x3e4: {  	[tilespmem:s25], [sflag:$0x4] =	stream.linear.gather [hbm4b:s1+s9], $0x1000, $0x200038;
	[tilespmem:$0x175C0] =	vst v63  }
0x3e5: {  	s19 =	sadd.s32 $0x1, s19;
	s0 =	sadd.s32 s12, s0  }
0x3e6: {  	[tilespmem:s26], [sflag:$0x4] =	stream.linear.gather [hbm4b:s0+s9], $0x1000, $0x200038;
	[tilespmem:$0x175C0] =	vst v63  }
.LBB2_37:
0x3e7: {  	_ =	swait.ge [sflag:s17], $0x350  }
0x3e8: {  	[sflag:s17] =	ssyncset.done $0x0  }
0x3e9: {  	[sflag:s17] =	ssyncadd.s32 $0xFFFFFCB0  }
0x3ea: {  	_ =	swait.ge [sflag:s17], $0x350  }
0x3eb: {  	[sflag:s17] =	ssyncset.done $0x0  }
0x3ec: {  	[sflag:s17] =	ssyncadd.s32 $0xFFFFFCB0  }
0x3ed: {  	_ =	swait.ge [sflag:s17], $0x350  }
0x3ee: {  	[sflag:s17] =	ssyncset.done $0x0  }
0x3ef: {  	s19 =	simm.s32 $0x5;
	[sflag:s17] =	ssyncadd.s32 $0xFFFFFCB0  }
0x3f0: {  	_ =	swait.ge [sflag:s19], $0x1000  }
0x3f1: {  	[sflag:s19] =	ssyncset.done $0x0  }
0x3f2: {  	s0 =	simm.s32 $0x0;
	[sflag:s19] =	ssyncadd.s32 $0xFFFFF000  }
0x3f3: {  	v1 =	vld [tilespmem:s0+$0xF5C0]  }
0x3f4: {  	v2 =	vld [tilespmem:s0+$0x115C0];
	_ =	sdelay $0x4  }
0x3f5: {  	s1 =	simm.s32 $0x10;
	v3 =	vld [tilespmem:s0+$0x135C0]  }
0x3f6: {  	v4 =	vld [tilespmem:s1+$0xF5C0]  }
0x3f7: {  	v5 =	vld.idx.msk [tilespmem:v1+s13+$0x0], $0xffff  }
0x3f8: {  	v6 =	vld.idx.msk [tilespmem:v2+s13+$0x0], $0xffff  }
0x3f9: {  	v1 =	vld [tilespmem:s1+$0x115C0];
	_ =	sdelay $0x2  }
0x3fa: {  	v3 =	vmul.f32 v3, v5;
	_ =	sdelay $0x1  }
0x3fb: {  	v2 =	vld [tilespmem:s1+$0x135C0];
	v3 =	vmul.f32 v3, v6  }
0x3fc: {  	s3 =	simm.s32 $0x20;
	s4 =	simm.s32 $0xC0;
	v4 =	vld.idx.msk [tilespmem:v4+s13+$0x0], $0xffff  }
.LBB2_38:
0x3fd: {  	p1 =	sne.s32 s4, $0xD00;
	v5 =	vld [tilespmem:s3+$0xF5C0];
	[tilespmem:s0+$0x155C0] =	vst v3;
	s0 =	smov.u32 s1;
	s1 =	smov.u32 s3  }
0x3fe: {  	v3 =	vld.idx.msk [tilespmem:v1+s13+$0x0], $0xffff  }
0x3ff: {  	v1 =	vld [tilespmem:s1+$0x115C0];
	_ =	sdelay $0x1  }
.Ltmp21:
0x400: {  	(pc) =	sbr.rel @p1 .LBB2_38-.Ltmp21, $3  }
0x401: {  	v4 =	vmul.f32 v2, v4;
	_ =	sdelay $0x1  }
0x402: {  	v3 =	vmul.f32 v4, v3;
	v2 =	vld [tilespmem:s1+$0x135C0]  }
0x403: {  	s3 =	sshra.s32 s4, $0x2;
	s4 =	sadd.s32 $0x40, s4;
	v4 =	vld.idx.msk [tilespmem:v5+s13+$0x0], $0xffff  }
0x404: {  	v5 =	vld [tilespmem:s3+$0xF5C0];
	_ =	sdelay $0x1  }
0x405: {  	v6 =	vld [tilespmem:s3+$0x115C0];
	_ =	sdelay $0x4  }
0x406: {  	v7 =	vld [tilespmem:s3+$0x135C0]  }
0x407: {  	v5 =	vld.idx.msk [tilespmem:v5+s13+$0x0], $0xffff  }
0x408: {  	v1 =	vld.idx.msk [tilespmem:v1+s13+$0x0], $0xffff  }
0x409: {  	v6 =	vld.idx.msk [tilespmem:v6+s13+$0x0], $0xffff;
	_ =	sdelay $0x1  }
0x40a: {  	v2 =	vmul.f32 v2, v4  }
0x40b: {  	v63 =	vmul.f32 v7, v5  }
0x40c: {  	v1 =	vmul.f32 v2, v1  }
0x40d: {  	[tilespmem:s0+$0x155C0] =	vst v3;
	v2 =	vmul.f32 v63, v6  }
0x40e: {  	[tilespmem:s1+$0x155C0] =	vst v1  }
0x40f: {  	[tilespmem:s3+$0x155C0] =	vst v2  }
0x410: {  	s31 =	simm.s32 $0x6;
	s0 =	rddreg [dreg:$0x1b]  }
0x411: {  	[hbm4b:s0+s9] =	stream.linear.scatter [tilespmem:s18], [sflag:$0x5], $0x350, $0x200038;
	[tilespmem:$0x175C0] =	vst v63  }
0x412: {  	_ =	swait.ge [sflag:s31], $0x1000  }
0x413: {  	[sflag:s31] =	ssyncset.done $0x0  }
0x414: {  	[sflag:s31] =	ssyncadd.s32 $0xFFFFF000  }
0x415: {  	_ =	swait.ge [sflag:s19], $0x350  }
0x416: {  	[sflag:s19] =	ssyncset.done $0x0  }
0x417: {  	[sflag:s19] =	ssyncadd.s32 $0xFFFFFCB0  }
.Ltmp22:
0x418: {  	_ =	strace $0x9000005F;
	(pc) =	sbr.rel @p0 .LBB2_43-.Ltmp22, $3  }
0x419: {  	_ =	strace $0x80000060  }
0x41a: {  	s1 =	sld [smem:$0x7FD];
	_ =	sdelay $0x1  }
0x41b: {  	s30 =	simm.s32 $0xDCC0  }
0x41c: {  	s0 =	rddreg [dreg:$0x1f]  }
0x41d: {  	v2 =	vld [tilespmem:s0+$0x20]  }
0x41e: {  	v4 =	vld [tilespmem:s0+$0x10]  }
0x41f: {  	v5 =	vld [tilespmem:s0+$0x0]  }
0x420: {  	v6 =	vld [tilespmem:s0+$0xFFFFFFE0]  }
0x421: {  	v7 =	vld [tilespmem:s0+$0xFFFFFFF0];
	s1 =	sadd.s32 $0x50, s0  }
0x422: {  	v1 =	vld [tilespmem:s1+$0xFFFFFFE0];
	v8 =	vmul.f32 v2, v2  }
0x423: {  	s0 =	simm.s32 $0x155E0;
	v3 =	vld [tilespmem:s1+$0x20];
	v9 =	vmul.f32 v4, v4  }
0x424: {  	v2 =	vld [tilespmem:s1+$0x10];
	v10 =	vmul.f32 v5, v5;
	[tilespmem:s0+$0x20] =	vst v8  }
0x425: {  	v4 =	vld [tilespmem:s1+$0x0];
	[tilespmem:s0+$0x10] =	vst v9  }
0x426: {  	s3 =	simm.s32 $0x5;
	s4 =	simm.s32 $0x155E0;
	v6 =	vmul.f32 v6, v6;
	v7 =	vmul.f32 v7, v7;
	v5 =	vld [tilespmem:s1+$0xFFFFFFF0];
	[tilespmem:s0+$0x0] =	vst v10  }
.LBB2_41:
0x427: {  	s3 =	sadd.s32 $0x5, s3  }
0x428: {  	s1 =	sadd.s32 $0x50, s1;
	[tilespmem:s0+$0xFFFFFFF0] =	vst v7;
	s4 =	sadd.s32 $0x50, s4;
	v7 =	vmov v1;
	p1 =	slt.u32 s3, $0x78  }
.Ltmp23:
0x429: {  	v1 =	vld [tilespmem:s1+$0xFFFFFFE0];
	v8 =	vmul.f32 v3, v3;
	[tilespmem:s0+$0xFFFFFFE0] =	vst v6;
	s0 =	smov.u32 s4;
	(pc) =	sbr.rel @p1 .LBB2_41-.Ltmp23, $4  }
0x42a: {  	v3 =	vld [tilespmem:s1+$0x20];
	v9 =	vmul.f32 v2, v2  }
0x42b: {  	v2 =	vld [tilespmem:s1+$0x10];
	v10 =	vmul.f32 v4, v4;
	[tilespmem:s4+$0x20] =	vst v8  }
0x42c: {  	v6 =	vmul.f32 v7, v7;
	v4 =	vld [tilespmem:s1+$0x0];
	v7 =	vmul.f32 v5, v5;
	[tilespmem:s4+$0x10] =	vst v9  }
0x42d: {  	v5 =	vld [tilespmem:s1+$0xFFFFFFF0];
	[tilespmem:s4+$0x0] =	vst v10  }
0x42e: {  	[tilespmem:s0+$0xFFFFFFF0] =	vst v7;
	v1 =	vmul.f32 v1, v1  }
0x42f: {  	s1 =	sadd.s32 $0x50, s4;
	[tilespmem:s0+$0xFFFFFFE0] =	vst v6;
	v3 =	vmul.f32 v3, v3  }
0x430: {  	v2 =	vmul.f32 v2, v2;
	[tilespmem:s1+$0xFFFFFFE0] =	vst v1  }
0x431: {  	v4 =	vmul.f32 v4, v4;
	[tilespmem:s1+$0x20] =	vst v3  }
0x432: {  	v3 =	vmul.f32 v5, v5;
	[tilespmem:s1+$0x10] =	vst v2  }
0x433: {  	[tilespmem:s1+$0x0] =	vst v4  }
0x434: {  	[tilespmem:s1+$0xFFFFFFF0] =	vst v3  }
0x435: {  	s0 =	rddreg [dreg:$0x1d]  }
0x436: {  	[hbm4b:s0+s9] =	stream.linear.scatter [tilespmem:s18], [sflag:$0x7], $0x7D0, $0x200038;
	[tilespmem:$0x175C0] =	vst v63  }
.Ltmp24:
0x437: {  	s31 =	simm.s32 $0x7;
	(pc) =	sbr.rel .LBB2_43-.Ltmp24, $4  }
0x438: {  	_ =	swait.ge [sflag:s31], $0x7D0  }
0x439: {  	s1 =	sld [smem:$0x7FD]  }
0x43a: {  	[sflag:s31] =	ssyncset.done $0x0  }
0x43b: {  	[sflag:s31] =	ssyncadd.s32 $0xFFFFF830  }
.LBB2_44:
0x43c: {  	_ =	sfence.sel $0x180000  }
0x43d: {  	[bflag:$0x0] =	sbarrier.arrive $0xFFFF  }
0x43e: {  	_ =	strace $0x90000052  }
0x43f: {  	s0 =	stileid.u32;
	[bflag:$0x2] =	sbarrier.arrive $0xFFFF  }
0x440: {  	p0 =	sne.s32 s0, $0x0;
	s0 =	rddreg [dreg:$0x8]  }
0x441: {  	s0 =	sadd.s32 @!p0 $0x100000, s0  }
0x442: {  	[sflag:s0] =	ssyncadd.tile.s32 @!p0 $0x1;
	_ =	shalt  }
.Lfunc_end2:
_tile_overlayer_lowered:
.L_overlay_start_2:
0x443: {  	(tag) =	ssettag $0x2  }
0x444: {  	s0 =	rddreg [dreg:$0x0];
	s2 =	stileid.u32  }
0x445: {  	s1 =	rddreg [dreg:$0x1];
	p0 =	sne.s32 s2, $0x0  }
0x446: {  	s3 =	rddreg [dreg:$0x2];
	[bflag:$0x3] =	sbarrier.arrive $0xFFFF;
	s2 =	simm.s32 @!p0 $0x1C07  }
0x447: {  	[timem:s3], [sflag:s2] =	dma.local @!p0 [hbm:s0], s1  }
0x448: {  	s0 =	simm.s32 @!p0 $0x7  }
0x449: {  	_ =	swait.ge @!p0 [sflag:s0], s1  }
0x44a: {  	s1 =	ssub.s32 @!p0 $0x0, s1;
	[sflag:s0] =	ssyncset.done @!p0 $0x0  }
0x44b: {  	[sflag:s0] =	ssyncadd.s32 @!p0 s1  }
0x44c: {  	[bflag:$0x3] =	sbarrier.arrive $0xFFFF  }
0x44d: {  	_ =	shalt  }

</sc_bundles>
